<compile_context>
chip_gen: v7x
topology: tpu7x:2x2x1
jax: 0.10.2.dev20260603
libtpu: 0.0.44.dev20260713+nightly
codegen_flags: <defaults>
</compile_context>

<pallas_src>
import functools

import jax
import jax.numpy as jnp
from jax import lax
from jax.experimental import pallas as pl
from jax.experimental.pallas import tpu as pltpu
from jax.experimental.pallas import tpu_sc as plsc

NC = 2
NS = 16
NW = NC * NS
W = 128
CH = 16
LANES = 16


def _scale_rows(w_v, j, rows_buf, d):
    groups = W // LANES

    def grp(g, carry):
        base = g * LANES
        w16 = w_v[j, pl.ds(base, LANES)]
        for e in range(LANES):
            w_s = w16[e]
            for q in range(d // LANES):
                sl = pl.ds(q * LANES, LANES)
                rows_buf[base + e, sl] = rows_buf[base + e, sl] * w_s
        return carry

    lax.fori_loop(0, groups, grp, 0)


def _make_sc_kernel(n, d, nw):
    rpt = (n // NS) // 8 * 8
    rem = n - NS * rpt
    nch = nw // CH
    mesh = plsc.VectorSubcoreMesh(core_axis_name="c", subcore_axis_name="s")

    @functools.partial(
        pl.kernel,
        out_type=jax.ShapeDtypeStruct((NC, n, d), jnp.float32),
        mesh=mesh,
        scratch_types=[
            pltpu.VMEM((CH, W), jnp.int32),
            pltpu.VMEM((CH, W), jnp.int32),
            pltpu.VMEM((CH, W), jnp.float32),
            pltpu.VMEM((W, d), jnp.float32),
            pltpu.VMEM((W, d), jnp.float32),
            pltpu.VMEM_SHARED((n, d), jnp.float32),
            pltpu.SemaphoreType.DMA,
            pltpu.SemaphoreType.DMA,
        ],
    )
    def sc_kernel(x_hbm, src_hbm, dst_hbm, w_hbm, zeros_hbm, out_hbm,
                  src_v, dst_v, w_v, rows_a, rows_b, acc, sem_a, sem_b):
        c = lax.axis_index("c")
        s = lax.axis_index("s")
        wid = s * NC + c

        pltpu.sync_copy(zeros_hbm.at[pl.ds(0, rpt)], acc.at[pl.ds(s * rpt, rpt)])
        if rem:
            @pl.when(s == NS - 1)
            def _():
                pltpu.sync_copy(zeros_hbm.at[pl.ds(0, rem)],
                                acc.at[pl.ds(NS * rpt, rem)])
        plsc.subcore_barrier()

        def gather_start(j, buf, sem):
            pltpu.make_async_copy(x_hbm.at[src_v.at[j]], buf, sem).start()

        def gather_wait(j, buf, sem):
            pltpu.make_async_copy(x_hbm.at[src_v.at[j]], buf, sem).wait()

        def do_window(j, rows_buf):
            _scale_rows(w_v, j, rows_buf, d)
            pltpu.sync_copy(rows_buf, acc.at[dst_v.at[j]], add=True)

        def chunk(ch, carry):
            sl = pl.ds(ch * CH, CH)
            pltpu.sync_copy(src_hbm.at[wid, sl], src_v)
            pltpu.sync_copy(dst_hbm.at[wid, sl], dst_v)
            pltpu.sync_copy(w_hbm.at[wid, sl], w_v)
            gather_start(0, rows_a, sem_a)

            def step(i, carry):
                j0 = i * 2
                j1 = j0 + 1
                gather_wait(j0, rows_a, sem_a)
                gather_start(j1, rows_b, sem_b)
                do_window(j0, rows_a)
                gather_wait(j1, rows_b, sem_b)

                @pl.when(j1 + 1 < CH)
                def _():
                    gather_start(j1 + 1, rows_a, sem_a)

                do_window(j1, rows_b)
                return carry

            lax.fori_loop(0, CH // 2, step, 0)
            return carry

        lax.fori_loop(0, nch, chunk, 0)

        plsc.subcore_barrier()
        pltpu.sync_copy(acc.at[pl.ds(s * rpt, rpt)],
                        out_hbm.at[c, pl.ds(s * rpt, rpt)])
        if rem:
            @pl.when(s == NS - 1)
            def _():
                pltpu.sync_copy(acc.at[pl.ds(NS * rpt, rem)],
                                out_hbm.at[c, pl.ds(NS * rpt, rem)])

    return sc_kernel


def _combine_body(p_ref, o_ref):
    o_ref[...] = p_ref[0] + p_ref[1]


def kernel(x, edge_weight, edge_index):
    n, d = x.shape
    e = edge_weight.shape[0]

    epw = -(-e // (NW * CH * W)) * CH * W
    nw = epw // W
    pad = NW * epw - e
    pad_idx = (jnp.arange(pad, dtype=jnp.int32) * 97) % n
    src = jnp.concatenate([edge_index[0].astype(jnp.int32), pad_idx])
    dst = jnp.concatenate([edge_index[1].astype(jnp.int32), pad_idx])
    w = jnp.concatenate([edge_weight, jnp.zeros((pad,), edge_weight.dtype)])
    src = src.reshape(NW, nw, W)
    dst = dst.reshape(NW, nw, W)
    w = w.reshape(NW, nw, W)
    zeros = jnp.zeros((n // NS // 8 * 8, d), jnp.float32)

    partials = _make_sc_kernel(n, d, nw)(x, src, dst, w, zeros)

    rows_blk = 1000
    return pl.pallas_call(
        _combine_body,
        out_shape=jax.ShapeDtypeStruct((n, d), jnp.float32),
        grid=(n // rows_blk,),
        in_specs=[pl.BlockSpec((NC, rows_blk, d), lambda i: (0, i, 0))],
        out_specs=pl.BlockSpec((rows_blk, d), lambda i: (i, 0)),
    )(partials)

# --- scband reference (transcript-rebuilt; emitter-appended) ---
"""Pipeline reference for scband-hyp-weight-agg-54786602827843 (READ-ONLY COPY).

The authoritative reference and input builder live on the scoring server;
editing this copy changes nothing except your own understanding.
"""

import jax, jax.numpy as jnp
import numpy as np

N = 10000
E = 320000
D = 128


def setup_inputs(seed: int = 0) -> dict:
    key = jax.random.key(seed)
    k1, k2, k3 = jax.random.split(key, 3)
    x = jax.random.normal(k1, (N, D), dtype=jnp.float32)
    edge_index = jax.random.randint(k2, (2, E), 0, N, dtype=jnp.int32)
    edge_weight = jax.random.uniform(k3, (E,), dtype=jnp.float32)
    return {"x": x, "edge_weight": edge_weight, "edge_index": edge_index}


def reference(x, edge_weight, edge_index):
    # HypWeightAgg.forward with c = {"g": 1.0}, agg_mode = "eucli_agg":
    #   for key in c: output[key] = eucli_agg(x, c[key], adj[key])
    # eucli_agg (pro=None): x_euc_agg = torch.sparse.mm(adj, x)
    # adj is the sparse matrix with adj[dst, src] = edge_weight, expressed here
    # as a gather (x[src]) + scatter-add over dst (SparseCore-friendly spmm).
    src = edge_index[0]
    dst = edge_index[1]
    msgs = x[src] * edge_weight[:, None]
    out_g = jnp.zeros((x.shape[0], x.shape[1]), dtype=x.dtype).at[dst].add(msgs)
    # module returns a dict {key: agg_embeddings}; single key 'g' -> return its array
    return out_g

if __name__ == "__main__":
    import jax
    _d = setup_inputs()
    print(jax.jit(kernel)(*tuple(_d.values())))

</pallas_src>

<mosaic_0001>
#map = affine_map<(d0, d1) -> (0, 0)>
#map1 = affine_map<(d0, d1) -> (0, 0, 0)>
module attributes {stable_mosaic.version = 14 : i64} {
  func.func @sc_kernel(%arg0: i32, %arg1: i32, %arg2: memref<10000x128xf32, #tpu.memory_space<hbm>>, %arg3: memref<32x80x128xi32, #tpu.memory_space<hbm>>, %arg4: memref<32x80x128xi32, #tpu.memory_space<hbm>>, %arg5: memref<32x80x128xf32, #tpu.memory_space<hbm>>, %arg6: memref<624x128xf32, #tpu.memory_space<hbm>>, %arg7: memref<2x10000x128xf32, #tpu.memory_space<hbm>>, %arg8: memref<16x128xi32, #tpu.memory_space<vmem>>, %arg9: memref<16x128xi32, #tpu.memory_space<vmem>>, %arg10: memref<16x128xf32, #tpu.memory_space<vmem>>, %arg11: memref<128x128xf32, #tpu.memory_space<vmem>>, %arg12: memref<128x128xf32, #tpu.memory_space<vmem>>, %arg13: memref<10000x128xf32, #tpu.memory_space<vmem_shared>>, %arg14: memref<!tpu.dma_semaphore, #tpu.memory_space<semaphore_mem>>, %arg15: memref<!tpu.dma_semaphore, #tpu.memory_space<semaphore_mem>>) attributes {dimension_semantics = [#tpu.dimension_semantics<core_parallel>, #tpu.dimension_semantics<subcore_parallel>], iteration_bounds = array<i64: 2, 16>, scalar_prefetch = 0 : i64, scratch_operands = 8 : i64, tpu.core_type = #tpu.core_type<sc_vector_subcore>, window_params = [{transform_indices = #map}, {transform_indices = #map1}, {transform_indices = #map1}, {transform_indices = #map1}, {transform_indices = #map}, {transform_indices = #map1}]} {
    %mul3A = arith.constant 2 : i32
    %mul3A_0 = arith.muli %arg1, %mul3A : i32
    %add3A = arith.addi %mul3A_0, %arg0 : i32
    %mul3A_1 = arith.constant 624 : i32
    %mul3A_2 = arith.muli %arg1, %mul3A_1 : i32
    "tpu.region"() ({
      %run_scoped3A = tpu.sem_alloc : memref<!tpu.dma_semaphore, #tpu.memory_space<semaphore_mem>>
      %dma_start3A = arith.constant 0 : i32
      %dma_start3A_20 = tpu.memref_slice %arg13[%mul3A_2, %dma_start3A] : memref<10000x128xf32, #tpu.memory_space<vmem_shared>> -> memref<624x128xf32, #tpu.memory_space<vmem_shared>>
      %dma_start3A_21 = arith.constant 0 : i32
      %dma_start3A_22 = arith.constant 0 : i32
      %dma_start3A_23 = tpu.memref_slice %arg6[%dma_start3A_21, %dma_start3A_22] : memref<624x128xf32, #tpu.memory_space<hbm>> -> memref<624x128xf32, #tpu.memory_space<hbm>>
      tpu.enqueue_dma source(%dma_start3A_23 : memref<624x128xf32, #tpu.memory_space<hbm>>) target(%dma_start3A_20 : memref<624x128xf32, #tpu.memory_space<vmem_shared>>) target_semaphore(%run_scoped3A : memref<!tpu.dma_semaphore, #tpu.memory_space<semaphore_mem>>)
      %dma_wait3A = arith.constant 0 : i32
      %dma_wait3A_24 = tpu.memref_slice %arg13[%mul3A_2, %dma_wait3A] : memref<10000x128xf32, #tpu.memory_space<vmem_shared>> -> memref<624x128xf32, #tpu.memory_space<vmem_shared>>
      %dma_wait3A_25 = arith.constant 0 : i32
      %dma_wait3A_26 = arith.constant 0 : i32
      %dma_wait3A_27 = tpu.memref_slice %arg6[%dma_wait3A_25, %dma_wait3A_26] : memref<624x128xf32, #tpu.memory_space<hbm>> -> memref<624x128xf32, #tpu.memory_space<hbm>>
      tpu.wait_dma2 semaphore(%run_scoped3A : memref<!tpu.dma_semaphore, #tpu.memory_space<semaphore_mem>>) src(%dma_wait3A_27 : memref<624x128xf32, #tpu.memory_space<hbm>>) dst(%dma_wait3A_24 : memref<624x128xf32, #tpu.memory_space<vmem_shared>>)
      tpu.yield
    }) : () -> ()
    %eq3A = arith.constant 15 : i32
    %eq3A_3 = arith.cmpi eq, %arg1, %eq3A : i32
    %convert_element_type3A = arith.extui %eq3A_3 : i1 to i32
    %cond3A = arith.constant 0 : i32
    %cond3A_4 = arith.cmpi ne, %convert_element_type3A, %cond3A : i32
    scf.if %cond3A_4 {
      "tpu.region"() ({
        %run_scoped3A = tpu.sem_alloc : memref<!tpu.dma_semaphore, #tpu.memory_space<semaphore_mem>>
        %dma_start3A = arith.constant 9984 : i32
        %dma_start3A_20 = arith.constant 0 : i32
        %dma_start3A_21 = tpu.memref_slice %arg13[%dma_start3A, %dma_start3A_20] : memref<10000x128xf32, #tpu.memory_space<vmem_shared>> -> memref<16x128xf32, #tpu.memory_space<vmem_shared>>
        %dma_start3A_22 = arith.constant 0 : i32
        %dma_start3A_23 = arith.constant 0 : i32
        %dma_start3A_24 = tpu.memref_slice %arg6[%dma_start3A_22, %dma_start3A_23] : memref<624x128xf32, #tpu.memory_space<hbm>> -> memref<16x128xf32, #tpu.memory_space<hbm>>
        tpu.enqueue_dma source(%dma_start3A_24 : memref<16x128xf32, #tpu.memory_space<hbm>>) target(%dma_start3A_21 : memref<16x128xf32, #tpu.memory_space<vmem_shared>>) target_semaphore(%run_scoped3A : memref<!tpu.dma_semaphore, #tpu.memory_space<semaphore_mem>>)
        %dma_wait3A = arith.constant 9984 : i32
        %dma_wait3A_25 = arith.constant 0 : i32
        %dma_wait3A_26 = tpu.memref_slice %arg13[%dma_wait3A, %dma_wait3A_25] : memref<10000x128xf32, #tpu.memory_space<vmem_shared>> -> memref<16x128xf32, #tpu.memory_space<vmem_shared>>
        %dma_wait3A_27 = arith.constant 0 : i32
        %dma_wait3A_28 = arith.constant 0 : i32
        %dma_wait3A_29 = tpu.memref_slice %arg6[%dma_wait3A_27, %dma_wait3A_28] : memref<624x128xf32, #tpu.memory_space<hbm>> -> memref<16x128xf32, #tpu.memory_space<hbm>>
        tpu.wait_dma2 semaphore(%run_scoped3A : memref<!tpu.dma_semaphore, #tpu.memory_space<semaphore_mem>>) src(%dma_wait3A_29 : memref<16x128xf32, #tpu.memory_space<hbm>>) dst(%dma_wait3A_26 : memref<16x128xf32, #tpu.memory_space<vmem_shared>>)
        tpu.yield
      }) : () -> ()
    } else {
    }
    %barrier3A = arith.constant 0 : index
    tpu.barrier barrier_id(%barrier3A)
    %scan3A = arith.constant 0 : i32
    %scan3A_5 = arith.constant 0 : i32
    %scan3A_6 = arith.constant 5 : i32
    %scan3A_7 = arith.addi %scan3A_5, %scan3A_6 : i32
    %scan3A_8 = arith.constant 1 : i32
    scf.for %scan3A_20 = %scan3A_5 to %scan3A_7 step %scan3A_8  : i32 {
      %mul3A_21 = arith.constant 16 : i32
      %mul3A_22 = arith.muli %scan3A_20, %mul3A_21 : i32
      "tpu.region"() ({
        %run_scoped3A = tpu.sem_alloc : memref<!tpu.dma_semaphore, #tpu.memory_space<semaphore_mem>>
        %dma_start3A_35 = arith.constant 0 : i32
        %dma_start3A_36 = tpu.memref_slice %arg3[%add3A, %mul3A_22, %dma_start3A_35] : memref<32x80x128xi32, #tpu.memory_space<hbm>> -> memref<1x16x128xi32, #tpu.memory_space<hbm>>
        %dma_start3A_37 = tpu.memref_squeeze %dma_start3A_36 : memref<1x16x128xi32, #tpu.memory_space<hbm>> -> memref<16x128xi32, #tpu.memory_space<hbm>>
        %dma_start3A_38 = arith.constant 0 : i32
        %dma_start3A_39 = tpu.memref_slice %arg3[%add3A, %mul3A_22, %dma_start3A_38] : memref<32x80x128xi32, #tpu.memory_space<hbm>> -> memref<1x16x128xi32, #tpu.memory_space<hbm>>
        %dma_start3A_40 = tpu.memref_squeeze %dma_start3A_39 : memref<1x16x128xi32, #tpu.memory_space<hbm>> -> memref<16x128xi32, #tpu.memory_space<hbm>>
        tpu.enqueue_dma source(%dma_start3A_40 : memref<16x128xi32, #tpu.memory_space<hbm>>) target(%arg8 : memref<16x128xi32, #tpu.memory_space<vmem>>) target_semaphore(%run_scoped3A : memref<!tpu.dma_semaphore, #tpu.memory_space<semaphore_mem>>)
        %dma_wait3A = arith.constant 0 : i32
        %dma_wait3A_41 = tpu.memref_slice %arg3[%add3A, %mul3A_22, %dma_wait3A] : memref<32x80x128xi32, #tpu.memory_space<hbm>> -> memref<1x16x128xi32, #tpu.memory_space<hbm>>
        %dma_wait3A_42 = tpu.memref_squeeze %dma_wait3A_41 : memref<1x16x128xi32, #tpu.memory_space<hbm>> -> memref<16x128xi32, #tpu.memory_space<hbm>>
        %dma_wait3A_43 = arith.constant 0 : i32
        %dma_wait3A_44 = tpu.memref_slice %arg3[%add3A, %mul3A_22, %dma_wait3A_43] : memref<32x80x128xi32, #tpu.memory_space<hbm>> -> memref<1x16x128xi32, #tpu.memory_space<hbm>>
        %dma_wait3A_45 = tpu.memref_squeeze %dma_wait3A_44 : memref<1x16x128xi32, #tpu.memory_space<hbm>> -> memref<16x128xi32, #tpu.memory_space<hbm>>
        tpu.wait_dma2 semaphore(%run_scoped3A : memref<!tpu.dma_semaphore, #tpu.memory_space<semaphore_mem>>) src(%dma_wait3A_45 : memref<16x128xi32, #tpu.memory_space<hbm>>) dst(%arg8 : memref<16x128xi32, #tpu.memory_space<vmem>>)
        tpu.yield
      }) : () -> ()
      "tpu.region"() ({
        %run_scoped3A = tpu.sem_alloc : memref<!tpu.dma_semaphore, #tpu.memory_space<semaphore_mem>>
        %dma_start3A_35 = arith.constant 0 : i32
        %dma_start3A_36 = tpu.memref_slice %arg4[%add3A, %mul3A_22, %dma_start3A_35] : memref<32x80x128xi32, #tpu.memory_space<hbm>> -> memref<1x16x128xi32, #tpu.memory_space<hbm>>
        %dma_start3A_37 = tpu.memref_squeeze %dma_start3A_36 : memref<1x16x128xi32, #tpu.memory_space<hbm>> -> memref<16x128xi32, #tpu.memory_space<hbm>>
        %dma_start3A_38 = arith.constant 0 : i32
        %dma_start3A_39 = tpu.memref_slice %arg4[%add3A, %mul3A_22, %dma_start3A_38] : memref<32x80x128xi32, #tpu.memory_space<hbm>> -> memref<1x16x128xi32, #tpu.memory_space<hbm>>
        %dma_start3A_40 = tpu.memref_squeeze %dma_start3A_39 : memref<1x16x128xi32, #tpu.memory_space<hbm>> -> memref<16x128xi32, #tpu.memory_space<hbm>>
        tpu.enqueue_dma source(%dma_start3A_40 : memref<16x128xi32, #tpu.memory_space<hbm>>) target(%arg9 : memref<16x128xi32, #tpu.memory_space<vmem>>) target_semaphore(%run_scoped3A : memref<!tpu.dma_semaphore, #tpu.memory_space<semaphore_mem>>)
        %dma_wait3A = arith.constant 0 : i32
        %dma_wait3A_41 = tpu.memref_slice %arg4[%add3A, %mul3A_22, %dma_wait3A] : memref<32x80x128xi32, #tpu.memory_space<hbm>> -> memref<1x16x128xi32, #tpu.memory_space<hbm>>
        %dma_wait3A_42 = tpu.memref_squeeze %dma_wait3A_41 : memref<1x16x128xi32, #tpu.memory_space<hbm>> -> memref<16x128xi32, #tpu.memory_space<hbm>>
        %dma_wait3A_43 = arith.constant 0 : i32
        %dma_wait3A_44 = tpu.memref_slice %arg4[%add3A, %mul3A_22, %dma_wait3A_43] : memref<32x80x128xi32, #tpu.memory_space<hbm>> -> memref<1x16x128xi32, #tpu.memory_space<hbm>>
        %dma_wait3A_45 = tpu.memref_squeeze %dma_wait3A_44 : memref<1x16x128xi32, #tpu.memory_space<hbm>> -> memref<16x128xi32, #tpu.memory_space<hbm>>
        tpu.wait_dma2 semaphore(%run_scoped3A : memref<!tpu.dma_semaphore, #tpu.memory_space<semaphore_mem>>) src(%dma_wait3A_45 : memref<16x128xi32, #tpu.memory_space<hbm>>) dst(%arg9 : memref<16x128xi32, #tpu.memory_space<vmem>>)
        tpu.yield
      }) : () -> ()
      "tpu.region"() ({
        %run_scoped3A = tpu.sem_alloc : memref<!tpu.dma_semaphore, #tpu.memory_space<semaphore_mem>>
        %dma_start3A_35 = arith.constant 0 : i32
        %dma_start3A_36 = tpu.memref_slice %arg5[%add3A, %mul3A_22, %dma_start3A_35] : memref<32x80x128xf32, #tpu.memory_space<hbm>> -> memref<1x16x128xf32, #tpu.memory_space<hbm>>
        %dma_start3A_37 = tpu.memref_squeeze %dma_start3A_36 : memref<1x16x128xf32, #tpu.memory_space<hbm>> -> memref<16x128xf32, #tpu.memory_space<hbm>>
        %dma_start3A_38 = arith.constant 0 : i32
        %dma_start3A_39 = tpu.memref_slice %arg5[%add3A, %mul3A_22, %dma_start3A_38] : memref<32x80x128xf32, #tpu.memory_space<hbm>> -> memref<1x16x128xf32, #tpu.memory_space<hbm>>
        %dma_start3A_40 = tpu.memref_squeeze %dma_start3A_39 : memref<1x16x128xf32, #tpu.memory_space<hbm>> -> memref<16x128xf32, #tpu.memory_space<hbm>>
        tpu.enqueue_dma source(%dma_start3A_40 : memref<16x128xf32, #tpu.memory_space<hbm>>) target(%arg10 : memref<16x128xf32, #tpu.memory_space<vmem>>) target_semaphore(%run_scoped3A : memref<!tpu.dma_semaphore, #tpu.memory_space<semaphore_mem>>)
        %dma_wait3A = arith.constant 0 : i32
        %dma_wait3A_41 = tpu.memref_slice %arg5[%add3A, %mul3A_22, %dma_wait3A] : memref<32x80x128xf32, #tpu.memory_space<hbm>> -> memref<1x16x128xf32, #tpu.memory_space<hbm>>
        %dma_wait3A_42 = tpu.memref_squeeze %dma_wait3A_41 : memref<1x16x128xf32, #tpu.memory_space<hbm>> -> memref<16x128xf32, #tpu.memory_space<hbm>>
        %dma_wait3A_43 = arith.constant 0 : i32
        %dma_wait3A_44 = tpu.memref_slice %arg5[%add3A, %mul3A_22, %dma_wait3A_43] : memref<32x80x128xf32, #tpu.memory_space<hbm>> -> memref<1x16x128xf32, #tpu.memory_space<hbm>>
        %dma_wait3A_45 = tpu.memref_squeeze %dma_wait3A_44 : memref<1x16x128xf32, #tpu.memory_space<hbm>> -> memref<16x128xf32, #tpu.memory_space<hbm>>
        tpu.wait_dma2 semaphore(%run_scoped3A : memref<!tpu.dma_semaphore, #tpu.memory_space<semaphore_mem>>) src(%dma_wait3A_45 : memref<16x128xf32, #tpu.memory_space<hbm>>) dst(%arg10 : memref<16x128xf32, #tpu.memory_space<vmem>>)
        tpu.yield
      }) : () -> ()
      %dma_start3A = arith.constant 0 : i32
      %dma_start3A_23 = arith.constant 0 : i32
      %dma_start3A_24 = tpu.memref_slice %arg8[%dma_start3A, %dma_start3A_23] : memref<16x128xi32, #tpu.memory_space<vmem>> -> memref<1x128xi32, #tpu.memory_space<vmem>>
      %dma_start3A_25 = tpu.memref_squeeze %dma_start3A_24 : memref<1x128xi32, #tpu.memory_space<vmem>> -> memref<128xi32, #tpu.memory_space<vmem>>
      %dma_start3A_26 = arith.constant 0 : i32
      %dma_start3A_27 = arith.constant 0 : i32
      %dma_start3A_28 = tpu.memref_slice %arg2[%dma_start3A_26, %dma_start3A_27] : memref<10000x128xf32, #tpu.memory_space<hbm>> -> memref<10000x128xf32, #tpu.memory_space<hbm>>
      tpu.enqueue_indirect_dma source(%dma_start3A_28 : memref<10000x128xf32, #tpu.memory_space<hbm>>) target(%arg11 : memref<128x128xf32, #tpu.memory_space<vmem>>) offsets(%dma_start3A_25 : memref<128xi32, #tpu.memory_space<vmem>>) semaphore(%arg14 : memref<!tpu.dma_semaphore, #tpu.memory_space<semaphore_mem>>)
      %scan3A_29 = arith.constant 0 : i32
      %scan3A_30 = arith.constant 0 : i32
      %scan3A_31 = arith.constant 8 : i32
      %scan3A_32 = arith.addi %scan3A_30, %scan3A_31 : i32
      %scan3A_33 = arith.constant 1 : i32
      scf.for %scan3A_35 = %scan3A_30 to %scan3A_32 step %scan3A_33  : i32 {
        %mul3A_36 = arith.constant 2 : i32
        %mul3A_37 = arith.muli %scan3A_35, %mul3A_36 : i32
        %add3A_38 = arith.constant 1 : i32
        %add3A_39 = arith.addi %mul3A_37, %add3A_38 : i32
        %dma_wait3A = arith.constant 0 : i32
        %dma_wait3A_40 = tpu.memref_slice %arg8[%mul3A_37, %dma_wait3A] : memref<16x128xi32, #tpu.memory_space<vmem>> -> memref<1x128xi32, #tpu.memory_space<vmem>>
        %dma_wait3A_41 = tpu.memref_squeeze %dma_wait3A_40 : memref<1x128xi32, #tpu.memory_space<vmem>> -> memref<128xi32, #tpu.memory_space<vmem>>
        %dma_wait3A_42 = arith.constant 0 : i32
        %dma_wait3A_43 = arith.constant 0 : i32
        %dma_wait3A_44 = tpu.memref_slice %arg2[%dma_wait3A_42, %dma_wait3A_43] : memref<10000x128xf32, #tpu.memory_space<hbm>> -> memref<10000x128xf32, #tpu.memory_space<hbm>>
        tpu.wait_indirect_dma semaphore(%arg14 : memref<!tpu.dma_semaphore, #tpu.memory_space<semaphore_mem>>) src(%dma_wait3A_44 : memref<10000x128xf32, #tpu.memory_space<hbm>>) dst(%arg11 : memref<128x128xf32, #tpu.memory_space<vmem>>)
        %dma_start3A_45 = arith.constant 0 : i32
        %dma_start3A_46 = tpu.memref_slice %arg8[%add3A_39, %dma_start3A_45] : memref<16x128xi32, #tpu.memory_space<vmem>> -> memref<1x128xi32, #tpu.memory_space<vmem>>
        %dma_start3A_47 = tpu.memref_squeeze %dma_start3A_46 : memref<1x128xi32, #tpu.memory_space<vmem>> -> memref<128xi32, #tpu.memory_space<vmem>>
        %dma_start3A_48 = arith.constant 0 : i32
        %dma_start3A_49 = arith.constant 0 : i32
        %dma_start3A_50 = tpu.memref_slice %arg2[%dma_start3A_48, %dma_start3A_49] : memref<10000x128xf32, #tpu.memory_space<hbm>> -> memref<10000x128xf32, #tpu.memory_space<hbm>>
        tpu.enqueue_indirect_dma source(%dma_start3A_50 : memref<10000x128xf32, #tpu.memory_space<hbm>>) target(%arg12 : memref<128x128xf32, #tpu.memory_space<vmem>>) offsets(%dma_start3A_47 : memref<128xi32, #tpu.memory_space<vmem>>) semaphore(%arg15 : memref<!tpu.dma_semaphore, #tpu.memory_space<semaphore_mem>>)
        %scan3A_51 = arith.constant 0 : i32
        %scan3A_52 = arith.constant 0 : i32
        %scan3A_53 = arith.constant 8 : i32
        %scan3A_54 = arith.addi %scan3A_52, %scan3A_53 : i32
        %scan3A_55 = arith.constant 1 : i32
        scf.for %scan3A_75 = %scan3A_52 to %scan3A_54 step %scan3A_55  : i32 {
          %mul3A_76 = arith.constant 16 : i32
          %mul3A_77 = arith.muli %scan3A_75, %mul3A_76 : i32
          %get3A = arith.index_cast %mul3A_37 : i32 to index
          %get3A_78 = arith.index_cast %mul3A_77 : i32 to index
          %get3A_79 = tpu.vector_load %arg10[%get3A, %get3A_78] {strides = array<i32>} : memref<16x128xf32, #tpu.memory_space<vmem>>, vector<1x16xf32>,
          %get3A_80 = vector.shape_cast %get3A_79 : vector<1x16xf32> to vector<16xf32>
          %slice3A = vector.extract_strided_slice %get3A_80 {offsets = [0], sizes = [1], strides = [1]} : vector<16xf32> to vector<1xf32>
          %squeeze3A = vector.extract %slice3A[0] : f32 from vector<1xf32>
          %add3A_81 = arith.constant 0 : i32
          %add3A_82 = arith.addi %mul3A_77, %add3A_81 : i32
          %get3A_83 = arith.index_cast %add3A_82 : i32 to index
          %get3A_84 = arith.constant 0 : index
          %get3A_85 = tpu.vector_load %arg11[%get3A_83, %get3A_84] {strides = array<i32>} : memref<128x128xf32, #tpu.memory_space<vmem>>, vector<1x16xf32>,
          %get3A_86 = vector.shape_cast %get3A_85 : vector<1x16xf32> to vector<16xf32>
          %mul3A_87 = vector.broadcast %squeeze3A : f32 to vector<16xf32>
          %mul3A_88 = arith.mulf %get3A_86, %mul3A_87 : vector<16xf32>
          %add3A_89 = arith.constant 0 : i32
          %add3A_90 = arith.addi %mul3A_77, %add3A_89 : i32
          %swap3A = arith.index_cast %add3A_90 : i32 to index
          %swap3A_91 = arith.constant 0 : index
          %swap3A_92 = tpu.vector_load %arg11[%swap3A, %swap3A_91] {strides = array<i32>} : memref<128x128xf32, #tpu.memory_space<vmem>>, vector<1x16xf32>,
          %swap3A_93 = vector.shape_cast %swap3A_92 : vector<1x16xf32> to vector<16xf32>
          %swap3A_94 = vector.shape_cast %mul3A_88 : vector<16xf32> to vector<1x16xf32>
          tpu.vector_store %arg11[%swap3A, %swap3A_91], %swap3A_94 {strides = array<i32>} : memref<128x128xf32, #tpu.memory_space<vmem>>, vector<1x16xf32>,
          %add3A_95 = arith.constant 0 : i32
          %add3A_96 = arith.addi %mul3A_77, %add3A_95 : i32
          %get3A_97 = arith.index_cast %add3A_96 : i32 to index
          %get3A_98 = arith.constant 16 : index
          %get3A_99 = tpu.vector_load %arg11[%get3A_97, %get3A_98] {strides = array<i32>} : memref<128x128xf32, #tpu.memory_space<vmem>>, vector<1x16xf32>,
          %get3A_100 = vector.shape_cast %get3A_99 : vector<1x16xf32> to vector<16xf32>
          %mul3A_101 = vector.broadcast %squeeze3A : f32 to vector<16xf32>
          %mul3A_102 = arith.mulf %get3A_100, %mul3A_101 : vector<16xf32>
          %add3A_103 = arith.constant 0 : i32
          %add3A_104 = arith.addi %mul3A_77, %add3A_103 : i32
          %swap3A_105 = arith.index_cast %add3A_104 : i32 to index
          %swap3A_106 = arith.constant 16 : index
          %swap3A_107 = tpu.vector_load %arg11[%swap3A_105, %swap3A_106] {strides = array<i32>} : memref<128x128xf32, #tpu.memory_space<vmem>>, vector<1x16xf32>,
          %swap3A_108 = vector.shape_cast %swap3A_107 : vector<1x16xf32> to vector<16xf32>
          %swap3A_109 = vector.shape_cast %mul3A_102 : vector<16xf32> to vector<1x16xf32>
          tpu.vector_store %arg11[%swap3A_105, %swap3A_106], %swap3A_109 {strides = array<i32>} : memref<128x128xf32, #tpu.memory_space<vmem>>, vector<1x16xf32>,
          %add3A_110 = arith.constant 0 : i32
          %add3A_111 = arith.addi %mul3A_77, %add3A_110 : i32
          %get3A_112 = arith.index_cast %add3A_111 : i32 to index
          %get3A_113 = arith.constant 32 : index
          %get3A_114 = tpu.vector_load %arg11[%get3A_112, %get3A_113] {strides = array<i32>} : memref<128x128xf32, #tpu.memory_space<vmem>>, vector<1x16xf32>,
          %get3A_115 = vector.shape_cast %get3A_114 : vector<1x16xf32> to vector<16xf32>
          %mul3A_116 = vector.broadcast %squeeze3A : f32 to vector<16xf32>
          %mul3A_117 = arith.mulf %get3A_115, %mul3A_116 : vector<16xf32>
          %add3A_118 = arith.constant 0 : i32
          %add3A_119 = arith.addi %mul3A_77, %add3A_118 : i32
          %swap3A_120 = arith.index_cast %add3A_119 : i32 to index
          %swap3A_121 = arith.constant 32 : index
          %swap3A_122 = tpu.vector_load %arg11[%swap3A_120, %swap3A_121] {strides = array<i32>} : memref<128x128xf32, #tpu.memory_space<vmem>>, vector<1x16xf32>,
          %swap3A_123 = vector.shape_cast %swap3A_122 : vector<1x16xf32> to vector<16xf32>
          %swap3A_124 = vector.shape_cast %mul3A_117 : vector<16xf32> to vector<1x16xf32>
          tpu.vector_store %arg11[%swap3A_120, %swap3A_121], %swap3A_124 {strides = array<i32>} : memref<128x128xf32, #tpu.memory_space<vmem>>, vector<1x16xf32>,
          %add3A_125 = arith.constant 0 : i32
          %add3A_126 = arith.addi %mul3A_77, %add3A_125 : i32
          %get3A_127 = arith.index_cast %add3A_126 : i32 to index
          %get3A_128 = arith.constant 48 : index
          %get3A_129 = tpu.vector_load %arg11[%get3A_127, %get3A_128] {strides = array<i32>} : memref<128x128xf32, #tpu.memory_space<vmem>>, vector<1x16xf32>,
          %get3A_130 = vector.shape_cast %get3A_129 : vector<1x16xf32> to vector<16xf32>
          %mul3A_131 = vector.broadcast %squeeze3A : f32 to vector<16xf32>
          %mul3A_132 = arith.mulf %get3A_130, %mul3A_131 : vector<16xf32>
          %add3A_133 = arith.constant 0 : i32
          %add3A_134 = arith.addi %mul3A_77, %add3A_133 : i32
          %swap3A_135 = arith.index_cast %add3A_134 : i32 to index
          %swap3A_136 = arith.constant 48 : index
          %swap3A_137 = tpu.vector_load %arg11[%swap3A_135, %swap3A_136] {strides = array<i32>} : memref<128x128xf32, #tpu.memory_space<vmem>>, vector<1x16xf32>,
          %swap3A_138 = vector.shape_cast %swap3A_137 : vector<1x16xf32> to vector<16xf32>
          %swap3A_139 = vector.shape_cast %mul3A_132 : vector<16xf32> to vector<1x16xf32>
          tpu.vector_store %arg11[%swap3A_135, %swap3A_136], %swap3A_139 {strides = array<i32>} : memref<128x128xf32, #tpu.memory_space<vmem>>, vector<1x16xf32>,
          %add3A_140 = arith.constant 0 : i32
          %add3A_141 = arith.addi %mul3A_77, %add3A_140 : i32
          %get3A_142 = arith.index_cast %add3A_141 : i32 to index
          %get3A_143 = arith.constant 64 : index
          %get3A_144 = tpu.vector_load %arg11[%get3A_142, %get3A_143] {strides = array<i32>} : memref<128x128xf32, #tpu.memory_space<vmem>>, vector<1x16xf32>,
          %get3A_145 = vector.shape_cast %get3A_144 : vector<1x16xf32> to vector<16xf32>
          %mul3A_146 = vector.broadcast %squeeze3A : f32 to vector<16xf32>
          %mul3A_147 = arith.mulf %get3A_145, %mul3A_146 : vector<16xf32>
          %add3A_148 = arith.constant 0 : i32
          %add3A_149 = arith.addi %mul3A_77, %add3A_148 : i32
          %swap3A_150 = arith.index_cast %add3A_149 : i32 to index
          %swap3A_151 = arith.constant 64 : index
          %swap3A_152 = tpu.vector_load %arg11[%swap3A_150, %swap3A_151] {strides = array<i32>} : memref<128x128xf32, #tpu.memory_space<vmem>>, vector<1x16xf32>,
          %swap3A_153 = vector.shape_cast %swap3A_152 : vector<1x16xf32> to vector<16xf32>
          %swap3A_154 = vector.shape_cast %mul3A_147 : vector<16xf32> to vector<1x16xf32>
          tpu.vector_store %arg11[%swap3A_150, %swap3A_151], %swap3A_154 {strides = array<i32>} : memref<128x128xf32, #tpu.memory_space<vmem>>, vector<1x16xf32>,
          %add3A_155 = arith.constant 0 : i32
          %add3A_156 = arith.addi %mul3A_77, %add3A_155 : i32
          %get3A_157 = arith.index_cast %add3A_156 : i32 to index
          %get3A_158 = arith.constant 80 : index
          %get3A_159 = tpu.vector_load %arg11[%get3A_157, %get3A_158] {strides = array<i32>} : memref<128x128xf32, #tpu.memory_space<vmem>>, vector<1x16xf32>,
          %get3A_160 = vector.shape_cast %get3A_159 : vector<1x16xf32> to vector<16xf32>
          %mul3A_161 = vector.broadcast %squeeze3A : f32 to vector<16xf32>
          %mul3A_162 = arith.mulf %get3A_160, %mul3A_161 : vector<16xf32>
          %add3A_163 = arith.constant 0 : i32
          %add3A_164 = arith.addi %mul3A_77, %add3A_163 : i32
          %swap3A_165 = arith.index_cast %add3A_164 : i32 to index
          %swap3A_166 = arith.constant 80 : index
          %swap3A_167 = tpu.vector_load %arg11[%swap3A_165, %swap3A_166] {strides = array<i32>} : memref<128x128xf32, #tpu.memory_space<vmem>>, vector<1x16xf32>,
          %swap3A_168 = vector.shape_cast %swap3A_167 : vector<1x16xf32> to vector<16xf32>
          %swap3A_169 = vector.shape_cast %mul3A_162 : vector<16xf32> to vector<1x16xf32>
          tpu.vector_store %arg11[%swap3A_165, %swap3A_166], %swap3A_169 {strides = array<i32>} : memref<128x128xf32, #tpu.memory_space<vmem>>, vector<1x16xf32>,
          %add3A_170 = arith.constant 0 : i32
          %add3A_171 = arith.addi %mul3A_77, %add3A_170 : i32
          %get3A_172 = arith.index_cast %add3A_171 : i32 to index
          %get3A_173 = arith.constant 96 : index
          %get3A_174 = tpu.vector_load %arg11[%get3A_172, %get3A_173] {strides = array<i32>} : memref<128x128xf32, #tpu.memory_space<vmem>>, vector<1x16xf32>,
          %get3A_175 = vector.shape_cast %get3A_174 : vector<1x16xf32> to vector<16xf32>
          %mul3A_176 = vector.broadcast %squeeze3A : f32 to vector<16xf32>
          %mul3A_177 = arith.mulf %get3A_175, %mul3A_176 : vector<16xf32>
          %add3A_178 = arith.constant 0 : i32
          %add3A_179 = arith.addi %mul3A_77, %add3A_178 : i32
          %swap3A_180 = arith.index_cast %add3A_179 : i32 to index
          %swap3A_181 = arith.constant 96 : index
          %swap3A_182 = tpu.vector_load %arg11[%swap3A_180, %swap3A_181] {strides = array<i32>} : memref<128x128xf32, #tpu.memory_space<vmem>>, vector<1x16xf32>,
          %swap3A_183 = vector.shape_cast %swap3A_182 : vector<1x16xf32> to vector<16xf32>
          %swap3A_184 = vector.shape_cast %mul3A_177 : vector<16xf32> to vector<1x16xf32>
          tpu.vector_store %arg11[%swap3A_180, %swap3A_181], %swap3A_184 {strides = array<i32>} : memref<128x128xf32, #tpu.memory_space<vmem>>, vector<1x16xf32>,
          %add3A_185 = arith.constant 0 : i32
          %add3A_186 = arith.addi %mul3A_77, %add3A_185 : i32
          %get3A_187 = arith.index_cast %add3A_186 : i32 to index
          %get3A_188 = arith.constant 112 : index
          %get3A_189 = tpu.vector_load %arg11[%get3A_187, %get3A_188] {strides = array<i32>} : memref<128x128xf32, #tpu.memory_space<vmem>>, vector<1x16xf32>,
          %get3A_190 = vector.shape_cast %get3A_189 : vector<1x16xf32> to vector<16xf32>
          %mul3A_191 = vector.broadcast %squeeze3A : f32 to vector<16xf32>
          %mul3A_192 = arith.mulf %get3A_190, %mul3A_191 : vector<16xf32>
          %add3A_193 = arith.constant 0 : i32
          %add3A_194 = arith.addi %mul3A_77, %add3A_193 : i32
          %swap3A_195 = arith.index_cast %add3A_194 : i32 to index
          %swap3A_196 = arith.constant 112 : index
          %swap3A_197 = tpu.vector_load %arg11[%swap3A_195, %swap3A_196] {strides = array<i32>} : memref<128x128xf32, #tpu.memory_space<vmem>>, vector<1x16xf32>,
          %swap3A_198 = vector.shape_cast %swap3A_197 : vector<1x16xf32> to vector<16xf32>
          %swap3A_199 = vector.shape_cast %mul3A_192 : vector<16xf32> to vector<1x16xf32>
          tpu.vector_store %arg11[%swap3A_195, %swap3A_196], %swap3A_199 {strides = array<i32>} : memref<128x128xf32, #tpu.memory_space<vmem>>, vector<1x16xf32>,
          %slice3A_200 = vector.extract_strided_slice %get3A_80 {offsets = [1], sizes = [1], strides = [1]} : vector<16xf32> to vector<1xf32>
          %squeeze3A_201 = vector.extract %slice3A_200[0] : f32 from vector<1xf32>
          %add3A_202 = arith.constant 1 : i32
          %add3A_203 = arith.addi %mul3A_77, %add3A_202 : i32
          %get3A_204 = arith.index_cast %add3A_203 : i32 to index
          %get3A_205 = arith.constant 0 : index
          %get3A_206 = tpu.vector_load %arg11[%get3A_204, %get3A_205] {strides = array<i32>} : memref<128x128xf32, #tpu.memory_space<vmem>>, vector<1x16xf32>,
          %get3A_207 = vector.shape_cast %get3A_206 : vector<1x16xf32> to vector<16xf32>
          %mul3A_208 = vector.broadcast %squeeze3A_201 : f32 to vector<16xf32>
          %mul3A_209 = arith.mulf %get3A_207, %mul3A_208 : vector<16xf32>
          %add3A_210 = arith.constant 1 : i32
          %add3A_211 = arith.addi %mul3A_77, %add3A_210 : i32
          %swap3A_212 = arith.index_cast %add3A_211 : i32 to index
          %swap3A_213 = arith.constant 0 : index
          %swap3A_214 = tpu.vector_load %arg11[%swap3A_212, %swap3A_213] {strides = array<i32>} : memref<128x128xf32, #tpu.memory_space<vmem>>, vector<1x16xf32>,
          %swap3A_215 = vector.shape_cast %swap3A_214 : vector<1x16xf32> to vector<16xf32>
          %swap3A_216 = vector.shape_cast %mul3A_209 : vector<16xf32> to vector<1x16xf32>
          tpu.vector_store %arg11[%swap3A_212, %swap3A_213], %swap3A_216 {strides = array<i32>} : memref<128x128xf32, #tpu.memory_space<vmem>>, vector<1x16xf32>,
          %add3A_217 = arith.constant 1 : i32
          %add3A_218 = arith.addi %mul3A_77, %add3A_217 : i32
          %get3A_219 = arith.index_cast %add3A_218 : i32 to index
          %get3A_220 = arith.constant 16 : index
          %get3A_221 = tpu.vector_load %arg11[%get3A_219, %get3A_220] {strides = array<i32>} : memref<128x128xf32, #tpu.memory_space<vmem>>, vector<1x16xf32>,
          %get3A_222 = vector.shape_cast %get3A_221 : vector<1x16xf32> to vector<16xf32>
          %mul3A_223 = vector.broadcast %squeeze3A_201 : f32 to vector<16xf32>
          %mul3A_224 = arith.mulf %get3A_222, %mul3A_223 : vector<16xf32>
          %add3A_225 = arith.constant 1 : i32
          %add3A_226 = arith.addi %mul3A_77, %add3A_225 : i32
          %swap3A_227 = arith.index_cast %add3A_226 : i32 to index
          %swap3A_228 = arith.constant 16 : index
          %swap3A_229 = tpu.vector_load %arg11[%swap3A_227, %swap3A_228] {strides = array<i32>} : memref<128x128xf32, #tpu.memory_space<vmem>>, vector<1x16xf32>,
          %swap3A_230 = vector.shape_cast %swap3A_229 : vector<1x16xf32> to vector<16xf32>
          %swap3A_231 = vector.shape_cast %mul3A_224 : vector<16xf32> to vector<1x16xf32>
          tpu.vector_store %arg11[%swap3A_227, %swap3A_228], %swap3A_231 {strides = array<i32>} : memref<128x128xf32, #tpu.memory_space<vmem>>, vector<1x16xf32>,
          %add3A_232 = arith.constant 1 : i32
          %add3A_233 = arith.addi %mul3A_77, %add3A_232 : i32
          %get3A_234 = arith.index_cast %add3A_233 : i32 to index
          %get3A_235 = arith.constant 32 : index
          %get3A_236 = tpu.vector_load %arg11[%get3A_234, %get3A_235] {strides = array<i32>} : memref<128x128xf32, #tpu.memory_space<vmem>>, vector<1x16xf32>,
          %get3A_237 = vector.shape_cast %get3A_236 : vector<1x16xf32> to vector<16xf32>
          %mul3A_238 = vector.broadcast %squeeze3A_201 : f32 to vector<16xf32>
          %mul3A_239 = arith.mulf %get3A_237, %mul3A_238 : vector<16xf32>
          %add3A_240 = arith.constant 1 : i32
          %add3A_241 = arith.addi %mul3A_77, %add3A_240 : i32
          %swap3A_242 = arith.index_cast %add3A_241 : i32 to index
          %swap3A_243 = arith.constant 32 : index
          %swap3A_244 = tpu.vector_load %arg11[%swap3A_242, %swap3A_243] {strides = array<i32>} : memref<128x128xf32, #tpu.memory_space<vmem>>, vector<1x16xf32>,
          %swap3A_245 = vector.shape_cast %swap3A_244 : vector<1x16xf32> to vector<16xf32>
          %swap3A_246 = vector.shape_cast %mul3A_239 : vector<16xf32> to vector<1x16xf32>
          tpu.vector_store %arg11[%swap3A_242, %swap3A_243], %swap3A_246 {strides = array<i32>} : memref<128x128xf32, #tpu.memory_space<vmem>>, vector<1x16xf32>,
          %add3A_247 = arith.constant 1 : i32
          %add3A_248 = arith.addi %mul3A_77, %add3A_247 : i32
          %get3A_249 = arith.index_cast %add3A_248 : i32 to index
          %get3A_250 = arith.constant 48 : index
          %get3A_251 = tpu.vector_load %arg11[%get3A_249, %get3A_250] {strides = array<i32>} : memref<128x128xf32, #tpu.memory_space<vmem>>, vector<1x16xf32>,
          %get3A_252 = vector.shape_cast %get3A_251 : vector<1x16xf32> to vector<16xf32>
          %mul3A_253 = vector.broadcast %squeeze3A_201 : f32 to vector<16xf32>
          %mul3A_254 = arith.mulf %get3A_252, %mul3A_253 : vector<16xf32>
          %add3A_255 = arith.constant 1 : i32
          %add3A_256 = arith.addi %mul3A_77, %add3A_255 : i32
          %swap3A_257 = arith.index_cast %add3A_256 : i32 to index
          %swap3A_258 = arith.constant 48 : index
          %swap3A_259 = tpu.vector_load %arg11[%swap3A_257, %swap3A_258] {strides = array<i32>} : memref<128x128xf32, #tpu.memory_space<vmem>>, vector<1x16xf32>,
          %swap3A_260 = vector.shape_cast %swap3A_259 : vector<1x16xf32> to vector<16xf32>
          %swap3A_261 = vector.shape_cast %mul3A_254 : vector<16xf32> to vector<1x16xf32>
          tpu.vector_store %arg11[%swap3A_257, %swap3A_258], %swap3A_261 {strides = array<i32>} : memref<128x128xf32, #tpu.memory_space<vmem>>, vector<1x16xf32>,
          %add3A_262 = arith.constant 1 : i32
          %add3A_263 = arith.addi %mul3A_77, %add3A_262 : i32
          %get3A_264 = arith.index_cast %add3A_263 : i32 to index
          %get3A_265 = arith.constant 64 : index
          %get3A_266 = tpu.vector_load %arg11[%get3A_264, %get3A_265] {strides = array<i32>} : memref<128x128xf32, #tpu.memory_space<vmem>>, vector<1x16xf32>,
          %get3A_267 = vector.shape_cast %get3A_266 : vector<1x16xf32> to vector<16xf32>
          %mul3A_268 = vector.broadcast %squeeze3A_201 : f32 to vector<16xf32>
          %mul3A_269 = arith.mulf %get3A_267, %mul3A_268 : vector<16xf32>
          %add3A_270 = arith.constant 1 : i32
          %add3A_271 = arith.addi %mul3A_77, %add3A_270 : i32
          %swap3A_272 = arith.index_cast %add3A_271 : i32 to index
          %swap3A_273 = arith.constant 64 : index
          %swap3A_274 = tpu.vector_load %arg11[%swap3A_272, %swap3A_273] {strides = array<i32>} : memref<128x128xf32, #tpu.memory_space<vmem>>, vector<1x16xf32>,
          %swap3A_275 = vector.shape_cast %swap3A_274 : vector<1x16xf32> to vector<16xf32>
          %swap3A_276 = vector.shape_cast %mul3A_269 : vector<16xf32> to vector<1x16xf32>
          tpu.vector_store %arg11[%swap3A_272, %swap3A_273], %swap3A_276 {strides = array<i32>} : memref<128x128xf32, #tpu.memory_space<vmem>>, vector<1x16xf32>,
          %add3A_277 = arith.constant 1 : i32
          %add3A_278 = arith.addi %mul3A_77, %add3A_277 : i32
          %get3A_279 = arith.index_cast %add3A_278 : i32 to index
          %get3A_280 = arith.constant 80 : index
          %get3A_281 = tpu.vector_load %arg11[%get3A_279, %get3A_280] {strides = array<i32>} : memref<128x128xf32, #tpu.memory_space<vmem>>, vector<1x16xf32>,
          %get3A_282 = vector.shape_cast %get3A_281 : vector<1x16xf32> to vector<16xf32>
          %mul3A_283 = vector.broadcast %squeeze3A_201 : f32 to vector<16xf32>
          %mul3A_284 = arith.mulf %get3A_282, %mul3A_283 : vector<16xf32>
          %add3A_285 = arith.constant 1 : i32
          %add3A_286 = arith.addi %mul3A_77, %add3A_285 : i32
          %swap3A_287 = arith.index_cast %add3A_286 : i32 to index
          %swap3A_288 = arith.constant 80 : index
          %swap3A_289 = tpu.vector_load %arg11[%swap3A_287, %swap3A_288] {strides = array<i32>} : memref<128x128xf32, #tpu.memory_space<vmem>>, vector<1x16xf32>,
          %swap3A_290 = vector.shape_cast %swap3A_289 : vector<1x16xf32> to vector<16xf32>
          %swap3A_291 = vector.shape_cast %mul3A_284 : vector<16xf32> to vector<1x16xf32>
          tpu.vector_store %arg11[%swap3A_287, %swap3A_288], %swap3A_291 {strides = array<i32>} : memref<128x128xf32, #tpu.memory_space<vmem>>, vector<1x16xf32>,
          %add3A_292 = arith.constant 1 : i32
          %add3A_293 = arith.addi %mul3A_77, %add3A_292 : i32
          %get3A_294 = arith.index_cast %add3A_293 : i32 to index
          %get3A_295 = arith.constant 96 : index
          %get3A_296 = tpu.vector_load %arg11[%get3A_294, %get3A_295] {strides = array<i32>} : memref<128x128xf32, #tpu.memory_space<vmem>>, vector<1x16xf32>,
          %get3A_297 = vector.shape_cast %get3A_296 : vector<1x16xf32> to vector<16xf32>
          %mul3A_298 = vector.broadcast %squeeze3A_201 : f32 to vector<16xf32>
          %mul3A_299 = arith.mulf %get3A_297, %mul3A_298 : vector<16xf32>
          %add3A_300 = arith.constant 1 : i32
          %add3A_301 = arith.addi %mul3A_77, %add3A_300 : i32
          %swap3A_302 = arith.index_cast %add3A_301 : i32 to index
          %swap3A_303 = arith.constant 96 : index
          %swap3A_304 = tpu.vector_load %arg11[%swap3A_302, %swap3A_303] {strides = array<i32>} : memref<128x128xf32, #tpu.memory_space<vmem>>, vector<1x16xf32>,
          %swap3A_305 = vector.shape_cast %swap3A_304 : vector<1x16xf32> to vector<16xf32>
          %swap3A_306 = vector.shape_cast %mul3A_299 : vector<16xf32> to vector<1x16xf32>
          tpu.vector_store %arg11[%swap3A_302, %swap3A_303], %swap3A_306 {strides = array<i32>} : memref<128x128xf32, #tpu.memory_space<vmem>>, vector<1x16xf32>,
          %add3A_307 = arith.constant 1 : i32
          %add3A_308 = arith.addi %mul3A_77, %add3A_307 : i32
          %get3A_309 = arith.index_cast %add3A_308 : i32 to index
          %get3A_310 = arith.constant 112 : index
          %get3A_311 = tpu.vector_load %arg11[%get3A_309, %get3A_310] {strides = array<i32>} : memref<128x128xf32, #tpu.memory_space<vmem>>, vector<1x16xf32>,
          %get3A_312 = vector.shape_cast %get3A_311 : vector<1x16xf32> to vector<16xf32>
          %mul3A_313 = vector.broadcast %squeeze3A_201 : f32 to vector<16xf32>
          %mul3A_314 = arith.mulf %get3A_312, %mul3A_313 : vector<16xf32>
          %add3A_315 = arith.constant 1 : i32
          %add3A_316 = arith.addi %mul3A_77, %add3A_315 : i32
          %swap3A_317 = arith.index_cast %add3A_316 : i32 to index
          %swap3A_318 = arith.constant 112 : index
          %swap3A_319 = tpu.vector_load %arg11[%swap3A_317, %swap3A_318] {strides = array<i32>} : memref<128x128xf32, #tpu.memory_space<vmem>>, vector<1x16xf32>,
          %swap3A_320 = vector.shape_cast %swap3A_319 : vector<1x16xf32> to vector<16xf32>
          %swap3A_321 = vector.shape_cast %mul3A_314 : vector<16xf32> to vector<1x16xf32>
          tpu.vector_store %arg11[%swap3A_317, %swap3A_318], %swap3A_321 {strides = array<i32>} : memref<128x128xf32, #tpu.memory_space<vmem>>, vector<1x16xf32>,
          %slice3A_322 = vector.extract_strided_slice %get3A_80 {offsets = [2], sizes = [1], strides = [1]} : vector<16xf32> to vector<1xf32>
          %squeeze3A_323 = vector.extract %slice3A_322[0] : f32 from vector<1xf32>
          %add3A_324 = arith.constant 2 : i32
          %add3A_325 = arith.addi %mul3A_77, %add3A_324 : i32
          %get3A_326 = arith.index_cast %add3A_325 : i32 to index
          %get3A_327 = arith.constant 0 : index
          %get3A_328 = tpu.vector_load %arg11[%get3A_326, %get3A_327] {strides = array<i32>} : memref<128x128xf32, #tpu.memory_space<vmem>>, vector<1x16xf32>,
          %get3A_329 = vector.shape_cast %get3A_328 : vector<1x16xf32> to vector<16xf32>
          %mul3A_330 = vector.broadcast %squeeze3A_323 : f32 to vector<16xf32>
          %mul3A_331 = arith.mulf %get3A_329, %mul3A_330 : vector<16xf32>
          %add3A_332 = arith.constant 2 : i32
          %add3A_333 = arith.addi %mul3A_77, %add3A_332 : i32
          %swap3A_334 = arith.index_cast %add3A_333 : i32 to index
          %swap3A_335 = arith.constant 0 : index
          %swap3A_336 = tpu.vector_load %arg11[%swap3A_334, %swap3A_335] {strides = array<i32>} : memref<128x128xf32, #tpu.memory_space<vmem>>, vector<1x16xf32>,
          %swap3A_337 = vector.shape_cast %swap3A_336 : vector<1x16xf32> to vector<16xf32>
          %swap3A_338 = vector.shape_cast %mul3A_331 : vector<16xf32> to vector<1x16xf32>
          tpu.vector_store %arg11[%swap3A_334, %swap3A_335], %swap3A_338 {strides = array<i32>} : memref<128x128xf32, #tpu.memory_space<vmem>>, vector<1x16xf32>,
          %add3A_339 = arith.constant 2 : i32
          %add3A_340 = arith.addi %mul3A_77, %add3A_339 : i32
          %get3A_341 = arith.index_cast %add3A_340 : i32 to index
          %get3A_342 = arith.constant 16 : index
          %get3A_343 = tpu.vector_load %arg11[%get3A_341, %get3A_342] {strides = array<i32>} : memref<128x128xf32, #tpu.memory_space<vmem>>, vector<1x16xf32>,
          %get3A_344 = vector.shape_cast %get3A_343 : vector<1x16xf32> to vector<16xf32>
          %mul3A_345 = vector.broadcast %squeeze3A_323 : f32 to vector<16xf32>
          %mul3A_346 = arith.mulf %get3A_344, %mul3A_345 : vector<16xf32>
          %add3A_347 = arith.constant 2 : i32
          %add3A_348 = arith.addi %mul3A_77, %add3A_347 : i32
          %swap3A_349 = arith.index_cast %add3A_348 : i32 to index
          %swap3A_350 = arith.constant 16 : index
          %swap3A_351 = tpu.vector_load %arg11[%swap3A_349, %swap3A_350] {strides = array<i32>} : memref<128x128xf32, #tpu.memory_space<vmem>>, vector<1x16xf32>,
          %swap3A_352 = vector.shape_cast %swap3A_351 : vector<1x16xf32> to vector<16xf32>
          %swap3A_353 = vector.shape_cast %mul3A_346 : vector<16xf32> to vector<1x16xf32>
          tpu.vector_store %arg11[%swap3A_349, %swap3A_350], %swap3A_353 {strides = array<i32>} : memref<128x128xf32, #tpu.memory_space<vmem>>, vector<1x16xf32>,
          %add3A_354 = arith.constant 2 : i32
          %add3A_355 = arith.addi %mul3A_77, %add3A_354 : i32
          %get3A_356 = arith.index_cast %add3A_355 : i32 to index
          %get3A_357 = arith.constant 32 : index
          %get3A_358 = tpu.vector_load %arg11[%get3A_356, %get3A_357] {strides = array<i32>} : memref<128x128xf32, #tpu.memory_space<vmem>>, vector<1x16xf32>,
          %get3A_359 = vector.shape_cast %get3A_358 : vector<1x16xf32> to vector<16xf32>
          %mul3A_360 = vector.broadcast %squeeze3A_323 : f32 to vector<16xf32>
          %mul3A_361 = arith.mulf %get3A_359, %mul3A_360 : vector<16xf32>
          %add3A_362 = arith.constant 2 : i32
          %add3A_363 = arith.addi %mul3A_77, %add3A_362 : i32
          %swap3A_364 = arith.index_cast %add3A_363 : i32 to index
          %swap3A_365 = arith.constant 32 : index
          %swap3A_366 = tpu.vector_load %arg11[%swap3A_364, %swap3A_365] {strides = array<i32>} : memref<128x128xf32, #tpu.memory_space<vmem>>, vector<1x16xf32>,
          %swap3A_367 = vector.shape_cast %swap3A_366 : vector<1x16xf32> to vector<16xf32>
          %swap3A_368 = vector.shape_cast %mul3A_361 : vector<16xf32> to vector<1x16xf32>
          tpu.vector_store %arg11[%swap3A_364, %swap3A_365], %swap3A_368 {strides = array<i32>} : memref<128x128xf32, #tpu.memory_space<vmem>>, vector<1x16xf32>,
          %add3A_369 = arith.constant 2 : i32
          %add3A_370 = arith.addi %mul3A_77, %add3A_369 : i32
          %get3A_371 = arith.index_cast %add3A_370 : i32 to index
          %get3A_372 = arith.constant 48 : index
          %get3A_373 = tpu.vector_load %arg11[%get3A_371, %get3A_372] {strides = array<i32>} : memref<128x128xf32, #tpu.memory_space<vmem>>, vector<1x16xf32>,
          %get3A_374 = vector.shape_cast %get3A_373 : vector<1x16xf32> to vector<16xf32>
          %mul3A_375 = vector.broadcast %squeeze3A_323 : f32 to vector<16xf32>
          %mul3A_376 = arith.mulf %get3A_374, %mul3A_375 : vector<16xf32>
          %add3A_377 = arith.constant 2 : i32
          %add3A_378 = arith.addi %mul3A_77, %add3A_377 : i32
          %swap3A_379 = arith.index_cast %add3A_378 : i32 to index
          %swap3A_380 = arith.constant 48 : index
          %swap3A_381 = tpu.vector_load %arg11[%swap3A_379, %swap3A_380] {strides = array<i32>} : memref<128x128xf32, #tpu.memory_space<vmem>>, vector<1x16xf32>,
          %swap3A_382 = vector.shape_cast %swap3A_381 : vector<1x16xf32> to vector<16xf32>
          %swap3A_383 = vector.shape_cast %mul3A_376 : vector<16xf32> to vector<1x16xf32>
          tpu.vector_store %arg11[%swap3A_379, %swap3A_380], %swap3A_383 {strides = array<i32>} : memref<128x128xf32, #tpu.memory_space<vmem>>, vector<1x16xf32>,
          %add3A_384 = arith.constant 2 : i32
          %add3A_385 = arith.addi %mul3A_77, %add3A_384 : i32
          %get3A_386 = arith.index_cast %add3A_385 : i32 to index
          %get3A_387 = arith.constant 64 : index
          %get3A_388 = tpu.vector_load %arg11[%get3A_386, %get3A_387] {strides = array<i32>} : memref<128x128xf32, #tpu.memory_space<vmem>>, vector<1x16xf32>,
          %get3A_389 = vector.shape_cast %get3A_388 : vector<1x16xf32> to vector<16xf32>
          %mul3A_390 = vector.broadcast %squeeze3A_323 : f32 to vector<16xf32>
          %mul3A_391 = arith.mulf %get3A_389, %mul3A_390 : vector<16xf32>
          %add3A_392 = arith.constant 2 : i32
          %add3A_393 = arith.addi %mul3A_77, %add3A_392 : i32
          %swap3A_394 = arith.index_cast %add3A_393 : i32 to index
          %swap3A_395 = arith.constant 64 : index
          %swap3A_396 = tpu.vector_load %arg11[%swap3A_394, %swap3A_395] {strides = array<i32>} : memref<128x128xf32, #tpu.memory_space<vmem>>, vector<1x16xf32>,
          %swap3A_397 = vector.shape_cast %swap3A_396 : vector<1x16xf32> to vector<16xf32>
          %swap3A_398 = vector.shape_cast %mul3A_391 : vector<16xf32> to vector<1x16xf32>
          tpu.vector_store %arg11[%swap3A_394, %swap3A_395], %swap3A_398 {strides = array<i32>} : memref<128x128xf32, #tpu.memory_space<vmem>>, vector<1x16xf32>,
          %add3A_399 = arith.constant 2 : i32
          %add3A_400 = arith.addi %mul3A_77, %add3A_399 : i32
          %get3A_401 = arith.index_cast %add3A_400 : i32 to index
          %get3A_402 = arith.constant 80 : index
          %get3A_403 = tpu.vector_load %arg11[%get3A_401, %get3A_402] {strides = array<i32>} : memref<128x128xf32, #tpu.memory_space<vmem>>, vector<1x16xf32>,
          %get3A_404 = vector.shape_cast %get3A_403 : vector<1x16xf32> to vector<16xf32>
          %mul3A_405 = vector.broadcast %squeeze3A_323 : f32 to vector<16xf32>
          %mul3A_406 = arith.mulf %get3A_404, %mul3A_405 : vector<16xf32>
          %add3A_407 = arith.constant 2 : i32
          %add3A_408 = arith.addi %mul3A_77, %add3A_407 : i32
          %swap3A_409 = arith.index_cast %add3A_408 : i32 to index
          %swap3A_410 = arith.constant 80 : index
          %swap3A_411 = tpu.vector_load %arg11[%swap3A_409, %swap3A_410] {strides = array<i32>} : memref<128x128xf32, #tpu.memory_space<vmem>>, vector<1x16xf32>,
          %swap3A_412 = vector.shape_cast %swap3A_411 : vector<1x16xf32> to vector<16xf32>
          %swap3A_413 = vector.shape_cast %mul3A_406 : vector<16xf32> to vector<1x16xf32>
          tpu.vector_store %arg11[%swap3A_409, %swap3A_410], %swap3A_413 {strides = array<i32>} : memref<128x128xf32, #tpu.memory_space<vmem>>, vector<1x16xf32>,
          %add3A_414 = arith.constant 2 : i32
          %add3A_415 = arith.addi %mul3A_77, %add3A_414 : i32
          %get3A_416 = arith.index_cast %add3A_415 : i32 to index
          %get3A_417 = arith.constant 96 : index
          %get3A_418 = tpu.vector_load %arg11[%get3A_416, %get3A_417] {strides = array<i32>} : memref<128x128xf32, #tpu.memory_space<vmem>>, vector<1x16xf32>,
          %get3A_419 = vector.shape_cast %get3A_418 : vector<1x16xf32> to vector<16xf32>
          %mul3A_420 = vector.broadcast %squeeze3A_323 : f32 to vector<16xf32>
          %mul3A_421 = arith.mulf %get3A_419, %mul3A_420 : vector<16xf32>
          %add3A_422 = arith.constant 2 : i32
          %add3A_423 = arith.addi %mul3A_77, %add3A_422 : i32
          %swap3A_424 = arith.index_cast %add3A_423 : i32 to index
          %swap3A_425 = arith.constant 96 : index
          %swap3A_426 = tpu.vector_load %arg11[%swap3A_424, %swap3A_425] {strides = array<i32>} : memref<128x128xf32, #tpu.memory_space<vmem>>, vector<1x16xf32>,
          %swap3A_427 = vector.shape_cast %swap3A_426 : vector<1x16xf32> to vector<16xf32>
          %swap3A_428 = vector.shape_cast %mul3A_421 : vector<16xf32> to vector<1x16xf32>
          tpu.vector_store %arg11[%swap3A_424, %swap3A_425], %swap3A_428 {strides = array<i32>} : memref<128x128xf32, #tpu.memory_space<vmem>>, vector<1x16xf32>,
          %add3A_429 = arith.constant 2 : i32
          %add3A_430 = arith.addi %mul3A_77, %add3A_429 : i32
          %get3A_431 = arith.index_cast %add3A_430 : i32 to index
          %get3A_432 = arith.constant 112 : index
          %get3A_433 = tpu.vector_load %arg11[%get3A_431, %get3A_432] {strides = array<i32>} : memref<128x128xf32, #tpu.memory_space<vmem>>, vector<1x16xf32>,
          %get3A_434 = vector.shape_cast %get3A_433 : vector<1x16xf32> to vector<16xf32>
          %mul3A_435 = vector.broadcast %squeeze3A_323 : f32 to vector<16xf32>
          %mul3A_436 = arith.mulf %get3A_434, %mul3A_435 : vector<16xf32>
          %add3A_437 = arith.constant 2 : i32
          %add3A_438 = arith.addi %mul3A_77, %add3A_437 : i32
          %swap3A_439 = arith.index_cast %add3A_438 : i32 to index
          %swap3A_440 = arith.constant 112 : index
          %swap3A_441 = tpu.vector_load %arg11[%swap3A_439, %swap3A_440] {strides = array<i32>} : memref<128x128xf32, #tpu.memory_space<vmem>>, vector<1x16xf32>,
          %swap3A_442 = vector.shape_cast %swap3A_441 : vector<1x16xf32> to vector<16xf32>
          %swap3A_443 = vector.shape_cast %mul3A_436 : vector<16xf32> to vector<1x16xf32>
          tpu.vector_store %arg11[%swap3A_439, %swap3A_440], %swap3A_443 {strides = array<i32>} : memref<128x128xf32, #tpu.memory_space<vmem>>, vector<1x16xf32>,
          %slice3A_444 = vector.extract_strided_slice %get3A_80 {offsets = [3], sizes = [1], strides = [1]} : vector<16xf32> to vector<1xf32>
          %squeeze3A_445 = vector.extract %slice3A_444[0] : f32 from vector<1xf32>
          %add3A_446 = arith.constant 3 : i32
          %add3A_447 = arith.addi %mul3A_77, %add3A_446 : i32
          %get3A_448 = arith.index_cast %add3A_447 : i32 to index
          %get3A_449 = arith.constant 0 : index
          %get3A_450 = tpu.vector_load %arg11[%get3A_448, %get3A_449] {strides = array<i32>} : memref<128x128xf32, #tpu.memory_space<vmem>>, vector<1x16xf32>,
          %get3A_451 = vector.shape_cast %get3A_450 : vector<1x16xf32> to vector<16xf32>
          %mul3A_452 = vector.broadcast %squeeze3A_445 : f32 to vector<16xf32>
          %mul3A_453 = arith.mulf %get3A_451, %mul3A_452 : vector<16xf32>
          %add3A_454 = arith.constant 3 : i32
          %add3A_455 = arith.addi %mul3A_77, %add3A_454 : i32
          %swap3A_456 = arith.index_cast %add3A_455 : i32 to index
          %swap3A_457 = arith.constant 0 : index
          %swap3A_458 = tpu.vector_load %arg11[%swap3A_456, %swap3A_457] {strides = array<i32>} : memref<128x128xf32, #tpu.memory_space<vmem>>, vector<1x16xf32>,
          %swap3A_459 = vector.shape_cast %swap3A_458 : vector<1x16xf32> to vector<16xf32>
          %swap3A_460 = vector.shape_cast %mul3A_453 : vector<16xf32> to vector<1x16xf32>
          tpu.vector_store %arg11[%swap3A_456, %swap3A_457], %swap3A_460 {strides = array<i32>} : memref<128x128xf32, #tpu.memory_space<vmem>>, vector<1x16xf32>,
          %add3A_461 = arith.constant 3 : i32
          %add3A_462 = arith.addi %mul3A_77, %add3A_461 : i32
          %get3A_463 = arith.index_cast %add3A_462 : i32 to index
          %get3A_464 = arith.constant 16 : index
          %get3A_465 = tpu.vector_load %arg11[%get3A_463, %get3A_464] {strides = array<i32>} : memref<128x128xf32, #tpu.memory_space<vmem>>, vector<1x16xf32>,
          %get3A_466 = vector.shape_cast %get3A_465 : vector<1x16xf32> to vector<16xf32>
          %mul3A_467 = vector.broadcast %squeeze3A_445 : f32 to vector<16xf32>
          %mul3A_468 = arith.mulf %get3A_466, %mul3A_467 : vector<16xf32>
          %add3A_469 = arith.constant 3 : i32
          %add3A_470 = arith.addi %mul3A_77, %add3A_469 : i32
          %swap3A_471 = arith.index_cast %add3A_470 : i32 to index
          %swap3A_472 = arith.constant 16 : index
          %swap3A_473 = tpu.vector_load %arg11[%swap3A_471, %swap3A_472] {strides = array<i32>} : memref<128x128xf32, #tpu.memory_space<vmem>>, vector<1x16xf32>,
          %swap3A_474 = vector.shape_cast %swap3A_473 : vector<1x16xf32> to vector<16xf32>
          %swap3A_475 = vector.shape_cast %mul3A_468 : vector<16xf32> to vector<1x16xf32>
          tpu.vector_store %arg11[%swap3A_471, %swap3A_472], %swap3A_475 {strides = array<i32>} : memref<128x128xf32, #tpu.memory_space<vmem>>, vector<1x16xf32>,
          %add3A_476 = arith.constant 3 : i32
          %add3A_477 = arith.addi %mul3A_77, %add3A_476 : i32
          %get3A_478 = arith.index_cast %add3A_477 : i32 to index
          %get3A_479 = arith.constant 32 : index
          %get3A_480 = tpu.vector_load %arg11[%get3A_478, %get3A_479] {strides = array<i32>} : memref<128x128xf32, #tpu.memory_space<vmem>>, vector<1x16xf32>,
          %get3A_481 = vector.shape_cast %get3A_480 : vector<1x16xf32> to vector<16xf32>
          %mul3A_482 = vector.broadcast %squeeze3A_445 : f32 to vector<16xf32>
          %mul3A_483 = arith.mulf %get3A_481, %mul3A_482 : vector<16xf32>
          %add3A_484 = arith.constant 3 : i32
          %add3A_485 = arith.addi %mul3A_77, %add3A_484 : i32
          %swap3A_486 = arith.index_cast %add3A_485 : i32 to index
          %swap3A_487 = arith.constant 32 : index
          %swap3A_488 = tpu.vector_load %arg11[%swap3A_486, %swap3A_487] {strides = array<i32>} : memref<128x128xf32, #tpu.memory_space<vmem>>, vector<1x16xf32>,
          %swap3A_489 = vector.shape_cast %swap3A_488 : vector<1x16xf32> to vector<16xf32>
          %swap3A_490 = vector.shape_cast %mul3A_483 : vector<16xf32> to vector<1x16xf32>
          tpu.vector_store %arg11[%swap3A_486, %swap3A_487], %swap3A_490 {strides = array<i32>} : memref<128x128xf32, #tpu.memory_space<vmem>>, vector<1x16xf32>,
          %add3A_491 = arith.constant 3 : i32
          %add3A_492 = arith.addi %mul3A_77, %add3A_491 : i32
          %get3A_493 = arith.index_cast %add3A_492 : i32 to index
          %get3A_494 = arith.constant 48 : index
          %get3A_495 = tpu.vector_load %arg11[%get3A_493, %get3A_494] {strides = array<i32>} : memref<128x128xf32, #tpu.memory_space<vmem>>, vector<1x16xf32>,
          %get3A_496 = vector.shape_cast %get3A_495 : vector<1x16xf32> to vector<16xf32>
          %mul3A_497 = vector.broadcast %squeeze3A_445 : f32 to vector<16xf32>
          %mul3A_498 = arith.mulf %get3A_496, %mul3A_497 : vector<16xf32>
          %add3A_499 = arith.constant 3 : i32
          %add3A_500 = arith.addi %mul3A_77, %add3A_499 : i32
          %swap3A_501 = arith.index_cast %add3A_500 : i32 to index
          %swap3A_502 = arith.constant 48 : index
          %swap3A_503 = tpu.vector_load %arg11[%swap3A_501, %swap3A_502] {strides = array<i32>} : memref<128x128xf32, #tpu.memory_space<vmem>>, vector<1x16xf32>,
          %swap3A_504 = vector.shape_cast %swap3A_503 : vector<1x16xf32> to vector<16xf32>
          %swap3A_505 = vector.shape_cast %mul3A_498 : vector<16xf32> to vector<1x16xf32>
          tpu.vector_store %arg11[%swap3A_501, %swap3A_502], %swap3A_505 {strides = array<i32>} : memref<128x128xf32, #tpu.memory_space<vmem>>, vector<1x16xf32>,
          %add3A_506 = arith.constant 3 : i32
          %add3A_507 = arith.addi %mul3A_77, %add3A_506 : i32
          %get3A_508 = arith.index_cast %add3A_507 : i32 to index
          %get3A_509 = arith.constant 64 : index
          %get3A_510 = tpu.vector_load %arg11[%get3A_508, %get3A_509] {strides = array<i32>} : memref<128x128xf32, #tpu.memory_space<vmem>>, vector<1x16xf32>,
          %get3A_511 = vector.shape_cast %get3A_510 : vector<1x16xf32> to vector<16xf32>
          %mul3A_512 = vector.broadcast %squeeze3A_445 : f32 to vector<16xf32>
          %mul3A_513 = arith.mulf %get3A_511, %mul3A_512 : vector<16xf32>
          %add3A_514 = arith.constant 3 : i32
          %add3A_515 = arith.addi %mul3A_77, %add3A_514 : i32
          %swap3A_516 = arith.index_cast %add3A_515 : i32 to index
          %swap3A_517 = arith.constant 64 : index
          %swap3A_518 = tpu.vector_load %arg11[%swap3A_516, %swap3A_517] {strides = array<i32>} : memref<128x128xf32, #tpu.memory_space<vmem>>, vector<1x16xf32>,
          %swap3A_519 = vector.shape_cast %swap3A_518 : vector<1x16xf32> to vector<16xf32>
          %swap3A_520 = vector.shape_cast %mul3A_513 : vector<16xf32> to vector<1x16xf32>
          tpu.vector_store %arg11[%swap3A_516, %swap3A_517], %swap3A_520 {strides = array<i32>} : memref<128x128xf32, #tpu.memory_space<vmem>>, vector<1x16xf32>,
          %add3A_521 = arith.constant 3 : i32
          %add3A_522 = arith.addi %mul3A_77, %add3A_521 : i32
          %get3A_523 = arith.index_cast %add3A_522 : i32 to index
          %get3A_524 = arith.constant 80 : index
          %get3A_525 = tpu.vector_load %arg11[%get3A_523, %get3A_524] {strides = array<i32>} : memref<128x128xf32, #tpu.memory_space<vmem>>, vector<1x16xf32>,
          %get3A_526 = vector.shape_cast %get3A_525 : vector<1x16xf32> to vector<16xf32>
          %mul3A_527 = vector.broadcast %squeeze3A_445 : f32 to vector<16xf32>
          %mul3A_528 = arith.mulf %get3A_526, %mul3A_527 : vector<16xf32>
          %add3A_529 = arith.constant 3 : i32
          %add3A_530 = arith.addi %mul3A_77, %add3A_529 : i32
          %swap3A_531 = arith.index_cast %add3A_530 : i32 to index
          %swap3A_532 = arith.constant 80 : index
          %swap3A_533 = tpu.vector_load %arg11[%swap3A_531, %swap3A_532] {strides = array<i32>} : memref<128x128xf32, #tpu.memory_space<vmem>>, vector<1x16xf32>,
          %swap3A_534 = vector.shape_cast %swap3A_533 : vector<1x16xf32> to vector<16xf32>
          %swap3A_535 = vector.shape_cast %mul3A_528 : vector<16xf32> to vector<1x16xf32>
          tpu.vector_store %arg11[%swap3A_531, %swap3A_532], %swap3A_535 {strides = array<i32>} : memref<128x128xf32, #tpu.memory_space<vmem>>, vector<1x16xf32>,
          %add3A_536 = arith.constant 3 : i32
          %add3A_537 = arith.addi %mul3A_77, %add3A_536 : i32
          %get3A_538 = arith.index_cast %add3A_537 : i32 to index
          %get3A_539 = arith.constant 96 : index
          %get3A_540 = tpu.vector_load %arg11[%get3A_538, %get3A_539] {strides = array<i32>} : memref<128x128xf32, #tpu.memory_space<vmem>>, vector<1x16xf32>,
          %get3A_541 = vector.shape_cast %get3A_540 : vector<1x16xf32> to vector<16xf32>
          %mul3A_542 = vector.broadcast %squeeze3A_445 : f32 to vector<16xf32>
          %mul3A_543 = arith.mulf %get3A_541, %mul3A_542 : vector<16xf32>
          %add3A_544 = arith.constant 3 : i32
          %add3A_545 = arith.addi %mul3A_77, %add3A_544 : i32
          %swap3A_546 = arith.index_cast %add3A_545 : i32 to index
          %swap3A_547 = arith.constant 96 : index
          %swap3A_548 = tpu.vector_load %arg11[%swap3A_546, %swap3A_547] {strides = array<i32>} : memref<128x128xf32, #tpu.memory_space<vmem>>, vector<1x16xf32>,
          %swap3A_549 = vector.shape_cast %swap3A_548 : vector<1x16xf32> to vector<16xf32>
          %swap3A_550 = vector.shape_cast %mul3A_543 : vector<16xf32> to vector<1x16xf32>
          tpu.vector_store %arg11[%swap3A_546, %swap3A_547], %swap3A_550 {strides = array<i32>} : memref<128x128xf32, #tpu.memory_space<vmem>>, vector<1x16xf32>,
          %add3A_551 = arith.constant 3 : i32
          %add3A_552 = arith.addi %mul3A_77, %add3A_551 : i32
          %get3A_553 = arith.index_cast %add3A_552 : i32 to index
          %get3A_554 = arith.constant 112 : index
          %get3A_555 = tpu.vector_load %arg11[%get3A_553, %get3A_554] {strides = array<i32>} : memref<128x128xf32, #tpu.memory_space<vmem>>, vector<1x16xf32>,
          %get3A_556 = vector.shape_cast %get3A_555 : vector<1x16xf32> to vector<16xf32>
          %mul3A_557 = vector.broadcast %squeeze3A_445 : f32 to vector<16xf32>
          %mul3A_558 = arith.mulf %get3A_556, %mul3A_557 : vector<16xf32>
          %add3A_559 = arith.constant 3 : i32
          %add3A_560 = arith.addi %mul3A_77, %add3A_559 : i32
          %swap3A_561 = arith.index_cast %add3A_560 : i32 to index
          %swap3A_562 = arith.constant 112 : index
          %swap3A_563 = tpu.vector_load %arg11[%swap3A_561, %swap3A_562] {strides = array<i32>} : memref<128x128xf32, #tpu.memory_space<vmem>>, vector<1x16xf32>,
          %swap3A_564 = vector.shape_cast %swap3A_563 : vector<1x16xf32> to vector<16xf32>
          %swap3A_565 = vector.shape_cast %mul3A_558 : vector<16xf32> to vector<1x16xf32>
          tpu.vector_store %arg11[%swap3A_561, %swap3A_562], %swap3A_565 {strides = array<i32>} : memref<128x128xf32, #tpu.memory_space<vmem>>, vector<1x16xf32>,
          %slice3A_566 = vector.extract_strided_slice %get3A_80 {offsets = [4], sizes = [1], strides = [1]} : vector<16xf32> to vector<1xf32>
          %squeeze3A_567 = vector.extract %slice3A_566[0] : f32 from vector<1xf32>
          %add3A_568 = arith.constant 4 : i32
          %add3A_569 = arith.addi %mul3A_77, %add3A_568 : i32
          %get3A_570 = arith.index_cast %add3A_569 : i32 to index
          %get3A_571 = arith.constant 0 : index
          %get3A_572 = tpu.vector_load %arg11[%get3A_570, %get3A_571] {strides = array<i32>} : memref<128x128xf32, #tpu.memory_space<vmem>>, vector<1x16xf32>,
          %get3A_573 = vector.shape_cast %get3A_572 : vector<1x16xf32> to vector<16xf32>
          %mul3A_574 = vector.broadcast %squeeze3A_567 : f32 to vector<16xf32>
          %mul3A_575 = arith.mulf %get3A_573, %mul3A_574 : vector<16xf32>
          %add3A_576 = arith.constant 4 : i32
          %add3A_577 = arith.addi %mul3A_77, %add3A_576 : i32
          %swap3A_578 = arith.index_cast %add3A_577 : i32 to index
          %swap3A_579 = arith.constant 0 : index
          %swap3A_580 = tpu.vector_load %arg11[%swap3A_578, %swap3A_579] {strides = array<i32>} : memref<128x128xf32, #tpu.memory_space<vmem>>, vector<1x16xf32>,
          %swap3A_581 = vector.shape_cast %swap3A_580 : vector<1x16xf32> to vector<16xf32>
          %swap3A_582 = vector.shape_cast %mul3A_575 : vector<16xf32> to vector<1x16xf32>
          tpu.vector_store %arg11[%swap3A_578, %swap3A_579], %swap3A_582 {strides = array<i32>} : memref<128x128xf32, #tpu.memory_space<vmem>>, vector<1x16xf32>,
          %add3A_583 = arith.constant 4 : i32
          %add3A_584 = arith.addi %mul3A_77, %add3A_583 : i32
          %get3A_585 = arith.index_cast %add3A_584 : i32 to index
          %get3A_586 = arith.constant 16 : index
          %get3A_587 = tpu.vector_load %arg11[%get3A_585, %get3A_586] {strides = array<i32>} : memref<128x128xf32, #tpu.memory_space<vmem>>, vector<1x16xf32>,
          %get3A_588 = vector.shape_cast %get3A_587 : vector<1x16xf32> to vector<16xf32>
          %mul3A_589 = vector.broadcast %squeeze3A_567 : f32 to vector<16xf32>
          %mul3A_590 = arith.mulf %get3A_588, %mul3A_589 : vector<16xf32>
          %add3A_591 = arith.constant 4 : i32
          %add3A_592 = arith.addi %mul3A_77, %add3A_591 : i32
          %swap3A_593 = arith.index_cast %add3A_592 : i32 to index
          %swap3A_594 = arith.constant 16 : index
          %swap3A_595 = tpu.vector_load %arg11[%swap3A_593, %swap3A_594] {strides = array<i32>} : memref<128x128xf32, #tpu.memory_space<vmem>>, vector<1x16xf32>,
          %swap3A_596 = vector.shape_cast %swap3A_595 : vector<1x16xf32> to vector<16xf32>
          %swap3A_597 = vector.shape_cast %mul3A_590 : vector<16xf32> to vector<1x16xf32>
          tpu.vector_store %arg11[%swap3A_593, %swap3A_594], %swap3A_597 {strides = array<i32>} : memref<128x128xf32, #tpu.memory_space<vmem>>, vector<1x16xf32>,
          %add3A_598 = arith.constant 4 : i32
          %add3A_599 = arith.addi %mul3A_77, %add3A_598 : i32
          %get3A_600 = arith.index_cast %add3A_599 : i32 to index
          %get3A_601 = arith.constant 32 : index
          %get3A_602 = tpu.vector_load %arg11[%get3A_600, %get3A_601] {strides = array<i32>} : memref<128x128xf32, #tpu.memory_space<vmem>>, vector<1x16xf32>,
          %get3A_603 = vector.shape_cast %get3A_602 : vector<1x16xf32> to vector<16xf32>
          %mul3A_604 = vector.broadcast %squeeze3A_567 : f32 to vector<16xf32>
          %mul3A_605 = arith.mulf %get3A_603, %mul3A_604 : vector<16xf32>
          %add3A_606 = arith.constant 4 : i32
          %add3A_607 = arith.addi %mul3A_77, %add3A_606 : i32
          %swap3A_608 = arith.index_cast %add3A_607 : i32 to index
          %swap3A_609 = arith.constant 32 : index
          %swap3A_610 = tpu.vector_load %arg11[%swap3A_608, %swap3A_609] {strides = array<i32>} : memref<128x128xf32, #tpu.memory_space<vmem>>, vector<1x16xf32>,
          %swap3A_611 = vector.shape_cast %swap3A_610 : vector<1x16xf32> to vector<16xf32>
          %swap3A_612 = vector.shape_cast %mul3A_605 : vector<16xf32> to vector<1x16xf32>
          tpu.vector_store %arg11[%swap3A_608, %swap3A_609], %swap3A_612 {strides = array<i32>} : memref<128x128xf32, #tpu.memory_space<vmem>>, vector<1x16xf32>,
          %add3A_613 = arith.constant 4 : i32
          %add3A_614 = arith.addi %mul3A_77, %add3A_613 : i32
          %get3A_615 = arith.index_cast %add3A_614 : i32 to index
          %get3A_616 = arith.constant 48 : index
          %get3A_617 = tpu.vector_load %arg11[%get3A_615, %get3A_616] {strides = array<i32>} : memref<128x128xf32, #tpu.memory_space<vmem>>, vector<1x16xf32>,
          %get3A_618 = vector.shape_cast %get3A_617 : vector<1x16xf32> to vector<16xf32>
          %mul3A_619 = vector.broadcast %squeeze3A_567 : f32 to vector<16xf32>
          %mul3A_620 = arith.mulf %get3A_618, %mul3A_619 : vector<16xf32>
          %add3A_621 = arith.constant 4 : i32
          %add3A_622 = arith.addi %mul3A_77, %add3A_621 : i32
          %swap3A_623 = arith.index_cast %add3A_622 : i32 to index
          %swap3A_624 = arith.constant 48 : index
          %swap3A_625 = tpu.vector_load %arg11[%swap3A_623, %swap3A_624] {strides = array<i32>} : memref<128x128xf32, #tpu.memory_space<vmem>>, vector<1x16xf32>,
          %swap3A_626 = vector.shape_cast %swap3A_625 : vector<1x16xf32> to vector<16xf32>
          %swap3A_627 = vector.shape_cast %mul3A_620 : vector<16xf32> to vector<1x16xf32>
          tpu.vector_store %arg11[%swap3A_623, %swap3A_624], %swap3A_627 {strides = array<i32>} : memref<128x128xf32, #tpu.memory_space<vmem>>, vector<1x16xf32>,
          %add3A_628 = arith.constant 4 : i32
          %add3A_629 = arith.addi %mul3A_77, %add3A_628 : i32
          %get3A_630 = arith.index_cast %add3A_629 : i32 to index
          %get3A_631 = arith.constant 64 : index
          %get3A_632 = tpu.vector_load %arg11[%get3A_630, %get3A_631] {strides = array<i32>} : memref<128x128xf32, #tpu.memory_space<vmem>>, vector<1x16xf32>,
          %get3A_633 = vector.shape_cast %get3A_632 : vector<1x16xf32> to vector<16xf32>
          %mul3A_634 = vector.broadcast %squeeze3A_567 : f32 to vector<16xf32>
          %mul3A_635 = arith.mulf %get3A_633, %mul3A_634 : vector<16xf32>
          %add3A_636 = arith.constant 4 : i32
          %add3A_637 = arith.addi %mul3A_77, %add3A_636 : i32
          %swap3A_638 = arith.index_cast %add3A_637 : i32 to index
          %swap3A_639 = arith.constant 64 : index
          %swap3A_640 = tpu.vector_load %arg11[%swap3A_638, %swap3A_639] {strides = array<i32>} : memref<128x128xf32, #tpu.memory_space<vmem>>, vector<1x16xf32>,
          %swap3A_641 = vector.shape_cast %swap3A_640 : vector<1x16xf32> to vector<16xf32>
          %swap3A_642 = vector.shape_cast %mul3A_635 : vector<16xf32> to vector<1x16xf32>
          tpu.vector_store %arg11[%swap3A_638, %swap3A_639], %swap3A_642 {strides = array<i32>} : memref<128x128xf32, #tpu.memory_space<vmem>>, vector<1x16xf32>,
          %add3A_643 = arith.constant 4 : i32
          %add3A_644 = arith.addi %mul3A_77, %add3A_643 : i32
          %get3A_645 = arith.index_cast %add3A_644 : i32 to index
          %get3A_646 = arith.constant 80 : index
          %get3A_647 = tpu.vector_load %arg11[%get3A_645, %get3A_646] {strides = array<i32>} : memref<128x128xf32, #tpu.memory_space<vmem>>, vector<1x16xf32>,
          %get3A_648 = vector.shape_cast %get3A_647 : vector<1x16xf32> to vector<16xf32>
          %mul3A_649 = vector.broadcast %squeeze3A_567 : f32 to vector<16xf32>
          %mul3A_650 = arith.mulf %get3A_648, %mul3A_649 : vector<16xf32>
          %add3A_651 = arith.constant 4 : i32
          %add3A_652 = arith.addi %mul3A_77, %add3A_651 : i32
          %swap3A_653 = arith.index_cast %add3A_652 : i32 to index
          %swap3A_654 = arith.constant 80 : index
          %swap3A_655 = tpu.vector_load %arg11[%swap3A_653, %swap3A_654] {strides = array<i32>} : memref<128x128xf32, #tpu.memory_space<vmem>>, vector<1x16xf32>,
          %swap3A_656 = vector.shape_cast %swap3A_655 : vector<1x16xf32> to vector<16xf32>
          %swap3A_657 = vector.shape_cast %mul3A_650 : vector<16xf32> to vector<1x16xf32>
          tpu.vector_store %arg11[%swap3A_653, %swap3A_654], %swap3A_657 {strides = array<i32>} : memref<128x128xf32, #tpu.memory_space<vmem>>, vector<1x16xf32>,
          %add3A_658 = arith.constant 4 : i32
          %add3A_659 = arith.addi %mul3A_77, %add3A_658 : i32
          %get3A_660 = arith.index_cast %add3A_659 : i32 to index
          %get3A_661 = arith.constant 96 : index
          %get3A_662 = tpu.vector_load %arg11[%get3A_660, %get3A_661] {strides = array<i32>} : memref<128x128xf32, #tpu.memory_space<vmem>>, vector<1x16xf32>,
          %get3A_663 = vector.shape_cast %get3A_662 : vector<1x16xf32> to vector<16xf32>
          %mul3A_664 = vector.broadcast %squeeze3A_567 : f32 to vector<16xf32>
          %mul3A_665 = arith.mulf %get3A_663, %mul3A_664 : vector<16xf32>
          %add3A_666 = arith.constant 4 : i32
          %add3A_667 = arith.addi %mul3A_77, %add3A_666 : i32
          %swap3A_668 = arith.index_cast %add3A_667 : i32 to index
          %swap3A_669 = arith.constant 96 : index
          %swap3A_670 = tpu.vector_load %arg11[%swap3A_668, %swap3A_669] {strides = array<i32>} : memref<128x128xf32, #tpu.memory_space<vmem>>, vector<1x16xf32>,
          %swap3A_671 = vector.shape_cast %swap3A_670 : vector<1x16xf32> to vector<16xf32>
          %swap3A_672 = vector.shape_cast %mul3A_665 : vector<16xf32> to vector<1x16xf32>
          tpu.vector_store %arg11[%swap3A_668, %swap3A_669], %swap3A_672 {strides = array<i32>} : memref<128x128xf32, #tpu.memory_space<vmem>>, vector<1x16xf32>,
          %add3A_673 = arith.constant 4 : i32
          %add3A_674 = arith.addi %mul3A_77, %add3A_673 : i32
          %get3A_675 = arith.index_cast %add3A_674 : i32 to index
          %get3A_676 = arith.constant 112 : index
          %get3A_677 = tpu.vector_load %arg11[%get3A_675, %get3A_676] {strides = array<i32>} : memref<128x128xf32, #tpu.memory_space<vmem>>, vector<1x16xf32>,
          %get3A_678 = vector.shape_cast %get3A_677 : vector<1x16xf32> to vector<16xf32>
          %mul3A_679 = vector.broadcast %squeeze3A_567 : f32 to vector<16xf32>
          %mul3A_680 = arith.mulf %get3A_678, %mul3A_679 : vector<16xf32>
          %add3A_681 = arith.constant 4 : i32
          %add3A_682 = arith.addi %mul3A_77, %add3A_681 : i32
          %swap3A_683 = arith.index_cast %add3A_682 : i32 to index
          %swap3A_684 = arith.constant 112 : index
          %swap3A_685 = tpu.vector_load %arg11[%swap3A_683, %swap3A_684] {strides = array<i32>} : memref<128x128xf32, #tpu.memory_space<vmem>>, vector<1x16xf32>,
          %swap3A_686 = vector.shape_cast %swap3A_685 : vector<1x16xf32> to vector<16xf32>
          %swap3A_687 = vector.shape_cast %mul3A_680 : vector<16xf32> to vector<1x16xf32>
          tpu.vector_store %arg11[%swap3A_683, %swap3A_684], %swap3A_687 {strides = array<i32>} : memref<128x128xf32, #tpu.memory_space<vmem>>, vector<1x16xf32>,
          %slice3A_688 = vector.extract_strided_slice %get3A_80 {offsets = [5], sizes = [1], strides = [1]} : vector<16xf32> to vector<1xf32>
          %squeeze3A_689 = vector.extract %slice3A_688[0] : f32 from vector<1xf32>
          %add3A_690 = arith.constant 5 : i32
          %add3A_691 = arith.addi %mul3A_77, %add3A_690 : i32
          %get3A_692 = arith.index_cast %add3A_691 : i32 to index
          %get3A_693 = arith.constant 0 : index
          %get3A_694 = tpu.vector_load %arg11[%get3A_692, %get3A_693] {strides = array<i32>} : memref<128x128xf32, #tpu.memory_space<vmem>>, vector<1x16xf32>,
          %get3A_695 = vector.shape_cast %get3A_694 : vector<1x16xf32> to vector<16xf32>
          %mul3A_696 = vector.broadcast %squeeze3A_689 : f32 to vector<16xf32>
          %mul3A_697 = arith.mulf %get3A_695, %mul3A_696 : vector<16xf32>
          %add3A_698 = arith.constant 5 : i32
          %add3A_699 = arith.addi %mul3A_77, %add3A_698 : i32
          %swap3A_700 = arith.index_cast %add3A_699 : i32 to index
          %swap3A_701 = arith.constant 0 : index
          %swap3A_702 = tpu.vector_load %arg11[%swap3A_700, %swap3A_701] {strides = array<i32>} : memref<128x128xf32, #tpu.memory_space<vmem>>, vector<1x16xf32>,
          %swap3A_703 = vector.shape_cast %swap3A_702 : vector<1x16xf32> to vector<16xf32>
          %swap3A_704 = vector.shape_cast %mul3A_697 : vector<16xf32> to vector<1x16xf32>
          tpu.vector_store %arg11[%swap3A_700, %swap3A_701], %swap3A_704 {strides = array<i32>} : memref<128x128xf32, #tpu.memory_space<vmem>>, vector<1x16xf32>,
          %add3A_705 = arith.constant 5 : i32
          %add3A_706 = arith.addi %mul3A_77, %add3A_705 : i32
          %get3A_707 = arith.index_cast %add3A_706 : i32 to index
          %get3A_708 = arith.constant 16 : index
          %get3A_709 = tpu.vector_load %arg11[%get3A_707, %get3A_708] {strides = array<i32>} : memref<128x128xf32, #tpu.memory_space<vmem>>, vector<1x16xf32>,
          %get3A_710 = vector.shape_cast %get3A_709 : vector<1x16xf32> to vector<16xf32>
          %mul3A_711 = vector.broadcast %squeeze3A_689 : f32 to vector<16xf32>
          %mul3A_712 = arith.mulf %get3A_710, %mul3A_711 : vector<16xf32>
          %add3A_713 = arith.constant 5 : i32
          %add3A_714 = arith.addi %mul3A_77, %add3A_713 : i32
          %swap3A_715 = arith.index_cast %add3A_714 : i32 to index
          %swap3A_716 = arith.constant 16 : index
          %swap3A_717 = tpu.vector_load %arg11[%swap3A_715, %swap3A_716] {strides = array<i32>} : memref<128x128xf32, #tpu.memory_space<vmem>>, vector<1x16xf32>,
          %swap3A_718 = vector.shape_cast %swap3A_717 : vector<1x16xf32> to vector<16xf32>
          %swap3A_719 = vector.shape_cast %mul3A_712 : vector<16xf32> to vector<1x16xf32>
          tpu.vector_store %arg11[%swap3A_715, %swap3A_716], %swap3A_719 {strides = array<i32>} : memref<128x128xf32, #tpu.memory_space<vmem>>, vector<1x16xf32>,
          %add3A_720 = arith.constant 5 : i32
          %add3A_721 = arith.addi %mul3A_77, %add3A_720 : i32
          %get3A_722 = arith.index_cast %add3A_721 : i32 to index
          %get3A_723 = arith.constant 32 : index
          %get3A_724 = tpu.vector_load %arg11[%get3A_722, %get3A_723] {strides = array<i32>} : memref<128x128xf32, #tpu.memory_space<vmem>>, vector<1x16xf32>,
          %get3A_725 = vector.shape_cast %get3A_724 : vector<1x16xf32> to vector<16xf32>
          %mul3A_726 = vector.broadcast %squeeze3A_689 : f32 to vector<16xf32>
          %mul3A_727 = arith.mulf %get3A_725, %mul3A_726 : vector<16xf32>
          %add3A_728 = arith.constant 5 : i32
          %add3A_729 = arith.addi %mul3A_77, %add3A_728 : i32
          %swap3A_730 = arith.index_cast %add3A_729 : i32 to index
          %swap3A_731 = arith.constant 32 : index
          %swap3A_732 = tpu.vector_load %arg11[%swap3A_730, %swap3A_731] {strides = array<i32>} : memref<128x128xf32, #tpu.memory_space<vmem>>, vector<1x16xf32>,
          %swap3A_733 = vector.shape_cast %swap3A_732 : vector<1x16xf32> to vector<16xf32>
          %swap3A_734 = vector.shape_cast %mul3A_727 : vector<16xf32> to vector<1x16xf32>
          tpu.vector_store %arg11[%swap3A_730, %swap3A_731], %swap3A_734 {strides = array<i32>} : memref<128x128xf32, #tpu.memory_space<vmem>>, vector<1x16xf32>,
          %add3A_735 = arith.constant 5 : i32
          %add3A_736 = arith.addi %mul3A_77, %add3A_735 : i32
          %get3A_737 = arith.index_cast %add3A_736 : i32 to index
          %get3A_738 = arith.constant 48 : index
          %get3A_739 = tpu.vector_load %arg11[%get3A_737, %get3A_738] {strides = array<i32>} : memref<128x128xf32, #tpu.memory_space<vmem>>, vector<1x16xf32>,
          %get3A_740 = vector.shape_cast %get3A_739 : vector<1x16xf32> to vector<16xf32>
          %mul3A_741 = vector.broadcast %squeeze3A_689 : f32 to vector<16xf32>
          %mul3A_742 = arith.mulf %get3A_740, %mul3A_741 : vector<16xf32>
          %add3A_743 = arith.constant 5 : i32
          %add3A_744 = arith.addi %mul3A_77, %add3A_743 : i32
          %swap3A_745 = arith.index_cast %add3A_744 : i32 to index
          %swap3A_746 = arith.constant 48 : index
          %swap3A_747 = tpu.vector_load %arg11[%swap3A_745, %swap3A_746] {strides = array<i32>} : memref<128x128xf32, #tpu.memory_space<vmem>>, vector<1x16xf32>,
          %swap3A_748 = vector.shape_cast %swap3A_747 : vector<1x16xf32> to vector<16xf32>
          %swap3A_749 = vector.shape_cast %mul3A_742 : vector<16xf32> to vector<1x16xf32>
          tpu.vector_store %arg11[%swap3A_745, %swap3A_746], %swap3A_749 {strides = array<i32>} : memref<128x128xf32, #tpu.memory_space<vmem>>, vector<1x16xf32>,
          %add3A_750 = arith.constant 5 : i32
          %add3A_751 = arith.addi %mul3A_77, %add3A_750 : i32
          %get3A_752 = arith.index_cast %add3A_751 : i32 to index
          %get3A_753 = arith.constant 64 : index
          %get3A_754 = tpu.vector_load %arg11[%get3A_752, %get3A_753] {strides = array<i32>} : memref<128x128xf32, #tpu.memory_space<vmem>>, vector<1x16xf32>,
          %get3A_755 = vector.shape_cast %get3A_754 : vector<1x16xf32> to vector<16xf32>
          %mul3A_756 = vector.broadcast %squeeze3A_689 : f32 to vector<16xf32>
          %mul3A_757 = arith.mulf %get3A_755, %mul3A_756 : vector<16xf32>
          %add3A_758 = arith.constant 5 : i32
          %add3A_759 = arith.addi %mul3A_77, %add3A_758 : i32
          %swap3A_760 = arith.index_cast %add3A_759 : i32 to index
          %swap3A_761 = arith.constant 64 : index
          %swap3A_762 = tpu.vector_load %arg11[%swap3A_760, %swap3A_761] {strides = array<i32>} : memref<128x128xf32, #tpu.memory_space<vmem>>, vector<1x16xf32>,
          %swap3A_763 = vector.shape_cast %swap3A_762 : vector<1x16xf32> to vector<16xf32>
          %swap3A_764 = vector.shape_cast %mul3A_757 : vector<16xf32> to vector<1x16xf32>
          tpu.vector_store %arg11[%swap3A_760, %swap3A_761], %swap3A_764 {strides = array<i32>} : memref<128x128xf32, #tpu.memory_space<vmem>>, vector<1x16xf32>,
          %add3A_765 = arith.constant 5 : i32
          %add3A_766 = arith.addi %mul3A_77, %add3A_765 : i32
          %get3A_767 = arith.index_cast %add3A_766 : i32 to index
          %get3A_768 = arith.constant 80 : index
          %get3A_769 = tpu.vector_load %arg11[%get3A_767, %get3A_768] {strides = array<i32>} : memref<128x128xf32, #tpu.memory_space<vmem>>, vector<1x16xf32>,
          %get3A_770 = vector.shape_cast %get3A_769 : vector<1x16xf32> to vector<16xf32>
          %mul3A_771 = vector.broadcast %squeeze3A_689 : f32 to vector<16xf32>
          %mul3A_772 = arith.mulf %get3A_770, %mul3A_771 : vector<16xf32>
          %add3A_773 = arith.constant 5 : i32
          %add3A_774 = arith.addi %mul3A_77, %add3A_773 : i32
          %swap3A_775 = arith.index_cast %add3A_774 : i32 to index
          %swap3A_776 = arith.constant 80 : index
          %swap3A_777 = tpu.vector_load %arg11[%swap3A_775, %swap3A_776] {strides = array<i32>} : memref<128x128xf32, #tpu.memory_space<vmem>>, vector<1x16xf32>,
          %swap3A_778 = vector.shape_cast %swap3A_777 : vector<1x16xf32> to vector<16xf32>
          %swap3A_779 = vector.shape_cast %mul3A_772 : vector<16xf32> to vector<1x16xf32>
          tpu.vector_store %arg11[%swap3A_775, %swap3A_776], %swap3A_779 {strides = array<i32>} : memref<128x128xf32, #tpu.memory_space<vmem>>, vector<1x16xf32>,
          %add3A_780 = arith.constant 5 : i32
          %add3A_781 = arith.addi %mul3A_77, %add3A_780 : i32
          %get3A_782 = arith.index_cast %add3A_781 : i32 to index
          %get3A_783 = arith.constant 96 : index
          %get3A_784 = tpu.vector_load %arg11[%get3A_782, %get3A_783] {strides = array<i32>} : memref<128x128xf32, #tpu.memory_space<vmem>>, vector<1x16xf32>,
          %get3A_785 = vector.shape_cast %get3A_784 : vector<1x16xf32> to vector<16xf32>
          %mul3A_786 = vector.broadcast %squeeze3A_689 : f32 to vector<16xf32>
          %mul3A_787 = arith.mulf %get3A_785, %mul3A_786 : vector<16xf32>
          %add3A_788 = arith.constant 5 : i32
          %add3A_789 = arith.addi %mul3A_77, %add3A_788 : i32
          %swap3A_790 = arith.index_cast %add3A_789 : i32 to index
          %swap3A_791 = arith.constant 96 : index
          %swap3A_792 = tpu.vector_load %arg11[%swap3A_790, %swap3A_791] {strides = array<i32>} : memref<128x128xf32, #tpu.memory_space<vmem>>, vector<1x16xf32>,
          %swap3A_793 = vector.shape_cast %swap3A_792 : vector<1x16xf32> to vector<16xf32>
          %swap3A_794 = vector.shape_cast %mul3A_787 : vector<16xf32> to vector<1x16xf32>
          tpu.vector_store %arg11[%swap3A_790, %swap3A_791], %swap3A_794 {strides = array<i32>} : memref<128x128xf32, #tpu.memory_space<vmem>>, vector<1x16xf32>,
          %add3A_795 = arith.constant 5 : i32
          %add3A_796 = arith.addi %mul3A_77, %add3A_795 : i32
          %get3A_797 = arith.index_cast %add3A_796 : i32 to index
          %get3A_798 = arith.constant 112 : index
          %get3A_799 = tpu.vector_load %arg11[%get3A_797, %get3A_798] {strides = array<i32>} : memref<128x128xf32, #tpu.memory_space<vmem>>, vector<1x16xf32>,
          %get3A_800 = vector.shape_cast %get3A_799 : vector<1x16xf32> to vector<16xf32>
          %mul3A_801 = vector.broadcast %squeeze3A_689 : f32 to vector<16xf32>
          %mul3A_802 = arith.mulf %get3A_800, %mul3A_801 : vector<16xf32>
          %add3A_803 = arith.constant 5 : i32
          %add3A_804 = arith.addi %mul3A_77, %add3A_803 : i32
          %swap3A_805 = arith.index_cast %add3A_804 : i32 to index
          %swap3A_806 = arith.constant 112 : index
          %swap3A_807 = tpu.vector_load %arg11[%swap3A_805, %swap3A_806] {strides = array<i32>} : memref<128x128xf32, #tpu.memory_space<vmem>>, vector<1x16xf32>,
          %swap3A_808 = vector.shape_cast %swap3A_807 : vector<1x16xf32> to vector<16xf32>
          %swap3A_809 = vector.shape_cast %mul3A_802 : vector<16xf32> to vector<1x16xf32>
          tpu.vector_store %arg11[%swap3A_805, %swap3A_806], %swap3A_809 {strides = array<i32>} : memref<128x128xf32, #tpu.memory_space<vmem>>, vector<1x16xf32>,
          %slice3A_810 = vector.extract_strided_slice %get3A_80 {offsets = [6], sizes = [1], strides = [1]} : vector<16xf32> to vector<1xf32>
          %squeeze3A_811 = vector.extract %slice3A_810[0] : f32 from vector<1xf32>
          %add3A_812 = arith.constant 6 : i32
          %add3A_813 = arith.addi %mul3A_77, %add3A_812 : i32
          %get3A_814 = arith.index_cast %add3A_813 : i32 to index
          %get3A_815 = arith.constant 0 : index
          %get3A_816 = tpu.vector_load %arg11[%get3A_814, %get3A_815] {strides = array<i32>} : memref<128x128xf32, #tpu.memory_space<vmem>>, vector<1x16xf32>,
          %get3A_817 = vector.shape_cast %get3A_816 : vector<1x16xf32> to vector<16xf32>
          %mul3A_818 = vector.broadcast %squeeze3A_811 : f32 to vector<16xf32>
          %mul3A_819 = arith.mulf %get3A_817, %mul3A_818 : vector<16xf32>
          %add3A_820 = arith.constant 6 : i32
          %add3A_821 = arith.addi %mul3A_77, %add3A_820 : i32
          %swap3A_822 = arith.index_cast %add3A_821 : i32 to index
          %swap3A_823 = arith.constant 0 : index
          %swap3A_824 = tpu.vector_load %arg11[%swap3A_822, %swap3A_823] {strides = array<i32>} : memref<128x128xf32, #tpu.memory_space<vmem>>, vector<1x16xf32>,
          %swap3A_825 = vector.shape_cast %swap3A_824 : vector<1x16xf32> to vector<16xf32>
          %swap3A_826 = vector.shape_cast %mul3A_819 : vector<16xf32> to vector<1x16xf32>
          tpu.vector_store %arg11[%swap3A_822, %swap3A_823], %swap3A_826 {strides = array<i32>} : memref<128x128xf32, #tpu.memory_space<vmem>>, vector<1x16xf32>,
          %add3A_827 = arith.constant 6 : i32
          %add3A_828 = arith.addi %mul3A_77, %add3A_827 : i32
          %get3A_829 = arith.index_cast %add3A_828 : i32 to index
          %get3A_830 = arith.constant 16 : index
          %get3A_831 = tpu.vector_load %arg11[%get3A_829, %get3A_830] {strides = array<i32>} : memref<128x128xf32, #tpu.memory_space<vmem>>, vector<1x16xf32>,
          %get3A_832 = vector.shape_cast %get3A_831 : vector<1x16xf32> to vector<16xf32>
          %mul3A_833 = vector.broadcast %squeeze3A_811 : f32 to vector<16xf32>
          %mul3A_834 = arith.mulf %get3A_832, %mul3A_833 : vector<16xf32>
          %add3A_835 = arith.constant 6 : i32
          %add3A_836 = arith.addi %mul3A_77, %add3A_835 : i32
          %swap3A_837 = arith.index_cast %add3A_836 : i32 to index
          %swap3A_838 = arith.constant 16 : index
          %swap3A_839 = tpu.vector_load %arg11[%swap3A_837, %swap3A_838] {strides = array<i32>} : memref<128x128xf32, #tpu.memory_space<vmem>>, vector<1x16xf32>,
          %swap3A_840 = vector.shape_cast %swap3A_839 : vector<1x16xf32> to vector<16xf32>
          %swap3A_841 = vector.shape_cast %mul3A_834 : vector<16xf32> to vector<1x16xf32>
          tpu.vector_store %arg11[%swap3A_837, %swap3A_838], %swap3A_841 {strides = array<i32>} : memref<128x128xf32, #tpu.memory_space<vmem>>, vector<1x16xf32>,
          %add3A_842 = arith.constant 6 : i32
          %add3A_843 = arith.addi %mul3A_77, %add3A_842 : i32
          %get3A_844 = arith.index_cast %add3A_843 : i32 to index
          %get3A_845 = arith.constant 32 : index
          %get3A_846 = tpu.vector_load %arg11[%get3A_844, %get3A_845] {strides = array<i32>} : memref<128x128xf32, #tpu.memory_space<vmem>>, vector<1x16xf32>,
          %get3A_847 = vector.shape_cast %get3A_846 : vector<1x16xf32> to vector<16xf32>
          %mul3A_848 = vector.broadcast %squeeze3A_811 : f32 to vector<16xf32>
          %mul3A_849 = arith.mulf %get3A_847, %mul3A_848 : vector<16xf32>
          %add3A_850 = arith.constant 6 : i32
          %add3A_851 = arith.addi %mul3A_77, %add3A_850 : i32
          %swap3A_852 = arith.index_cast %add3A_851 : i32 to index
          %swap3A_853 = arith.constant 32 : index
          %swap3A_854 = tpu.vector_load %arg11[%swap3A_852, %swap3A_853] {strides = array<i32>} : memref<128x128xf32, #tpu.memory_space<vmem>>, vector<1x16xf32>,
          %swap3A_855 = vector.shape_cast %swap3A_854 : vector<1x16xf32> to vector<16xf32>
          %swap3A_856 = vector.shape_cast %mul3A_849 : vector<16xf32> to vector<1x16xf32>
          tpu.vector_store %arg11[%swap3A_852, %swap3A_853], %swap3A_856 {strides = array<i32>} : memref<128x128xf32, #tpu.memory_space<vmem>>, vector<1x16xf32>,
          %add3A_857 = arith.constant 6 : i32
          %add3A_858 = arith.addi %mul3A_77, %add3A_857 : i32
          %get3A_859 = arith.index_cast %add3A_858 : i32 to index
          %get3A_860 = arith.constant 48 : index
          %get3A_861 = tpu.vector_load %arg11[%get3A_859, %get3A_860] {strides = array<i32>} : memref<128x128xf32, #tpu.memory_space<vmem>>, vector<1x16xf32>,
          %get3A_862 = vector.shape_cast %get3A_861 : vector<1x16xf32> to vector<16xf32>
          %mul3A_863 = vector.broadcast %squeeze3A_811 : f32 to vector<16xf32>
          %mul3A_864 = arith.mulf %get3A_862, %mul3A_863 : vector<16xf32>
          %add3A_865 = arith.constant 6 : i32
          %add3A_866 = arith.addi %mul3A_77, %add3A_865 : i32
          %swap3A_867 = arith.index_cast %add3A_866 : i32 to index
          %swap3A_868 = arith.constant 48 : index
          %swap3A_869 = tpu.vector_load %arg11[%swap3A_867, %swap3A_868] {strides = array<i32>} : memref<128x128xf32, #tpu.memory_space<vmem>>, vector<1x16xf32>,
          %swap3A_870 = vector.shape_cast %swap3A_869 : vector<1x16xf32> to vector<16xf32>
          %swap3A_871 = vector.shape_cast %mul3A_864 : vector<16xf32> to vector<1x16xf32>
          tpu.vector_store %arg11[%swap3A_867, %swap3A_868], %swap3A_871 {strides = array<i32>} : memref<128x128xf32, #tpu.memory_space<vmem>>, vector<1x16xf32>,
          %add3A_872 = arith.constant 6 : i32
          %add3A_873 = arith.addi %mul3A_77, %add3A_872 : i32
          %get3A_874 = arith.index_cast %add3A_873 : i32 to index
          %get3A_875 = arith.constant 64 : index
          %get3A_876 = tpu.vector_load %arg11[%get3A_874, %get3A_875] {strides = array<i32>} : memref<128x128xf32, #tpu.memory_space<vmem>>, vector<1x16xf32>,
          %get3A_877 = vector.shape_cast %get3A_876 : vector<1x16xf32> to vector<16xf32>
          %mul3A_878 = vector.broadcast %squeeze3A_811 : f32 to vector<16xf32>
          %mul3A_879 = arith.mulf %get3A_877, %mul3A_878 : vector<16xf32>
          %add3A_880 = arith.constant 6 : i32
          %add3A_881 = arith.addi %mul3A_77, %add3A_880 : i32
          %swap3A_882 = arith.index_cast %add3A_881 : i32 to index
          %swap3A_883 = arith.constant 64 : index
          %swap3A_884 = tpu.vector_load %arg11[%swap3A_882, %swap3A_883] {strides = array<i32>} : memref<128x128xf32, #tpu.memory_space<vmem>>, vector<1x16xf32>,
          %swap3A_885 = vector.shape_cast %swap3A_884 : vector<1x16xf32> to vector<16xf32>
          %swap3A_886 = vector.shape_cast %mul3A_879 : vector<16xf32> to vector<1x16xf32>
          tpu.vector_store %arg11[%swap3A_882, %swap3A_883], %swap3A_886 {strides = array<i32>} : memref<128x128xf32, #tpu.memory_space<vmem>>, vector<1x16xf32>,
          %add3A_887 = arith.constant 6 : i32
          %add3A_888 = arith.addi %mul3A_77, %add3A_887 : i32
          %get3A_889 = arith.index_cast %add3A_888 : i32 to index
          %get3A_890 = arith.constant 80 : index
          %get3A_891 = tpu.vector_load %arg11[%get3A_889, %get3A_890] {strides = array<i32>} : memref<128x128xf32, #tpu.memory_space<vmem>>, vector<1x16xf32>,
          %get3A_892 = vector.shape_cast %get3A_891 : vector<1x16xf32> to vector<16xf32>
          %mul3A_893 = vector.broadcast %squeeze3A_811 : f32 to vector<16xf32>
          %mul3A_894 = arith.mulf %get3A_892, %mul3A_893 : vector<16xf32>
          %add3A_895 = arith.constant 6 : i32
          %add3A_896 = arith.addi %mul3A_77, %add3A_895 : i32
          %swap3A_897 = arith.index_cast %add3A_896 : i32 to index
          %swap3A_898 = arith.constant 80 : index
          %swap3A_899 = tpu.vector_load %arg11[%swap3A_897, %swap3A_898] {strides = array<i32>} : memref<128x128xf32, #tpu.memory_space<vmem>>, vector<1x16xf32>,
          %swap3A_900 = vector.shape_cast %swap3A_899 : vector<1x16xf32> to vector<16xf32>
          %swap3A_901 = vector.shape_cast %mul3A_894 : vector<16xf32> to vector<1x16xf32>
          tpu.vector_store %arg11[%swap3A_897, %swap3A_898], %swap3A_901 {strides = array<i32>} : memref<128x128xf32, #tpu.memory_space<vmem>>, vector<1x16xf32>,
          %add3A_902 = arith.constant 6 : i32
          %add3A_903 = arith.addi %mul3A_77, %add3A_902 : i32
          %get3A_904 = arith.index_cast %add3A_903 : i32 to index
          %get3A_905 = arith.constant 96 : index
          %get3A_906 = tpu.vector_load %arg11[%get3A_904, %get3A_905] {strides = array<i32>} : memref<128x128xf32, #tpu.memory_space<vmem>>, vector<1x16xf32>,
          %get3A_907 = vector.shape_cast %get3A_906 : vector<1x16xf32> to vector<16xf32>
          %mul3A_908 = vector.broadcast %squeeze3A_811 : f32 to vector<16xf32>
          %mul3A_909 = arith.mulf %get3A_907, %mul3A_908 : vector<16xf32>
          %add3A_910 = arith.constant 6 : i32
          %add3A_911 = arith.addi %mul3A_77, %add3A_910 : i32
          %swap3A_912 = arith.index_cast %add3A_911 : i32 to index
          %swap3A_913 = arith.constant 96 : index
          %swap3A_914 = tpu.vector_load %arg11[%swap3A_912, %swap3A_913] {strides = array<i32>} : memref<128x128xf32, #tpu.memory_space<vmem>>, vector<1x16xf32>,
          %swap3A_915 = vector.shape_cast %swap3A_914 : vector<1x16xf32> to vector<16xf32>
          %swap3A_916 = vector.shape_cast %mul3A_909 : vector<16xf32> to vector<1x16xf32>
          tpu.vector_store %arg11[%swap3A_912, %swap3A_913], %swap3A_916 {strides = array<i32>} : memref<128x128xf32, #tpu.memory_space<vmem>>, vector<1x16xf32>,
          %add3A_917 = arith.constant 6 : i32
          %add3A_918 = arith.addi %mul3A_77, %add3A_917 : i32
          %get3A_919 = arith.index_cast %add3A_918 : i32 to index
          %get3A_920 = arith.constant 112 : index
          %get3A_921 = tpu.vector_load %arg11[%get3A_919, %get3A_920] {strides = array<i32>} : memref<128x128xf32, #tpu.memory_space<vmem>>, vector<1x16xf32>,
          %get3A_922 = vector.shape_cast %get3A_921 : vector<1x16xf32> to vector<16xf32>
          %mul3A_923 = vector.broadcast %squeeze3A_811 : f32 to vector<16xf32>
          %mul3A_924 = arith.mulf %get3A_922, %mul3A_923 : vector<16xf32>
          %add3A_925 = arith.constant 6 : i32
          %add3A_926 = arith.addi %mul3A_77, %add3A_925 : i32
          %swap3A_927 = arith.index_cast %add3A_926 : i32 to index
          %swap3A_928 = arith.constant 112 : index
          %swap3A_929 = tpu.vector_load %arg11[%swap3A_927, %swap3A_928] {strides = array<i32>} : memref<128x128xf32, #tpu.memory_space<vmem>>, vector<1x16xf32>,
          %swap3A_930 = vector.shape_cast %swap3A_929 : vector<1x16xf32> to vector<16xf32>
          %swap3A_931 = vector.shape_cast %mul3A_924 : vector<16xf32> to vector<1x16xf32>
          tpu.vector_store %arg11[%swap3A_927, %swap3A_928], %swap3A_931 {strides = array<i32>} : memref<128x128xf32, #tpu.memory_space<vmem>>, vector<1x16xf32>,
          %slice3A_932 = vector.extract_strided_slice %get3A_80 {offsets = [7], sizes = [1], strides = [1]} : vector<16xf32> to vector<1xf32>
          %squeeze3A_933 = vector.extract %slice3A_932[0] : f32 from vector<1xf32>
          %add3A_934 = arith.constant 7 : i32
          %add3A_935 = arith.addi %mul3A_77, %add3A_934 : i32
          %get3A_936 = arith.index_cast %add3A_935 : i32 to index
          %get3A_937 = arith.constant 0 : index
          %get3A_938 = tpu.vector_load %arg11[%get3A_936, %get3A_937] {strides = array<i32>} : memref<128x128xf32, #tpu.memory_space<vmem>>, vector<1x16xf32>,
          %get3A_939 = vector.shape_cast %get3A_938 : vector<1x16xf32> to vector<16xf32>
          %mul3A_940 = vector.broadcast %squeeze3A_933 : f32 to vector<16xf32>
          %mul3A_941 = arith.mulf %get3A_939, %mul3A_940 : vector<16xf32>
          %add3A_942 = arith.constant 7 : i32
          %add3A_943 = arith.addi %mul3A_77, %add3A_942 : i32
          %swap3A_944 = arith.index_cast %add3A_943 : i32 to index
          %swap3A_945 = arith.constant 0 : index
          %swap3A_946 = tpu.vector_load %arg11[%swap3A_944, %swap3A_945] {strides = array<i32>} : memref<128x128xf32, #tpu.memory_space<vmem>>, vector<1x16xf32>,
          %swap3A_947 = vector.shape_cast %swap3A_946 : vector<1x16xf32> to vector<16xf32>
          %swap3A_948 = vector.shape_cast %mul3A_941 : vector<16xf32> to vector<1x16xf32>
          tpu.vector_store %arg11[%swap3A_944, %swap3A_945], %swap3A_948 {strides = array<i32>} : memref<128x128xf32, #tpu.memory_space<vmem>>, vector<1x16xf32>,
          %add3A_949 = arith.constant 7 : i32
          %add3A_950 = arith.addi %mul3A_77, %add3A_949 : i32
          %get3A_951 = arith.index_cast %add3A_950 : i32 to index
          %get3A_952 = arith.constant 16 : index
          %get3A_953 = tpu.vector_load %arg11[%get3A_951, %get3A_952] {strides = array<i32>} : memref<128x128xf32, #tpu.memory_space<vmem>>, vector<1x16xf32>,
          %get3A_954 = vector.shape_cast %get3A_953 : vector<1x16xf32> to vector<16xf32>
          %mul3A_955 = vector.broadcast %squeeze3A_933 : f32 to vector<16xf32>
          %mul3A_956 = arith.mulf %get3A_954, %mul3A_955 : vector<16xf32>
          %add3A_957 = arith.constant 7 : i32
          %add3A_958 = arith.addi %mul3A_77, %add3A_957 : i32
          %swap3A_959 = arith.index_cast %add3A_958 : i32 to index
          %swap3A_960 = arith.constant 16 : index
          %swap3A_961 = tpu.vector_load %arg11[%swap3A_959, %swap3A_960] {strides = array<i32>} : memref<128x128xf32, #tpu.memory_space<vmem>>, vector<1x16xf32>,
          %swap3A_962 = vector.shape_cast %swap3A_961 : vector<1x16xf32> to vector<16xf32>
          %swap3A_963 = vector.shape_cast %mul3A_956 : vector<16xf32> to vector<1x16xf32>
          tpu.vector_store %arg11[%swap3A_959, %swap3A_960], %swap3A_963 {strides = array<i32>} : memref<128x128xf32, #tpu.memory_space<vmem>>, vector<1x16xf32>,
          %add3A_964 = arith.constant 7 : i32
          %add3A_965 = arith.addi %mul3A_77, %add3A_964 : i32
          %get3A_966 = arith.index_cast %add3A_965 : i32 to index
          %get3A_967 = arith.constant 32 : index
          %get3A_968 = tpu.vector_load %arg11[%get3A_966, %get3A_967] {strides = array<i32>} : memref<128x128xf32, #tpu.memory_space<vmem>>, vector<1x16xf32>,
          %get3A_969 = vector.shape_cast %get3A_968 : vector<1x16xf32> to vector<16xf32>
          %mul3A_970 = vector.broadcast %squeeze3A_933 : f32 to vector<16xf32>
          %mul3A_971 = arith.mulf %get3A_969, %mul3A_970 : vector<16xf32>
          %add3A_972 = arith.constant 7 : i32
          %add3A_973 = arith.addi %mul3A_77, %add3A_972 : i32
          %swap3A_974 = arith.index_cast %add3A_973 : i32 to index
          %swap3A_975 = arith.constant 32 : index
          %swap3A_976 = tpu.vector_load %arg11[%swap3A_974, %swap3A_975] {strides = array<i32>} : memref<128x128xf32, #tpu.memory_space<vmem>>, vector<1x16xf32>,
          %swap3A_977 = vector.shape_cast %swap3A_976 : vector<1x16xf32> to vector<16xf32>
          %swap3A_978 = vector.shape_cast %mul3A_971 : vector<16xf32> to vector<1x16xf32>
          tpu.vector_store %arg11[%swap3A_974, %swap3A_975], %swap3A_978 {strides = array<i32>} : memref<128x128xf32, #tpu.memory_space<vmem>>, vector<1x16xf32>,
          %add3A_979 = arith.constant 7 : i32
          %add3A_980 = arith.addi %mul3A_77, %add3A_979 : i32
          %get3A_981 = arith.index_cast %add3A_980 : i32 to index
          %get3A_982 = arith.constant 48 : index
          %get3A_983 = tpu.vector_load %arg11[%get3A_981, %get3A_982] {strides = array<i32>} : memref<128x128xf32, #tpu.memory_space<vmem>>, vector<1x16xf32>,
          %get3A_984 = vector.shape_cast %get3A_983 : vector<1x16xf32> to vector<16xf32>
          %mul3A_985 = vector.broadcast %squeeze3A_933 : f32 to vector<16xf32>
          %mul3A_986 = arith.mulf %get3A_984, %mul3A_985 : vector<16xf32>
          %add3A_987 = arith.constant 7 : i32
          %add3A_988 = arith.addi %mul3A_77, %add3A_987 : i32
          %swap3A_989 = arith.index_cast %add3A_988 : i32 to index
          %swap3A_990 = arith.constant 48 : index
          %swap3A_991 = tpu.vector_load %arg11[%swap3A_989, %swap3A_990] {strides = array<i32>} : memref<128x128xf32, #tpu.memory_space<vmem>>, vector<1x16xf32>,
          %swap3A_992 = vector.shape_cast %swap3A_991 : vector<1x16xf32> to vector<16xf32>
          %swap3A_993 = vector.shape_cast %mul3A_986 : vector<16xf32> to vector<1x16xf32>
          tpu.vector_store %arg11[%swap3A_989, %swap3A_990], %swap3A_993 {strides = array<i32>} : memref<128x128xf32, #tpu.memory_space<vmem>>, vector<1x16xf32>,
          %add3A_994 = arith.constant 7 : i32
          %add3A_995 = arith.addi %mul3A_77, %add3A_994 : i32
          %get3A_996 = arith.index_cast %add3A_995 : i32 to index
          %get3A_997 = arith.constant 64 : index
          %get3A_998 = tpu.vector_load %arg11[%get3A_996, %get3A_997] {strides = array<i32>} : memref<128x128xf32, #tpu.memory_space<vmem>>, vector<1x16xf32>,
          %get3A_999 = vector.shape_cast %get3A_998 : vector<1x16xf32> to vector<16xf32>
          %mul3A_1000 = vector.broadcast %squeeze3A_933 : f32 to vector<16xf32>
          %mul3A_1001 = arith.mulf %get3A_999, %mul3A_1000 : vector<16xf32>
          %add3A_1002 = arith.constant 7 : i32
          %add3A_1003 = arith.addi %mul3A_77, %add3A_1002 : i32
          %swap3A_1004 = arith.index_cast %add3A_1003 : i32 to index
          %swap3A_1005 = arith.constant 64 : index
          %swap3A_1006 = tpu.vector_load %arg11[%swap3A_1004, %swap3A_1005] {strides = array<i32>} : memref<128x128xf32, #tpu.memory_space<vmem>>, vector<1x16xf32>,
          %swap3A_1007 = vector.shape_cast %swap3A_1006 : vector<1x16xf32> to vector<16xf32>
          %swap3A_1008 = vector.shape_cast %mul3A_1001 : vector<16xf32> to vector<1x16xf32>
          tpu.vector_store %arg11[%swap3A_1004, %swap3A_1005], %swap3A_1008 {strides = array<i32>} : memref<128x128xf32, #tpu.memory_space<vmem>>, vector<1x16xf32>,
          %add3A_1009 = arith.constant 7 : i32
          %add3A_1010 = arith.addi %mul3A_77, %add3A_1009 : i32
          %get3A_1011 = arith.index_cast %add3A_1010 : i32 to index
          %get3A_1012 = arith.constant 80 : index
          %get3A_1013 = tpu.vector_load %arg11[%get3A_1011, %get3A_1012] {strides = array<i32>} : memref<128x128xf32, #tpu.memory_space<vmem>>, vector<1x16xf32>,
          %get3A_1014 = vector.shape_cast %get3A_1013 : vector<1x16xf32> to vector<16xf32>
          %mul3A_1015 = vector.broadcast %squeeze3A_933 : f32 to vector<16xf32>
          %mul3A_1016 = arith.mulf %get3A_1014, %mul3A_1015 : vector<16xf32>
          %add3A_1017 = arith.constant 7 : i32
          %add3A_1018 = arith.addi %mul3A_77, %add3A_1017 : i32
          %swap3A_1019 = arith.index_cast %add3A_1018 : i32 to index
          %swap3A_1020 = arith.constant 80 : index
          %swap3A_1021 = tpu.vector_load %arg11[%swap3A_1019, %swap3A_1020] {strides = array<i32>} : memref<128x128xf32, #tpu.memory_space<vmem>>, vector<1x16xf32>,
          %swap3A_1022 = vector.shape_cast %swap3A_1021 : vector<1x16xf32> to vector<16xf32>
          %swap3A_1023 = vector.shape_cast %mul3A_1016 : vector<16xf32> to vector<1x16xf32>
          tpu.vector_store %arg11[%swap3A_1019, %swap3A_1020], %swap3A_1023 {strides = array<i32>} : memref<128x128xf32, #tpu.memory_space<vmem>>, vector<1x16xf32>,
          %add3A_1024 = arith.constant 7 : i32
          %add3A_1025 = arith.addi %mul3A_77, %add3A_1024 : i32
          %get3A_1026 = arith.index_cast %add3A_1025 : i32 to index
          %get3A_1027 = arith.constant 96 : index
          %get3A_1028 = tpu.vector_load %arg11[%get3A_1026, %get3A_1027] {strides = array<i32>} : memref<128x128xf32, #tpu.memory_space<vmem>>, vector<1x16xf32>,
          %get3A_1029 = vector.shape_cast %get3A_1028 : vector<1x16xf32> to vector<16xf32>
          %mul3A_1030 = vector.broadcast %squeeze3A_933 : f32 to vector<16xf32>
          %mul3A_1031 = arith.mulf %get3A_1029, %mul3A_1030 : vector<16xf32>
          %add3A_1032 = arith.constant 7 : i32
          %add3A_1033 = arith.addi %mul3A_77, %add3A_1032 : i32
          %swap3A_1034 = arith.index_cast %add3A_1033 : i32 to index
          %swap3A_1035 = arith.constant 96 : index
          %swap3A_1036 = tpu.vector_load %arg11[%swap3A_1034, %swap3A_1035] {strides = array<i32>} : memref<128x128xf32, #tpu.memory_space<vmem>>, vector<1x16xf32>,
          %swap3A_1037 = vector.shape_cast %swap3A_1036 : vector<1x16xf32> to vector<16xf32>
          %swap3A_1038 = vector.shape_cast %mul3A_1031 : vector<16xf32> to vector<1x16xf32>
          tpu.vector_store %arg11[%swap3A_1034, %swap3A_1035], %swap3A_1038 {strides = array<i32>} : memref<128x128xf32, #tpu.memory_space<vmem>>, vector<1x16xf32>,
          %add3A_1039 = arith.constant 7 : i32
          %add3A_1040 = arith.addi %mul3A_77, %add3A_1039 : i32
          %get3A_1041 = arith.index_cast %add3A_1040 : i32 to index
          %get3A_1042 = arith.constant 112 : index
          %get3A_1043 = tpu.vector_load %arg11[%get3A_1041, %get3A_1042] {strides = array<i32>} : memref<128x128xf32, #tpu.memory_space<vmem>>, vector<1x16xf32>,
          %get3A_1044 = vector.shape_cast %get3A_1043 : vector<1x16xf32> to vector<16xf32>
          %mul3A_1045 = vector.broadcast %squeeze3A_933 : f32 to vector<16xf32>
          %mul3A_1046 = arith.mulf %get3A_1044, %mul3A_1045 : vector<16xf32>
          %add3A_1047 = arith.constant 7 : i32
          %add3A_1048 = arith.addi %mul3A_77, %add3A_1047 : i32
          %swap3A_1049 = arith.index_cast %add3A_1048 : i32 to index
          %swap3A_1050 = arith.constant 112 : index
          %swap3A_1051 = tpu.vector_load %arg11[%swap3A_1049, %swap3A_1050] {strides = array<i32>} : memref<128x128xf32, #tpu.memory_space<vmem>>, vector<1x16xf32>,
          %swap3A_1052 = vector.shape_cast %swap3A_1051 : vector<1x16xf32> to vector<16xf32>
          %swap3A_1053 = vector.shape_cast %mul3A_1046 : vector<16xf32> to vector<1x16xf32>
          tpu.vector_store %arg11[%swap3A_1049, %swap3A_1050], %swap3A_1053 {strides = array<i32>} : memref<128x128xf32, #tpu.memory_space<vmem>>, vector<1x16xf32>,
          %slice3A_1054 = vector.extract_strided_slice %get3A_80 {offsets = [8], sizes = [1], strides = [1]} : vector<16xf32> to vector<1xf32>
          %squeeze3A_1055 = vector.extract %slice3A_1054[0] : f32 from vector<1xf32>
          %add3A_1056 = arith.constant 8 : i32
          %add3A_1057 = arith.addi %mul3A_77, %add3A_1056 : i32
          %get3A_1058 = arith.index_cast %add3A_1057 : i32 to index
          %get3A_1059 = arith.constant 0 : index
          %get3A_1060 = tpu.vector_load %arg11[%get3A_1058, %get3A_1059] {strides = array<i32>} : memref<128x128xf32, #tpu.memory_space<vmem>>, vector<1x16xf32>,
          %get3A_1061 = vector.shape_cast %get3A_1060 : vector<1x16xf32> to vector<16xf32>
          %mul3A_1062 = vector.broadcast %squeeze3A_1055 : f32 to vector<16xf32>
          %mul3A_1063 = arith.mulf %get3A_1061, %mul3A_1062 : vector<16xf32>
          %add3A_1064 = arith.constant 8 : i32
          %add3A_1065 = arith.addi %mul3A_77, %add3A_1064 : i32
          %swap3A_1066 = arith.index_cast %add3A_1065 : i32 to index
          %swap3A_1067 = arith.constant 0 : index
          %swap3A_1068 = tpu.vector_load %arg11[%swap3A_1066, %swap3A_1067] {strides = array<i32>} : memref<128x128xf32, #tpu.memory_space<vmem>>, vector<1x16xf32>,
          %swap3A_1069 = vector.shape_cast %swap3A_1068 : vector<1x16xf32> to vector<16xf32>
          %swap3A_1070 = vector.shape_cast %mul3A_1063 : vector<16xf32> to vector<1x16xf32>
          tpu.vector_store %arg11[%swap3A_1066, %swap3A_1067], %swap3A_1070 {strides = array<i32>} : memref<128x128xf32, #tpu.memory_space<vmem>>, vector<1x16xf32>,
          %add3A_1071 = arith.constant 8 : i32
          %add3A_1072 = arith.addi %mul3A_77, %add3A_1071 : i32
          %get3A_1073 = arith.index_cast %add3A_1072 : i32 to index
          %get3A_1074 = arith.constant 16 : index
          %get3A_1075 = tpu.vector_load %arg11[%get3A_1073, %get3A_1074] {strides = array<i32>} : memref<128x128xf32, #tpu.memory_space<vmem>>, vector<1x16xf32>,
          %get3A_1076 = vector.shape_cast %get3A_1075 : vector<1x16xf32> to vector<16xf32>
          %mul3A_1077 = vector.broadcast %squeeze3A_1055 : f32 to vector<16xf32>
          %mul3A_1078 = arith.mulf %get3A_1076, %mul3A_1077 : vector<16xf32>
          %add3A_1079 = arith.constant 8 : i32
          %add3A_1080 = arith.addi %mul3A_77, %add3A_1079 : i32
          %swap3A_1081 = arith.index_cast %add3A_1080 : i32 to index
          %swap3A_1082 = arith.constant 16 : index
          %swap3A_1083 = tpu.vector_load %arg11[%swap3A_1081, %swap3A_1082] {strides = array<i32>} : memref<128x128xf32, #tpu.memory_space<vmem>>, vector<1x16xf32>,
          %swap3A_1084 = vector.shape_cast %swap3A_1083 : vector<1x16xf32> to vector<16xf32>
          %swap3A_1085 = vector.shape_cast %mul3A_1078 : vector<16xf32> to vector<1x16xf32>
          tpu.vector_store %arg11[%swap3A_1081, %swap3A_1082], %swap3A_1085 {strides = array<i32>} : memref<128x128xf32, #tpu.memory_space<vmem>>, vector<1x16xf32>,
          %add3A_1086 = arith.constant 8 : i32
          %add3A_1087 = arith.addi %mul3A_77, %add3A_1086 : i32
          %get3A_1088 = arith.index_cast %add3A_1087 : i32 to index
          %get3A_1089 = arith.constant 32 : index
          %get3A_1090 = tpu.vector_load %arg11[%get3A_1088, %get3A_1089] {strides = array<i32>} : memref<128x128xf32, #tpu.memory_space<vmem>>, vector<1x16xf32>,
          %get3A_1091 = vector.shape_cast %get3A_1090 : vector<1x16xf32> to vector<16xf32>
          %mul3A_1092 = vector.broadcast %squeeze3A_1055 : f32 to vector<16xf32>
          %mul3A_1093 = arith.mulf %get3A_1091, %mul3A_1092 : vector<16xf32>
          %add3A_1094 = arith.constant 8 : i32
          %add3A_1095 = arith.addi %mul3A_77, %add3A_1094 : i32
          %swap3A_1096 = arith.index_cast %add3A_1095 : i32 to index
          %swap3A_1097 = arith.constant 32 : index
          %swap3A_1098 = tpu.vector_load %arg11[%swap3A_1096, %swap3A_1097] {strides = array<i32>} : memref<128x128xf32, #tpu.memory_space<vmem>>, vector<1x16xf32>,
          %swap3A_1099 = vector.shape_cast %swap3A_1098 : vector<1x16xf32> to vector<16xf32>
          %swap3A_1100 = vector.shape_cast %mul3A_1093 : vector<16xf32> to vector<1x16xf32>
          tpu.vector_store %arg11[%swap3A_1096, %swap3A_1097], %swap3A_1100 {strides = array<i32>} : memref<128x128xf32, #tpu.memory_space<vmem>>, vector<1x16xf32>,
          %add3A_1101 = arith.constant 8 : i32
          %add3A_1102 = arith.addi %mul3A_77, %add3A_1101 : i32
          %get3A_1103 = arith.index_cast %add3A_1102 : i32 to index
          %get3A_1104 = arith.constant 48 : index
          %get3A_1105 = tpu.vector_load %arg11[%get3A_1103, %get3A_1104] {strides = array<i32>} : memref<128x128xf32, #tpu.memory_space<vmem>>, vector<1x16xf32>,
          %get3A_1106 = vector.shape_cast %get3A_1105 : vector<1x16xf32> to vector<16xf32>
          %mul3A_1107 = vector.broadcast %squeeze3A_1055 : f32 to vector<16xf32>
          %mul3A_1108 = arith.mulf %get3A_1106, %mul3A_1107 : vector<16xf32>
          %add3A_1109 = arith.constant 8 : i32
          %add3A_1110 = arith.addi %mul3A_77, %add3A_1109 : i32
          %swap3A_1111 = arith.index_cast %add3A_1110 : i32 to index
          %swap3A_1112 = arith.constant 48 : index
          %swap3A_1113 = tpu.vector_load %arg11[%swap3A_1111, %swap3A_1112] {strides = array<i32>} : memref<128x128xf32, #tpu.memory_space<vmem>>, vector<1x16xf32>,
          %swap3A_1114 = vector.shape_cast %swap3A_1113 : vector<1x16xf32> to vector<16xf32>
          %swap3A_1115 = vector.shape_cast %mul3A_1108 : vector<16xf32> to vector<1x16xf32>
          tpu.vector_store %arg11[%swap3A_1111, %swap3A_1112], %swap3A_1115 {strides = array<i32>} : memref<128x128xf32, #tpu.memory_space<vmem>>, vector<1x16xf32>,
          %add3A_1116 = arith.constant 8 : i32
          %add3A_1117 = arith.addi %mul3A_77, %add3A_1116 : i32
          %get3A_1118 = arith.index_cast %add3A_1117 : i32 to index
          %get3A_1119 = arith.constant 64 : index
          %get3A_1120 = tpu.vector_load %arg11[%get3A_1118, %get3A_1119] {strides = array<i32>} : memref<128x128xf32, #tpu.memory_space<vmem>>, vector<1x16xf32>,
          %get3A_1121 = vector.shape_cast %get3A_1120 : vector<1x16xf32> to vector<16xf32>
          %mul3A_1122 = vector.broadcast %squeeze3A_1055 : f32 to vector<16xf32>
          %mul3A_1123 = arith.mulf %get3A_1121, %mul3A_1122 : vector<16xf32>
          %add3A_1124 = arith.constant 8 : i32
          %add3A_1125 = arith.addi %mul3A_77, %add3A_1124 : i32
          %swap3A_1126 = arith.index_cast %add3A_1125 : i32 to index
          %swap3A_1127 = arith.constant 64 : index
          %swap3A_1128 = tpu.vector_load %arg11[%swap3A_1126, %swap3A_1127] {strides = array<i32>} : memref<128x128xf32, #tpu.memory_space<vmem>>, vector<1x16xf32>,
          %swap3A_1129 = vector.shape_cast %swap3A_1128 : vector<1x16xf32> to vector<16xf32>
          %swap3A_1130 = vector.shape_cast %mul3A_1123 : vector<16xf32> to vector<1x16xf32>
          tpu.vector_store %arg11[%swap3A_1126, %swap3A_1127], %swap3A_1130 {strides = array<i32>} : memref<128x128xf32, #tpu.memory_space<vmem>>, vector<1x16xf32>,
          %add3A_1131 = arith.constant 8 : i32
          %add3A_1132 = arith.addi %mul3A_77, %add3A_1131 : i32
          %get3A_1133 = arith.index_cast %add3A_1132 : i32 to index
          %get3A_1134 = arith.constant 80 : index
          %get3A_1135 = tpu.vector_load %arg11[%get3A_1133, %get3A_1134] {strides = array<i32>} : memref<128x128xf32, #tpu.memory_space<vmem>>, vector<1x16xf32>,
          %get3A_1136 = vector.shape_cast %get3A_1135 : vector<1x16xf32> to vector<16xf32>
          %mul3A_1137 = vector.broadcast %squeeze3A_1055 : f32 to vector<16xf32>
          %mul3A_1138 = arith.mulf %get3A_1136, %mul3A_1137 : vector<16xf32>
          %add3A_1139 = arith.constant 8 : i32
          %add3A_1140 = arith.addi %mul3A_77, %add3A_1139 : i32
          %swap3A_1141 = arith.index_cast %add3A_1140 : i32 to index
          %swap3A_1142 = arith.constant 80 : index
          %swap3A_1143 = tpu.vector_load %arg11[%swap3A_1141, %swap3A_1142] {strides = array<i32>} : memref<128x128xf32, #tpu.memory_space<vmem>>, vector<1x16xf32>,
          %swap3A_1144 = vector.shape_cast %swap3A_1143 : vector<1x16xf32> to vector<16xf32>
          %swap3A_1145 = vector.shape_cast %mul3A_1138 : vector<16xf32> to vector<1x16xf32>
          tpu.vector_store %arg11[%swap3A_1141, %swap3A_1142], %swap3A_1145 {strides = array<i32>} : memref<128x128xf32, #tpu.memory_space<vmem>>, vector<1x16xf32>,
          %add3A_1146 = arith.constant 8 : i32
          %add3A_1147 = arith.addi %mul3A_77, %add3A_1146 : i32
          %get3A_1148 = arith.index_cast %add3A_1147 : i32 to index
          %get3A_1149 = arith.constant 96 : index
          %get3A_1150 = tpu.vector_load %arg11[%get3A_1148, %get3A_1149] {strides = array<i32>} : memref<128x128xf32, #tpu.memory_space<vmem>>, vector<1x16xf32>,
          %get3A_1151 = vector.shape_cast %get3A_1150 : vector<1x16xf32> to vector<16xf32>
          %mul3A_1152 = vector.broadcast %squeeze3A_1055 : f32 to vector<16xf32>
          %mul3A_1153 = arith.mulf %get3A_1151, %mul3A_1152 : vector<16xf32>
          %add3A_1154 = arith.constant 8 : i32
          %add3A_1155 = arith.addi %mul3A_77, %add3A_1154 : i32
          %swap3A_1156 = arith.index_cast %add3A_1155 : i32 to index
          %swap3A_1157 = arith.constant 96 : index
          %swap3A_1158 = tpu.vector_load %arg11[%swap3A_1156, %swap3A_1157] {strides = array<i32>} : memref<128x128xf32, #tpu.memory_space<vmem>>, vector<1x16xf32>,
          %swap3A_1159 = vector.shape_cast %swap3A_1158 : vector<1x16xf32> to vector<16xf32>
          %swap3A_1160 = vector.shape_cast %mul3A_1153 : vector<16xf32> to vector<1x16xf32>
          tpu.vector_store %arg11[%swap3A_1156, %swap3A_1157], %swap3A_1160 {strides = array<i32>} : memref<128x128xf32, #tpu.memory_space<vmem>>, vector<1x16xf32>,
          %add3A_1161 = arith.constant 8 : i32
          %add3A_1162 = arith.addi %mul3A_77, %add3A_1161 : i32
          %get3A_1163 = arith.index_cast %add3A_1162 : i32 to index
          %get3A_1164 = arith.constant 112 : index
          %get3A_1165 = tpu.vector_load %arg11[%get3A_1163, %get3A_1164] {strides = array<i32>} : memref<128x128xf32, #tpu.memory_space<vmem>>, vector<1x16xf32>,
          %get3A_1166 = vector.shape_cast %get3A_1165 : vector<1x16xf32> to vector<16xf32>
          %mul3A_1167 = vector.broadcast %squeeze3A_1055 : f32 to vector<16xf32>
          %mul3A_1168 = arith.mulf %get3A_1166, %mul3A_1167 : vector<16xf32>
          %add3A_1169 = arith.constant 8 : i32
          %add3A_1170 = arith.addi %mul3A_77, %add3A_1169 : i32
          %swap3A_1171 = arith.index_cast %add3A_1170 : i32 to index
          %swap3A_1172 = arith.constant 112 : index
          %swap3A_1173 = tpu.vector_load %arg11[%swap3A_1171, %swap3A_1172] {strides = array<i32>} : memref<128x128xf32, #tpu.memory_space<vmem>>, vector<1x16xf32>,
          %swap3A_1174 = vector.shape_cast %swap3A_1173 : vector<1x16xf32> to vector<16xf32>
          %swap3A_1175 = vector.shape_cast %mul3A_1168 : vector<16xf32> to vector<1x16xf32>
          tpu.vector_store %arg11[%swap3A_1171, %swap3A_1172], %swap3A_1175 {strides = array<i32>} : memref<128x128xf32, #tpu.memory_space<vmem>>, vector<1x16xf32>,
          %slice3A_1176 = vector.extract_strided_slice %get3A_80 {offsets = [9], sizes = [1], strides = [1]} : vector<16xf32> to vector<1xf32>
          %squeeze3A_1177 = vector.extract %slice3A_1176[0] : f32 from vector<1xf32>
          %add3A_1178 = arith.constant 9 : i32
          %add3A_1179 = arith.addi %mul3A_77, %add3A_1178 : i32
          %get3A_1180 = arith.index_cast %add3A_1179 : i32 to index
          %get3A_1181 = arith.constant 0 : index
          %get3A_1182 = tpu.vector_load %arg11[%get3A_1180, %get3A_1181] {strides = array<i32>} : memref<128x128xf32, #tpu.memory_space<vmem>>, vector<1x16xf32>,
          %get3A_1183 = vector.shape_cast %get3A_1182 : vector<1x16xf32> to vector<16xf32>
          %mul3A_1184 = vector.broadcast %squeeze3A_1177 : f32 to vector<16xf32>
          %mul3A_1185 = arith.mulf %get3A_1183, %mul3A_1184 : vector<16xf32>
          %add3A_1186 = arith.constant 9 : i32
          %add3A_1187 = arith.addi %mul3A_77, %add3A_1186 : i32
          %swap3A_1188 = arith.index_cast %add3A_1187 : i32 to index
          %swap3A_1189 = arith.constant 0 : index
          %swap3A_1190 = tpu.vector_load %arg11[%swap3A_1188, %swap3A_1189] {strides = array<i32>} : memref<128x128xf32, #tpu.memory_space<vmem>>, vector<1x16xf32>,
          %swap3A_1191 = vector.shape_cast %swap3A_1190 : vector<1x16xf32> to vector<16xf32>
          %swap3A_1192 = vector.shape_cast %mul3A_1185 : vector<16xf32> to vector<1x16xf32>
          tpu.vector_store %arg11[%swap3A_1188, %swap3A_1189], %swap3A_1192 {strides = array<i32>} : memref<128x128xf32, #tpu.memory_space<vmem>>, vector<1x16xf32>,
          %add3A_1193 = arith.constant 9 : i32
          %add3A_1194 = arith.addi %mul3A_77, %add3A_1193 : i32
          %get3A_1195 = arith.index_cast %add3A_1194 : i32 to index
          %get3A_1196 = arith.constant 16 : index
          %get3A_1197 = tpu.vector_load %arg11[%get3A_1195, %get3A_1196] {strides = array<i32>} : memref<128x128xf32, #tpu.memory_space<vmem>>, vector<1x16xf32>,
          %get3A_1198 = vector.shape_cast %get3A_1197 : vector<1x16xf32> to vector<16xf32>
          %mul3A_1199 = vector.broadcast %squeeze3A_1177 : f32 to vector<16xf32>
          %mul3A_1200 = arith.mulf %get3A_1198, %mul3A_1199 : vector<16xf32>
          %add3A_1201 = arith.constant 9 : i32
          %add3A_1202 = arith.addi %mul3A_77, %add3A_1201 : i32
          %swap3A_1203 = arith.index_cast %add3A_1202 : i32 to index
          %swap3A_1204 = arith.constant 16 : index
          %swap3A_1205 = tpu.vector_load %arg11[%swap3A_1203, %swap3A_1204] {strides = array<i32>} : memref<128x128xf32, #tpu.memory_space<vmem>>, vector<1x16xf32>,
          %swap3A_1206 = vector.shape_cast %swap3A_1205 : vector<1x16xf32> to vector<16xf32>
          %swap3A_1207 = vector.shape_cast %mul3A_1200 : vector<16xf32> to vector<1x16xf32>
          tpu.vector_store %arg11[%swap3A_1203, %swap3A_1204], %swap3A_1207 {strides = array<i32>} : memref<128x128xf32, #tpu.memory_space<vmem>>, vector<1x16xf32>,
          %add3A_1208 = arith.constant 9 : i32
          %add3A_1209 = arith.addi %mul3A_77, %add3A_1208 : i32
          %get3A_1210 = arith.index_cast %add3A_1209 : i32 to index
          %get3A_1211 = arith.constant 32 : index
          %get3A_1212 = tpu.vector_load %arg11[%get3A_1210, %get3A_1211] {strides = array<i32>} : memref<128x128xf32, #tpu.memory_space<vmem>>, vector<1x16xf32>,
          %get3A_1213 = vector.shape_cast %get3A_1212 : vector<1x16xf32> to vector<16xf32>
          %mul3A_1214 = vector.broadcast %squeeze3A_1177 : f32 to vector<16xf32>
          %mul3A_1215 = arith.mulf %get3A_1213, %mul3A_1214 : vector<16xf32>
          %add3A_1216 = arith.constant 9 : i32
          %add3A_1217 = arith.addi %mul3A_77, %add3A_1216 : i32
          %swap3A_1218 = arith.index_cast %add3A_1217 : i32 to index
          %swap3A_1219 = arith.constant 32 : index
          %swap3A_1220 = tpu.vector_load %arg11[%swap3A_1218, %swap3A_1219] {strides = array<i32>} : memref<128x128xf32, #tpu.memory_space<vmem>>, vector<1x16xf32>,
          %swap3A_1221 = vector.shape_cast %swap3A_1220 : vector<1x16xf32> to vector<16xf32>
          %swap3A_1222 = vector.shape_cast %mul3A_1215 : vector<16xf32> to vector<1x16xf32>
          tpu.vector_store %arg11[%swap3A_1218, %swap3A_1219], %swap3A_1222 {strides = array<i32>} : memref<128x128xf32, #tpu.memory_space<vmem>>, vector<1x16xf32>,
          %add3A_1223 = arith.constant 9 : i32
          %add3A_1224 = arith.addi %mul3A_77, %add3A_1223 : i32
          %get3A_1225 = arith.index_cast %add3A_1224 : i32 to index
          %get3A_1226 = arith.constant 48 : index
          %get3A_1227 = tpu.vector_load %arg11[%get3A_1225, %get3A_1226] {strides = array<i32>} : memref<128x128xf32, #tpu.memory_space<vmem>>, vector<1x16xf32>,
          %get3A_1228 = vector.shape_cast %get3A_1227 : vector<1x16xf32> to vector<16xf32>
          %mul3A_1229 = vector.broadcast %squeeze3A_1177 : f32 to vector<16xf32>
          %mul3A_1230 = arith.mulf %get3A_1228, %mul3A_1229 : vector<16xf32>
          %add3A_1231 = arith.constant 9 : i32
          %add3A_1232 = arith.addi %mul3A_77, %add3A_1231 : i32
          %swap3A_1233 = arith.index_cast %add3A_1232 : i32 to index
          %swap3A_1234 = arith.constant 48 : index
          %swap3A_1235 = tpu.vector_load %arg11[%swap3A_1233, %swap3A_1234] {strides = array<i32>} : memref<128x128xf32, #tpu.memory_space<vmem>>, vector<1x16xf32>,
          %swap3A_1236 = vector.shape_cast %swap3A_1235 : vector<1x16xf32> to vector<16xf32>
          %swap3A_1237 = vector.shape_cast %mul3A_1230 : vector<16xf32> to vector<1x16xf32>
          tpu.vector_store %arg11[%swap3A_1233, %swap3A_1234], %swap3A_1237 {strides = array<i32>} : memref<128x128xf32, #tpu.memory_space<vmem>>, vector<1x16xf32>,
          %add3A_1238 = arith.constant 9 : i32
          %add3A_1239 = arith.addi %mul3A_77, %add3A_1238 : i32
          %get3A_1240 = arith.index_cast %add3A_1239 : i32 to index
          %get3A_1241 = arith.constant 64 : index
          %get3A_1242 = tpu.vector_load %arg11[%get3A_1240, %get3A_1241] {strides = array<i32>} : memref<128x128xf32, #tpu.memory_space<vmem>>, vector<1x16xf32>,
          %get3A_1243 = vector.shape_cast %get3A_1242 : vector<1x16xf32> to vector<16xf32>
          %mul3A_1244 = vector.broadcast %squeeze3A_1177 : f32 to vector<16xf32>
          %mul3A_1245 = arith.mulf %get3A_1243, %mul3A_1244 : vector<16xf32>
          %add3A_1246 = arith.constant 9 : i32
          %add3A_1247 = arith.addi %mul3A_77, %add3A_1246 : i32
          %swap3A_1248 = arith.index_cast %add3A_1247 : i32 to index
          %swap3A_1249 = arith.constant 64 : index
          %swap3A_1250 = tpu.vector_load %arg11[%swap3A_1248, %swap3A_1249] {strides = array<i32>} : memref<128x128xf32, #tpu.memory_space<vmem>>, vector<1x16xf32>,
          %swap3A_1251 = vector.shape_cast %swap3A_1250 : vector<1x16xf32> to vector<16xf32>
          %swap3A_1252 = vector.shape_cast %mul3A_1245 : vector<16xf32> to vector<1x16xf32>
          tpu.vector_store %arg11[%swap3A_1248, %swap3A_1249], %swap3A_1252 {strides = array<i32>} : memref<128x128xf32, #tpu.memory_space<vmem>>, vector<1x16xf32>,
          %add3A_1253 = arith.constant 9 : i32
          %add3A_1254 = arith.addi %mul3A_77, %add3A_1253 : i32
          %get3A_1255 = arith.index_cast %add3A_1254 : i32 to index
          %get3A_1256 = arith.constant 80 : index
          %get3A_1257 = tpu.vector_load %arg11[%get3A_1255, %get3A_1256] {strides = array<i32>} : memref<128x128xf32, #tpu.memory_space<vmem>>, vector<1x16xf32>,
          %get3A_1258 = vector.shape_cast %get3A_1257 : vector<1x16xf32> to vector<16xf32>
          %mul3A_1259 = vector.broadcast %squeeze3A_1177 : f32 to vector<16xf32>
          %mul3A_1260 = arith.mulf %get3A_1258, %mul3A_1259 : vector<16xf32>
          %add3A_1261 = arith.constant 9 : i32
          %add3A_1262 = arith.addi %mul3A_77, %add3A_1261 : i32
          %swap3A_1263 = arith.index_cast %add3A_1262 : i32 to index
          %swap3A_1264 = arith.constant 80 : index
          %swap3A_1265 = tpu.vector_load %arg11[%swap3A_1263, %swap3A_1264] {strides = array<i32>} : memref<128x128xf32, #tpu.memory_space<vmem>>, vector<1x16xf32>,
          %swap3A_1266 = vector.shape_cast %swap3A_1265 : vector<1x16xf32> to vector<16xf32>
          %swap3A_1267 = vector.shape_cast %mul3A_1260 : vector<16xf32> to vector<1x16xf32>
          tpu.vector_store %arg11[%swap3A_1263, %swap3A_1264], %swap3A_1267 {strides = array<i32>} : memref<128x128xf32, #tpu.memory_space<vmem>>, vector<1x16xf32>,
          %add3A_1268 = arith.constant 9 : i32
          %add3A_1269 = arith.addi %mul3A_77, %add3A_1268 : i32
          %get3A_1270 = arith.index_cast %add3A_1269 : i32 to index
          %get3A_1271 = arith.constant 96 : index
          %get3A_1272 = tpu.vector_load %arg11[%get3A_1270, %get3A_1271] {strides = array<i32>} : memref<128x128xf32, #tpu.memory_space<vmem>>, vector<1x16xf32>,
          %get3A_1273 = vector.shape_cast %get3A_1272 : vector<1x16xf32> to vector<16xf32>
          %mul3A_1274 = vector.broadcast %squeeze3A_1177 : f32 to vector<16xf32>
          %mul3A_1275 = arith.mulf %get3A_1273, %mul3A_1274 : vector<16xf32>
          %add3A_1276 = arith.constant 9 : i32
          %add3A_1277 = arith.addi %mul3A_77, %add3A_1276 : i32
          %swap3A_1278 = arith.index_cast %add3A_1277 : i32 to index
          %swap3A_1279 = arith.constant 96 : index
          %swap3A_1280 = tpu.vector_load %arg11[%swap3A_1278, %swap3A_1279] {strides = array<i32>} : memref<128x128xf32, #tpu.memory_space<vmem>>, vector<1x16xf32>,
          %swap3A_1281 = vector.shape_cast %swap3A_1280 : vector<1x16xf32> to vector<16xf32>
          %swap3A_1282 = vector.shape_cast %mul3A_1275 : vector<16xf32> to vector<1x16xf32>
          tpu.vector_store %arg11[%swap3A_1278, %swap3A_1279], %swap3A_1282 {strides = array<i32>} : memref<128x128xf32, #tpu.memory_space<vmem>>, vector<1x16xf32>,
          %add3A_1283 = arith.constant 9 : i32
          %add3A_1284 = arith.addi %mul3A_77, %add3A_1283 : i32
          %get3A_1285 = arith.index_cast %add3A_1284 : i32 to index
          %get3A_1286 = arith.constant 112 : index
          %get3A_1287 = tpu.vector_load %arg11[%get3A_1285, %get3A_1286] {strides = array<i32>} : memref<128x128xf32, #tpu.memory_space<vmem>>, vector<1x16xf32>,
          %get3A_1288 = vector.shape_cast %get3A_1287 : vector<1x16xf32> to vector<16xf32>
          %mul3A_1289 = vector.broadcast %squeeze3A_1177 : f32 to vector<16xf32>
          %mul3A_1290 = arith.mulf %get3A_1288, %mul3A_1289 : vector<16xf32>
          %add3A_1291 = arith.constant 9 : i32
          %add3A_1292 = arith.addi %mul3A_77, %add3A_1291 : i32
          %swap3A_1293 = arith.index_cast %add3A_1292 : i32 to index
          %swap3A_1294 = arith.constant 112 : index
          %swap3A_1295 = tpu.vector_load %arg11[%swap3A_1293, %swap3A_1294] {strides = array<i32>} : memref<128x128xf32, #tpu.memory_space<vmem>>, vector<1x16xf32>,
          %swap3A_1296 = vector.shape_cast %swap3A_1295 : vector<1x16xf32> to vector<16xf32>
          %swap3A_1297 = vector.shape_cast %mul3A_1290 : vector<16xf32> to vector<1x16xf32>
          tpu.vector_store %arg11[%swap3A_1293, %swap3A_1294], %swap3A_1297 {strides = array<i32>} : memref<128x128xf32, #tpu.memory_space<vmem>>, vector<1x16xf32>,
          %slice3A_1298 = vector.extract_strided_slice %get3A_80 {offsets = [10], sizes = [1], strides = [1]} : vector<16xf32> to vector<1xf32>
          %squeeze3A_1299 = vector.extract %slice3A_1298[0] : f32 from vector<1xf32>
          %add3A_1300 = arith.constant 10 : i32
          %add3A_1301 = arith.addi %mul3A_77, %add3A_1300 : i32
          %get3A_1302 = arith.index_cast %add3A_1301 : i32 to index
          %get3A_1303 = arith.constant 0 : index
          %get3A_1304 = tpu.vector_load %arg11[%get3A_1302, %get3A_1303] {strides = array<i32>} : memref<128x128xf32, #tpu.memory_space<vmem>>, vector<1x16xf32>,
          %get3A_1305 = vector.shape_cast %get3A_1304 : vector<1x16xf32> to vector<16xf32>
          %mul3A_1306 = vector.broadcast %squeeze3A_1299 : f32 to vector<16xf32>
          %mul3A_1307 = arith.mulf %get3A_1305, %mul3A_1306 : vector<16xf32>
          %add3A_1308 = arith.constant 10 : i32
          %add3A_1309 = arith.addi %mul3A_77, %add3A_1308 : i32
          %swap3A_1310 = arith.index_cast %add3A_1309 : i32 to index
          %swap3A_1311 = arith.constant 0 : index
          %swap3A_1312 = tpu.vector_load %arg11[%swap3A_1310, %swap3A_1311] {strides = array<i32>} : memref<128x128xf32, #tpu.memory_space<vmem>>, vector<1x16xf32>,
          %swap3A_1313 = vector.shape_cast %swap3A_1312 : vector<1x16xf32> to vector<16xf32>
          %swap3A_1314 = vector.shape_cast %mul3A_1307 : vector<16xf32> to vector<1x16xf32>
          tpu.vector_store %arg11[%swap3A_1310, %swap3A_1311], %swap3A_1314 {strides = array<i32>} : memref<128x128xf32, #tpu.memory_space<vmem>>, vector<1x16xf32>,
          %add3A_1315 = arith.constant 10 : i32
          %add3A_1316 = arith.addi %mul3A_77, %add3A_1315 : i32
          %get3A_1317 = arith.index_cast %add3A_1316 : i32 to index
          %get3A_1318 = arith.constant 16 : index
          %get3A_1319 = tpu.vector_load %arg11[%get3A_1317, %get3A_1318] {strides = array<i32>} : memref<128x128xf32, #tpu.memory_space<vmem>>, vector<1x16xf32>,
          %get3A_1320 = vector.shape_cast %get3A_1319 : vector<1x16xf32> to vector<16xf32>
          %mul3A_1321 = vector.broadcast %squeeze3A_1299 : f32 to vector<16xf32>
          %mul3A_1322 = arith.mulf %get3A_1320, %mul3A_1321 : vector<16xf32>
          %add3A_1323 = arith.constant 10 : i32
          %add3A_1324 = arith.addi %mul3A_77, %add3A_1323 : i32
          %swap3A_1325 = arith.index_cast %add3A_1324 : i32 to index
          %swap3A_1326 = arith.constant 16 : index
          %swap3A_1327 = tpu.vector_load %arg11[%swap3A_1325, %swap3A_1326] {strides = array<i32>} : memref<128x128xf32, #tpu.memory_space<vmem>>, vector<1x16xf32>,
          %swap3A_1328 = vector.shape_cast %swap3A_1327 : vector<1x16xf32> to vector<16xf32>
          %swap3A_1329 = vector.shape_cast %mul3A_1322 : vector<16xf32> to vector<1x16xf32>
          tpu.vector_store %arg11[%swap3A_1325, %swap3A_1326], %swap3A_1329 {strides = array<i32>} : memref<128x128xf32, #tpu.memory_space<vmem>>, vector<1x16xf32>,
          %add3A_1330 = arith.constant 10 : i32
          %add3A_1331 = arith.addi %mul3A_77, %add3A_1330 : i32
          %get3A_1332 = arith.index_cast %add3A_1331 : i32 to index
          %get3A_1333 = arith.constant 32 : index
          %get3A_1334 = tpu.vector_load %arg11[%get3A_1332, %get3A_1333] {strides = array<i32>} : memref<128x128xf32, #tpu.memory_space<vmem>>, vector<1x16xf32>,
          %get3A_1335 = vector.shape_cast %get3A_1334 : vector<1x16xf32> to vector<16xf32>
          %mul3A_1336 = vector.broadcast %squeeze3A_1299 : f32 to vector<16xf32>
          %mul3A_1337 = arith.mulf %get3A_1335, %mul3A_1336 : vector<16xf32>
          %add3A_1338 = arith.constant 10 : i32
          %add3A_1339 = arith.addi %mul3A_77, %add3A_1338 : i32
          %swap3A_1340 = arith.index_cast %add3A_1339 : i32 to index
          %swap3A_1341 = arith.constant 32 : index
          %swap3A_1342 = tpu.vector_load %arg11[%swap3A_1340, %swap3A_1341] {strides = array<i32>} : memref<128x128xf32, #tpu.memory_space<vmem>>, vector<1x16xf32>,
          %swap3A_1343 = vector.shape_cast %swap3A_1342 : vector<1x16xf32> to vector<16xf32>
          %swap3A_1344 = vector.shape_cast %mul3A_1337 : vector<16xf32> to vector<1x16xf32>
          tpu.vector_store %arg11[%swap3A_1340, %swap3A_1341], %swap3A_1344 {strides = array<i32>} : memref<128x128xf32, #tpu.memory_space<vmem>>, vector<1x16xf32>,
          %add3A_1345 = arith.constant 10 : i32
          %add3A_1346 = arith.addi %mul3A_77, %add3A_1345 : i32
          %get3A_1347 = arith.index_cast %add3A_1346 : i32 to index
          %get3A_1348 = arith.constant 48 : index
          %get3A_1349 = tpu.vector_load %arg11[%get3A_1347, %get3A_1348] {strides = array<i32>} : memref<128x128xf32, #tpu.memory_space<vmem>>, vector<1x16xf32>,
          %get3A_1350 = vector.shape_cast %get3A_1349 : vector<1x16xf32> to vector<16xf32>
          %mul3A_1351 = vector.broadcast %squeeze3A_1299 : f32 to vector<16xf32>
          %mul3A_1352 = arith.mulf %get3A_1350, %mul3A_1351 : vector<16xf32>
          %add3A_1353 = arith.constant 10 : i32
          %add3A_1354 = arith.addi %mul3A_77, %add3A_1353 : i32
          %swap3A_1355 = arith.index_cast %add3A_1354 : i32 to index
          %swap3A_1356 = arith.constant 48 : index
          %swap3A_1357 = tpu.vector_load %arg11[%swap3A_1355, %swap3A_1356] {strides = array<i32>} : memref<128x128xf32, #tpu.memory_space<vmem>>, vector<1x16xf32>,
          %swap3A_1358 = vector.shape_cast %swap3A_1357 : vector<1x16xf32> to vector<16xf32>
          %swap3A_1359 = vector.shape_cast %mul3A_1352 : vector<16xf32> to vector<1x16xf32>
          tpu.vector_store %arg11[%swap3A_1355, %swap3A_1356], %swap3A_1359 {strides = array<i32>} : memref<128x128xf32, #tpu.memory_space<vmem>>, vector<1x16xf32>,
          %add3A_1360 = arith.constant 10 : i32
          %add3A_1361 = arith.addi %mul3A_77, %add3A_1360 : i32
          %get3A_1362 = arith.index_cast %add3A_1361 : i32 to index
          %get3A_1363 = arith.constant 64 : index
          %get3A_1364 = tpu.vector_load %arg11[%get3A_1362, %get3A_1363] {strides = array<i32>} : memref<128x128xf32, #tpu.memory_space<vmem>>, vector<1x16xf32>,
          %get3A_1365 = vector.shape_cast %get3A_1364 : vector<1x16xf32> to vector<16xf32>
          %mul3A_1366 = vector.broadcast %squeeze3A_1299 : f32 to vector<16xf32>
          %mul3A_1367 = arith.mulf %get3A_1365, %mul3A_1366 : vector<16xf32>
          %add3A_1368 = arith.constant 10 : i32
          %add3A_1369 = arith.addi %mul3A_77, %add3A_1368 : i32
          %swap3A_1370 = arith.index_cast %add3A_1369 : i32 to index
          %swap3A_1371 = arith.constant 64 : index
          %swap3A_1372 = tpu.vector_load %arg11[%swap3A_1370, %swap3A_1371] {strides = array<i32>} : memref<128x128xf32, #tpu.memory_space<vmem>>, vector<1x16xf32>,
          %swap3A_1373 = vector.shape_cast %swap3A_1372 : vector<1x16xf32> to vector<16xf32>
          %swap3A_1374 = vector.shape_cast %mul3A_1367 : vector<16xf32> to vector<1x16xf32>
          tpu.vector_store %arg11[%swap3A_1370, %swap3A_1371], %swap3A_1374 {strides = array<i32>} : memref<128x128xf32, #tpu.memory_space<vmem>>, vector<1x16xf32>,
          %add3A_1375 = arith.constant 10 : i32
          %add3A_1376 = arith.addi %mul3A_77, %add3A_1375 : i32
          %get3A_1377 = arith.index_cast %add3A_1376 : i32 to index
          %get3A_1378 = arith.constant 80 : index
          %get3A_1379 = tpu.vector_load %arg11[%get3A_1377, %get3A_1378] {strides = array<i32>} : memref<128x128xf32, #tpu.memory_space<vmem>>, vector<1x16xf32>,
          %get3A_1380 = vector.shape_cast %get3A_1379 : vector<1x16xf32> to vector<16xf32>
          %mul3A_1381 = vector.broadcast %squeeze3A_1299 : f32 to vector<16xf32>
          %mul3A_1382 = arith.mulf %get3A_1380, %mul3A_1381 : vector<16xf32>
          %add3A_1383 = arith.constant 10 : i32
          %add3A_1384 = arith.addi %mul3A_77, %add3A_1383 : i32
          %swap3A_1385 = arith.index_cast %add3A_1384 : i32 to index
          %swap3A_1386 = arith.constant 80 : index
          %swap3A_1387 = tpu.vector_load %arg11[%swap3A_1385, %swap3A_1386] {strides = array<i32>} : memref<128x128xf32, #tpu.memory_space<vmem>>, vector<1x16xf32>,
          %swap3A_1388 = vector.shape_cast %swap3A_1387 : vector<1x16xf32> to vector<16xf32>
          %swap3A_1389 = vector.shape_cast %mul3A_1382 : vector<16xf32> to vector<1x16xf32>
          tpu.vector_store %arg11[%swap3A_1385, %swap3A_1386], %swap3A_1389 {strides = array<i32>} : memref<128x128xf32, #tpu.memory_space<vmem>>, vector<1x16xf32>,
          %add3A_1390 = arith.constant 10 : i32
          %add3A_1391 = arith.addi %mul3A_77, %add3A_1390 : i32
          %get3A_1392 = arith.index_cast %add3A_1391 : i32 to index
          %get3A_1393 = arith.constant 96 : index
          %get3A_1394 = tpu.vector_load %arg11[%get3A_1392, %get3A_1393] {strides = array<i32>} : memref<128x128xf32, #tpu.memory_space<vmem>>, vector<1x16xf32>,
          %get3A_1395 = vector.shape_cast %get3A_1394 : vector<1x16xf32> to vector<16xf32>
          %mul3A_1396 = vector.broadcast %squeeze3A_1299 : f32 to vector<16xf32>
          %mul3A_1397 = arith.mulf %get3A_1395, %mul3A_1396 : vector<16xf32>
          %add3A_1398 = arith.constant 10 : i32
          %add3A_1399 = arith.addi %mul3A_77, %add3A_1398 : i32
          %swap3A_1400 = arith.index_cast %add3A_1399 : i32 to index
          %swap3A_1401 = arith.constant 96 : index
          %swap3A_1402 = tpu.vector_load %arg11[%swap3A_1400, %swap3A_1401] {strides = array<i32>} : memref<128x128xf32, #tpu.memory_space<vmem>>, vector<1x16xf32>,
          %swap3A_1403 = vector.shape_cast %swap3A_1402 : vector<1x16xf32> to vector<16xf32>
          %swap3A_1404 = vector.shape_cast %mul3A_1397 : vector<16xf32> to vector<1x16xf32>
          tpu.vector_store %arg11[%swap3A_1400, %swap3A_1401], %swap3A_1404 {strides = array<i32>} : memref<128x128xf32, #tpu.memory_space<vmem>>, vector<1x16xf32>,
          %add3A_1405 = arith.constant 10 : i32
          %add3A_1406 = arith.addi %mul3A_77, %add3A_1405 : i32
          %get3A_1407 = arith.index_cast %add3A_1406 : i32 to index
          %get3A_1408 = arith.constant 112 : index
          %get3A_1409 = tpu.vector_load %arg11[%get3A_1407, %get3A_1408] {strides = array<i32>} : memref<128x128xf32, #tpu.memory_space<vmem>>, vector<1x16xf32>,
          %get3A_1410 = vector.shape_cast %get3A_1409 : vector<1x16xf32> to vector<16xf32>
          %mul3A_1411 = vector.broadcast %squeeze3A_1299 : f32 to vector<16xf32>
          %mul3A_1412 = arith.mulf %get3A_1410, %mul3A_1411 : vector<16xf32>
          %add3A_1413 = arith.constant 10 : i32
          %add3A_1414 = arith.addi %mul3A_77, %add3A_1413 : i32
          %swap3A_1415 = arith.index_cast %add3A_1414 : i32 to index
          %swap3A_1416 = arith.constant 112 : index
          %swap3A_1417 = tpu.vector_load %arg11[%swap3A_1415, %swap3A_1416] {strides = array<i32>} : memref<128x128xf32, #tpu.memory_space<vmem>>, vector<1x16xf32>,
          %swap3A_1418 = vector.shape_cast %swap3A_1417 : vector<1x16xf32> to vector<16xf32>
          %swap3A_1419 = vector.shape_cast %mul3A_1412 : vector<16xf32> to vector<1x16xf32>
          tpu.vector_store %arg11[%swap3A_1415, %swap3A_1416], %swap3A_1419 {strides = array<i32>} : memref<128x128xf32, #tpu.memory_space<vmem>>, vector<1x16xf32>,
          %slice3A_1420 = vector.extract_strided_slice %get3A_80 {offsets = [11], sizes = [1], strides = [1]} : vector<16xf32> to vector<1xf32>
          %squeeze3A_1421 = vector.extract %slice3A_1420[0] : f32 from vector<1xf32>
          %add3A_1422 = arith.constant 11 : i32
          %add3A_1423 = arith.addi %mul3A_77, %add3A_1422 : i32
          %get3A_1424 = arith.index_cast %add3A_1423 : i32 to index
          %get3A_1425 = arith.constant 0 : index
          %get3A_1426 = tpu.vector_load %arg11[%get3A_1424, %get3A_1425] {strides = array<i32>} : memref<128x128xf32, #tpu.memory_space<vmem>>, vector<1x16xf32>,
          %get3A_1427 = vector.shape_cast %get3A_1426 : vector<1x16xf32> to vector<16xf32>
          %mul3A_1428 = vector.broadcast %squeeze3A_1421 : f32 to vector<16xf32>
          %mul3A_1429 = arith.mulf %get3A_1427, %mul3A_1428 : vector<16xf32>
          %add3A_1430 = arith.constant 11 : i32
          %add3A_1431 = arith.addi %mul3A_77, %add3A_1430 : i32
          %swap3A_1432 = arith.index_cast %add3A_1431 : i32 to index
          %swap3A_1433 = arith.constant 0 : index
          %swap3A_1434 = tpu.vector_load %arg11[%swap3A_1432, %swap3A_1433] {strides = array<i32>} : memref<128x128xf32, #tpu.memory_space<vmem>>, vector<1x16xf32>,
          %swap3A_1435 = vector.shape_cast %swap3A_1434 : vector<1x16xf32> to vector<16xf32>
          %swap3A_1436 = vector.shape_cast %mul3A_1429 : vector<16xf32> to vector<1x16xf32>
          tpu.vector_store %arg11[%swap3A_1432, %swap3A_1433], %swap3A_1436 {strides = array<i32>} : memref<128x128xf32, #tpu.memory_space<vmem>>, vector<1x16xf32>,
          %add3A_1437 = arith.constant 11 : i32
          %add3A_1438 = arith.addi %mul3A_77, %add3A_1437 : i32
          %get3A_1439 = arith.index_cast %add3A_1438 : i32 to index
          %get3A_1440 = arith.constant 16 : index
          %get3A_1441 = tpu.vector_load %arg11[%get3A_1439, %get3A_1440] {strides = array<i32>} : memref<128x128xf32, #tpu.memory_space<vmem>>, vector<1x16xf32>,
          %get3A_1442 = vector.shape_cast %get3A_1441 : vector<1x16xf32> to vector<16xf32>
          %mul3A_1443 = vector.broadcast %squeeze3A_1421 : f32 to vector<16xf32>
          %mul3A_1444 = arith.mulf %get3A_1442, %mul3A_1443 : vector<16xf32>
          %add3A_1445 = arith.constant 11 : i32
          %add3A_1446 = arith.addi %mul3A_77, %add3A_1445 : i32
          %swap3A_1447 = arith.index_cast %add3A_1446 : i32 to index
          %swap3A_1448 = arith.constant 16 : index
          %swap3A_1449 = tpu.vector_load %arg11[%swap3A_1447, %swap3A_1448] {strides = array<i32>} : memref<128x128xf32, #tpu.memory_space<vmem>>, vector<1x16xf32>,
          %swap3A_1450 = vector.shape_cast %swap3A_1449 : vector<1x16xf32> to vector<16xf32>
          %swap3A_1451 = vector.shape_cast %mul3A_1444 : vector<16xf32> to vector<1x16xf32>
          tpu.vector_store %arg11[%swap3A_1447, %swap3A_1448], %swap3A_1451 {strides = array<i32>} : memref<128x128xf32, #tpu.memory_space<vmem>>, vector<1x16xf32>,
          %add3A_1452 = arith.constant 11 : i32
          %add3A_1453 = arith.addi %mul3A_77, %add3A_1452 : i32
          %get3A_1454 = arith.index_cast %add3A_1453 : i32 to index
          %get3A_1455 = arith.constant 32 : index
          %get3A_1456 = tpu.vector_load %arg11[%get3A_1454, %get3A_1455] {strides = array<i32>} : memref<128x128xf32, #tpu.memory_space<vmem>>, vector<1x16xf32>,
          %get3A_1457 = vector.shape_cast %get3A_1456 : vector<1x16xf32> to vector<16xf32>
          %mul3A_1458 = vector.broadcast %squeeze3A_1421 : f32 to vector<16xf32>
          %mul3A_1459 = arith.mulf %get3A_1457, %mul3A_1458 : vector<16xf32>
          %add3A_1460 = arith.constant 11 : i32
          %add3A_1461 = arith.addi %mul3A_77, %add3A_1460 : i32
          %swap3A_1462 = arith.index_cast %add3A_1461 : i32 to index
          %swap3A_1463 = arith.constant 32 : index
          %swap3A_1464 = tpu.vector_load %arg11[%swap3A_1462, %swap3A_1463] {strides = array<i32>} : memref<128x128xf32, #tpu.memory_space<vmem>>, vector<1x16xf32>,
          %swap3A_1465 = vector.shape_cast %swap3A_1464 : vector<1x16xf32> to vector<16xf32>
          %swap3A_1466 = vector.shape_cast %mul3A_1459 : vector<16xf32> to vector<1x16xf32>
          tpu.vector_store %arg11[%swap3A_1462, %swap3A_1463], %swap3A_1466 {strides = array<i32>} : memref<128x128xf32, #tpu.memory_space<vmem>>, vector<1x16xf32>,
          %add3A_1467 = arith.constant 11 : i32
          %add3A_1468 = arith.addi %mul3A_77, %add3A_1467 : i32
          %get3A_1469 = arith.index_cast %add3A_1468 : i32 to index
          %get3A_1470 = arith.constant 48 : index
          %get3A_1471 = tpu.vector_load %arg11[%get3A_1469, %get3A_1470] {strides = array<i32>} : memref<128x128xf32, #tpu.memory_space<vmem>>, vector<1x16xf32>,
          %get3A_1472 = vector.shape_cast %get3A_1471 : vector<1x16xf32> to vector<16xf32>
          %mul3A_1473 = vector.broadcast %squeeze3A_1421 : f32 to vector<16xf32>
          %mul3A_1474 = arith.mulf %get3A_1472, %mul3A_1473 : vector<16xf32>
          %add3A_1475 = arith.constant 11 : i32
          %add3A_1476 = arith.addi %mul3A_77, %add3A_1475 : i32
          %swap3A_1477 = arith.index_cast %add3A_1476 : i32 to index
          %swap3A_1478 = arith.constant 48 : index
          %swap3A_1479 = tpu.vector_load %arg11[%swap3A_1477, %swap3A_1478] {strides = array<i32>} : memref<128x128xf32, #tpu.memory_space<vmem>>, vector<1x16xf32>,
          %swap3A_1480 = vector.shape_cast %swap3A_1479 : vector<1x16xf32> to vector<16xf32>
          %swap3A_1481 = vector.shape_cast %mul3A_1474 : vector<16xf32> to vector<1x16xf32>
          tpu.vector_store %arg11[%swap3A_1477, %swap3A_1478], %swap3A_1481 {strides = array<i32>} : memref<128x128xf32, #tpu.memory_space<vmem>>, vector<1x16xf32>,
          %add3A_1482 = arith.constant 11 : i32
          %add3A_1483 = arith.addi %mul3A_77, %add3A_1482 : i32
          %get3A_1484 = arith.index_cast %add3A_1483 : i32 to index
          %get3A_1485 = arith.constant 64 : index
          %get3A_1486 = tpu.vector_load %arg11[%get3A_1484, %get3A_1485] {strides = array<i32>} : memref<128x128xf32, #tpu.memory_space<vmem>>, vector<1x16xf32>,
          %get3A_1487 = vector.shape_cast %get3A_1486 : vector<1x16xf32> to vector<16xf32>
          %mul3A_1488 = vector.broadcast %squeeze3A_1421 : f32 to vector<16xf32>
          %mul3A_1489 = arith.mulf %get3A_1487, %mul3A_1488 : vector<16xf32>
          %add3A_1490 = arith.constant 11 : i32
          %add3A_1491 = arith.addi %mul3A_77, %add3A_1490 : i32
          %swap3A_1492 = arith.index_cast %add3A_1491 : i32 to index
          %swap3A_1493 = arith.constant 64 : index
          %swap3A_1494 = tpu.vector_load %arg11[%swap3A_1492, %swap3A_1493] {strides = array<i32>} : memref<128x128xf32, #tpu.memory_space<vmem>>, vector<1x16xf32>,
          %swap3A_1495 = vector.shape_cast %swap3A_1494 : vector<1x16xf32> to vector<16xf32>
          %swap3A_1496 = vector.shape_cast %mul3A_1489 : vector<16xf32> to vector<1x16xf32>
          tpu.vector_store %arg11[%swap3A_1492, %swap3A_1493], %swap3A_1496 {strides = array<i32>} : memref<128x128xf32, #tpu.memory_space<vmem>>, vector<1x16xf32>,
          %add3A_1497 = arith.constant 11 : i32
          %add3A_1498 = arith.addi %mul3A_77, %add3A_1497 : i32
          %get3A_1499 = arith.index_cast %add3A_1498 : i32 to index
          %get3A_1500 = arith.constant 80 : index
          %get3A_1501 = tpu.vector_load %arg11[%get3A_1499, %get3A_1500] {strides = array<i32>} : memref<128x128xf32, #tpu.memory_space<vmem>>, vector<1x16xf32>,
          %get3A_1502 = vector.shape_cast %get3A_1501 : vector<1x16xf32> to vector<16xf32>
          %mul3A_1503 = vector.broadcast %squeeze3A_1421 : f32 to vector<16xf32>
          %mul3A_1504 = arith.mulf %get3A_1502, %mul3A_1503 : vector<16xf32>
          %add3A_1505 = arith.constant 11 : i32
          %add3A_1506 = arith.addi %mul3A_77, %add3A_1505 : i32
          %swap3A_1507 = arith.index_cast %add3A_1506 : i32 to index
          %swap3A_1508 = arith.constant 80 : index
          %swap3A_1509 = tpu.vector_load %arg11[%swap3A_1507, %swap3A_1508] {strides = array<i32>} : memref<128x128xf32, #tpu.memory_space<vmem>>, vector<1x16xf32>,
          %swap3A_1510 = vector.shape_cast %swap3A_1509 : vector<1x16xf32> to vector<16xf32>
          %swap3A_1511 = vector.shape_cast %mul3A_1504 : vector<16xf32> to vector<1x16xf32>
          tpu.vector_store %arg11[%swap3A_1507, %swap3A_1508], %swap3A_1511 {strides = array<i32>} : memref<128x128xf32, #tpu.memory_space<vmem>>, vector<1x16xf32>,
          %add3A_1512 = arith.constant 11 : i32
          %add3A_1513 = arith.addi %mul3A_77, %add3A_1512 : i32
          %get3A_1514 = arith.index_cast %add3A_1513 : i32 to index
          %get3A_1515 = arith.constant 96 : index
          %get3A_1516 = tpu.vector_load %arg11[%get3A_1514, %get3A_1515] {strides = array<i32>} : memref<128x128xf32, #tpu.memory_space<vmem>>, vector<1x16xf32>,
          %get3A_1517 = vector.shape_cast %get3A_1516 : vector<1x16xf32> to vector<16xf32>
          %mul3A_1518 = vector.broadcast %squeeze3A_1421 : f32 to vector<16xf32>
          %mul3A_1519 = arith.mulf %get3A_1517, %mul3A_1518 : vector<16xf32>
          %add3A_1520 = arith.constant 11 : i32
          %add3A_1521 = arith.addi %mul3A_77, %add3A_1520 : i32
          %swap3A_1522 = arith.index_cast %add3A_1521 : i32 to index
          %swap3A_1523 = arith.constant 96 : index
          %swap3A_1524 = tpu.vector_load %arg11[%swap3A_1522, %swap3A_1523] {strides = array<i32>} : memref<128x128xf32, #tpu.memory_space<vmem>>, vector<1x16xf32>,
          %swap3A_1525 = vector.shape_cast %swap3A_1524 : vector<1x16xf32> to vector<16xf32>
          %swap3A_1526 = vector.shape_cast %mul3A_1519 : vector<16xf32> to vector<1x16xf32>
          tpu.vector_store %arg11[%swap3A_1522, %swap3A_1523], %swap3A_1526 {strides = array<i32>} : memref<128x128xf32, #tpu.memory_space<vmem>>, vector<1x16xf32>,
          %add3A_1527 = arith.constant 11 : i32
          %add3A_1528 = arith.addi %mul3A_77, %add3A_1527 : i32
          %get3A_1529 = arith.index_cast %add3A_1528 : i32 to index
          %get3A_1530 = arith.constant 112 : index
          %get3A_1531 = tpu.vector_load %arg11[%get3A_1529, %get3A_1530] {strides = array<i32>} : memref<128x128xf32, #tpu.memory_space<vmem>>, vector<1x16xf32>,
          %get3A_1532 = vector.shape_cast %get3A_1531 : vector<1x16xf32> to vector<16xf32>
          %mul3A_1533 = vector.broadcast %squeeze3A_1421 : f32 to vector<16xf32>
          %mul3A_1534 = arith.mulf %get3A_1532, %mul3A_1533 : vector<16xf32>
          %add3A_1535 = arith.constant 11 : i32
          %add3A_1536 = arith.addi %mul3A_77, %add3A_1535 : i32
          %swap3A_1537 = arith.index_cast %add3A_1536 : i32 to index
          %swap3A_1538 = arith.constant 112 : index
          %swap3A_1539 = tpu.vector_load %arg11[%swap3A_1537, %swap3A_1538] {strides = array<i32>} : memref<128x128xf32, #tpu.memory_space<vmem>>, vector<1x16xf32>,
          %swap3A_1540 = vector.shape_cast %swap3A_1539 : vector<1x16xf32> to vector<16xf32>
          %swap3A_1541 = vector.shape_cast %mul3A_1534 : vector<16xf32> to vector<1x16xf32>
          tpu.vector_store %arg11[%swap3A_1537, %swap3A_1538], %swap3A_1541 {strides = array<i32>} : memref<128x128xf32, #tpu.memory_space<vmem>>, vector<1x16xf32>,
          %slice3A_1542 = vector.extract_strided_slice %get3A_80 {offsets = [12], sizes = [1], strides = [1]} : vector<16xf32> to vector<1xf32>
          %squeeze3A_1543 = vector.extract %slice3A_1542[0] : f32 from vector<1xf32>
          %add3A_1544 = arith.constant 12 : i32
          %add3A_1545 = arith.addi %mul3A_77, %add3A_1544 : i32
          %get3A_1546 = arith.index_cast %add3A_1545 : i32 to index
          %get3A_1547 = arith.constant 0 : index
          %get3A_1548 = tpu.vector_load %arg11[%get3A_1546, %get3A_1547] {strides = array<i32>} : memref<128x128xf32, #tpu.memory_space<vmem>>, vector<1x16xf32>,
          %get3A_1549 = vector.shape_cast %get3A_1548 : vector<1x16xf32> to vector<16xf32>
          %mul3A_1550 = vector.broadcast %squeeze3A_1543 : f32 to vector<16xf32>
          %mul3A_1551 = arith.mulf %get3A_1549, %mul3A_1550 : vector<16xf32>
          %add3A_1552 = arith.constant 12 : i32
          %add3A_1553 = arith.addi %mul3A_77, %add3A_1552 : i32
          %swap3A_1554 = arith.index_cast %add3A_1553 : i32 to index
          %swap3A_1555 = arith.constant 0 : index
          %swap3A_1556 = tpu.vector_load %arg11[%swap3A_1554, %swap3A_1555] {strides = array<i32>} : memref<128x128xf32, #tpu.memory_space<vmem>>, vector<1x16xf32>,
          %swap3A_1557 = vector.shape_cast %swap3A_1556 : vector<1x16xf32> to vector<16xf32>
          %swap3A_1558 = vector.shape_cast %mul3A_1551 : vector<16xf32> to vector<1x16xf32>
          tpu.vector_store %arg11[%swap3A_1554, %swap3A_1555], %swap3A_1558 {strides = array<i32>} : memref<128x128xf32, #tpu.memory_space<vmem>>, vector<1x16xf32>,
          %add3A_1559 = arith.constant 12 : i32
          %add3A_1560 = arith.addi %mul3A_77, %add3A_1559 : i32
          %get3A_1561 = arith.index_cast %add3A_1560 : i32 to index
          %get3A_1562 = arith.constant 16 : index
          %get3A_1563 = tpu.vector_load %arg11[%get3A_1561, %get3A_1562] {strides = array<i32>} : memref<128x128xf32, #tpu.memory_space<vmem>>, vector<1x16xf32>,
          %get3A_1564 = vector.shape_cast %get3A_1563 : vector<1x16xf32> to vector<16xf32>
          %mul3A_1565 = vector.broadcast %squeeze3A_1543 : f32 to vector<16xf32>
          %mul3A_1566 = arith.mulf %get3A_1564, %mul3A_1565 : vector<16xf32>
          %add3A_1567 = arith.constant 12 : i32
          %add3A_1568 = arith.addi %mul3A_77, %add3A_1567 : i32
          %swap3A_1569 = arith.index_cast %add3A_1568 : i32 to index
          %swap3A_1570 = arith.constant 16 : index
          %swap3A_1571 = tpu.vector_load %arg11[%swap3A_1569, %swap3A_1570] {strides = array<i32>} : memref<128x128xf32, #tpu.memory_space<vmem>>, vector<1x16xf32>,
          %swap3A_1572 = vector.shape_cast %swap3A_1571 : vector<1x16xf32> to vector<16xf32>
          %swap3A_1573 = vector.shape_cast %mul3A_1566 : vector<16xf32> to vector<1x16xf32>
          tpu.vector_store %arg11[%swap3A_1569, %swap3A_1570], %swap3A_1573 {strides = array<i32>} : memref<128x128xf32, #tpu.memory_space<vmem>>, vector<1x16xf32>,
          %add3A_1574 = arith.constant 12 : i32
          %add3A_1575 = arith.addi %mul3A_77, %add3A_1574 : i32
          %get3A_1576 = arith.index_cast %add3A_1575 : i32 to index
          %get3A_1577 = arith.constant 32 : index
          %get3A_1578 = tpu.vector_load %arg11[%get3A_1576, %get3A_1577] {strides = array<i32>} : memref<128x128xf32, #tpu.memory_space<vmem>>, vector<1x16xf32>,
          %get3A_1579 = vector.shape_cast %get3A_1578 : vector<1x16xf32> to vector<16xf32>
          %mul3A_1580 = vector.broadcast %squeeze3A_1543 : f32 to vector<16xf32>
          %mul3A_1581 = arith.mulf %get3A_1579, %mul3A_1580 : vector<16xf32>
          %add3A_1582 = arith.constant 12 : i32
          %add3A_1583 = arith.addi %mul3A_77, %add3A_1582 : i32
          %swap3A_1584 = arith.index_cast %add3A_1583 : i32 to index
          %swap3A_1585 = arith.constant 32 : index
          %swap3A_1586 = tpu.vector_load %arg11[%swap3A_1584, %swap3A_1585] {strides = array<i32>} : memref<128x128xf32, #tpu.memory_space<vmem>>, vector<1x16xf32>,
          %swap3A_1587 = vector.shape_cast %swap3A_1586 : vector<1x16xf32> to vector<16xf32>
          %swap3A_1588 = vector.shape_cast %mul3A_1581 : vector<16xf32> to vector<1x16xf32>
          tpu.vector_store %arg11[%swap3A_1584, %swap3A_1585], %swap3A_1588 {strides = array<i32>} : memref<128x128xf32, #tpu.memory_space<vmem>>, vector<1x16xf32>,
          %add3A_1589 = arith.constant 12 : i32
          %add3A_1590 = arith.addi %mul3A_77, %add3A_1589 : i32
          %get3A_1591 = arith.index_cast %add3A_1590 : i32 to index
          %get3A_1592 = arith.constant 48 : index
          %get3A_1593 = tpu.vector_load %arg11[%get3A_1591, %get3A_1592] {strides = array<i32>} : memref<128x128xf32, #tpu.memory_space<vmem>>, vector<1x16xf32>,
          %get3A_1594 = vector.shape_cast %get3A_1593 : vector<1x16xf32> to vector<16xf32>
          %mul3A_1595 = vector.broadcast %squeeze3A_1543 : f32 to vector<16xf32>
          %mul3A_1596 = arith.mulf %get3A_1594, %mul3A_1595 : vector<16xf32>
          %add3A_1597 = arith.constant 12 : i32
          %add3A_1598 = arith.addi %mul3A_77, %add3A_1597 : i32
          %swap3A_1599 = arith.index_cast %add3A_1598 : i32 to index
          %swap3A_1600 = arith.constant 48 : index
          %swap3A_1601 = tpu.vector_load %arg11[%swap3A_1599, %swap3A_1600] {strides = array<i32>} : memref<128x128xf32, #tpu.memory_space<vmem>>, vector<1x16xf32>,
          %swap3A_1602 = vector.shape_cast %swap3A_1601 : vector<1x16xf32> to vector<16xf32>
          %swap3A_1603 = vector.shape_cast %mul3A_1596 : vector<16xf32> to vector<1x16xf32>
          tpu.vector_store %arg11[%swap3A_1599, %swap3A_1600], %swap3A_1603 {strides = array<i32>} : memref<128x128xf32, #tpu.memory_space<vmem>>, vector<1x16xf32>,
          %add3A_1604 = arith.constant 12 : i32
          %add3A_1605 = arith.addi %mul3A_77, %add3A_1604 : i32
          %get3A_1606 = arith.index_cast %add3A_1605 : i32 to index
          %get3A_1607 = arith.constant 64 : index
          %get3A_1608 = tpu.vector_load %arg11[%get3A_1606, %get3A_1607] {strides = array<i32>} : memref<128x128xf32, #tpu.memory_space<vmem>>, vector<1x16xf32>,
          %get3A_1609 = vector.shape_cast %get3A_1608 : vector<1x16xf32> to vector<16xf32>
          %mul3A_1610 = vector.broadcast %squeeze3A_1543 : f32 to vector<16xf32>
          %mul3A_1611 = arith.mulf %get3A_1609, %mul3A_1610 : vector<16xf32>
          %add3A_1612 = arith.constant 12 : i32
          %add3A_1613 = arith.addi %mul3A_77, %add3A_1612 : i32
          %swap3A_1614 = arith.index_cast %add3A_1613 : i32 to index
          %swap3A_1615 = arith.constant 64 : index
          %swap3A_1616 = tpu.vector_load %arg11[%swap3A_1614, %swap3A_1615] {strides = array<i32>} : memref<128x128xf32, #tpu.memory_space<vmem>>, vector<1x16xf32>,
          %swap3A_1617 = vector.shape_cast %swap3A_1616 : vector<1x16xf32> to vector<16xf32>
          %swap3A_1618 = vector.shape_cast %mul3A_1611 : vector<16xf32> to vector<1x16xf32>
          tpu.vector_store %arg11[%swap3A_1614, %swap3A_1615], %swap3A_1618 {strides = array<i32>} : memref<128x128xf32, #tpu.memory_space<vmem>>, vector<1x16xf32>,
          %add3A_1619 = arith.constant 12 : i32
          %add3A_1620 = arith.addi %mul3A_77, %add3A_1619 : i32
          %get3A_1621 = arith.index_cast %add3A_1620 : i32 to index
          %get3A_1622 = arith.constant 80 : index
          %get3A_1623 = tpu.vector_load %arg11[%get3A_1621, %get3A_1622] {strides = array<i32>} : memref<128x128xf32, #tpu.memory_space<vmem>>, vector<1x16xf32>,
          %get3A_1624 = vector.shape_cast %get3A_1623 : vector<1x16xf32> to vector<16xf32>
          %mul3A_1625 = vector.broadcast %squeeze3A_1543 : f32 to vector<16xf32>
          %mul3A_1626 = arith.mulf %get3A_1624, %mul3A_1625 : vector<16xf32>
          %add3A_1627 = arith.constant 12 : i32
          %add3A_1628 = arith.addi %mul3A_77, %add3A_1627 : i32
          %swap3A_1629 = arith.index_cast %add3A_1628 : i32 to index
          %swap3A_1630 = arith.constant 80 : index
          %swap3A_1631 = tpu.vector_load %arg11[%swap3A_1629, %swap3A_1630] {strides = array<i32>} : memref<128x128xf32, #tpu.memory_space<vmem>>, vector<1x16xf32>,
          %swap3A_1632 = vector.shape_cast %swap3A_1631 : vector<1x16xf32> to vector<16xf32>
          %swap3A_1633 = vector.shape_cast %mul3A_1626 : vector<16xf32> to vector<1x16xf32>
          tpu.vector_store %arg11[%swap3A_1629, %swap3A_1630], %swap3A_1633 {strides = array<i32>} : memref<128x128xf32, #tpu.memory_space<vmem>>, vector<1x16xf32>,
          %add3A_1634 = arith.constant 12 : i32
          %add3A_1635 = arith.addi %mul3A_77, %add3A_1634 : i32
          %get3A_1636 = arith.index_cast %add3A_1635 : i32 to index
          %get3A_1637 = arith.constant 96 : index
          %get3A_1638 = tpu.vector_load %arg11[%get3A_1636, %get3A_1637] {strides = array<i32>} : memref<128x128xf32, #tpu.memory_space<vmem>>, vector<1x16xf32>,
          %get3A_1639 = vector.shape_cast %get3A_1638 : vector<1x16xf32> to vector<16xf32>
          %mul3A_1640 = vector.broadcast %squeeze3A_1543 : f32 to vector<16xf32>
          %mul3A_1641 = arith.mulf %get3A_1639, %mul3A_1640 : vector<16xf32>
          %add3A_1642 = arith.constant 12 : i32
          %add3A_1643 = arith.addi %mul3A_77, %add3A_1642 : i32
          %swap3A_1644 = arith.index_cast %add3A_1643 : i32 to index
          %swap3A_1645 = arith.constant 96 : index
          %swap3A_1646 = tpu.vector_load %arg11[%swap3A_1644, %swap3A_1645] {strides = array<i32>} : memref<128x128xf32, #tpu.memory_space<vmem>>, vector<1x16xf32>,
          %swap3A_1647 = vector.shape_cast %swap3A_1646 : vector<1x16xf32> to vector<16xf32>
          %swap3A_1648 = vector.shape_cast %mul3A_1641 : vector<16xf32> to vector<1x16xf32>
          tpu.vector_store %arg11[%swap3A_1644, %swap3A_1645], %swap3A_1648 {strides = array<i32>} : memref<128x128xf32, #tpu.memory_space<vmem>>, vector<1x16xf32>,
          %add3A_1649 = arith.constant 12 : i32
          %add3A_1650 = arith.addi %mul3A_77, %add3A_1649 : i32
          %get3A_1651 = arith.index_cast %add3A_1650 : i32 to index
          %get3A_1652 = arith.constant 112 : index
          %get3A_1653 = tpu.vector_load %arg11[%get3A_1651, %get3A_1652] {strides = array<i32>} : memref<128x128xf32, #tpu.memory_space<vmem>>, vector<1x16xf32>,
          %get3A_1654 = vector.shape_cast %get3A_1653 : vector<1x16xf32> to vector<16xf32>
          %mul3A_1655 = vector.broadcast %squeeze3A_1543 : f32 to vector<16xf32>
          %mul3A_1656 = arith.mulf %get3A_1654, %mul3A_1655 : vector<16xf32>
          %add3A_1657 = arith.constant 12 : i32
          %add3A_1658 = arith.addi %mul3A_77, %add3A_1657 : i32
          %swap3A_1659 = arith.index_cast %add3A_1658 : i32 to index
          %swap3A_1660 = arith.constant 112 : index
          %swap3A_1661 = tpu.vector_load %arg11[%swap3A_1659, %swap3A_1660] {strides = array<i32>} : memref<128x128xf32, #tpu.memory_space<vmem>>, vector<1x16xf32>,
          %swap3A_1662 = vector.shape_cast %swap3A_1661 : vector<1x16xf32> to vector<16xf32>
          %swap3A_1663 = vector.shape_cast %mul3A_1656 : vector<16xf32> to vector<1x16xf32>
          tpu.vector_store %arg11[%swap3A_1659, %swap3A_1660], %swap3A_1663 {strides = array<i32>} : memref<128x128xf32, #tpu.memory_space<vmem>>, vector<1x16xf32>,
          %slice3A_1664 = vector.extract_strided_slice %get3A_80 {offsets = [13], sizes = [1], strides = [1]} : vector<16xf32> to vector<1xf32>
          %squeeze3A_1665 = vector.extract %slice3A_1664[0] : f32 from vector<1xf32>
          %add3A_1666 = arith.constant 13 : i32
          %add3A_1667 = arith.addi %mul3A_77, %add3A_1666 : i32
          %get3A_1668 = arith.index_cast %add3A_1667 : i32 to index
          %get3A_1669 = arith.constant 0 : index
          %get3A_1670 = tpu.vector_load %arg11[%get3A_1668, %get3A_1669] {strides = array<i32>} : memref<128x128xf32, #tpu.memory_space<vmem>>, vector<1x16xf32>,
          %get3A_1671 = vector.shape_cast %get3A_1670 : vector<1x16xf32> to vector<16xf32>
          %mul3A_1672 = vector.broadcast %squeeze3A_1665 : f32 to vector<16xf32>
          %mul3A_1673 = arith.mulf %get3A_1671, %mul3A_1672 : vector<16xf32>
          %add3A_1674 = arith.constant 13 : i32
          %add3A_1675 = arith.addi %mul3A_77, %add3A_1674 : i32
          %swap3A_1676 = arith.index_cast %add3A_1675 : i32 to index
          %swap3A_1677 = arith.constant 0 : index
          %swap3A_1678 = tpu.vector_load %arg11[%swap3A_1676, %swap3A_1677] {strides = array<i32>} : memref<128x128xf32, #tpu.memory_space<vmem>>, vector<1x16xf32>,
          %swap3A_1679 = vector.shape_cast %swap3A_1678 : vector<1x16xf32> to vector<16xf32>
          %swap3A_1680 = vector.shape_cast %mul3A_1673 : vector<16xf32> to vector<1x16xf32>
          tpu.vector_store %arg11[%swap3A_1676, %swap3A_1677], %swap3A_1680 {strides = array<i32>} : memref<128x128xf32, #tpu.memory_space<vmem>>, vector<1x16xf32>,
          %add3A_1681 = arith.constant 13 : i32
          %add3A_1682 = arith.addi %mul3A_77, %add3A_1681 : i32
          %get3A_1683 = arith.index_cast %add3A_1682 : i32 to index
          %get3A_1684 = arith.constant 16 : index
          %get3A_1685 = tpu.vector_load %arg11[%get3A_1683, %get3A_1684] {strides = array<i32>} : memref<128x128xf32, #tpu.memory_space<vmem>>, vector<1x16xf32>,
          %get3A_1686 = vector.shape_cast %get3A_1685 : vector<1x16xf32> to vector<16xf32>
          %mul3A_1687 = vector.broadcast %squeeze3A_1665 : f32 to vector<16xf32>
          %mul3A_1688 = arith.mulf %get3A_1686, %mul3A_1687 : vector<16xf32>
          %add3A_1689 = arith.constant 13 : i32
          %add3A_1690 = arith.addi %mul3A_77, %add3A_1689 : i32
          %swap3A_1691 = arith.index_cast %add3A_1690 : i32 to index
          %swap3A_1692 = arith.constant 16 : index
          %swap3A_1693 = tpu.vector_load %arg11[%swap3A_1691, %swap3A_1692] {strides = array<i32>} : memref<128x128xf32, #tpu.memory_space<vmem>>, vector<1x16xf32>,
          %swap3A_1694 = vector.shape_cast %swap3A_1693 : vector<1x16xf32> to vector<16xf32>
          %swap3A_1695 = vector.shape_cast %mul3A_1688 : vector<16xf32> to vector<1x16xf32>
          tpu.vector_store %arg11[%swap3A_1691, %swap3A_1692], %swap3A_1695 {strides = array<i32>} : memref<128x128xf32, #tpu.memory_space<vmem>>, vector<1x16xf32>,
          %add3A_1696 = arith.constant 13 : i32
          %add3A_1697 = arith.addi %mul3A_77, %add3A_1696 : i32
          %get3A_1698 = arith.index_cast %add3A_1697 : i32 to index
          %get3A_1699 = arith.constant 32 : index
          %get3A_1700 = tpu.vector_load %arg11[%get3A_1698, %get3A_1699] {strides = array<i32>} : memref<128x128xf32, #tpu.memory_space<vmem>>, vector<1x16xf32>,
          %get3A_1701 = vector.shape_cast %get3A_1700 : vector<1x16xf32> to vector<16xf32>
          %mul3A_1702 = vector.broadcast %squeeze3A_1665 : f32 to vector<16xf32>
          %mul3A_1703 = arith.mulf %get3A_1701, %mul3A_1702 : vector<16xf32>
          %add3A_1704 = arith.constant 13 : i32
          %add3A_1705 = arith.addi %mul3A_77, %add3A_1704 : i32
          %swap3A_1706 = arith.index_cast %add3A_1705 : i32 to index
          %swap3A_1707 = arith.constant 32 : index
          %swap3A_1708 = tpu.vector_load %arg11[%swap3A_1706, %swap3A_1707] {strides = array<i32>} : memref<128x128xf32, #tpu.memory_space<vmem>>, vector<1x16xf32>,
          %swap3A_1709 = vector.shape_cast %swap3A_1708 : vector<1x16xf32> to vector<16xf32>
          %swap3A_1710 = vector.shape_cast %mul3A_1703 : vector<16xf32> to vector<1x16xf32>
          tpu.vector_store %arg11[%swap3A_1706, %swap3A_1707], %swap3A_1710 {strides = array<i32>} : memref<128x128xf32, #tpu.memory_space<vmem>>, vector<1x16xf32>,
          %add3A_1711 = arith.constant 13 : i32
          %add3A_1712 = arith.addi %mul3A_77, %add3A_1711 : i32
          %get3A_1713 = arith.index_cast %add3A_1712 : i32 to index
          %get3A_1714 = arith.constant 48 : index
          %get3A_1715 = tpu.vector_load %arg11[%get3A_1713, %get3A_1714] {strides = array<i32>} : memref<128x128xf32, #tpu.memory_space<vmem>>, vector<1x16xf32>,
          %get3A_1716 = vector.shape_cast %get3A_1715 : vector<1x16xf32> to vector<16xf32>
          %mul3A_1717 = vector.broadcast %squeeze3A_1665 : f32 to vector<16xf32>
          %mul3A_1718 = arith.mulf %get3A_1716, %mul3A_1717 : vector<16xf32>
          %add3A_1719 = arith.constant 13 : i32
          %add3A_1720 = arith.addi %mul3A_77, %add3A_1719 : i32
          %swap3A_1721 = arith.index_cast %add3A_1720 : i32 to index
          %swap3A_1722 = arith.constant 48 : index
          %swap3A_1723 = tpu.vector_load %arg11[%swap3A_1721, %swap3A_1722] {strides = array<i32>} : memref<128x128xf32, #tpu.memory_space<vmem>>, vector<1x16xf32>,
          %swap3A_1724 = vector.shape_cast %swap3A_1723 : vector<1x16xf32> to vector<16xf32>
          %swap3A_1725 = vector.shape_cast %mul3A_1718 : vector<16xf32> to vector<1x16xf32>
          tpu.vector_store %arg11[%swap3A_1721, %swap3A_1722], %swap3A_1725 {strides = array<i32>} : memref<128x128xf32, #tpu.memory_space<vmem>>, vector<1x16xf32>,
          %add3A_1726 = arith.constant 13 : i32
          %add3A_1727 = arith.addi %mul3A_77, %add3A_1726 : i32
          %get3A_1728 = arith.index_cast %add3A_1727 : i32 to index
          %get3A_1729 = arith.constant 64 : index
          %get3A_1730 = tpu.vector_load %arg11[%get3A_1728, %get3A_1729] {strides = array<i32>} : memref<128x128xf32, #tpu.memory_space<vmem>>, vector<1x16xf32>,
          %get3A_1731 = vector.shape_cast %get3A_1730 : vector<1x16xf32> to vector<16xf32>
          %mul3A_1732 = vector.broadcast %squeeze3A_1665 : f32 to vector<16xf32>
          %mul3A_1733 = arith.mulf %get3A_1731, %mul3A_1732 : vector<16xf32>
          %add3A_1734 = arith.constant 13 : i32
          %add3A_1735 = arith.addi %mul3A_77, %add3A_1734 : i32
          %swap3A_1736 = arith.index_cast %add3A_1735 : i32 to index
          %swap3A_1737 = arith.constant 64 : index
          %swap3A_1738 = tpu.vector_load %arg11[%swap3A_1736, %swap3A_1737] {strides = array<i32>} : memref<128x128xf32, #tpu.memory_space<vmem>>, vector<1x16xf32>,
          %swap3A_1739 = vector.shape_cast %swap3A_1738 : vector<1x16xf32> to vector<16xf32>
          %swap3A_1740 = vector.shape_cast %mul3A_1733 : vector<16xf32> to vector<1x16xf32>
          tpu.vector_store %arg11[%swap3A_1736, %swap3A_1737], %swap3A_1740 {strides = array<i32>} : memref<128x128xf32, #tpu.memory_space<vmem>>, vector<1x16xf32>,
          %add3A_1741 = arith.constant 13 : i32
          %add3A_1742 = arith.addi %mul3A_77, %add3A_1741 : i32
          %get3A_1743 = arith.index_cast %add3A_1742 : i32 to index
          %get3A_1744 = arith.constant 80 : index
          %get3A_1745 = tpu.vector_load %arg11[%get3A_1743, %get3A_1744] {strides = array<i32>} : memref<128x128xf32, #tpu.memory_space<vmem>>, vector<1x16xf32>,
          %get3A_1746 = vector.shape_cast %get3A_1745 : vector<1x16xf32> to vector<16xf32>
          %mul3A_1747 = vector.broadcast %squeeze3A_1665 : f32 to vector<16xf32>
          %mul3A_1748 = arith.mulf %get3A_1746, %mul3A_1747 : vector<16xf32>
          %add3A_1749 = arith.constant 13 : i32
          %add3A_1750 = arith.addi %mul3A_77, %add3A_1749 : i32
          %swap3A_1751 = arith.index_cast %add3A_1750 : i32 to index
          %swap3A_1752 = arith.constant 80 : index
          %swap3A_1753 = tpu.vector_load %arg11[%swap3A_1751, %swap3A_1752] {strides = array<i32>} : memref<128x128xf32, #tpu.memory_space<vmem>>, vector<1x16xf32>,
          %swap3A_1754 = vector.shape_cast %swap3A_1753 : vector<1x16xf32> to vector<16xf32>
          %swap3A_1755 = vector.shape_cast %mul3A_1748 : vector<16xf32> to vector<1x16xf32>
          tpu.vector_store %arg11[%swap3A_1751, %swap3A_1752], %swap3A_1755 {strides = array<i32>} : memref<128x128xf32, #tpu.memory_space<vmem>>, vector<1x16xf32>,
          %add3A_1756 = arith.constant 13 : i32
          %add3A_1757 = arith.addi %mul3A_77, %add3A_1756 : i32
          %get3A_1758 = arith.index_cast %add3A_1757 : i32 to index
          %get3A_1759 = arith.constant 96 : index
          %get3A_1760 = tpu.vector_load %arg11[%get3A_1758, %get3A_1759] {strides = array<i32>} : memref<128x128xf32, #tpu.memory_space<vmem>>, vector<1x16xf32>,
          %get3A_1761 = vector.shape_cast %get3A_1760 : vector<1x16xf32> to vector<16xf32>
          %mul3A_1762 = vector.broadcast %squeeze3A_1665 : f32 to vector<16xf32>
          %mul3A_1763 = arith.mulf %get3A_1761, %mul3A_1762 : vector<16xf32>
          %add3A_1764 = arith.constant 13 : i32
          %add3A_1765 = arith.addi %mul3A_77, %add3A_1764 : i32
          %swap3A_1766 = arith.index_cast %add3A_1765 : i32 to index
          %swap3A_1767 = arith.constant 96 : index
          %swap3A_1768 = tpu.vector_load %arg11[%swap3A_1766, %swap3A_1767] {strides = array<i32>} : memref<128x128xf32, #tpu.memory_space<vmem>>, vector<1x16xf32>,
          %swap3A_1769 = vector.shape_cast %swap3A_1768 : vector<1x16xf32> to vector<16xf32>
          %swap3A_1770 = vector.shape_cast %mul3A_1763 : vector<16xf32> to vector<1x16xf32>
          tpu.vector_store %arg11[%swap3A_1766, %swap3A_1767], %swap3A_1770 {strides = array<i32>} : memref<128x128xf32, #tpu.memory_space<vmem>>, vector<1x16xf32>,
          %add3A_1771 = arith.constant 13 : i32
          %add3A_1772 = arith.addi %mul3A_77, %add3A_1771 : i32
          %get3A_1773 = arith.index_cast %add3A_1772 : i32 to index
          %get3A_1774 = arith.constant 112 : index
          %get3A_1775 = tpu.vector_load %arg11[%get3A_1773, %get3A_1774] {strides = array<i32>} : memref<128x128xf32, #tpu.memory_space<vmem>>, vector<1x16xf32>,
          %get3A_1776 = vector.shape_cast %get3A_1775 : vector<1x16xf32> to vector<16xf32>
          %mul3A_1777 = vector.broadcast %squeeze3A_1665 : f32 to vector<16xf32>
          %mul3A_1778 = arith.mulf %get3A_1776, %mul3A_1777 : vector<16xf32>
          %add3A_1779 = arith.constant 13 : i32
          %add3A_1780 = arith.addi %mul3A_77, %add3A_1779 : i32
          %swap3A_1781 = arith.index_cast %add3A_1780 : i32 to index
          %swap3A_1782 = arith.constant 112 : index
          %swap3A_1783 = tpu.vector_load %arg11[%swap3A_1781, %swap3A_1782] {strides = array<i32>} : memref<128x128xf32, #tpu.memory_space<vmem>>, vector<1x16xf32>,
          %swap3A_1784 = vector.shape_cast %swap3A_1783 : vector<1x16xf32> to vector<16xf32>
          %swap3A_1785 = vector.shape_cast %mul3A_1778 : vector<16xf32> to vector<1x16xf32>
          tpu.vector_store %arg11[%swap3A_1781, %swap3A_1782], %swap3A_1785 {strides = array<i32>} : memref<128x128xf32, #tpu.memory_space<vmem>>, vector<1x16xf32>,
          %slice3A_1786 = vector.extract_strided_slice %get3A_80 {offsets = [14], sizes = [1], strides = [1]} : vector<16xf32> to vector<1xf32>
          %squeeze3A_1787 = vector.extract %slice3A_1786[0] : f32 from vector<1xf32>
          %add3A_1788 = arith.constant 14 : i32
          %add3A_1789 = arith.addi %mul3A_77, %add3A_1788 : i32
          %get3A_1790 = arith.index_cast %add3A_1789 : i32 to index
          %get3A_1791 = arith.constant 0 : index
          %get3A_1792 = tpu.vector_load %arg11[%get3A_1790, %get3A_1791] {strides = array<i32>} : memref<128x128xf32, #tpu.memory_space<vmem>>, vector<1x16xf32>,
          %get3A_1793 = vector.shape_cast %get3A_1792 : vector<1x16xf32> to vector<16xf32>
          %mul3A_1794 = vector.broadcast %squeeze3A_1787 : f32 to vector<16xf32>
          %mul3A_1795 = arith.mulf %get3A_1793, %mul3A_1794 : vector<16xf32>
          %add3A_1796 = arith.constant 14 : i32
          %add3A_1797 = arith.addi %mul3A_77, %add3A_1796 : i32
          %swap3A_1798 = arith.index_cast %add3A_1797 : i32 to index
          %swap3A_1799 = arith.constant 0 : index
          %swap3A_1800 = tpu.vector_load %arg11[%swap3A_1798, %swap3A_1799] {strides = array<i32>} : memref<128x128xf32, #tpu.memory_space<vmem>>, vector<1x16xf32>,
          %swap3A_1801 = vector.shape_cast %swap3A_1800 : vector<1x16xf32> to vector<16xf32>
          %swap3A_1802 = vector.shape_cast %mul3A_1795 : vector<16xf32> to vector<1x16xf32>
          tpu.vector_store %arg11[%swap3A_1798, %swap3A_1799], %swap3A_1802 {strides = array<i32>} : memref<128x128xf32, #tpu.memory_space<vmem>>, vector<1x16xf32>,
          %add3A_1803 = arith.constant 14 : i32
          %add3A_1804 = arith.addi %mul3A_77, %add3A_1803 : i32
          %get3A_1805 = arith.index_cast %add3A_1804 : i32 to index
          %get3A_1806 = arith.constant 16 : index
          %get3A_1807 = tpu.vector_load %arg11[%get3A_1805, %get3A_1806] {strides = array<i32>} : memref<128x128xf32, #tpu.memory_space<vmem>>, vector<1x16xf32>,
          %get3A_1808 = vector.shape_cast %get3A_1807 : vector<1x16xf32> to vector<16xf32>
          %mul3A_1809 = vector.broadcast %squeeze3A_1787 : f32 to vector<16xf32>
          %mul3A_1810 = arith.mulf %get3A_1808, %mul3A_1809 : vector<16xf32>
          %add3A_1811 = arith.constant 14 : i32
          %add3A_1812 = arith.addi %mul3A_77, %add3A_1811 : i32
          %swap3A_1813 = arith.index_cast %add3A_1812 : i32 to index
          %swap3A_1814 = arith.constant 16 : index
          %swap3A_1815 = tpu.vector_load %arg11[%swap3A_1813, %swap3A_1814] {strides = array<i32>} : memref<128x128xf32, #tpu.memory_space<vmem>>, vector<1x16xf32>,
          %swap3A_1816 = vector.shape_cast %swap3A_1815 : vector<1x16xf32> to vector<16xf32>
          %swap3A_1817 = vector.shape_cast %mul3A_1810 : vector<16xf32> to vector<1x16xf32>
          tpu.vector_store %arg11[%swap3A_1813, %swap3A_1814], %swap3A_1817 {strides = array<i32>} : memref<128x128xf32, #tpu.memory_space<vmem>>, vector<1x16xf32>,
          %add3A_1818 = arith.constant 14 : i32
          %add3A_1819 = arith.addi %mul3A_77, %add3A_1818 : i32
          %get3A_1820 = arith.index_cast %add3A_1819 : i32 to index
          %get3A_1821 = arith.constant 32 : index
          %get3A_1822 = tpu.vector_load %arg11[%get3A_1820, %get3A_1821] {strides = array<i32>} : memref<128x128xf32, #tpu.memory_space<vmem>>, vector<1x16xf32>,
          %get3A_1823 = vector.shape_cast %get3A_1822 : vector<1x16xf32> to vector<16xf32>
          %mul3A_1824 = vector.broadcast %squeeze3A_1787 : f32 to vector<16xf32>
          %mul3A_1825 = arith.mulf %get3A_1823, %mul3A_1824 : vector<16xf32>
          %add3A_1826 = arith.constant 14 : i32
          %add3A_1827 = arith.addi %mul3A_77, %add3A_1826 : i32
          %swap3A_1828 = arith.index_cast %add3A_1827 : i32 to index
          %swap3A_1829 = arith.constant 32 : index
          %swap3A_1830 = tpu.vector_load %arg11[%swap3A_1828, %swap3A_1829] {strides = array<i32>} : memref<128x128xf32, #tpu.memory_space<vmem>>, vector<1x16xf32>,
          %swap3A_1831 = vector.shape_cast %swap3A_1830 : vector<1x16xf32> to vector<16xf32>
          %swap3A_1832 = vector.shape_cast %mul3A_1825 : vector<16xf32> to vector<1x16xf32>
          tpu.vector_store %arg11[%swap3A_1828, %swap3A_1829], %swap3A_1832 {strides = array<i32>} : memref<128x128xf32, #tpu.memory_space<vmem>>, vector<1x16xf32>,
          %add3A_1833 = arith.constant 14 : i32
          %add3A_1834 = arith.addi %mul3A_77, %add3A_1833 : i32
          %get3A_1835 = arith.index_cast %add3A_1834 : i32 to index
          %get3A_1836 = arith.constant 48 : index
          %get3A_1837 = tpu.vector_load %arg11[%get3A_1835, %get3A_1836] {strides = array<i32>} : memref<128x128xf32, #tpu.memory_space<vmem>>, vector<1x16xf32>,
          %get3A_1838 = vector.shape_cast %get3A_1837 : vector<1x16xf32> to vector<16xf32>
          %mul3A_1839 = vector.broadcast %squeeze3A_1787 : f32 to vector<16xf32>
          %mul3A_1840 = arith.mulf %get3A_1838, %mul3A_1839 : vector<16xf32>
          %add3A_1841 = arith.constant 14 : i32
          %add3A_1842 = arith.addi %mul3A_77, %add3A_1841 : i32
          %swap3A_1843 = arith.index_cast %add3A_1842 : i32 to index
          %swap3A_1844 = arith.constant 48 : index
          %swap3A_1845 = tpu.vector_load %arg11[%swap3A_1843, %swap3A_1844] {strides = array<i32>} : memref<128x128xf32, #tpu.memory_space<vmem>>, vector<1x16xf32>,
          %swap3A_1846 = vector.shape_cast %swap3A_1845 : vector<1x16xf32> to vector<16xf32>
          %swap3A_1847 = vector.shape_cast %mul3A_1840 : vector<16xf32> to vector<1x16xf32>
          tpu.vector_store %arg11[%swap3A_1843, %swap3A_1844], %swap3A_1847 {strides = array<i32>} : memref<128x128xf32, #tpu.memory_space<vmem>>, vector<1x16xf32>,
          %add3A_1848 = arith.constant 14 : i32
          %add3A_1849 = arith.addi %mul3A_77, %add3A_1848 : i32
          %get3A_1850 = arith.index_cast %add3A_1849 : i32 to index
          %get3A_1851 = arith.constant 64 : index
          %get3A_1852 = tpu.vector_load %arg11[%get3A_1850, %get3A_1851] {strides = array<i32>} : memref<128x128xf32, #tpu.memory_space<vmem>>, vector<1x16xf32>,
          %get3A_1853 = vector.shape_cast %get3A_1852 : vector<1x16xf32> to vector<16xf32>
          %mul3A_1854 = vector.broadcast %squeeze3A_1787 : f32 to vector<16xf32>
          %mul3A_1855 = arith.mulf %get3A_1853, %mul3A_1854 : vector<16xf32>
          %add3A_1856 = arith.constant 14 : i32
          %add3A_1857 = arith.addi %mul3A_77, %add3A_1856 : i32
          %swap3A_1858 = arith.index_cast %add3A_1857 : i32 to index
          %swap3A_1859 = arith.constant 64 : index
          %swap3A_1860 = tpu.vector_load %arg11[%swap3A_1858, %swap3A_1859] {strides = array<i32>} : memref<128x128xf32, #tpu.memory_space<vmem>>, vector<1x16xf32>,
          %swap3A_1861 = vector.shape_cast %swap3A_1860 : vector<1x16xf32> to vector<16xf32>
          %swap3A_1862 = vector.shape_cast %mul3A_1855 : vector<16xf32> to vector<1x16xf32>
          tpu.vector_store %arg11[%swap3A_1858, %swap3A_1859], %swap3A_1862 {strides = array<i32>} : memref<128x128xf32, #tpu.memory_space<vmem>>, vector<1x16xf32>,
          %add3A_1863 = arith.constant 14 : i32
          %add3A_1864 = arith.addi %mul3A_77, %add3A_1863 : i32
          %get3A_1865 = arith.index_cast %add3A_1864 : i32 to index
          %get3A_1866 = arith.constant 80 : index
          %get3A_1867 = tpu.vector_load %arg11[%get3A_1865, %get3A_1866] {strides = array<i32>} : memref<128x128xf32, #tpu.memory_space<vmem>>, vector<1x16xf32>,
          %get3A_1868 = vector.shape_cast %get3A_1867 : vector<1x16xf32> to vector<16xf32>
          %mul3A_1869 = vector.broadcast %squeeze3A_1787 : f32 to vector<16xf32>
          %mul3A_1870 = arith.mulf %get3A_1868, %mul3A_1869 : vector<16xf32>
          %add3A_1871 = arith.constant 14 : i32
          %add3A_1872 = arith.addi %mul3A_77, %add3A_1871 : i32
          %swap3A_1873 = arith.index_cast %add3A_1872 : i32 to index
          %swap3A_1874 = arith.constant 80 : index
          %swap3A_1875 = tpu.vector_load %arg11[%swap3A_1873, %swap3A_1874] {strides = array<i32>} : memref<128x128xf32, #tpu.memory_space<vmem>>, vector<1x16xf32>,
          %swap3A_1876 = vector.shape_cast %swap3A_1875 : vector<1x16xf32> to vector<16xf32>
          %swap3A_1877 = vector.shape_cast %mul3A_1870 : vector<16xf32> to vector<1x16xf32>
          tpu.vector_store %arg11[%swap3A_1873, %swap3A_1874], %swap3A_1877 {strides = array<i32>} : memref<128x128xf32, #tpu.memory_space<vmem>>, vector<1x16xf32>,
          %add3A_1878 = arith.constant 14 : i32
          %add3A_1879 = arith.addi %mul3A_77, %add3A_1878 : i32
          %get3A_1880 = arith.index_cast %add3A_1879 : i32 to index
          %get3A_1881 = arith.constant 96 : index
          %get3A_1882 = tpu.vector_load %arg11[%get3A_1880, %get3A_1881] {strides = array<i32>} : memref<128x128xf32, #tpu.memory_space<vmem>>, vector<1x16xf32>,
          %get3A_1883 = vector.shape_cast %get3A_1882 : vector<1x16xf32> to vector<16xf32>
          %mul3A_1884 = vector.broadcast %squeeze3A_1787 : f32 to vector<16xf32>
          %mul3A_1885 = arith.mulf %get3A_1883, %mul3A_1884 : vector<16xf32>
          %add3A_1886 = arith.constant 14 : i32
          %add3A_1887 = arith.addi %mul3A_77, %add3A_1886 : i32
          %swap3A_1888 = arith.index_cast %add3A_1887 : i32 to index
          %swap3A_1889 = arith.constant 96 : index
          %swap3A_1890 = tpu.vector_load %arg11[%swap3A_1888, %swap3A_1889] {strides = array<i32>} : memref<128x128xf32, #tpu.memory_space<vmem>>, vector<1x16xf32>,
          %swap3A_1891 = vector.shape_cast %swap3A_1890 : vector<1x16xf32> to vector<16xf32>
          %swap3A_1892 = vector.shape_cast %mul3A_1885 : vector<16xf32> to vector<1x16xf32>
          tpu.vector_store %arg11[%swap3A_1888, %swap3A_1889], %swap3A_1892 {strides = array<i32>} : memref<128x128xf32, #tpu.memory_space<vmem>>, vector<1x16xf32>,
          %add3A_1893 = arith.constant 14 : i32
          %add3A_1894 = arith.addi %mul3A_77, %add3A_1893 : i32
          %get3A_1895 = arith.index_cast %add3A_1894 : i32 to index
          %get3A_1896 = arith.constant 112 : index
          %get3A_1897 = tpu.vector_load %arg11[%get3A_1895, %get3A_1896] {strides = array<i32>} : memref<128x128xf32, #tpu.memory_space<vmem>>, vector<1x16xf32>,
          %get3A_1898 = vector.shape_cast %get3A_1897 : vector<1x16xf32> to vector<16xf32>
          %mul3A_1899 = vector.broadcast %squeeze3A_1787 : f32 to vector<16xf32>
          %mul3A_1900 = arith.mulf %get3A_1898, %mul3A_1899 : vector<16xf32>
          %add3A_1901 = arith.constant 14 : i32
          %add3A_1902 = arith.addi %mul3A_77, %add3A_1901 : i32
          %swap3A_1903 = arith.index_cast %add3A_1902 : i32 to index
          %swap3A_1904 = arith.constant 112 : index
          %swap3A_1905 = tpu.vector_load %arg11[%swap3A_1903, %swap3A_1904] {strides = array<i32>} : memref<128x128xf32, #tpu.memory_space<vmem>>, vector<1x16xf32>,
          %swap3A_1906 = vector.shape_cast %swap3A_1905 : vector<1x16xf32> to vector<16xf32>
          %swap3A_1907 = vector.shape_cast %mul3A_1900 : vector<16xf32> to vector<1x16xf32>
          tpu.vector_store %arg11[%swap3A_1903, %swap3A_1904], %swap3A_1907 {strides = array<i32>} : memref<128x128xf32, #tpu.memory_space<vmem>>, vector<1x16xf32>,
          %slice3A_1908 = vector.extract_strided_slice %get3A_80 {offsets = [15], sizes = [1], strides = [1]} : vector<16xf32> to vector<1xf32>
          %squeeze3A_1909 = vector.extract %slice3A_1908[0] : f32 from vector<1xf32>
          %add3A_1910 = arith.constant 15 : i32
          %add3A_1911 = arith.addi %mul3A_77, %add3A_1910 : i32
          %get3A_1912 = arith.index_cast %add3A_1911 : i32 to index
          %get3A_1913 = arith.constant 0 : index
          %get3A_1914 = tpu.vector_load %arg11[%get3A_1912, %get3A_1913] {strides = array<i32>} : memref<128x128xf32, #tpu.memory_space<vmem>>, vector<1x16xf32>,
          %get3A_1915 = vector.shape_cast %get3A_1914 : vector<1x16xf32> to vector<16xf32>
          %mul3A_1916 = vector.broadcast %squeeze3A_1909 : f32 to vector<16xf32>
          %mul3A_1917 = arith.mulf %get3A_1915, %mul3A_1916 : vector<16xf32>
          %add3A_1918 = arith.constant 15 : i32
          %add3A_1919 = arith.addi %mul3A_77, %add3A_1918 : i32
          %swap3A_1920 = arith.index_cast %add3A_1919 : i32 to index
          %swap3A_1921 = arith.constant 0 : index
          %swap3A_1922 = tpu.vector_load %arg11[%swap3A_1920, %swap3A_1921] {strides = array<i32>} : memref<128x128xf32, #tpu.memory_space<vmem>>, vector<1x16xf32>,
          %swap3A_1923 = vector.shape_cast %swap3A_1922 : vector<1x16xf32> to vector<16xf32>
          %swap3A_1924 = vector.shape_cast %mul3A_1917 : vector<16xf32> to vector<1x16xf32>
          tpu.vector_store %arg11[%swap3A_1920, %swap3A_1921], %swap3A_1924 {strides = array<i32>} : memref<128x128xf32, #tpu.memory_space<vmem>>, vector<1x16xf32>,
          %add3A_1925 = arith.constant 15 : i32
          %add3A_1926 = arith.addi %mul3A_77, %add3A_1925 : i32
          %get3A_1927 = arith.index_cast %add3A_1926 : i32 to index
          %get3A_1928 = arith.constant 16 : index
          %get3A_1929 = tpu.vector_load %arg11[%get3A_1927, %get3A_1928] {strides = array<i32>} : memref<128x128xf32, #tpu.memory_space<vmem>>, vector<1x16xf32>,
          %get3A_1930 = vector.shape_cast %get3A_1929 : vector<1x16xf32> to vector<16xf32>
          %mul3A_1931 = vector.broadcast %squeeze3A_1909 : f32 to vector<16xf32>
          %mul3A_1932 = arith.mulf %get3A_1930, %mul3A_1931 : vector<16xf32>
          %add3A_1933 = arith.constant 15 : i32
          %add3A_1934 = arith.addi %mul3A_77, %add3A_1933 : i32
          %swap3A_1935 = arith.index_cast %add3A_1934 : i32 to index
          %swap3A_1936 = arith.constant 16 : index
          %swap3A_1937 = tpu.vector_load %arg11[%swap3A_1935, %swap3A_1936] {strides = array<i32>} : memref<128x128xf32, #tpu.memory_space<vmem>>, vector<1x16xf32>,
          %swap3A_1938 = vector.shape_cast %swap3A_1937 : vector<1x16xf32> to vector<16xf32>
          %swap3A_1939 = vector.shape_cast %mul3A_1932 : vector<16xf32> to vector<1x16xf32>
          tpu.vector_store %arg11[%swap3A_1935, %swap3A_1936], %swap3A_1939 {strides = array<i32>} : memref<128x128xf32, #tpu.memory_space<vmem>>, vector<1x16xf32>,
          %add3A_1940 = arith.constant 15 : i32
          %add3A_1941 = arith.addi %mul3A_77, %add3A_1940 : i32
          %get3A_1942 = arith.index_cast %add3A_1941 : i32 to index
          %get3A_1943 = arith.constant 32 : index
          %get3A_1944 = tpu.vector_load %arg11[%get3A_1942, %get3A_1943] {strides = array<i32>} : memref<128x128xf32, #tpu.memory_space<vmem>>, vector<1x16xf32>,
          %get3A_1945 = vector.shape_cast %get3A_1944 : vector<1x16xf32> to vector<16xf32>
          %mul3A_1946 = vector.broadcast %squeeze3A_1909 : f32 to vector<16xf32>
          %mul3A_1947 = arith.mulf %get3A_1945, %mul3A_1946 : vector<16xf32>
          %add3A_1948 = arith.constant 15 : i32
          %add3A_1949 = arith.addi %mul3A_77, %add3A_1948 : i32
          %swap3A_1950 = arith.index_cast %add3A_1949 : i32 to index
          %swap3A_1951 = arith.constant 32 : index
          %swap3A_1952 = tpu.vector_load %arg11[%swap3A_1950, %swap3A_1951] {strides = array<i32>} : memref<128x128xf32, #tpu.memory_space<vmem>>, vector<1x16xf32>,
          %swap3A_1953 = vector.shape_cast %swap3A_1952 : vector<1x16xf32> to vector<16xf32>
          %swap3A_1954 = vector.shape_cast %mul3A_1947 : vector<16xf32> to vector<1x16xf32>
          tpu.vector_store %arg11[%swap3A_1950, %swap3A_1951], %swap3A_1954 {strides = array<i32>} : memref<128x128xf32, #tpu.memory_space<vmem>>, vector<1x16xf32>,
          %add3A_1955 = arith.constant 15 : i32
          %add3A_1956 = arith.addi %mul3A_77, %add3A_1955 : i32
          %get3A_1957 = arith.index_cast %add3A_1956 : i32 to index
          %get3A_1958 = arith.constant 48 : index
          %get3A_1959 = tpu.vector_load %arg11[%get3A_1957, %get3A_1958] {strides = array<i32>} : memref<128x128xf32, #tpu.memory_space<vmem>>, vector<1x16xf32>,
          %get3A_1960 = vector.shape_cast %get3A_1959 : vector<1x16xf32> to vector<16xf32>
          %mul3A_1961 = vector.broadcast %squeeze3A_1909 : f32 to vector<16xf32>
          %mul3A_1962 = arith.mulf %get3A_1960, %mul3A_1961 : vector<16xf32>
          %add3A_1963 = arith.constant 15 : i32
          %add3A_1964 = arith.addi %mul3A_77, %add3A_1963 : i32
          %swap3A_1965 = arith.index_cast %add3A_1964 : i32 to index
          %swap3A_1966 = arith.constant 48 : index
          %swap3A_1967 = tpu.vector_load %arg11[%swap3A_1965, %swap3A_1966] {strides = array<i32>} : memref<128x128xf32, #tpu.memory_space<vmem>>, vector<1x16xf32>,
          %swap3A_1968 = vector.shape_cast %swap3A_1967 : vector<1x16xf32> to vector<16xf32>
          %swap3A_1969 = vector.shape_cast %mul3A_1962 : vector<16xf32> to vector<1x16xf32>
          tpu.vector_store %arg11[%swap3A_1965, %swap3A_1966], %swap3A_1969 {strides = array<i32>} : memref<128x128xf32, #tpu.memory_space<vmem>>, vector<1x16xf32>,
          %add3A_1970 = arith.constant 15 : i32
          %add3A_1971 = arith.addi %mul3A_77, %add3A_1970 : i32
          %get3A_1972 = arith.index_cast %add3A_1971 : i32 to index
          %get3A_1973 = arith.constant 64 : index
          %get3A_1974 = tpu.vector_load %arg11[%get3A_1972, %get3A_1973] {strides = array<i32>} : memref<128x128xf32, #tpu.memory_space<vmem>>, vector<1x16xf32>,
          %get3A_1975 = vector.shape_cast %get3A_1974 : vector<1x16xf32> to vector<16xf32>
          %mul3A_1976 = vector.broadcast %squeeze3A_1909 : f32 to vector<16xf32>
          %mul3A_1977 = arith.mulf %get3A_1975, %mul3A_1976 : vector<16xf32>
          %add3A_1978 = arith.constant 15 : i32
          %add3A_1979 = arith.addi %mul3A_77, %add3A_1978 : i32
          %swap3A_1980 = arith.index_cast %add3A_1979 : i32 to index
          %swap3A_1981 = arith.constant 64 : index
          %swap3A_1982 = tpu.vector_load %arg11[%swap3A_1980, %swap3A_1981] {strides = array<i32>} : memref<128x128xf32, #tpu.memory_space<vmem>>, vector<1x16xf32>,
          %swap3A_1983 = vector.shape_cast %swap3A_1982 : vector<1x16xf32> to vector<16xf32>
          %swap3A_1984 = vector.shape_cast %mul3A_1977 : vector<16xf32> to vector<1x16xf32>
          tpu.vector_store %arg11[%swap3A_1980, %swap3A_1981], %swap3A_1984 {strides = array<i32>} : memref<128x128xf32, #tpu.memory_space<vmem>>, vector<1x16xf32>,
          %add3A_1985 = arith.constant 15 : i32
          %add3A_1986 = arith.addi %mul3A_77, %add3A_1985 : i32
          %get3A_1987 = arith.index_cast %add3A_1986 : i32 to index
          %get3A_1988 = arith.constant 80 : index
          %get3A_1989 = tpu.vector_load %arg11[%get3A_1987, %get3A_1988] {strides = array<i32>} : memref<128x128xf32, #tpu.memory_space<vmem>>, vector<1x16xf32>,
          %get3A_1990 = vector.shape_cast %get3A_1989 : vector<1x16xf32> to vector<16xf32>
          %mul3A_1991 = vector.broadcast %squeeze3A_1909 : f32 to vector<16xf32>
          %mul3A_1992 = arith.mulf %get3A_1990, %mul3A_1991 : vector<16xf32>
          %add3A_1993 = arith.constant 15 : i32
          %add3A_1994 = arith.addi %mul3A_77, %add3A_1993 : i32
          %swap3A_1995 = arith.index_cast %add3A_1994 : i32 to index
          %swap3A_1996 = arith.constant 80 : index
          %swap3A_1997 = tpu.vector_load %arg11[%swap3A_1995, %swap3A_1996] {strides = array<i32>} : memref<128x128xf32, #tpu.memory_space<vmem>>, vector<1x16xf32>,
          %swap3A_1998 = vector.shape_cast %swap3A_1997 : vector<1x16xf32> to vector<16xf32>
          %swap3A_1999 = vector.shape_cast %mul3A_1992 : vector<16xf32> to vector<1x16xf32>
          tpu.vector_store %arg11[%swap3A_1995, %swap3A_1996], %swap3A_1999 {strides = array<i32>} : memref<128x128xf32, #tpu.memory_space<vmem>>, vector<1x16xf32>,
          %add3A_2000 = arith.constant 15 : i32
          %add3A_2001 = arith.addi %mul3A_77, %add3A_2000 : i32
          %get3A_2002 = arith.index_cast %add3A_2001 : i32 to index
          %get3A_2003 = arith.constant 96 : index
          %get3A_2004 = tpu.vector_load %arg11[%get3A_2002, %get3A_2003] {strides = array<i32>} : memref<128x128xf32, #tpu.memory_space<vmem>>, vector<1x16xf32>,
          %get3A_2005 = vector.shape_cast %get3A_2004 : vector<1x16xf32> to vector<16xf32>
          %mul3A_2006 = vector.broadcast %squeeze3A_1909 : f32 to vector<16xf32>
          %mul3A_2007 = arith.mulf %get3A_2005, %mul3A_2006 : vector<16xf32>
          %add3A_2008 = arith.constant 15 : i32
          %add3A_2009 = arith.addi %mul3A_77, %add3A_2008 : i32
          %swap3A_2010 = arith.index_cast %add3A_2009 : i32 to index
          %swap3A_2011 = arith.constant 96 : index
          %swap3A_2012 = tpu.vector_load %arg11[%swap3A_2010, %swap3A_2011] {strides = array<i32>} : memref<128x128xf32, #tpu.memory_space<vmem>>, vector<1x16xf32>,
          %swap3A_2013 = vector.shape_cast %swap3A_2012 : vector<1x16xf32> to vector<16xf32>
          %swap3A_2014 = vector.shape_cast %mul3A_2007 : vector<16xf32> to vector<1x16xf32>
          tpu.vector_store %arg11[%swap3A_2010, %swap3A_2011], %swap3A_2014 {strides = array<i32>} : memref<128x128xf32, #tpu.memory_space<vmem>>, vector<1x16xf32>,
          %add3A_2015 = arith.constant 15 : i32
          %add3A_2016 = arith.addi %mul3A_77, %add3A_2015 : i32
          %get3A_2017 = arith.index_cast %add3A_2016 : i32 to index
          %get3A_2018 = arith.constant 112 : index
          %get3A_2019 = tpu.vector_load %arg11[%get3A_2017, %get3A_2018] {strides = array<i32>} : memref<128x128xf32, #tpu.memory_space<vmem>>, vector<1x16xf32>,
          %get3A_2020 = vector.shape_cast %get3A_2019 : vector<1x16xf32> to vector<16xf32>
          %mul3A_2021 = vector.broadcast %squeeze3A_1909 : f32 to vector<16xf32>
          %mul3A_2022 = arith.mulf %get3A_2020, %mul3A_2021 : vector<16xf32>
          %add3A_2023 = arith.constant 15 : i32
          %add3A_2024 = arith.addi %mul3A_77, %add3A_2023 : i32
          %swap3A_2025 = arith.index_cast %add3A_2024 : i32 to index
          %swap3A_2026 = arith.constant 112 : index
          %swap3A_2027 = tpu.vector_load %arg11[%swap3A_2025, %swap3A_2026] {strides = array<i32>} : memref<128x128xf32, #tpu.memory_space<vmem>>, vector<1x16xf32>,
          %swap3A_2028 = vector.shape_cast %swap3A_2027 : vector<1x16xf32> to vector<16xf32>
          %swap3A_2029 = vector.shape_cast %mul3A_2022 : vector<16xf32> to vector<1x16xf32>
          tpu.vector_store %arg11[%swap3A_2025, %swap3A_2026], %swap3A_2029 {strides = array<i32>} : memref<128x128xf32, #tpu.memory_space<vmem>>, vector<1x16xf32>,
        }
        %scan3A_56 = arith.constant 8 : i32
        "tpu.region"() ({
          %run_scoped3A = tpu.sem_alloc : memref<!tpu.dma_semaphore, #tpu.memory_space<semaphore_mem>>
          %dma_start3A_75 = arith.constant 0 : i32
          %dma_start3A_76 = tpu.memref_slice %arg9[%mul3A_37, %dma_start3A_75] : memref<16x128xi32, #tpu.memory_space<vmem>> -> memref<1x128xi32, #tpu.memory_space<vmem>>
          %dma_start3A_77 = tpu.memref_squeeze %dma_start3A_76 : memref<1x128xi32, #tpu.memory_space<vmem>> -> memref<128xi32, #tpu.memory_space<vmem>>
          %dma_start3A_78 = arith.constant 0 : i32
          %dma_start3A_79 = arith.constant 0 : i32
          %dma_start3A_80 = tpu.memref_slice %arg13[%dma_start3A_78, %dma_start3A_79] : memref<10000x128xf32, #tpu.memory_space<vmem_shared>> -> memref<10000x128xf32, #tpu.memory_space<vmem_shared>>
          tpu.enqueue_indirect_dma source(%arg11 : memref<128x128xf32, #tpu.memory_space<vmem>>) target(%dma_start3A_80 : memref<10000x128xf32, #tpu.memory_space<vmem_shared>>) offsets(%dma_start3A_77 : memref<128xi32, #tpu.memory_space<vmem>>) semaphore(%run_scoped3A : memref<!tpu.dma_semaphore, #tpu.memory_space<semaphore_mem>>) {add = true}
          %dma_wait3A_81 = arith.constant 0 : i32
          %dma_wait3A_82 = tpu.memref_slice %arg9[%mul3A_37, %dma_wait3A_81] : memref<16x128xi32, #tpu.memory_space<vmem>> -> memref<1x128xi32, #tpu.memory_space<vmem>>
          %dma_wait3A_83 = tpu.memref_squeeze %dma_wait3A_82 : memref<1x128xi32, #tpu.memory_space<vmem>> -> memref<128xi32, #tpu.memory_space<vmem>>
          %dma_wait3A_84 = arith.constant 0 : i32
          %dma_wait3A_85 = arith.constant 0 : i32
          %dma_wait3A_86 = tpu.memref_slice %arg13[%dma_wait3A_84, %dma_wait3A_85] : memref<10000x128xf32, #tpu.memory_space<vmem_shared>> -> memref<10000x128xf32, #tpu.memory_space<vmem_shared>>
          tpu.wait_indirect_dma semaphore(%run_scoped3A : memref<!tpu.dma_semaphore, #tpu.memory_space<semaphore_mem>>) src(%arg11 : memref<128x128xf32, #tpu.memory_space<vmem>>) dst(%dma_wait3A_86 : memref<10000x128xf32, #tpu.memory_space<vmem_shared>>)
          tpu.yield
        }) : () -> ()
        %dma_wait3A_57 = arith.constant 0 : i32
        %dma_wait3A_58 = tpu.memref_slice %arg8[%add3A_39, %dma_wait3A_57] : memref<16x128xi32, #tpu.memory_space<vmem>> -> memref<1x128xi32, #tpu.memory_space<vmem>>
        %dma_wait3A_59 = tpu.memref_squeeze %dma_wait3A_58 : memref<1x128xi32, #tpu.memory_space<vmem>> -> memref<128xi32, #tpu.memory_space<vmem>>
        %dma_wait3A_60 = arith.constant 0 : i32
        %dma_wait3A_61 = arith.constant 0 : i32
        %dma_wait3A_62 = tpu.memref_slice %arg2[%dma_wait3A_60, %dma_wait3A_61] : memref<10000x128xf32, #tpu.memory_space<hbm>> -> memref<10000x128xf32, #tpu.memory_space<hbm>>
        tpu.wait_indirect_dma semaphore(%arg15 : memref<!tpu.dma_semaphore, #tpu.memory_space<semaphore_mem>>) src(%dma_wait3A_62 : memref<10000x128xf32, #tpu.memory_space<hbm>>) dst(%arg12 : memref<128x128xf32, #tpu.memory_space<vmem>>)
        %add3A_63 = arith.constant 1 : i32
        %add3A_64 = arith.addi %add3A_39, %add3A_63 : i32
        %lt3A = arith.constant 16 : i32
        %lt3A_65 = arith.cmpi slt, %add3A_64, %lt3A : i32
        %convert_element_type3A_66 = arith.extui %lt3A_65 : i1 to i32
        %cond3A_67 = arith.constant 0 : i32
        %cond3A_68 = arith.cmpi ne, %convert_element_type3A_66, %cond3A_67 : i32
        scf.if %cond3A_68 {
          %add3A_75 = arith.constant 1 : i32
          %add3A_76 = arith.addi %add3A_39, %add3A_75 : i32
          %dma_start3A_77 = arith.constant 0 : i32
          %dma_start3A_78 = tpu.memref_slice %arg8[%add3A_76, %dma_start3A_77] : memref<16x128xi32, #tpu.memory_space<vmem>> -> memref<1x128xi32, #tpu.memory_space<vmem>>
          %dma_start3A_79 = tpu.memref_squeeze %dma_start3A_78 : memref<1x128xi32, #tpu.memory_space<vmem>> -> memref<128xi32, #tpu.memory_space<vmem>>
          %dma_start3A_80 = arith.constant 0 : i32
          %dma_start3A_81 = arith.constant 0 : i32
          %dma_start3A_82 = tpu.memref_slice %arg2[%dma_start3A_80, %dma_start3A_81] : memref<10000x128xf32, #tpu.memory_space<hbm>> -> memref<10000x128xf32, #tpu.memory_space<hbm>>
          tpu.enqueue_indirect_dma source(%dma_start3A_82 : memref<10000x128xf32, #tpu.memory_space<hbm>>) target(%arg11 : memref<128x128xf32, #tpu.memory_space<vmem>>) offsets(%dma_start3A_79 : memref<128xi32, #tpu.memory_space<vmem>>) semaphore(%arg14 : memref<!tpu.dma_semaphore, #tpu.memory_space<semaphore_mem>>)
        } else {
        }
        %scan3A_69 = arith.constant 0 : i32
        %scan3A_70 = arith.constant 0 : i32
        %scan3A_71 = arith.constant 8 : i32
        %scan3A_72 = arith.addi %scan3A_70, %scan3A_71 : i32
        %scan3A_73 = arith.constant 1 : i32
        scf.for %scan3A_75 = %scan3A_70 to %scan3A_72 step %scan3A_73  : i32 {
          %mul3A_76 = arith.constant 16 : i32
          %mul3A_77 = arith.muli %scan3A_75, %mul3A_76 : i32
          %get3A = arith.index_cast %add3A_39 : i32 to index
          %get3A_78 = arith.index_cast %mul3A_77 : i32 to index
          %get3A_79 = tpu.vector_load %arg10[%get3A, %get3A_78] {strides = array<i32>} : memref<16x128xf32, #tpu.memory_space<vmem>>, vector<1x16xf32>,
          %get3A_80 = vector.shape_cast %get3A_79 : vector<1x16xf32> to vector<16xf32>
          %slice3A = vector.extract_strided_slice %get3A_80 {offsets = [0], sizes = [1], strides = [1]} : vector<16xf32> to vector<1xf32>
          %squeeze3A = vector.extract %slice3A[0] : f32 from vector<1xf32>
          %add3A_81 = arith.constant 0 : i32
          %add3A_82 = arith.addi %mul3A_77, %add3A_81 : i32
          %get3A_83 = arith.index_cast %add3A_82 : i32 to index
          %get3A_84 = arith.constant 0 : index
          %get3A_85 = tpu.vector_load %arg12[%get3A_83, %get3A_84] {strides = array<i32>} : memref<128x128xf32, #tpu.memory_space<vmem>>, vector<1x16xf32>,
          %get3A_86 = vector.shape_cast %get3A_85 : vector<1x16xf32> to vector<16xf32>
          %mul3A_87 = vector.broadcast %squeeze3A : f32 to vector<16xf32>
          %mul3A_88 = arith.mulf %get3A_86, %mul3A_87 : vector<16xf32>
          %add3A_89 = arith.constant 0 : i32
          %add3A_90 = arith.addi %mul3A_77, %add3A_89 : i32
          %swap3A = arith.index_cast %add3A_90 : i32 to index
          %swap3A_91 = arith.constant 0 : index
          %swap3A_92 = tpu.vector_load %arg12[%swap3A, %swap3A_91] {strides = array<i32>} : memref<128x128xf32, #tpu.memory_space<vmem>>, vector<1x16xf32>,
          %swap3A_93 = vector.shape_cast %swap3A_92 : vector<1x16xf32> to vector<16xf32>
          %swap3A_94 = vector.shape_cast %mul3A_88 : vector<16xf32> to vector<1x16xf32>
          tpu.vector_store %arg12[%swap3A, %swap3A_91], %swap3A_94 {strides = array<i32>} : memref<128x128xf32, #tpu.memory_space<vmem>>, vector<1x16xf32>,
          %add3A_95 = arith.constant 0 : i32
          %add3A_96 = arith.addi %mul3A_77, %add3A_95 : i32
          %get3A_97 = arith.index_cast %add3A_96 : i32 to index
          %get3A_98 = arith.constant 16 : index
          %get3A_99 = tpu.vector_load %arg12[%get3A_97, %get3A_98] {strides = array<i32>} : memref<128x128xf32, #tpu.memory_space<vmem>>, vector<1x16xf32>,
          %get3A_100 = vector.shape_cast %get3A_99 : vector<1x16xf32> to vector<16xf32>
          %mul3A_101 = vector.broadcast %squeeze3A : f32 to vector<16xf32>
          %mul3A_102 = arith.mulf %get3A_100, %mul3A_101 : vector<16xf32>
          %add3A_103 = arith.constant 0 : i32
          %add3A_104 = arith.addi %mul3A_77, %add3A_103 : i32
          %swap3A_105 = arith.index_cast %add3A_104 : i32 to index
          %swap3A_106 = arith.constant 16 : index
          %swap3A_107 = tpu.vector_load %arg12[%swap3A_105, %swap3A_106] {strides = array<i32>} : memref<128x128xf32, #tpu.memory_space<vmem>>, vector<1x16xf32>,
          %swap3A_108 = vector.shape_cast %swap3A_107 : vector<1x16xf32> to vector<16xf32>
          %swap3A_109 = vector.shape_cast %mul3A_102 : vector<16xf32> to vector<1x16xf32>
          tpu.vector_store %arg12[%swap3A_105, %swap3A_106], %swap3A_109 {strides = array<i32>} : memref<128x128xf32, #tpu.memory_space<vmem>>, vector<1x16xf32>,
          %add3A_110 = arith.constant 0 : i32
          %add3A_111 = arith.addi %mul3A_77, %add3A_110 : i32
          %get3A_112 = arith.index_cast %add3A_111 : i32 to index
          %get3A_113 = arith.constant 32 : index
          %get3A_114 = tpu.vector_load %arg12[%get3A_112, %get3A_113] {strides = array<i32>} : memref<128x128xf32, #tpu.memory_space<vmem>>, vector<1x16xf32>,
          %get3A_115 = vector.shape_cast %get3A_114 : vector<1x16xf32> to vector<16xf32>
          %mul3A_116 = vector.broadcast %squeeze3A : f32 to vector<16xf32>
          %mul3A_117 = arith.mulf %get3A_115, %mul3A_116 : vector<16xf32>
          %add3A_118 = arith.constant 0 : i32
          %add3A_119 = arith.addi %mul3A_77, %add3A_118 : i32
          %swap3A_120 = arith.index_cast %add3A_119 : i32 to index
          %swap3A_121 = arith.constant 32 : index
          %swap3A_122 = tpu.vector_load %arg12[%swap3A_120, %swap3A_121] {strides = array<i32>} : memref<128x128xf32, #tpu.memory_space<vmem>>, vector<1x16xf32>,
          %swap3A_123 = vector.shape_cast %swap3A_122 : vector<1x16xf32> to vector<16xf32>
          %swap3A_124 = vector.shape_cast %mul3A_117 : vector<16xf32> to vector<1x16xf32>
          tpu.vector_store %arg12[%swap3A_120, %swap3A_121], %swap3A_124 {strides = array<i32>} : memref<128x128xf32, #tpu.memory_space<vmem>>, vector<1x16xf32>,
          %add3A_125 = arith.constant 0 : i32
          %add3A_126 = arith.addi %mul3A_77, %add3A_125 : i32
          %get3A_127 = arith.index_cast %add3A_126 : i32 to index
          %get3A_128 = arith.constant 48 : index
          %get3A_129 = tpu.vector_load %arg12[%get3A_127, %get3A_128] {strides = array<i32>} : memref<128x128xf32, #tpu.memory_space<vmem>>, vector<1x16xf32>,
          %get3A_130 = vector.shape_cast %get3A_129 : vector<1x16xf32> to vector<16xf32>
          %mul3A_131 = vector.broadcast %squeeze3A : f32 to vector<16xf32>
          %mul3A_132 = arith.mulf %get3A_130, %mul3A_131 : vector<16xf32>
          %add3A_133 = arith.constant 0 : i32
          %add3A_134 = arith.addi %mul3A_77, %add3A_133 : i32
          %swap3A_135 = arith.index_cast %add3A_134 : i32 to index
          %swap3A_136 = arith.constant 48 : index
          %swap3A_137 = tpu.vector_load %arg12[%swap3A_135, %swap3A_136] {strides = array<i32>} : memref<128x128xf32, #tpu.memory_space<vmem>>, vector<1x16xf32>,
          %swap3A_138 = vector.shape_cast %swap3A_137 : vector<1x16xf32> to vector<16xf32>
          %swap3A_139 = vector.shape_cast %mul3A_132 : vector<16xf32> to vector<1x16xf32>
          tpu.vector_store %arg12[%swap3A_135, %swap3A_136], %swap3A_139 {strides = array<i32>} : memref<128x128xf32, #tpu.memory_space<vmem>>, vector<1x16xf32>,
          %add3A_140 = arith.constant 0 : i32
          %add3A_141 = arith.addi %mul3A_77, %add3A_140 : i32
          %get3A_142 = arith.index_cast %add3A_141 : i32 to index
          %get3A_143 = arith.constant 64 : index
          %get3A_144 = tpu.vector_load %arg12[%get3A_142, %get3A_143] {strides = array<i32>} : memref<128x128xf32, #tpu.memory_space<vmem>>, vector<1x16xf32>,
          %get3A_145 = vector.shape_cast %get3A_144 : vector<1x16xf32> to vector<16xf32>
          %mul3A_146 = vector.broadcast %squeeze3A : f32 to vector<16xf32>
          %mul3A_147 = arith.mulf %get3A_145, %mul3A_146 : vector<16xf32>
          %add3A_148 = arith.constant 0 : i32
          %add3A_149 = arith.addi %mul3A_77, %add3A_148 : i32
          %swap3A_150 = arith.index_cast %add3A_149 : i32 to index
          %swap3A_151 = arith.constant 64 : index
          %swap3A_152 = tpu.vector_load %arg12[%swap3A_150, %swap3A_151] {strides = array<i32>} : memref<128x128xf32, #tpu.memory_space<vmem>>, vector<1x16xf32>,
          %swap3A_153 = vector.shape_cast %swap3A_152 : vector<1x16xf32> to vector<16xf32>
          %swap3A_154 = vector.shape_cast %mul3A_147 : vector<16xf32> to vector<1x16xf32>
          tpu.vector_store %arg12[%swap3A_150, %swap3A_151], %swap3A_154 {strides = array<i32>} : memref<128x128xf32, #tpu.memory_space<vmem>>, vector<1x16xf32>,
          %add3A_155 = arith.constant 0 : i32
          %add3A_156 = arith.addi %mul3A_77, %add3A_155 : i32
          %get3A_157 = arith.index_cast %add3A_156 : i32 to index
          %get3A_158 = arith.constant 80 : index
          %get3A_159 = tpu.vector_load %arg12[%get3A_157, %get3A_158] {strides = array<i32>} : memref<128x128xf32, #tpu.memory_space<vmem>>, vector<1x16xf32>,
          %get3A_160 = vector.shape_cast %get3A_159 : vector<1x16xf32> to vector<16xf32>
          %mul3A_161 = vector.broadcast %squeeze3A : f32 to vector<16xf32>
          %mul3A_162 = arith.mulf %get3A_160, %mul3A_161 : vector<16xf32>
          %add3A_163 = arith.constant 0 : i32
          %add3A_164 = arith.addi %mul3A_77, %add3A_163 : i32
          %swap3A_165 = arith.index_cast %add3A_164 : i32 to index
          %swap3A_166 = arith.constant 80 : index
          %swap3A_167 = tpu.vector_load %arg12[%swap3A_165, %swap3A_166] {strides = array<i32>} : memref<128x128xf32, #tpu.memory_space<vmem>>, vector<1x16xf32>,
          %swap3A_168 = vector.shape_cast %swap3A_167 : vector<1x16xf32> to vector<16xf32>
          %swap3A_169 = vector.shape_cast %mul3A_162 : vector<16xf32> to vector<1x16xf32>
          tpu.vector_store %arg12[%swap3A_165, %swap3A_166], %swap3A_169 {strides = array<i32>} : memref<128x128xf32, #tpu.memory_space<vmem>>, vector<1x16xf32>,
          %add3A_170 = arith.constant 0 : i32
          %add3A_171 = arith.addi %mul3A_77, %add3A_170 : i32
          %get3A_172 = arith.index_cast %add3A_171 : i32 to index
          %get3A_173 = arith.constant 96 : index
          %get3A_174 = tpu.vector_load %arg12[%get3A_172, %get3A_173] {strides = array<i32>} : memref<128x128xf32, #tpu.memory_space<vmem>>, vector<1x16xf32>,
          %get3A_175 = vector.shape_cast %get3A_174 : vector<1x16xf32> to vector<16xf32>
          %mul3A_176 = vector.broadcast %squeeze3A : f32 to vector<16xf32>
          %mul3A_177 = arith.mulf %get3A_175, %mul3A_176 : vector<16xf32>
          %add3A_178 = arith.constant 0 : i32
          %add3A_179 = arith.addi %mul3A_77, %add3A_178 : i32
          %swap3A_180 = arith.index_cast %add3A_179 : i32 to index
          %swap3A_181 = arith.constant 96 : index
          %swap3A_182 = tpu.vector_load %arg12[%swap3A_180, %swap3A_181] {strides = array<i32>} : memref<128x128xf32, #tpu.memory_space<vmem>>, vector<1x16xf32>,
          %swap3A_183 = vector.shape_cast %swap3A_182 : vector<1x16xf32> to vector<16xf32>
          %swap3A_184 = vector.shape_cast %mul3A_177 : vector<16xf32> to vector<1x16xf32>
          tpu.vector_store %arg12[%swap3A_180, %swap3A_181], %swap3A_184 {strides = array<i32>} : memref<128x128xf32, #tpu.memory_space<vmem>>, vector<1x16xf32>,
          %add3A_185 = arith.constant 0 : i32
          %add3A_186 = arith.addi %mul3A_77, %add3A_185 : i32
          %get3A_187 = arith.index_cast %add3A_186 : i32 to index
          %get3A_188 = arith.constant 112 : index
          %get3A_189 = tpu.vector_load %arg12[%get3A_187, %get3A_188] {strides = array<i32>} : memref<128x128xf32, #tpu.memory_space<vmem>>, vector<1x16xf32>,
          %get3A_190 = vector.shape_cast %get3A_189 : vector<1x16xf32> to vector<16xf32>
          %mul3A_191 = vector.broadcast %squeeze3A : f32 to vector<16xf32>
          %mul3A_192 = arith.mulf %get3A_190, %mul3A_191 : vector<16xf32>
          %add3A_193 = arith.constant 0 : i32
          %add3A_194 = arith.addi %mul3A_77, %add3A_193 : i32
          %swap3A_195 = arith.index_cast %add3A_194 : i32 to index
          %swap3A_196 = arith.constant 112 : index
          %swap3A_197 = tpu.vector_load %arg12[%swap3A_195, %swap3A_196] {strides = array<i32>} : memref<128x128xf32, #tpu.memory_space<vmem>>, vector<1x16xf32>,
          %swap3A_198 = vector.shape_cast %swap3A_197 : vector<1x16xf32> to vector<16xf32>
          %swap3A_199 = vector.shape_cast %mul3A_192 : vector<16xf32> to vector<1x16xf32>
          tpu.vector_store %arg12[%swap3A_195, %swap3A_196], %swap3A_199 {strides = array<i32>} : memref<128x128xf32, #tpu.memory_space<vmem>>, vector<1x16xf32>,
          %slice3A_200 = vector.extract_strided_slice %get3A_80 {offsets = [1], sizes = [1], strides = [1]} : vector<16xf32> to vector<1xf32>
          %squeeze3A_201 = vector.extract %slice3A_200[0] : f32 from vector<1xf32>
          %add3A_202 = arith.constant 1 : i32
          %add3A_203 = arith.addi %mul3A_77, %add3A_202 : i32
          %get3A_204 = arith.index_cast %add3A_203 : i32 to index
          %get3A_205 = arith.constant 0 : index
          %get3A_206 = tpu.vector_load %arg12[%get3A_204, %get3A_205] {strides = array<i32>} : memref<128x128xf32, #tpu.memory_space<vmem>>, vector<1x16xf32>,
          %get3A_207 = vector.shape_cast %get3A_206 : vector<1x16xf32> to vector<16xf32>
          %mul3A_208 = vector.broadcast %squeeze3A_201 : f32 to vector<16xf32>
          %mul3A_209 = arith.mulf %get3A_207, %mul3A_208 : vector<16xf32>
          %add3A_210 = arith.constant 1 : i32
          %add3A_211 = arith.addi %mul3A_77, %add3A_210 : i32
          %swap3A_212 = arith.index_cast %add3A_211 : i32 to index
          %swap3A_213 = arith.constant 0 : index
          %swap3A_214 = tpu.vector_load %arg12[%swap3A_212, %swap3A_213] {strides = array<i32>} : memref<128x128xf32, #tpu.memory_space<vmem>>, vector<1x16xf32>,
          %swap3A_215 = vector.shape_cast %swap3A_214 : vector<1x16xf32> to vector<16xf32>
          %swap3A_216 = vector.shape_cast %mul3A_209 : vector<16xf32> to vector<1x16xf32>
          tpu.vector_store %arg12[%swap3A_212, %swap3A_213], %swap3A_216 {strides = array<i32>} : memref<128x128xf32, #tpu.memory_space<vmem>>, vector<1x16xf32>,
          %add3A_217 = arith.constant 1 : i32
          %add3A_218 = arith.addi %mul3A_77, %add3A_217 : i32
          %get3A_219 = arith.index_cast %add3A_218 : i32 to index
          %get3A_220 = arith.constant 16 : index
          %get3A_221 = tpu.vector_load %arg12[%get3A_219, %get3A_220] {strides = array<i32>} : memref<128x128xf32, #tpu.memory_space<vmem>>, vector<1x16xf32>,
          %get3A_222 = vector.shape_cast %get3A_221 : vector<1x16xf32> to vector<16xf32>
          %mul3A_223 = vector.broadcast %squeeze3A_201 : f32 to vector<16xf32>
          %mul3A_224 = arith.mulf %get3A_222, %mul3A_223 : vector<16xf32>
          %add3A_225 = arith.constant 1 : i32
          %add3A_226 = arith.addi %mul3A_77, %add3A_225 : i32
          %swap3A_227 = arith.index_cast %add3A_226 : i32 to index
          %swap3A_228 = arith.constant 16 : index
          %swap3A_229 = tpu.vector_load %arg12[%swap3A_227, %swap3A_228] {strides = array<i32>} : memref<128x128xf32, #tpu.memory_space<vmem>>, vector<1x16xf32>,
          %swap3A_230 = vector.shape_cast %swap3A_229 : vector<1x16xf32> to vector<16xf32>
          %swap3A_231 = vector.shape_cast %mul3A_224 : vector<16xf32> to vector<1x16xf32>
          tpu.vector_store %arg12[%swap3A_227, %swap3A_228], %swap3A_231 {strides = array<i32>} : memref<128x128xf32, #tpu.memory_space<vmem>>, vector<1x16xf32>,
          %add3A_232 = arith.constant 1 : i32
          %add3A_233 = arith.addi %mul3A_77, %add3A_232 : i32
          %get3A_234 = arith.index_cast %add3A_233 : i32 to index
          %get3A_235 = arith.constant 32 : index
          %get3A_236 = tpu.vector_load %arg12[%get3A_234, %get3A_235] {strides = array<i32>} : memref<128x128xf32, #tpu.memory_space<vmem>>, vector<1x16xf32>,
          %get3A_237 = vector.shape_cast %get3A_236 : vector<1x16xf32> to vector<16xf32>
          %mul3A_238 = vector.broadcast %squeeze3A_201 : f32 to vector<16xf32>
          %mul3A_239 = arith.mulf %get3A_237, %mul3A_238 : vector<16xf32>
          %add3A_240 = arith.constant 1 : i32
          %add3A_241 = arith.addi %mul3A_77, %add3A_240 : i32
          %swap3A_242 = arith.index_cast %add3A_241 : i32 to index
          %swap3A_243 = arith.constant 32 : index
          %swap3A_244 = tpu.vector_load %arg12[%swap3A_242, %swap3A_243] {strides = array<i32>} : memref<128x128xf32, #tpu.memory_space<vmem>>, vector<1x16xf32>,
          %swap3A_245 = vector.shape_cast %swap3A_244 : vector<1x16xf32> to vector<16xf32>
          %swap3A_246 = vector.shape_cast %mul3A_239 : vector<16xf32> to vector<1x16xf32>
          tpu.vector_store %arg12[%swap3A_242, %swap3A_243], %swap3A_246 {strides = array<i32>} : memref<128x128xf32, #tpu.memory_space<vmem>>, vector<1x16xf32>,
          %add3A_247 = arith.constant 1 : i32
          %add3A_248 = arith.addi %mul3A_77, %add3A_247 : i32
          %get3A_249 = arith.index_cast %add3A_248 : i32 to index
          %get3A_250 = arith.constant 48 : index
          %get3A_251 = tpu.vector_load %arg12[%get3A_249, %get3A_250] {strides = array<i32>} : memref<128x128xf32, #tpu.memory_space<vmem>>, vector<1x16xf32>,
          %get3A_252 = vector.shape_cast %get3A_251 : vector<1x16xf32> to vector<16xf32>
          %mul3A_253 = vector.broadcast %squeeze3A_201 : f32 to vector<16xf32>
          %mul3A_254 = arith.mulf %get3A_252, %mul3A_253 : vector<16xf32>
          %add3A_255 = arith.constant 1 : i32
          %add3A_256 = arith.addi %mul3A_77, %add3A_255 : i32
          %swap3A_257 = arith.index_cast %add3A_256 : i32 to index
          %swap3A_258 = arith.constant 48 : index
          %swap3A_259 = tpu.vector_load %arg12[%swap3A_257, %swap3A_258] {strides = array<i32>} : memref<128x128xf32, #tpu.memory_space<vmem>>, vector<1x16xf32>,
          %swap3A_260 = vector.shape_cast %swap3A_259 : vector<1x16xf32> to vector<16xf32>
          %swap3A_261 = vector.shape_cast %mul3A_254 : vector<16xf32> to vector<1x16xf32>
          tpu.vector_store %arg12[%swap3A_257, %swap3A_258], %swap3A_261 {strides = array<i32>} : memref<128x128xf32, #tpu.memory_space<vmem>>, vector<1x16xf32>,
          %add3A_262 = arith.constant 1 : i32
          %add3A_263 = arith.addi %mul3A_77, %add3A_262 : i32
          %get3A_264 = arith.index_cast %add3A_263 : i32 to index
          %get3A_265 = arith.constant 64 : index
          %get3A_266 = tpu.vector_load %arg12[%get3A_264, %get3A_265] {strides = array<i32>} : memref<128x128xf32, #tpu.memory_space<vmem>>, vector<1x16xf32>,
          %get3A_267 = vector.shape_cast %get3A_266 : vector<1x16xf32> to vector<16xf32>
          %mul3A_268 = vector.broadcast %squeeze3A_201 : f32 to vector<16xf32>
          %mul3A_269 = arith.mulf %get3A_267, %mul3A_268 : vector<16xf32>
          %add3A_270 = arith.constant 1 : i32
          %add3A_271 = arith.addi %mul3A_77, %add3A_270 : i32
          %swap3A_272 = arith.index_cast %add3A_271 : i32 to index
          %swap3A_273 = arith.constant 64 : index
          %swap3A_274 = tpu.vector_load %arg12[%swap3A_272, %swap3A_273] {strides = array<i32>} : memref<128x128xf32, #tpu.memory_space<vmem>>, vector<1x16xf32>,
          %swap3A_275 = vector.shape_cast %swap3A_274 : vector<1x16xf32> to vector<16xf32>
          %swap3A_276 = vector.shape_cast %mul3A_269 : vector<16xf32> to vector<1x16xf32>
          tpu.vector_store %arg12[%swap3A_272, %swap3A_273], %swap3A_276 {strides = array<i32>} : memref<128x128xf32, #tpu.memory_space<vmem>>, vector<1x16xf32>,
          %add3A_277 = arith.constant 1 : i32
          %add3A_278 = arith.addi %mul3A_77, %add3A_277 : i32
          %get3A_279 = arith.index_cast %add3A_278 : i32 to index
          %get3A_280 = arith.constant 80 : index
          %get3A_281 = tpu.vector_load %arg12[%get3A_279, %get3A_280] {strides = array<i32>} : memref<128x128xf32, #tpu.memory_space<vmem>>, vector<1x16xf32>,
          %get3A_282 = vector.shape_cast %get3A_281 : vector<1x16xf32> to vector<16xf32>
          %mul3A_283 = vector.broadcast %squeeze3A_201 : f32 to vector<16xf32>
          %mul3A_284 = arith.mulf %get3A_282, %mul3A_283 : vector<16xf32>
          %add3A_285 = arith.constant 1 : i32
          %add3A_286 = arith.addi %mul3A_77, %add3A_285 : i32
          %swap3A_287 = arith.index_cast %add3A_286 : i32 to index
          %swap3A_288 = arith.constant 80 : index
          %swap3A_289 = tpu.vector_load %arg12[%swap3A_287, %swap3A_288] {strides = array<i32>} : memref<128x128xf32, #tpu.memory_space<vmem>>, vector<1x16xf32>,
          %swap3A_290 = vector.shape_cast %swap3A_289 : vector<1x16xf32> to vector<16xf32>
          %swap3A_291 = vector.shape_cast %mul3A_284 : vector<16xf32> to vector<1x16xf32>
          tpu.vector_store %arg12[%swap3A_287, %swap3A_288], %swap3A_291 {strides = array<i32>} : memref<128x128xf32, #tpu.memory_space<vmem>>, vector<1x16xf32>,
          %add3A_292 = arith.constant 1 : i32
          %add3A_293 = arith.addi %mul3A_77, %add3A_292 : i32
          %get3A_294 = arith.index_cast %add3A_293 : i32 to index
          %get3A_295 = arith.constant 96 : index
          %get3A_296 = tpu.vector_load %arg12[%get3A_294, %get3A_295] {strides = array<i32>} : memref<128x128xf32, #tpu.memory_space<vmem>>, vector<1x16xf32>,
          %get3A_297 = vector.shape_cast %get3A_296 : vector<1x16xf32> to vector<16xf32>
          %mul3A_298 = vector.broadcast %squeeze3A_201 : f32 to vector<16xf32>
          %mul3A_299 = arith.mulf %get3A_297, %mul3A_298 : vector<16xf32>
          %add3A_300 = arith.constant 1 : i32
          %add3A_301 = arith.addi %mul3A_77, %add3A_300 : i32
          %swap3A_302 = arith.index_cast %add3A_301 : i32 to index
          %swap3A_303 = arith.constant 96 : index
          %swap3A_304 = tpu.vector_load %arg12[%swap3A_302, %swap3A_303] {strides = array<i32>} : memref<128x128xf32, #tpu.memory_space<vmem>>, vector<1x16xf32>,
          %swap3A_305 = vector.shape_cast %swap3A_304 : vector<1x16xf32> to vector<16xf32>
          %swap3A_306 = vector.shape_cast %mul3A_299 : vector<16xf32> to vector<1x16xf32>
          tpu.vector_store %arg12[%swap3A_302, %swap3A_303], %swap3A_306 {strides = array<i32>} : memref<128x128xf32, #tpu.memory_space<vmem>>, vector<1x16xf32>,
          %add3A_307 = arith.constant 1 : i32
          %add3A_308 = arith.addi %mul3A_77, %add3A_307 : i32
          %get3A_309 = arith.index_cast %add3A_308 : i32 to index
          %get3A_310 = arith.constant 112 : index
          %get3A_311 = tpu.vector_load %arg12[%get3A_309, %get3A_310] {strides = array<i32>} : memref<128x128xf32, #tpu.memory_space<vmem>>, vector<1x16xf32>,
          %get3A_312 = vector.shape_cast %get3A_311 : vector<1x16xf32> to vector<16xf32>
          %mul3A_313 = vector.broadcast %squeeze3A_201 : f32 to vector<16xf32>
          %mul3A_314 = arith.mulf %get3A_312, %mul3A_313 : vector<16xf32>
          %add3A_315 = arith.constant 1 : i32
          %add3A_316 = arith.addi %mul3A_77, %add3A_315 : i32
          %swap3A_317 = arith.index_cast %add3A_316 : i32 to index
          %swap3A_318 = arith.constant 112 : index
          %swap3A_319 = tpu.vector_load %arg12[%swap3A_317, %swap3A_318] {strides = array<i32>} : memref<128x128xf32, #tpu.memory_space<vmem>>, vector<1x16xf32>,
          %swap3A_320 = vector.shape_cast %swap3A_319 : vector<1x16xf32> to vector<16xf32>
          %swap3A_321 = vector.shape_cast %mul3A_314 : vector<16xf32> to vector<1x16xf32>
          tpu.vector_store %arg12[%swap3A_317, %swap3A_318], %swap3A_321 {strides = array<i32>} : memref<128x128xf32, #tpu.memory_space<vmem>>, vector<1x16xf32>,
          %slice3A_322 = vector.extract_strided_slice %get3A_80 {offsets = [2], sizes = [1], strides = [1]} : vector<16xf32> to vector<1xf32>
          %squeeze3A_323 = vector.extract %slice3A_322[0] : f32 from vector<1xf32>
          %add3A_324 = arith.constant 2 : i32
          %add3A_325 = arith.addi %mul3A_77, %add3A_324 : i32
          %get3A_326 = arith.index_cast %add3A_325 : i32 to index
          %get3A_327 = arith.constant 0 : index
          %get3A_328 = tpu.vector_load %arg12[%get3A_326, %get3A_327] {strides = array<i32>} : memref<128x128xf32, #tpu.memory_space<vmem>>, vector<1x16xf32>,
          %get3A_329 = vector.shape_cast %get3A_328 : vector<1x16xf32> to vector<16xf32>
          %mul3A_330 = vector.broadcast %squeeze3A_323 : f32 to vector<16xf32>
          %mul3A_331 = arith.mulf %get3A_329, %mul3A_330 : vector<16xf32>
          %add3A_332 = arith.constant 2 : i32
          %add3A_333 = arith.addi %mul3A_77, %add3A_332 : i32
          %swap3A_334 = arith.index_cast %add3A_333 : i32 to index
          %swap3A_335 = arith.constant 0 : index
          %swap3A_336 = tpu.vector_load %arg12[%swap3A_334, %swap3A_335] {strides = array<i32>} : memref<128x128xf32, #tpu.memory_space<vmem>>, vector<1x16xf32>,
          %swap3A_337 = vector.shape_cast %swap3A_336 : vector<1x16xf32> to vector<16xf32>
          %swap3A_338 = vector.shape_cast %mul3A_331 : vector<16xf32> to vector<1x16xf32>
          tpu.vector_store %arg12[%swap3A_334, %swap3A_335], %swap3A_338 {strides = array<i32>} : memref<128x128xf32, #tpu.memory_space<vmem>>, vector<1x16xf32>,
          %add3A_339 = arith.constant 2 : i32
          %add3A_340 = arith.addi %mul3A_77, %add3A_339 : i32
          %get3A_341 = arith.index_cast %add3A_340 : i32 to index
          %get3A_342 = arith.constant 16 : index
          %get3A_343 = tpu.vector_load %arg12[%get3A_341, %get3A_342] {strides = array<i32>} : memref<128x128xf32, #tpu.memory_space<vmem>>, vector<1x16xf32>,
          %get3A_344 = vector.shape_cast %get3A_343 : vector<1x16xf32> to vector<16xf32>
          %mul3A_345 = vector.broadcast %squeeze3A_323 : f32 to vector<16xf32>
          %mul3A_346 = arith.mulf %get3A_344, %mul3A_345 : vector<16xf32>
          %add3A_347 = arith.constant 2 : i32
          %add3A_348 = arith.addi %mul3A_77, %add3A_347 : i32
          %swap3A_349 = arith.index_cast %add3A_348 : i32 to index
          %swap3A_350 = arith.constant 16 : index
          %swap3A_351 = tpu.vector_load %arg12[%swap3A_349, %swap3A_350] {strides = array<i32>} : memref<128x128xf32, #tpu.memory_space<vmem>>, vector<1x16xf32>,
          %swap3A_352 = vector.shape_cast %swap3A_351 : vector<1x16xf32> to vector<16xf32>
          %swap3A_353 = vector.shape_cast %mul3A_346 : vector<16xf32> to vector<1x16xf32>
          tpu.vector_store %arg12[%swap3A_349, %swap3A_350], %swap3A_353 {strides = array<i32>} : memref<128x128xf32, #tpu.memory_space<vmem>>, vector<1x16xf32>,
          %add3A_354 = arith.constant 2 : i32
          %add3A_355 = arith.addi %mul3A_77, %add3A_354 : i32
          %get3A_356 = arith.index_cast %add3A_355 : i32 to index
          %get3A_357 = arith.constant 32 : index
          %get3A_358 = tpu.vector_load %arg12[%get3A_356, %get3A_357] {strides = array<i32>} : memref<128x128xf32, #tpu.memory_space<vmem>>, vector<1x16xf32>,
          %get3A_359 = vector.shape_cast %get3A_358 : vector<1x16xf32> to vector<16xf32>
          %mul3A_360 = vector.broadcast %squeeze3A_323 : f32 to vector<16xf32>
          %mul3A_361 = arith.mulf %get3A_359, %mul3A_360 : vector<16xf32>
          %add3A_362 = arith.constant 2 : i32
          %add3A_363 = arith.addi %mul3A_77, %add3A_362 : i32
          %swap3A_364 = arith.index_cast %add3A_363 : i32 to index
          %swap3A_365 = arith.constant 32 : index
          %swap3A_366 = tpu.vector_load %arg12[%swap3A_364, %swap3A_365] {strides = array<i32>} : memref<128x128xf32, #tpu.memory_space<vmem>>, vector<1x16xf32>,
          %swap3A_367 = vector.shape_cast %swap3A_366 : vector<1x16xf32> to vector<16xf32>
          %swap3A_368 = vector.shape_cast %mul3A_361 : vector<16xf32> to vector<1x16xf32>
          tpu.vector_store %arg12[%swap3A_364, %swap3A_365], %swap3A_368 {strides = array<i32>} : memref<128x128xf32, #tpu.memory_space<vmem>>, vector<1x16xf32>,
          %add3A_369 = arith.constant 2 : i32
          %add3A_370 = arith.addi %mul3A_77, %add3A_369 : i32
          %get3A_371 = arith.index_cast %add3A_370 : i32 to index
          %get3A_372 = arith.constant 48 : index
          %get3A_373 = tpu.vector_load %arg12[%get3A_371, %get3A_372] {strides = array<i32>} : memref<128x128xf32, #tpu.memory_space<vmem>>, vector<1x16xf32>,
          %get3A_374 = vector.shape_cast %get3A_373 : vector<1x16xf32> to vector<16xf32>
          %mul3A_375 = vector.broadcast %squeeze3A_323 : f32 to vector<16xf32>
          %mul3A_376 = arith.mulf %get3A_374, %mul3A_375 : vector<16xf32>
          %add3A_377 = arith.constant 2 : i32
          %add3A_378 = arith.addi %mul3A_77, %add3A_377 : i32
          %swap3A_379 = arith.index_cast %add3A_378 : i32 to index
          %swap3A_380 = arith.constant 48 : index
          %swap3A_381 = tpu.vector_load %arg12[%swap3A_379, %swap3A_380] {strides = array<i32>} : memref<128x128xf32, #tpu.memory_space<vmem>>, vector<1x16xf32>,
          %swap3A_382 = vector.shape_cast %swap3A_381 : vector<1x16xf32> to vector<16xf32>
          %swap3A_383 = vector.shape_cast %mul3A_376 : vector<16xf32> to vector<1x16xf32>
          tpu.vector_store %arg12[%swap3A_379, %swap3A_380], %swap3A_383 {strides = array<i32>} : memref<128x128xf32, #tpu.memory_space<vmem>>, vector<1x16xf32>,
          %add3A_384 = arith.constant 2 : i32
          %add3A_385 = arith.addi %mul3A_77, %add3A_384 : i32
          %get3A_386 = arith.index_cast %add3A_385 : i32 to index
          %get3A_387 = arith.constant 64 : index
          %get3A_388 = tpu.vector_load %arg12[%get3A_386, %get3A_387] {strides = array<i32>} : memref<128x128xf32, #tpu.memory_space<vmem>>, vector<1x16xf32>,
          %get3A_389 = vector.shape_cast %get3A_388 : vector<1x16xf32> to vector<16xf32>
          %mul3A_390 = vector.broadcast %squeeze3A_323 : f32 to vector<16xf32>
          %mul3A_391 = arith.mulf %get3A_389, %mul3A_390 : vector<16xf32>
          %add3A_392 = arith.constant 2 : i32
          %add3A_393 = arith.addi %mul3A_77, %add3A_392 : i32
          %swap3A_394 = arith.index_cast %add3A_393 : i32 to index
          %swap3A_395 = arith.constant 64 : index
          %swap3A_396 = tpu.vector_load %arg12[%swap3A_394, %swap3A_395] {strides = array<i32>} : memref<128x128xf32, #tpu.memory_space<vmem>>, vector<1x16xf32>,
          %swap3A_397 = vector.shape_cast %swap3A_396 : vector<1x16xf32> to vector<16xf32>
          %swap3A_398 = vector.shape_cast %mul3A_391 : vector<16xf32> to vector<1x16xf32>
          tpu.vector_store %arg12[%swap3A_394, %swap3A_395], %swap3A_398 {strides = array<i32>} : memref<128x128xf32, #tpu.memory_space<vmem>>, vector<1x16xf32>,
          %add3A_399 = arith.constant 2 : i32
          %add3A_400 = arith.addi %mul3A_77, %add3A_399 : i32
          %get3A_401 = arith.index_cast %add3A_400 : i32 to index
          %get3A_402 = arith.constant 80 : index
          %get3A_403 = tpu.vector_load %arg12[%get3A_401, %get3A_402] {strides = array<i32>} : memref<128x128xf32, #tpu.memory_space<vmem>>, vector<1x16xf32>,
          %get3A_404 = vector.shape_cast %get3A_403 : vector<1x16xf32> to vector<16xf32>
          %mul3A_405 = vector.broadcast %squeeze3A_323 : f32 to vector<16xf32>
          %mul3A_406 = arith.mulf %get3A_404, %mul3A_405 : vector<16xf32>
          %add3A_407 = arith.constant 2 : i32
          %add3A_408 = arith.addi %mul3A_77, %add3A_407 : i32
          %swap3A_409 = arith.index_cast %add3A_408 : i32 to index
          %swap3A_410 = arith.constant 80 : index
          %swap3A_411 = tpu.vector_load %arg12[%swap3A_409, %swap3A_410] {strides = array<i32>} : memref<128x128xf32, #tpu.memory_space<vmem>>, vector<1x16xf32>,
          %swap3A_412 = vector.shape_cast %swap3A_411 : vector<1x16xf32> to vector<16xf32>
          %swap3A_413 = vector.shape_cast %mul3A_406 : vector<16xf32> to vector<1x16xf32>
          tpu.vector_store %arg12[%swap3A_409, %swap3A_410], %swap3A_413 {strides = array<i32>} : memref<128x128xf32, #tpu.memory_space<vmem>>, vector<1x16xf32>,
          %add3A_414 = arith.constant 2 : i32
          %add3A_415 = arith.addi %mul3A_77, %add3A_414 : i32
          %get3A_416 = arith.index_cast %add3A_415 : i32 to index
          %get3A_417 = arith.constant 96 : index
          %get3A_418 = tpu.vector_load %arg12[%get3A_416, %get3A_417] {strides = array<i32>} : memref<128x128xf32, #tpu.memory_space<vmem>>, vector<1x16xf32>,
          %get3A_419 = vector.shape_cast %get3A_418 : vector<1x16xf32> to vector<16xf32>
          %mul3A_420 = vector.broadcast %squeeze3A_323 : f32 to vector<16xf32>
          %mul3A_421 = arith.mulf %get3A_419, %mul3A_420 : vector<16xf32>
          %add3A_422 = arith.constant 2 : i32
          %add3A_423 = arith.addi %mul3A_77, %add3A_422 : i32
          %swap3A_424 = arith.index_cast %add3A_423 : i32 to index
          %swap3A_425 = arith.constant 96 : index
          %swap3A_426 = tpu.vector_load %arg12[%swap3A_424, %swap3A_425] {strides = array<i32>} : memref<128x128xf32, #tpu.memory_space<vmem>>, vector<1x16xf32>,
          %swap3A_427 = vector.shape_cast %swap3A_426 : vector<1x16xf32> to vector<16xf32>
          %swap3A_428 = vector.shape_cast %mul3A_421 : vector<16xf32> to vector<1x16xf32>
          tpu.vector_store %arg12[%swap3A_424, %swap3A_425], %swap3A_428 {strides = array<i32>} : memref<128x128xf32, #tpu.memory_space<vmem>>, vector<1x16xf32>,
          %add3A_429 = arith.constant 2 : i32
          %add3A_430 = arith.addi %mul3A_77, %add3A_429 : i32
          %get3A_431 = arith.index_cast %add3A_430 : i32 to index
          %get3A_432 = arith.constant 112 : index
          %get3A_433 = tpu.vector_load %arg12[%get3A_431, %get3A_432] {strides = array<i32>} : memref<128x128xf32, #tpu.memory_space<vmem>>, vector<1x16xf32>,
          %get3A_434 = vector.shape_cast %get3A_433 : vector<1x16xf32> to vector<16xf32>
          %mul3A_435 = vector.broadcast %squeeze3A_323 : f32 to vector<16xf32>
          %mul3A_436 = arith.mulf %get3A_434, %mul3A_435 : vector<16xf32>
          %add3A_437 = arith.constant 2 : i32
          %add3A_438 = arith.addi %mul3A_77, %add3A_437 : i32
          %swap3A_439 = arith.index_cast %add3A_438 : i32 to index
          %swap3A_440 = arith.constant 112 : index
          %swap3A_441 = tpu.vector_load %arg12[%swap3A_439, %swap3A_440] {strides = array<i32>} : memref<128x128xf32, #tpu.memory_space<vmem>>, vector<1x16xf32>,
          %swap3A_442 = vector.shape_cast %swap3A_441 : vector<1x16xf32> to vector<16xf32>
          %swap3A_443 = vector.shape_cast %mul3A_436 : vector<16xf32> to vector<1x16xf32>
          tpu.vector_store %arg12[%swap3A_439, %swap3A_440], %swap3A_443 {strides = array<i32>} : memref<128x128xf32, #tpu.memory_space<vmem>>, vector<1x16xf32>,
          %slice3A_444 = vector.extract_strided_slice %get3A_80 {offsets = [3], sizes = [1], strides = [1]} : vector<16xf32> to vector<1xf32>
          %squeeze3A_445 = vector.extract %slice3A_444[0] : f32 from vector<1xf32>
          %add3A_446 = arith.constant 3 : i32
          %add3A_447 = arith.addi %mul3A_77, %add3A_446 : i32
          %get3A_448 = arith.index_cast %add3A_447 : i32 to index
          %get3A_449 = arith.constant 0 : index
          %get3A_450 = tpu.vector_load %arg12[%get3A_448, %get3A_449] {strides = array<i32>} : memref<128x128xf32, #tpu.memory_space<vmem>>, vector<1x16xf32>,
          %get3A_451 = vector.shape_cast %get3A_450 : vector<1x16xf32> to vector<16xf32>
          %mul3A_452 = vector.broadcast %squeeze3A_445 : f32 to vector<16xf32>
          %mul3A_453 = arith.mulf %get3A_451, %mul3A_452 : vector<16xf32>
          %add3A_454 = arith.constant 3 : i32
          %add3A_455 = arith.addi %mul3A_77, %add3A_454 : i32
          %swap3A_456 = arith.index_cast %add3A_455 : i32 to index
          %swap3A_457 = arith.constant 0 : index
          %swap3A_458 = tpu.vector_load %arg12[%swap3A_456, %swap3A_457] {strides = array<i32>} : memref<128x128xf32, #tpu.memory_space<vmem>>, vector<1x16xf32>,
          %swap3A_459 = vector.shape_cast %swap3A_458 : vector<1x16xf32> to vector<16xf32>
          %swap3A_460 = vector.shape_cast %mul3A_453 : vector<16xf32> to vector<1x16xf32>
          tpu.vector_store %arg12[%swap3A_456, %swap3A_457], %swap3A_460 {strides = array<i32>} : memref<128x128xf32, #tpu.memory_space<vmem>>, vector<1x16xf32>,
          %add3A_461 = arith.constant 3 : i32
          %add3A_462 = arith.addi %mul3A_77, %add3A_461 : i32
          %get3A_463 = arith.index_cast %add3A_462 : i32 to index
          %get3A_464 = arith.constant 16 : index
          %get3A_465 = tpu.vector_load %arg12[%get3A_463, %get3A_464] {strides = array<i32>} : memref<128x128xf32, #tpu.memory_space<vmem>>, vector<1x16xf32>,
          %get3A_466 = vector.shape_cast %get3A_465 : vector<1x16xf32> to vector<16xf32>
          %mul3A_467 = vector.broadcast %squeeze3A_445 : f32 to vector<16xf32>
          %mul3A_468 = arith.mulf %get3A_466, %mul3A_467 : vector<16xf32>
          %add3A_469 = arith.constant 3 : i32
          %add3A_470 = arith.addi %mul3A_77, %add3A_469 : i32
          %swap3A_471 = arith.index_cast %add3A_470 : i32 to index
          %swap3A_472 = arith.constant 16 : index
          %swap3A_473 = tpu.vector_load %arg12[%swap3A_471, %swap3A_472] {strides = array<i32>} : memref<128x128xf32, #tpu.memory_space<vmem>>, vector<1x16xf32>,
          %swap3A_474 = vector.shape_cast %swap3A_473 : vector<1x16xf32> to vector<16xf32>
          %swap3A_475 = vector.shape_cast %mul3A_468 : vector<16xf32> to vector<1x16xf32>
          tpu.vector_store %arg12[%swap3A_471, %swap3A_472], %swap3A_475 {strides = array<i32>} : memref<128x128xf32, #tpu.memory_space<vmem>>, vector<1x16xf32>,
          %add3A_476 = arith.constant 3 : i32
          %add3A_477 = arith.addi %mul3A_77, %add3A_476 : i32
          %get3A_478 = arith.index_cast %add3A_477 : i32 to index
          %get3A_479 = arith.constant 32 : index
          %get3A_480 = tpu.vector_load %arg12[%get3A_478, %get3A_479] {strides = array<i32>} : memref<128x128xf32, #tpu.memory_space<vmem>>, vector<1x16xf32>,
          %get3A_481 = vector.shape_cast %get3A_480 : vector<1x16xf32> to vector<16xf32>
          %mul3A_482 = vector.broadcast %squeeze3A_445 : f32 to vector<16xf32>
          %mul3A_483 = arith.mulf %get3A_481, %mul3A_482 : vector<16xf32>
          %add3A_484 = arith.constant 3 : i32
          %add3A_485 = arith.addi %mul3A_77, %add3A_484 : i32
          %swap3A_486 = arith.index_cast %add3A_485 : i32 to index
          %swap3A_487 = arith.constant 32 : index
          %swap3A_488 = tpu.vector_load %arg12[%swap3A_486, %swap3A_487] {strides = array<i32>} : memref<128x128xf32, #tpu.memory_space<vmem>>, vector<1x16xf32>,
          %swap3A_489 = vector.shape_cast %swap3A_488 : vector<1x16xf32> to vector<16xf32>
          %swap3A_490 = vector.shape_cast %mul3A_483 : vector<16xf32> to vector<1x16xf32>
          tpu.vector_store %arg12[%swap3A_486, %swap3A_487], %swap3A_490 {strides = array<i32>} : memref<128x128xf32, #tpu.memory_space<vmem>>, vector<1x16xf32>,
          %add3A_491 = arith.constant 3 : i32
          %add3A_492 = arith.addi %mul3A_77, %add3A_491 : i32
          %get3A_493 = arith.index_cast %add3A_492 : i32 to index
          %get3A_494 = arith.constant 48 : index
          %get3A_495 = tpu.vector_load %arg12[%get3A_493, %get3A_494] {strides = array<i32>} : memref<128x128xf32, #tpu.memory_space<vmem>>, vector<1x16xf32>,
          %get3A_496 = vector.shape_cast %get3A_495 : vector<1x16xf32> to vector<16xf32>
          %mul3A_497 = vector.broadcast %squeeze3A_445 : f32 to vector<16xf32>
          %mul3A_498 = arith.mulf %get3A_496, %mul3A_497 : vector<16xf32>
          %add3A_499 = arith.constant 3 : i32
          %add3A_500 = arith.addi %mul3A_77, %add3A_499 : i32
          %swap3A_501 = arith.index_cast %add3A_500 : i32 to index
          %swap3A_502 = arith.constant 48 : index
          %swap3A_503 = tpu.vector_load %arg12[%swap3A_501, %swap3A_502] {strides = array<i32>} : memref<128x128xf32, #tpu.memory_space<vmem>>, vector<1x16xf32>,
          %swap3A_504 = vector.shape_cast %swap3A_503 : vector<1x16xf32> to vector<16xf32>
          %swap3A_505 = vector.shape_cast %mul3A_498 : vector<16xf32> to vector<1x16xf32>
          tpu.vector_store %arg12[%swap3A_501, %swap3A_502], %swap3A_505 {strides = array<i32>} : memref<128x128xf32, #tpu.memory_space<vmem>>, vector<1x16xf32>,
          %add3A_506 = arith.constant 3 : i32
          %add3A_507 = arith.addi %mul3A_77, %add3A_506 : i32
          %get3A_508 = arith.index_cast %add3A_507 : i32 to index
          %get3A_509 = arith.constant 64 : index
          %get3A_510 = tpu.vector_load %arg12[%get3A_508, %get3A_509] {strides = array<i32>} : memref<128x128xf32, #tpu.memory_space<vmem>>, vector<1x16xf32>,
          %get3A_511 = vector.shape_cast %get3A_510 : vector<1x16xf32> to vector<16xf32>
          %mul3A_512 = vector.broadcast %squeeze3A_445 : f32 to vector<16xf32>
          %mul3A_513 = arith.mulf %get3A_511, %mul3A_512 : vector<16xf32>
          %add3A_514 = arith.constant 3 : i32
          %add3A_515 = arith.addi %mul3A_77, %add3A_514 : i32
          %swap3A_516 = arith.index_cast %add3A_515 : i32 to index
          %swap3A_517 = arith.constant 64 : index
          %swap3A_518 = tpu.vector_load %arg12[%swap3A_516, %swap3A_517] {strides = array<i32>} : memref<128x128xf32, #tpu.memory_space<vmem>>, vector<1x16xf32>,
          %swap3A_519 = vector.shape_cast %swap3A_518 : vector<1x16xf32> to vector<16xf32>
          %swap3A_520 = vector.shape_cast %mul3A_513 : vector<16xf32> to vector<1x16xf32>
          tpu.vector_store %arg12[%swap3A_516, %swap3A_517], %swap3A_520 {strides = array<i32>} : memref<128x128xf32, #tpu.memory_space<vmem>>, vector<1x16xf32>,
          %add3A_521 = arith.constant 3 : i32
          %add3A_522 = arith.addi %mul3A_77, %add3A_521 : i32
          %get3A_523 = arith.index_cast %add3A_522 : i32 to index
          %get3A_524 = arith.constant 80 : index
          %get3A_525 = tpu.vector_load %arg12[%get3A_523, %get3A_524] {strides = array<i32>} : memref<128x128xf32, #tpu.memory_space<vmem>>, vector<1x16xf32>,
          %get3A_526 = vector.shape_cast %get3A_525 : vector<1x16xf32> to vector<16xf32>
          %mul3A_527 = vector.broadcast %squeeze3A_445 : f32 to vector<16xf32>
          %mul3A_528 = arith.mulf %get3A_526, %mul3A_527 : vector<16xf32>
          %add3A_529 = arith.constant 3 : i32
          %add3A_530 = arith.addi %mul3A_77, %add3A_529 : i32
          %swap3A_531 = arith.index_cast %add3A_530 : i32 to index
          %swap3A_532 = arith.constant 80 : index
          %swap3A_533 = tpu.vector_load %arg12[%swap3A_531, %swap3A_532] {strides = array<i32>} : memref<128x128xf32, #tpu.memory_space<vmem>>, vector<1x16xf32>,
          %swap3A_534 = vector.shape_cast %swap3A_533 : vector<1x16xf32> to vector<16xf32>
          %swap3A_535 = vector.shape_cast %mul3A_528 : vector<16xf32> to vector<1x16xf32>
          tpu.vector_store %arg12[%swap3A_531, %swap3A_532], %swap3A_535 {strides = array<i32>} : memref<128x128xf32, #tpu.memory_space<vmem>>, vector<1x16xf32>,
          %add3A_536 = arith.constant 3 : i32
          %add3A_537 = arith.addi %mul3A_77, %add3A_536 : i32
          %get3A_538 = arith.index_cast %add3A_537 : i32 to index
          %get3A_539 = arith.constant 96 : index
          %get3A_540 = tpu.vector_load %arg12[%get3A_538, %get3A_539] {strides = array<i32>} : memref<128x128xf32, #tpu.memory_space<vmem>>, vector<1x16xf32>,
          %get3A_541 = vector.shape_cast %get3A_540 : vector<1x16xf32> to vector<16xf32>
          %mul3A_542 = vector.broadcast %squeeze3A_445 : f32 to vector<16xf32>
          %mul3A_543 = arith.mulf %get3A_541, %mul3A_542 : vector<16xf32>
          %add3A_544 = arith.constant 3 : i32
          %add3A_545 = arith.addi %mul3A_77, %add3A_544 : i32
          %swap3A_546 = arith.index_cast %add3A_545 : i32 to index
          %swap3A_547 = arith.constant 96 : index
          %swap3A_548 = tpu.vector_load %arg12[%swap3A_546, %swap3A_547] {strides = array<i32>} : memref<128x128xf32, #tpu.memory_space<vmem>>, vector<1x16xf32>,
          %swap3A_549 = vector.shape_cast %swap3A_548 : vector<1x16xf32> to vector<16xf32>
          %swap3A_550 = vector.shape_cast %mul3A_543 : vector<16xf32> to vector<1x16xf32>
          tpu.vector_store %arg12[%swap3A_546, %swap3A_547], %swap3A_550 {strides = array<i32>} : memref<128x128xf32, #tpu.memory_space<vmem>>, vector<1x16xf32>,
          %add3A_551 = arith.constant 3 : i32
          %add3A_552 = arith.addi %mul3A_77, %add3A_551 : i32
          %get3A_553 = arith.index_cast %add3A_552 : i32 to index
          %get3A_554 = arith.constant 112 : index
          %get3A_555 = tpu.vector_load %arg12[%get3A_553, %get3A_554] {strides = array<i32>} : memref<128x128xf32, #tpu.memory_space<vmem>>, vector<1x16xf32>,
          %get3A_556 = vector.shape_cast %get3A_555 : vector<1x16xf32> to vector<16xf32>
          %mul3A_557 = vector.broadcast %squeeze3A_445 : f32 to vector<16xf32>
          %mul3A_558 = arith.mulf %get3A_556, %mul3A_557 : vector<16xf32>
          %add3A_559 = arith.constant 3 : i32
          %add3A_560 = arith.addi %mul3A_77, %add3A_559 : i32
          %swap3A_561 = arith.index_cast %add3A_560 : i32 to index
          %swap3A_562 = arith.constant 112 : index
          %swap3A_563 = tpu.vector_load %arg12[%swap3A_561, %swap3A_562] {strides = array<i32>} : memref<128x128xf32, #tpu.memory_space<vmem>>, vector<1x16xf32>,
          %swap3A_564 = vector.shape_cast %swap3A_563 : vector<1x16xf32> to vector<16xf32>
          %swap3A_565 = vector.shape_cast %mul3A_558 : vector<16xf32> to vector<1x16xf32>
          tpu.vector_store %arg12[%swap3A_561, %swap3A_562], %swap3A_565 {strides = array<i32>} : memref<128x128xf32, #tpu.memory_space<vmem>>, vector<1x16xf32>,
          %slice3A_566 = vector.extract_strided_slice %get3A_80 {offsets = [4], sizes = [1], strides = [1]} : vector<16xf32> to vector<1xf32>
          %squeeze3A_567 = vector.extract %slice3A_566[0] : f32 from vector<1xf32>
          %add3A_568 = arith.constant 4 : i32
          %add3A_569 = arith.addi %mul3A_77, %add3A_568 : i32
          %get3A_570 = arith.index_cast %add3A_569 : i32 to index
          %get3A_571 = arith.constant 0 : index
          %get3A_572 = tpu.vector_load %arg12[%get3A_570, %get3A_571] {strides = array<i32>} : memref<128x128xf32, #tpu.memory_space<vmem>>, vector<1x16xf32>,
          %get3A_573 = vector.shape_cast %get3A_572 : vector<1x16xf32> to vector<16xf32>
          %mul3A_574 = vector.broadcast %squeeze3A_567 : f32 to vector<16xf32>
          %mul3A_575 = arith.mulf %get3A_573, %mul3A_574 : vector<16xf32>
          %add3A_576 = arith.constant 4 : i32
          %add3A_577 = arith.addi %mul3A_77, %add3A_576 : i32
          %swap3A_578 = arith.index_cast %add3A_577 : i32 to index
          %swap3A_579 = arith.constant 0 : index
          %swap3A_580 = tpu.vector_load %arg12[%swap3A_578, %swap3A_579] {strides = array<i32>} : memref<128x128xf32, #tpu.memory_space<vmem>>, vector<1x16xf32>,
          %swap3A_581 = vector.shape_cast %swap3A_580 : vector<1x16xf32> to vector<16xf32>
          %swap3A_582 = vector.shape_cast %mul3A_575 : vector<16xf32> to vector<1x16xf32>
          tpu.vector_store %arg12[%swap3A_578, %swap3A_579], %swap3A_582 {strides = array<i32>} : memref<128x128xf32, #tpu.memory_space<vmem>>, vector<1x16xf32>,
          %add3A_583 = arith.constant 4 : i32
          %add3A_584 = arith.addi %mul3A_77, %add3A_583 : i32
          %get3A_585 = arith.index_cast %add3A_584 : i32 to index
          %get3A_586 = arith.constant 16 : index
          %get3A_587 = tpu.vector_load %arg12[%get3A_585, %get3A_586] {strides = array<i32>} : memref<128x128xf32, #tpu.memory_space<vmem>>, vector<1x16xf32>,
          %get3A_588 = vector.shape_cast %get3A_587 : vector<1x16xf32> to vector<16xf32>
          %mul3A_589 = vector.broadcast %squeeze3A_567 : f32 to vector<16xf32>
          %mul3A_590 = arith.mulf %get3A_588, %mul3A_589 : vector<16xf32>
          %add3A_591 = arith.constant 4 : i32
          %add3A_592 = arith.addi %mul3A_77, %add3A_591 : i32
          %swap3A_593 = arith.index_cast %add3A_592 : i32 to index
          %swap3A_594 = arith.constant 16 : index
          %swap3A_595 = tpu.vector_load %arg12[%swap3A_593, %swap3A_594] {strides = array<i32>} : memref<128x128xf32, #tpu.memory_space<vmem>>, vector<1x16xf32>,
          %swap3A_596 = vector.shape_cast %swap3A_595 : vector<1x16xf32> to vector<16xf32>
          %swap3A_597 = vector.shape_cast %mul3A_590 : vector<16xf32> to vector<1x16xf32>
          tpu.vector_store %arg12[%swap3A_593, %swap3A_594], %swap3A_597 {strides = array<i32>} : memref<128x128xf32, #tpu.memory_space<vmem>>, vector<1x16xf32>,
          %add3A_598 = arith.constant 4 : i32
          %add3A_599 = arith.addi %mul3A_77, %add3A_598 : i32
          %get3A_600 = arith.index_cast %add3A_599 : i32 to index
          %get3A_601 = arith.constant 32 : index
          %get3A_602 = tpu.vector_load %arg12[%get3A_600, %get3A_601] {strides = array<i32>} : memref<128x128xf32, #tpu.memory_space<vmem>>, vector<1x16xf32>,
          %get3A_603 = vector.shape_cast %get3A_602 : vector<1x16xf32> to vector<16xf32>
          %mul3A_604 = vector.broadcast %squeeze3A_567 : f32 to vector<16xf32>
          %mul3A_605 = arith.mulf %get3A_603, %mul3A_604 : vector<16xf32>
          %add3A_606 = arith.constant 4 : i32
          %add3A_607 = arith.addi %mul3A_77, %add3A_606 : i32
          %swap3A_608 = arith.index_cast %add3A_607 : i32 to index
          %swap3A_609 = arith.constant 32 : index
          %swap3A_610 = tpu.vector_load %arg12[%swap3A_608, %swap3A_609] {strides = array<i32>} : memref<128x128xf32, #tpu.memory_space<vmem>>, vector<1x16xf32>,
          %swap3A_611 = vector.shape_cast %swap3A_610 : vector<1x16xf32> to vector<16xf32>
          %swap3A_612 = vector.shape_cast %mul3A_605 : vector<16xf32> to vector<1x16xf32>
          tpu.vector_store %arg12[%swap3A_608, %swap3A_609], %swap3A_612 {strides = array<i32>} : memref<128x128xf32, #tpu.memory_space<vmem>>, vector<1x16xf32>,
          %add3A_613 = arith.constant 4 : i32
          %add3A_614 = arith.addi %mul3A_77, %add3A_613 : i32
          %get3A_615 = arith.index_cast %add3A_614 : i32 to index
          %get3A_616 = arith.constant 48 : index
          %get3A_617 = tpu.vector_load %arg12[%get3A_615, %get3A_616] {strides = array<i32>} : memref<128x128xf32, #tpu.memory_space<vmem>>, vector<1x16xf32>,
          %get3A_618 = vector.shape_cast %get3A_617 : vector<1x16xf32> to vector<16xf32>
          %mul3A_619 = vector.broadcast %squeeze3A_567 : f32 to vector<16xf32>
          %mul3A_620 = arith.mulf %get3A_618, %mul3A_619 : vector<16xf32>
          %add3A_621 = arith.constant 4 : i32
          %add3A_622 = arith.addi %mul3A_77, %add3A_621 : i32
          %swap3A_623 = arith.index_cast %add3A_622 : i32 to index
          %swap3A_624 = arith.constant 48 : index
          %swap3A_625 = tpu.vector_load %arg12[%swap3A_623, %swap3A_624] {strides = array<i32>} : memref<128x128xf32, #tpu.memory_space<vmem>>, vector<1x16xf32>,
          %swap3A_626 = vector.shape_cast %swap3A_625 : vector<1x16xf32> to vector<16xf32>
          %swap3A_627 = vector.shape_cast %mul3A_620 : vector<16xf32> to vector<1x16xf32>
          tpu.vector_store %arg12[%swap3A_623, %swap3A_624], %swap3A_627 {strides = array<i32>} : memref<128x128xf32, #tpu.memory_space<vmem>>, vector<1x16xf32>,
          %add3A_628 = arith.constant 4 : i32
          %add3A_629 = arith.addi %mul3A_77, %add3A_628 : i32
          %get3A_630 = arith.index_cast %add3A_629 : i32 to index
          %get3A_631 = arith.constant 64 : index
          %get3A_632 = tpu.vector_load %arg12[%get3A_630, %get3A_631] {strides = array<i32>} : memref<128x128xf32, #tpu.memory_space<vmem>>, vector<1x16xf32>,
          %get3A_633 = vector.shape_cast %get3A_632 : vector<1x16xf32> to vector<16xf32>
          %mul3A_634 = vector.broadcast %squeeze3A_567 : f32 to vector<16xf32>
          %mul3A_635 = arith.mulf %get3A_633, %mul3A_634 : vector<16xf32>
          %add3A_636 = arith.constant 4 : i32
          %add3A_637 = arith.addi %mul3A_77, %add3A_636 : i32
          %swap3A_638 = arith.index_cast %add3A_637 : i32 to index
          %swap3A_639 = arith.constant 64 : index
          %swap3A_640 = tpu.vector_load %arg12[%swap3A_638, %swap3A_639] {strides = array<i32>} : memref<128x128xf32, #tpu.memory_space<vmem>>, vector<1x16xf32>,
          %swap3A_641 = vector.shape_cast %swap3A_640 : vector<1x16xf32> to vector<16xf32>
          %swap3A_642 = vector.shape_cast %mul3A_635 : vector<16xf32> to vector<1x16xf32>
          tpu.vector_store %arg12[%swap3A_638, %swap3A_639], %swap3A_642 {strides = array<i32>} : memref<128x128xf32, #tpu.memory_space<vmem>>, vector<1x16xf32>,
          %add3A_643 = arith.constant 4 : i32
          %add3A_644 = arith.addi %mul3A_77, %add3A_643 : i32
          %get3A_645 = arith.index_cast %add3A_644 : i32 to index
          %get3A_646 = arith.constant 80 : index
          %get3A_647 = tpu.vector_load %arg12[%get3A_645, %get3A_646] {strides = array<i32>} : memref<128x128xf32, #tpu.memory_space<vmem>>, vector<1x16xf32>,
          %get3A_648 = vector.shape_cast %get3A_647 : vector<1x16xf32> to vector<16xf32>
          %mul3A_649 = vector.broadcast %squeeze3A_567 : f32 to vector<16xf32>
          %mul3A_650 = arith.mulf %get3A_648, %mul3A_649 : vector<16xf32>
          %add3A_651 = arith.constant 4 : i32
          %add3A_652 = arith.addi %mul3A_77, %add3A_651 : i32
          %swap3A_653 = arith.index_cast %add3A_652 : i32 to index
          %swap3A_654 = arith.constant 80 : index
          %swap3A_655 = tpu.vector_load %arg12[%swap3A_653, %swap3A_654] {strides = array<i32>} : memref<128x128xf32, #tpu.memory_space<vmem>>, vector<1x16xf32>,
          %swap3A_656 = vector.shape_cast %swap3A_655 : vector<1x16xf32> to vector<16xf32>
          %swap3A_657 = vector.shape_cast %mul3A_650 : vector<16xf32> to vector<1x16xf32>
          tpu.vector_store %arg12[%swap3A_653, %swap3A_654], %swap3A_657 {strides = array<i32>} : memref<128x128xf32, #tpu.memory_space<vmem>>, vector<1x16xf32>,
          %add3A_658 = arith.constant 4 : i32
          %add3A_659 = arith.addi %mul3A_77, %add3A_658 : i32
          %get3A_660 = arith.index_cast %add3A_659 : i32 to index
          %get3A_661 = arith.constant 96 : index
          %get3A_662 = tpu.vector_load %arg12[%get3A_660, %get3A_661] {strides = array<i32>} : memref<128x128xf32, #tpu.memory_space<vmem>>, vector<1x16xf32>,
          %get3A_663 = vector.shape_cast %get3A_662 : vector<1x16xf32> to vector<16xf32>
          %mul3A_664 = vector.broadcast %squeeze3A_567 : f32 to vector<16xf32>
          %mul3A_665 = arith.mulf %get3A_663, %mul3A_664 : vector<16xf32>
          %add3A_666 = arith.constant 4 : i32
          %add3A_667 = arith.addi %mul3A_77, %add3A_666 : i32
          %swap3A_668 = arith.index_cast %add3A_667 : i32 to index
          %swap3A_669 = arith.constant 96 : index
          %swap3A_670 = tpu.vector_load %arg12[%swap3A_668, %swap3A_669] {strides = array<i32>} : memref<128x128xf32, #tpu.memory_space<vmem>>, vector<1x16xf32>,
          %swap3A_671 = vector.shape_cast %swap3A_670 : vector<1x16xf32> to vector<16xf32>
          %swap3A_672 = vector.shape_cast %mul3A_665 : vector<16xf32> to vector<1x16xf32>
          tpu.vector_store %arg12[%swap3A_668, %swap3A_669], %swap3A_672 {strides = array<i32>} : memref<128x128xf32, #tpu.memory_space<vmem>>, vector<1x16xf32>,
          %add3A_673 = arith.constant 4 : i32
          %add3A_674 = arith.addi %mul3A_77, %add3A_673 : i32
          %get3A_675 = arith.index_cast %add3A_674 : i32 to index
          %get3A_676 = arith.constant 112 : index
          %get3A_677 = tpu.vector_load %arg12[%get3A_675, %get3A_676] {strides = array<i32>} : memref<128x128xf32, #tpu.memory_space<vmem>>, vector<1x16xf32>,
          %get3A_678 = vector.shape_cast %get3A_677 : vector<1x16xf32> to vector<16xf32>
          %mul3A_679 = vector.broadcast %squeeze3A_567 : f32 to vector<16xf32>
          %mul3A_680 = arith.mulf %get3A_678, %mul3A_679 : vector<16xf32>
          %add3A_681 = arith.constant 4 : i32
          %add3A_682 = arith.addi %mul3A_77, %add3A_681 : i32
          %swap3A_683 = arith.index_cast %add3A_682 : i32 to index
          %swap3A_684 = arith.constant 112 : index
          %swap3A_685 = tpu.vector_load %arg12[%swap3A_683, %swap3A_684] {strides = array<i32>} : memref<128x128xf32, #tpu.memory_space<vmem>>, vector<1x16xf32>,
          %swap3A_686 = vector.shape_cast %swap3A_685 : vector<1x16xf32> to vector<16xf32>
          %swap3A_687 = vector.shape_cast %mul3A_680 : vector<16xf32> to vector<1x16xf32>
          tpu.vector_store %arg12[%swap3A_683, %swap3A_684], %swap3A_687 {strides = array<i32>} : memref<128x128xf32, #tpu.memory_space<vmem>>, vector<1x16xf32>,
          %slice3A_688 = vector.extract_strided_slice %get3A_80 {offsets = [5], sizes = [1], strides = [1]} : vector<16xf32> to vector<1xf32>
          %squeeze3A_689 = vector.extract %slice3A_688[0] : f32 from vector<1xf32>
          %add3A_690 = arith.constant 5 : i32
          %add3A_691 = arith.addi %mul3A_77, %add3A_690 : i32
          %get3A_692 = arith.index_cast %add3A_691 : i32 to index
          %get3A_693 = arith.constant 0 : index
          %get3A_694 = tpu.vector_load %arg12[%get3A_692, %get3A_693] {strides = array<i32>} : memref<128x128xf32, #tpu.memory_space<vmem>>, vector<1x16xf32>,
          %get3A_695 = vector.shape_cast %get3A_694 : vector<1x16xf32> to vector<16xf32>
          %mul3A_696 = vector.broadcast %squeeze3A_689 : f32 to vector<16xf32>
          %mul3A_697 = arith.mulf %get3A_695, %mul3A_696 : vector<16xf32>
          %add3A_698 = arith.constant 5 : i32
          %add3A_699 = arith.addi %mul3A_77, %add3A_698 : i32
          %swap3A_700 = arith.index_cast %add3A_699 : i32 to index
          %swap3A_701 = arith.constant 0 : index
          %swap3A_702 = tpu.vector_load %arg12[%swap3A_700, %swap3A_701] {strides = array<i32>} : memref<128x128xf32, #tpu.memory_space<vmem>>, vector<1x16xf32>,
          %swap3A_703 = vector.shape_cast %swap3A_702 : vector<1x16xf32> to vector<16xf32>
          %swap3A_704 = vector.shape_cast %mul3A_697 : vector<16xf32> to vector<1x16xf32>
          tpu.vector_store %arg12[%swap3A_700, %swap3A_701], %swap3A_704 {strides = array<i32>} : memref<128x128xf32, #tpu.memory_space<vmem>>, vector<1x16xf32>,
          %add3A_705 = arith.constant 5 : i32
          %add3A_706 = arith.addi %mul3A_77, %add3A_705 : i32
          %get3A_707 = arith.index_cast %add3A_706 : i32 to index
          %get3A_708 = arith.constant 16 : index
          %get3A_709 = tpu.vector_load %arg12[%get3A_707, %get3A_708] {strides = array<i32>} : memref<128x128xf32, #tpu.memory_space<vmem>>, vector<1x16xf32>,
          %get3A_710 = vector.shape_cast %get3A_709 : vector<1x16xf32> to vector<16xf32>
          %mul3A_711 = vector.broadcast %squeeze3A_689 : f32 to vector<16xf32>
          %mul3A_712 = arith.mulf %get3A_710, %mul3A_711 : vector<16xf32>
          %add3A_713 = arith.constant 5 : i32
          %add3A_714 = arith.addi %mul3A_77, %add3A_713 : i32
          %swap3A_715 = arith.index_cast %add3A_714 : i32 to index
          %swap3A_716 = arith.constant 16 : index
          %swap3A_717 = tpu.vector_load %arg12[%swap3A_715, %swap3A_716] {strides = array<i32>} : memref<128x128xf32, #tpu.memory_space<vmem>>, vector<1x16xf32>,
          %swap3A_718 = vector.shape_cast %swap3A_717 : vector<1x16xf32> to vector<16xf32>
          %swap3A_719 = vector.shape_cast %mul3A_712 : vector<16xf32> to vector<1x16xf32>
          tpu.vector_store %arg12[%swap3A_715, %swap3A_716], %swap3A_719 {strides = array<i32>} : memref<128x128xf32, #tpu.memory_space<vmem>>, vector<1x16xf32>,
          %add3A_720 = arith.constant 5 : i32
          %add3A_721 = arith.addi %mul3A_77, %add3A_720 : i32
          %get3A_722 = arith.index_cast %add3A_721 : i32 to index
          %get3A_723 = arith.constant 32 : index
          %get3A_724 = tpu.vector_load %arg12[%get3A_722, %get3A_723] {strides = array<i32>} : memref<128x128xf32, #tpu.memory_space<vmem>>, vector<1x16xf32>,
          %get3A_725 = vector.shape_cast %get3A_724 : vector<1x16xf32> to vector<16xf32>
          %mul3A_726 = vector.broadcast %squeeze3A_689 : f32 to vector<16xf32>
          %mul3A_727 = arith.mulf %get3A_725, %mul3A_726 : vector<16xf32>
          %add3A_728 = arith.constant 5 : i32
          %add3A_729 = arith.addi %mul3A_77, %add3A_728 : i32
          %swap3A_730 = arith.index_cast %add3A_729 : i32 to index
          %swap3A_731 = arith.constant 32 : index
          %swap3A_732 = tpu.vector_load %arg12[%swap3A_730, %swap3A_731] {strides = array<i32>} : memref<128x128xf32, #tpu.memory_space<vmem>>, vector<1x16xf32>,
          %swap3A_733 = vector.shape_cast %swap3A_732 : vector<1x16xf32> to vector<16xf32>
          %swap3A_734 = vector.shape_cast %mul3A_727 : vector<16xf32> to vector<1x16xf32>
          tpu.vector_store %arg12[%swap3A_730, %swap3A_731], %swap3A_734 {strides = array<i32>} : memref<128x128xf32, #tpu.memory_space<vmem>>, vector<1x16xf32>,
          %add3A_735 = arith.constant 5 : i32
          %add3A_736 = arith.addi %mul3A_77, %add3A_735 : i32
          %get3A_737 = arith.index_cast %add3A_736 : i32 to index
          %get3A_738 = arith.constant 48 : index
          %get3A_739 = tpu.vector_load %arg12[%get3A_737, %get3A_738] {strides = array<i32>} : memref<128x128xf32, #tpu.memory_space<vmem>>, vector<1x16xf32>,
          %get3A_740 = vector.shape_cast %get3A_739 : vector<1x16xf32> to vector<16xf32>
          %mul3A_741 = vector.broadcast %squeeze3A_689 : f32 to vector<16xf32>
          %mul3A_742 = arith.mulf %get3A_740, %mul3A_741 : vector<16xf32>
          %add3A_743 = arith.constant 5 : i32
          %add3A_744 = arith.addi %mul3A_77, %add3A_743 : i32
          %swap3A_745 = arith.index_cast %add3A_744 : i32 to index
          %swap3A_746 = arith.constant 48 : index
          %swap3A_747 = tpu.vector_load %arg12[%swap3A_745, %swap3A_746] {strides = array<i32>} : memref<128x128xf32, #tpu.memory_space<vmem>>, vector<1x16xf32>,
          %swap3A_748 = vector.shape_cast %swap3A_747 : vector<1x16xf32> to vector<16xf32>
          %swap3A_749 = vector.shape_cast %mul3A_742 : vector<16xf32> to vector<1x16xf32>
          tpu.vector_store %arg12[%swap3A_745, %swap3A_746], %swap3A_749 {strides = array<i32>} : memref<128x128xf32, #tpu.memory_space<vmem>>, vector<1x16xf32>,
          %add3A_750 = arith.constant 5 : i32
          %add3A_751 = arith.addi %mul3A_77, %add3A_750 : i32
          %get3A_752 = arith.index_cast %add3A_751 : i32 to index
          %get3A_753 = arith.constant 64 : index
          %get3A_754 = tpu.vector_load %arg12[%get3A_752, %get3A_753] {strides = array<i32>} : memref<128x128xf32, #tpu.memory_space<vmem>>, vector<1x16xf32>,
          %get3A_755 = vector.shape_cast %get3A_754 : vector<1x16xf32> to vector<16xf32>
          %mul3A_756 = vector.broadcast %squeeze3A_689 : f32 to vector<16xf32>
          %mul3A_757 = arith.mulf %get3A_755, %mul3A_756 : vector<16xf32>
          %add3A_758 = arith.constant 5 : i32
          %add3A_759 = arith.addi %mul3A_77, %add3A_758 : i32
          %swap3A_760 = arith.index_cast %add3A_759 : i32 to index
          %swap3A_761 = arith.constant 64 : index
          %swap3A_762 = tpu.vector_load %arg12[%swap3A_760, %swap3A_761] {strides = array<i32>} : memref<128x128xf32, #tpu.memory_space<vmem>>, vector<1x16xf32>,
          %swap3A_763 = vector.shape_cast %swap3A_762 : vector<1x16xf32> to vector<16xf32>
          %swap3A_764 = vector.shape_cast %mul3A_757 : vector<16xf32> to vector<1x16xf32>
          tpu.vector_store %arg12[%swap3A_760, %swap3A_761], %swap3A_764 {strides = array<i32>} : memref<128x128xf32, #tpu.memory_space<vmem>>, vector<1x16xf32>,
          %add3A_765 = arith.constant 5 : i32
          %add3A_766 = arith.addi %mul3A_77, %add3A_765 : i32
          %get3A_767 = arith.index_cast %add3A_766 : i32 to index
          %get3A_768 = arith.constant 80 : index
          %get3A_769 = tpu.vector_load %arg12[%get3A_767, %get3A_768] {strides = array<i32>} : memref<128x128xf32, #tpu.memory_space<vmem>>, vector<1x16xf32>,
          %get3A_770 = vector.shape_cast %get3A_769 : vector<1x16xf32> to vector<16xf32>
          %mul3A_771 = vector.broadcast %squeeze3A_689 : f32 to vector<16xf32>
          %mul3A_772 = arith.mulf %get3A_770, %mul3A_771 : vector<16xf32>
          %add3A_773 = arith.constant 5 : i32
          %add3A_774 = arith.addi %mul3A_77, %add3A_773 : i32
          %swap3A_775 = arith.index_cast %add3A_774 : i32 to index
          %swap3A_776 = arith.constant 80 : index
          %swap3A_777 = tpu.vector_load %arg12[%swap3A_775, %swap3A_776] {strides = array<i32>} : memref<128x128xf32, #tpu.memory_space<vmem>>, vector<1x16xf32>,
          %swap3A_778 = vector.shape_cast %swap3A_777 : vector<1x16xf32> to vector<16xf32>
          %swap3A_779 = vector.shape_cast %mul3A_772 : vector<16xf32> to vector<1x16xf32>
          tpu.vector_store %arg12[%swap3A_775, %swap3A_776], %swap3A_779 {strides = array<i32>} : memref<128x128xf32, #tpu.memory_space<vmem>>, vector<1x16xf32>,
          %add3A_780 = arith.constant 5 : i32
          %add3A_781 = arith.addi %mul3A_77, %add3A_780 : i32
          %get3A_782 = arith.index_cast %add3A_781 : i32 to index
          %get3A_783 = arith.constant 96 : index
          %get3A_784 = tpu.vector_load %arg12[%get3A_782, %get3A_783] {strides = array<i32>} : memref<128x128xf32, #tpu.memory_space<vmem>>, vector<1x16xf32>,
          %get3A_785 = vector.shape_cast %get3A_784 : vector<1x16xf32> to vector<16xf32>
          %mul3A_786 = vector.broadcast %squeeze3A_689 : f32 to vector<16xf32>
          %mul3A_787 = arith.mulf %get3A_785, %mul3A_786 : vector<16xf32>
          %add3A_788 = arith.constant 5 : i32
          %add3A_789 = arith.addi %mul3A_77, %add3A_788 : i32
          %swap3A_790 = arith.index_cast %add3A_789 : i32 to index
          %swap3A_791 = arith.constant 96 : index
          %swap3A_792 = tpu.vector_load %arg12[%swap3A_790, %swap3A_791] {strides = array<i32>} : memref<128x128xf32, #tpu.memory_space<vmem>>, vector<1x16xf32>,
          %swap3A_793 = vector.shape_cast %swap3A_792 : vector<1x16xf32> to vector<16xf32>
          %swap3A_794 = vector.shape_cast %mul3A_787 : vector<16xf32> to vector<1x16xf32>
          tpu.vector_store %arg12[%swap3A_790, %swap3A_791], %swap3A_794 {strides = array<i32>} : memref<128x128xf32, #tpu.memory_space<vmem>>, vector<1x16xf32>,
          %add3A_795 = arith.constant 5 : i32
          %add3A_796 = arith.addi %mul3A_77, %add3A_795 : i32
          %get3A_797 = arith.index_cast %add3A_796 : i32 to index
          %get3A_798 = arith.constant 112 : index
          %get3A_799 = tpu.vector_load %arg12[%get3A_797, %get3A_798] {strides = array<i32>} : memref<128x128xf32, #tpu.memory_space<vmem>>, vector<1x16xf32>,
          %get3A_800 = vector.shape_cast %get3A_799 : vector<1x16xf32> to vector<16xf32>
          %mul3A_801 = vector.broadcast %squeeze3A_689 : f32 to vector<16xf32>
          %mul3A_802 = arith.mulf %get3A_800, %mul3A_801 : vector<16xf32>
          %add3A_803 = arith.constant 5 : i32
          %add3A_804 = arith.addi %mul3A_77, %add3A_803 : i32
          %swap3A_805 = arith.index_cast %add3A_804 : i32 to index
          %swap3A_806 = arith.constant 112 : index
          %swap3A_807 = tpu.vector_load %arg12[%swap3A_805, %swap3A_806] {strides = array<i32>} : memref<128x128xf32, #tpu.memory_space<vmem>>, vector<1x16xf32>,
          %swap3A_808 = vector.shape_cast %swap3A_807 : vector<1x16xf32> to vector<16xf32>
          %swap3A_809 = vector.shape_cast %mul3A_802 : vector<16xf32> to vector<1x16xf32>
          tpu.vector_store %arg12[%swap3A_805, %swap3A_806], %swap3A_809 {strides = array<i32>} : memref<128x128xf32, #tpu.memory_space<vmem>>, vector<1x16xf32>,
          %slice3A_810 = vector.extract_strided_slice %get3A_80 {offsets = [6], sizes = [1], strides = [1]} : vector<16xf32> to vector<1xf32>
          %squeeze3A_811 = vector.extract %slice3A_810[0] : f32 from vector<1xf32>
          %add3A_812 = arith.constant 6 : i32
          %add3A_813 = arith.addi %mul3A_77, %add3A_812 : i32
          %get3A_814 = arith.index_cast %add3A_813 : i32 to index
          %get3A_815 = arith.constant 0 : index
          %get3A_816 = tpu.vector_load %arg12[%get3A_814, %get3A_815] {strides = array<i32>} : memref<128x128xf32, #tpu.memory_space<vmem>>, vector<1x16xf32>,
          %get3A_817 = vector.shape_cast %get3A_816 : vector<1x16xf32> to vector<16xf32>
          %mul3A_818 = vector.broadcast %squeeze3A_811 : f32 to vector<16xf32>
          %mul3A_819 = arith.mulf %get3A_817, %mul3A_818 : vector<16xf32>
          %add3A_820 = arith.constant 6 : i32
          %add3A_821 = arith.addi %mul3A_77, %add3A_820 : i32
          %swap3A_822 = arith.index_cast %add3A_821 : i32 to index
          %swap3A_823 = arith.constant 0 : index
          %swap3A_824 = tpu.vector_load %arg12[%swap3A_822, %swap3A_823] {strides = array<i32>} : memref<128x128xf32, #tpu.memory_space<vmem>>, vector<1x16xf32>,
          %swap3A_825 = vector.shape_cast %swap3A_824 : vector<1x16xf32> to vector<16xf32>
          %swap3A_826 = vector.shape_cast %mul3A_819 : vector<16xf32> to vector<1x16xf32>
          tpu.vector_store %arg12[%swap3A_822, %swap3A_823], %swap3A_826 {strides = array<i32>} : memref<128x128xf32, #tpu.memory_space<vmem>>, vector<1x16xf32>,
          %add3A_827 = arith.constant 6 : i32
          %add3A_828 = arith.addi %mul3A_77, %add3A_827 : i32
          %get3A_829 = arith.index_cast %add3A_828 : i32 to index
          %get3A_830 = arith.constant 16 : index
          %get3A_831 = tpu.vector_load %arg12[%get3A_829, %get3A_830] {strides = array<i32>} : memref<128x128xf32, #tpu.memory_space<vmem>>, vector<1x16xf32>,
          %get3A_832 = vector.shape_cast %get3A_831 : vector<1x16xf32> to vector<16xf32>
          %mul3A_833 = vector.broadcast %squeeze3A_811 : f32 to vector<16xf32>
          %mul3A_834 = arith.mulf %get3A_832, %mul3A_833 : vector<16xf32>
          %add3A_835 = arith.constant 6 : i32
          %add3A_836 = arith.addi %mul3A_77, %add3A_835 : i32
          %swap3A_837 = arith.index_cast %add3A_836 : i32 to index
          %swap3A_838 = arith.constant 16 : index
          %swap3A_839 = tpu.vector_load %arg12[%swap3A_837, %swap3A_838] {strides = array<i32>} : memref<128x128xf32, #tpu.memory_space<vmem>>, vector<1x16xf32>,
          %swap3A_840 = vector.shape_cast %swap3A_839 : vector<1x16xf32> to vector<16xf32>
          %swap3A_841 = vector.shape_cast %mul3A_834 : vector<16xf32> to vector<1x16xf32>
          tpu.vector_store %arg12[%swap3A_837, %swap3A_838], %swap3A_841 {strides = array<i32>} : memref<128x128xf32, #tpu.memory_space<vmem>>, vector<1x16xf32>,
          %add3A_842 = arith.constant 6 : i32
          %add3A_843 = arith.addi %mul3A_77, %add3A_842 : i32
          %get3A_844 = arith.index_cast %add3A_843 : i32 to index
          %get3A_845 = arith.constant 32 : index
          %get3A_846 = tpu.vector_load %arg12[%get3A_844, %get3A_845] {strides = array<i32>} : memref<128x128xf32, #tpu.memory_space<vmem>>, vector<1x16xf32>,
          %get3A_847 = vector.shape_cast %get3A_846 : vector<1x16xf32> to vector<16xf32>
          %mul3A_848 = vector.broadcast %squeeze3A_811 : f32 to vector<16xf32>
          %mul3A_849 = arith.mulf %get3A_847, %mul3A_848 : vector<16xf32>
          %add3A_850 = arith.constant 6 : i32
          %add3A_851 = arith.addi %mul3A_77, %add3A_850 : i32
          %swap3A_852 = arith.index_cast %add3A_851 : i32 to index
          %swap3A_853 = arith.constant 32 : index
          %swap3A_854 = tpu.vector_load %arg12[%swap3A_852, %swap3A_853] {strides = array<i32>} : memref<128x128xf32, #tpu.memory_space<vmem>>, vector<1x16xf32>,
          %swap3A_855 = vector.shape_cast %swap3A_854 : vector<1x16xf32> to vector<16xf32>
          %swap3A_856 = vector.shape_cast %mul3A_849 : vector<16xf32> to vector<1x16xf32>
          tpu.vector_store %arg12[%swap3A_852, %swap3A_853], %swap3A_856 {strides = array<i32>} : memref<128x128xf32, #tpu.memory_space<vmem>>, vector<1x16xf32>,
          %add3A_857 = arith.constant 6 : i32
          %add3A_858 = arith.addi %mul3A_77, %add3A_857 : i32
          %get3A_859 = arith.index_cast %add3A_858 : i32 to index
          %get3A_860 = arith.constant 48 : index
          %get3A_861 = tpu.vector_load %arg12[%get3A_859, %get3A_860] {strides = array<i32>} : memref<128x128xf32, #tpu.memory_space<vmem>>, vector<1x16xf32>,
          %get3A_862 = vector.shape_cast %get3A_861 : vector<1x16xf32> to vector<16xf32>
          %mul3A_863 = vector.broadcast %squeeze3A_811 : f32 to vector<16xf32>
          %mul3A_864 = arith.mulf %get3A_862, %mul3A_863 : vector<16xf32>
          %add3A_865 = arith.constant 6 : i32
          %add3A_866 = arith.addi %mul3A_77, %add3A_865 : i32
          %swap3A_867 = arith.index_cast %add3A_866 : i32 to index
          %swap3A_868 = arith.constant 48 : index
          %swap3A_869 = tpu.vector_load %arg12[%swap3A_867, %swap3A_868] {strides = array<i32>} : memref<128x128xf32, #tpu.memory_space<vmem>>, vector<1x16xf32>,
          %swap3A_870 = vector.shape_cast %swap3A_869 : vector<1x16xf32> to vector<16xf32>
          %swap3A_871 = vector.shape_cast %mul3A_864 : vector<16xf32> to vector<1x16xf32>
          tpu.vector_store %arg12[%swap3A_867, %swap3A_868], %swap3A_871 {strides = array<i32>} : memref<128x128xf32, #tpu.memory_space<vmem>>, vector<1x16xf32>,
          %add3A_872 = arith.constant 6 : i32
          %add3A_873 = arith.addi %mul3A_77, %add3A_872 : i32
          %get3A_874 = arith.index_cast %add3A_873 : i32 to index
          %get3A_875 = arith.constant 64 : index
          %get3A_876 = tpu.vector_load %arg12[%get3A_874, %get3A_875] {strides = array<i32>} : memref<128x128xf32, #tpu.memory_space<vmem>>, vector<1x16xf32>,
          %get3A_877 = vector.shape_cast %get3A_876 : vector<1x16xf32> to vector<16xf32>
          %mul3A_878 = vector.broadcast %squeeze3A_811 : f32 to vector<16xf32>
          %mul3A_879 = arith.mulf %get3A_877, %mul3A_878 : vector<16xf32>
          %add3A_880 = arith.constant 6 : i32
          %add3A_881 = arith.addi %mul3A_77, %add3A_880 : i32
          %swap3A_882 = arith.index_cast %add3A_881 : i32 to index
          %swap3A_883 = arith.constant 64 : index
          %swap3A_884 = tpu.vector_load %arg12[%swap3A_882, %swap3A_883] {strides = array<i32>} : memref<128x128xf32, #tpu.memory_space<vmem>>, vector<1x16xf32>,
          %swap3A_885 = vector.shape_cast %swap3A_884 : vector<1x16xf32> to vector<16xf32>
          %swap3A_886 = vector.shape_cast %mul3A_879 : vector<16xf32> to vector<1x16xf32>
          tpu.vector_store %arg12[%swap3A_882, %swap3A_883], %swap3A_886 {strides = array<i32>} : memref<128x128xf32, #tpu.memory_space<vmem>>, vector<1x16xf32>,
          %add3A_887 = arith.constant 6 : i32
          %add3A_888 = arith.addi %mul3A_77, %add3A_887 : i32
          %get3A_889 = arith.index_cast %add3A_888 : i32 to index
          %get3A_890 = arith.constant 80 : index
          %get3A_891 = tpu.vector_load %arg12[%get3A_889, %get3A_890] {strides = array<i32>} : memref<128x128xf32, #tpu.memory_space<vmem>>, vector<1x16xf32>,
          %get3A_892 = vector.shape_cast %get3A_891 : vector<1x16xf32> to vector<16xf32>
          %mul3A_893 = vector.broadcast %squeeze3A_811 : f32 to vector<16xf32>
          %mul3A_894 = arith.mulf %get3A_892, %mul3A_893 : vector<16xf32>
          %add3A_895 = arith.constant 6 : i32
          %add3A_896 = arith.addi %mul3A_77, %add3A_895 : i32
          %swap3A_897 = arith.index_cast %add3A_896 : i32 to index
          %swap3A_898 = arith.constant 80 : index
          %swap3A_899 = tpu.vector_load %arg12[%swap3A_897, %swap3A_898] {strides = array<i32>} : memref<128x128xf32, #tpu.memory_space<vmem>>, vector<1x16xf32>,
          %swap3A_900 = vector.shape_cast %swap3A_899 : vector<1x16xf32> to vector<16xf32>
          %swap3A_901 = vector.shape_cast %mul3A_894 : vector<16xf32> to vector<1x16xf32>
          tpu.vector_store %arg12[%swap3A_897, %swap3A_898], %swap3A_901 {strides = array<i32>} : memref<128x128xf32, #tpu.memory_space<vmem>>, vector<1x16xf32>,
          %add3A_902 = arith.constant 6 : i32
          %add3A_903 = arith.addi %mul3A_77, %add3A_902 : i32
          %get3A_904 = arith.index_cast %add3A_903 : i32 to index
          %get3A_905 = arith.constant 96 : index
          %get3A_906 = tpu.vector_load %arg12[%get3A_904, %get3A_905] {strides = array<i32>} : memref<128x128xf32, #tpu.memory_space<vmem>>, vector<1x16xf32>,
          %get3A_907 = vector.shape_cast %get3A_906 : vector<1x16xf32> to vector<16xf32>
          %mul3A_908 = vector.broadcast %squeeze3A_811 : f32 to vector<16xf32>
          %mul3A_909 = arith.mulf %get3A_907, %mul3A_908 : vector<16xf32>
          %add3A_910 = arith.constant 6 : i32
          %add3A_911 = arith.addi %mul3A_77, %add3A_910 : i32
          %swap3A_912 = arith.index_cast %add3A_911 : i32 to index
          %swap3A_913 = arith.constant 96 : index
          %swap3A_914 = tpu.vector_load %arg12[%swap3A_912, %swap3A_913] {strides = array<i32>} : memref<128x128xf32, #tpu.memory_space<vmem>>, vector<1x16xf32>,
          %swap3A_915 = vector.shape_cast %swap3A_914 : vector<1x16xf32> to vector<16xf32>
          %swap3A_916 = vector.shape_cast %mul3A_909 : vector<16xf32> to vector<1x16xf32>
          tpu.vector_store %arg12[%swap3A_912, %swap3A_913], %swap3A_916 {strides = array<i32>} : memref<128x128xf32, #tpu.memory_space<vmem>>, vector<1x16xf32>,
          %add3A_917 = arith.constant 6 : i32
          %add3A_918 = arith.addi %mul3A_77, %add3A_917 : i32
          %get3A_919 = arith.index_cast %add3A_918 : i32 to index
          %get3A_920 = arith.constant 112 : index
          %get3A_921 = tpu.vector_load %arg12[%get3A_919, %get3A_920] {strides = array<i32>} : memref<128x128xf32, #tpu.memory_space<vmem>>, vector<1x16xf32>,
          %get3A_922 = vector.shape_cast %get3A_921 : vector<1x16xf32> to vector<16xf32>
          %mul3A_923 = vector.broadcast %squeeze3A_811 : f32 to vector<16xf32>
          %mul3A_924 = arith.mulf %get3A_922, %mul3A_923 : vector<16xf32>
          %add3A_925 = arith.constant 6 : i32
          %add3A_926 = arith.addi %mul3A_77, %add3A_925 : i32
          %swap3A_927 = arith.index_cast %add3A_926 : i32 to index
          %swap3A_928 = arith.constant 112 : index
          %swap3A_929 = tpu.vector_load %arg12[%swap3A_927, %swap3A_928] {strides = array<i32>} : memref<128x128xf32, #tpu.memory_space<vmem>>, vector<1x16xf32>,
          %swap3A_930 = vector.shape_cast %swap3A_929 : vector<1x16xf32> to vector<16xf32>
          %swap3A_931 = vector.shape_cast %mul3A_924 : vector<16xf32> to vector<1x16xf32>
          tpu.vector_store %arg12[%swap3A_927, %swap3A_928], %swap3A_931 {strides = array<i32>} : memref<128x128xf32, #tpu.memory_space<vmem>>, vector<1x16xf32>,
          %slice3A_932 = vector.extract_strided_slice %get3A_80 {offsets = [7], sizes = [1], strides = [1]} : vector<16xf32> to vector<1xf32>
          %squeeze3A_933 = vector.extract %slice3A_932[0] : f32 from vector<1xf32>
          %add3A_934 = arith.constant 7 : i32
          %add3A_935 = arith.addi %mul3A_77, %add3A_934 : i32
          %get3A_936 = arith.index_cast %add3A_935 : i32 to index
          %get3A_937 = arith.constant 0 : index
          %get3A_938 = tpu.vector_load %arg12[%get3A_936, %get3A_937] {strides = array<i32>} : memref<128x128xf32, #tpu.memory_space<vmem>>, vector<1x16xf32>,
          %get3A_939 = vector.shape_cast %get3A_938 : vector<1x16xf32> to vector<16xf32>
          %mul3A_940 = vector.broadcast %squeeze3A_933 : f32 to vector<16xf32>
          %mul3A_941 = arith.mulf %get3A_939, %mul3A_940 : vector<16xf32>
          %add3A_942 = arith.constant 7 : i32
          %add3A_943 = arith.addi %mul3A_77, %add3A_942 : i32
          %swap3A_944 = arith.index_cast %add3A_943 : i32 to index
          %swap3A_945 = arith.constant 0 : index
          %swap3A_946 = tpu.vector_load %arg12[%swap3A_944, %swap3A_945] {strides = array<i32>} : memref<128x128xf32, #tpu.memory_space<vmem>>, vector<1x16xf32>,
          %swap3A_947 = vector.shape_cast %swap3A_946 : vector<1x16xf32> to vector<16xf32>
          %swap3A_948 = vector.shape_cast %mul3A_941 : vector<16xf32> to vector<1x16xf32>
          tpu.vector_store %arg12[%swap3A_944, %swap3A_945], %swap3A_948 {strides = array<i32>} : memref<128x128xf32, #tpu.memory_space<vmem>>, vector<1x16xf32>,
          %add3A_949 = arith.constant 7 : i32
          %add3A_950 = arith.addi %mul3A_77, %add3A_949 : i32
          %get3A_951 = arith.index_cast %add3A_950 : i32 to index
          %get3A_952 = arith.constant 16 : index
          %get3A_953 = tpu.vector_load %arg12[%get3A_951, %get3A_952] {strides = array<i32>} : memref<128x128xf32, #tpu.memory_space<vmem>>, vector<1x16xf32>,
          %get3A_954 = vector.shape_cast %get3A_953 : vector<1x16xf32> to vector<16xf32>
          %mul3A_955 = vector.broadcast %squeeze3A_933 : f32 to vector<16xf32>
          %mul3A_956 = arith.mulf %get3A_954, %mul3A_955 : vector<16xf32>
          %add3A_957 = arith.constant 7 : i32
          %add3A_958 = arith.addi %mul3A_77, %add3A_957 : i32
          %swap3A_959 = arith.index_cast %add3A_958 : i32 to index
          %swap3A_960 = arith.constant 16 : index
          %swap3A_961 = tpu.vector_load %arg12[%swap3A_959, %swap3A_960] {strides = array<i32>} : memref<128x128xf32, #tpu.memory_space<vmem>>, vector<1x16xf32>,
          %swap3A_962 = vector.shape_cast %swap3A_961 : vector<1x16xf32> to vector<16xf32>
          %swap3A_963 = vector.shape_cast %mul3A_956 : vector<16xf32> to vector<1x16xf32>
          tpu.vector_store %arg12[%swap3A_959, %swap3A_960], %swap3A_963 {strides = array<i32>} : memref<128x128xf32, #tpu.memory_space<vmem>>, vector<1x16xf32>,
          %add3A_964 = arith.constant 7 : i32
          %add3A_965 = arith.addi %mul3A_77, %add3A_964 : i32
          %get3A_966 = arith.index_cast %add3A_965 : i32 to index
          %get3A_967 = arith.constant 32 : index
          %get3A_968 = tpu.vector_load %arg12[%get3A_966, %get3A_967] {strides = array<i32>} : memref<128x128xf32, #tpu.memory_space<vmem>>, vector<1x16xf32>,
          %get3A_969 = vector.shape_cast %get3A_968 : vector<1x16xf32> to vector<16xf32>
          %mul3A_970 = vector.broadcast %squeeze3A_933 : f32 to vector<16xf32>
          %mul3A_971 = arith.mulf %get3A_969, %mul3A_970 : vector<16xf32>
          %add3A_972 = arith.constant 7 : i32
          %add3A_973 = arith.addi %mul3A_77, %add3A_972 : i32
          %swap3A_974 = arith.index_cast %add3A_973 : i32 to index
          %swap3A_975 = arith.constant 32 : index
          %swap3A_976 = tpu.vector_load %arg12[%swap3A_974, %swap3A_975] {strides = array<i32>} : memref<128x128xf32, #tpu.memory_space<vmem>>, vector<1x16xf32>,
          %swap3A_977 = vector.shape_cast %swap3A_976 : vector<1x16xf32> to vector<16xf32>
          %swap3A_978 = vector.shape_cast %mul3A_971 : vector<16xf32> to vector<1x16xf32>
          tpu.vector_store %arg12[%swap3A_974, %swap3A_975], %swap3A_978 {strides = array<i32>} : memref<128x128xf32, #tpu.memory_space<vmem>>, vector<1x16xf32>,
          %add3A_979 = arith.constant 7 : i32
          %add3A_980 = arith.addi %mul3A_77, %add3A_979 : i32
          %get3A_981 = arith.index_cast %add3A_980 : i32 to index
          %get3A_982 = arith.constant 48 : index
          %get3A_983 = tpu.vector_load %arg12[%get3A_981, %get3A_982] {strides = array<i32>} : memref<128x128xf32, #tpu.memory_space<vmem>>, vector<1x16xf32>,
          %get3A_984 = vector.shape_cast %get3A_983 : vector<1x16xf32> to vector<16xf32>
          %mul3A_985 = vector.broadcast %squeeze3A_933 : f32 to vector<16xf32>
          %mul3A_986 = arith.mulf %get3A_984, %mul3A_985 : vector<16xf32>
          %add3A_987 = arith.constant 7 : i32
          %add3A_988 = arith.addi %mul3A_77, %add3A_987 : i32
          %swap3A_989 = arith.index_cast %add3A_988 : i32 to index
          %swap3A_990 = arith.constant 48 : index
          %swap3A_991 = tpu.vector_load %arg12[%swap3A_989, %swap3A_990] {strides = array<i32>} : memref<128x128xf32, #tpu.memory_space<vmem>>, vector<1x16xf32>,
          %swap3A_992 = vector.shape_cast %swap3A_991 : vector<1x16xf32> to vector<16xf32>
          %swap3A_993 = vector.shape_cast %mul3A_986 : vector<16xf32> to vector<1x16xf32>
          tpu.vector_store %arg12[%swap3A_989, %swap3A_990], %swap3A_993 {strides = array<i32>} : memref<128x128xf32, #tpu.memory_space<vmem>>, vector<1x16xf32>,
          %add3A_994 = arith.constant 7 : i32
          %add3A_995 = arith.addi %mul3A_77, %add3A_994 : i32
          %get3A_996 = arith.index_cast %add3A_995 : i32 to index
          %get3A_997 = arith.constant 64 : index
          %get3A_998 = tpu.vector_load %arg12[%get3A_996, %get3A_997] {strides = array<i32>} : memref<128x128xf32, #tpu.memory_space<vmem>>, vector<1x16xf32>,
          %get3A_999 = vector.shape_cast %get3A_998 : vector<1x16xf32> to vector<16xf32>
          %mul3A_1000 = vector.broadcast %squeeze3A_933 : f32 to vector<16xf32>
          %mul3A_1001 = arith.mulf %get3A_999, %mul3A_1000 : vector<16xf32>
          %add3A_1002 = arith.constant 7 : i32
          %add3A_1003 = arith.addi %mul3A_77, %add3A_1002 : i32
          %swap3A_1004 = arith.index_cast %add3A_1003 : i32 to index
          %swap3A_1005 = arith.constant 64 : index
          %swap3A_1006 = tpu.vector_load %arg12[%swap3A_1004, %swap3A_1005] {strides = array<i32>} : memref<128x128xf32, #tpu.memory_space<vmem>>, vector<1x16xf32>,
          %swap3A_1007 = vector.shape_cast %swap3A_1006 : vector<1x16xf32> to vector<16xf32>
          %swap3A_1008 = vector.shape_cast %mul3A_1001 : vector<16xf32> to vector<1x16xf32>
          tpu.vector_store %arg12[%swap3A_1004, %swap3A_1005], %swap3A_1008 {strides = array<i32>} : memref<128x128xf32, #tpu.memory_space<vmem>>, vector<1x16xf32>,
          %add3A_1009 = arith.constant 7 : i32
          %add3A_1010 = arith.addi %mul3A_77, %add3A_1009 : i32
          %get3A_1011 = arith.index_cast %add3A_1010 : i32 to index
          %get3A_1012 = arith.constant 80 : index
          %get3A_1013 = tpu.vector_load %arg12[%get3A_1011, %get3A_1012] {strides = array<i32>} : memref<128x128xf32, #tpu.memory_space<vmem>>, vector<1x16xf32>,
          %get3A_1014 = vector.shape_cast %get3A_1013 : vector<1x16xf32> to vector<16xf32>
          %mul3A_1015 = vector.broadcast %squeeze3A_933 : f32 to vector<16xf32>
          %mul3A_1016 = arith.mulf %get3A_1014, %mul3A_1015 : vector<16xf32>
          %add3A_1017 = arith.constant 7 : i32
          %add3A_1018 = arith.addi %mul3A_77, %add3A_1017 : i32
          %swap3A_1019 = arith.index_cast %add3A_1018 : i32 to index
          %swap3A_1020 = arith.constant 80 : index
          %swap3A_1021 = tpu.vector_load %arg12[%swap3A_1019, %swap3A_1020] {strides = array<i32>} : memref<128x128xf32, #tpu.memory_space<vmem>>, vector<1x16xf32>,
          %swap3A_1022 = vector.shape_cast %swap3A_1021 : vector<1x16xf32> to vector<16xf32>
          %swap3A_1023 = vector.shape_cast %mul3A_1016 : vector<16xf32> to vector<1x16xf32>
          tpu.vector_store %arg12[%swap3A_1019, %swap3A_1020], %swap3A_1023 {strides = array<i32>} : memref<128x128xf32, #tpu.memory_space<vmem>>, vector<1x16xf32>,
          %add3A_1024 = arith.constant 7 : i32
          %add3A_1025 = arith.addi %mul3A_77, %add3A_1024 : i32
          %get3A_1026 = arith.index_cast %add3A_1025 : i32 to index
          %get3A_1027 = arith.constant 96 : index
          %get3A_1028 = tpu.vector_load %arg12[%get3A_1026, %get3A_1027] {strides = array<i32>} : memref<128x128xf32, #tpu.memory_space<vmem>>, vector<1x16xf32>,
          %get3A_1029 = vector.shape_cast %get3A_1028 : vector<1x16xf32> to vector<16xf32>
          %mul3A_1030 = vector.broadcast %squeeze3A_933 : f32 to vector<16xf32>
          %mul3A_1031 = arith.mulf %get3A_1029, %mul3A_1030 : vector<16xf32>
          %add3A_1032 = arith.constant 7 : i32
          %add3A_1033 = arith.addi %mul3A_77, %add3A_1032 : i32
          %swap3A_1034 = arith.index_cast %add3A_1033 : i32 to index
          %swap3A_1035 = arith.constant 96 : index
          %swap3A_1036 = tpu.vector_load %arg12[%swap3A_1034, %swap3A_1035] {strides = array<i32>} : memref<128x128xf32, #tpu.memory_space<vmem>>, vector<1x16xf32>,
          %swap3A_1037 = vector.shape_cast %swap3A_1036 : vector<1x16xf32> to vector<16xf32>
          %swap3A_1038 = vector.shape_cast %mul3A_1031 : vector<16xf32> to vector<1x16xf32>
          tpu.vector_store %arg12[%swap3A_1034, %swap3A_1035], %swap3A_1038 {strides = array<i32>} : memref<128x128xf32, #tpu.memory_space<vmem>>, vector<1x16xf32>,
          %add3A_1039 = arith.constant 7 : i32
          %add3A_1040 = arith.addi %mul3A_77, %add3A_1039 : i32
          %get3A_1041 = arith.index_cast %add3A_1040 : i32 to index
          %get3A_1042 = arith.constant 112 : index
          %get3A_1043 = tpu.vector_load %arg12[%get3A_1041, %get3A_1042] {strides = array<i32>} : memref<128x128xf32, #tpu.memory_space<vmem>>, vector<1x16xf32>,
          %get3A_1044 = vector.shape_cast %get3A_1043 : vector<1x16xf32> to vector<16xf32>
          %mul3A_1045 = vector.broadcast %squeeze3A_933 : f32 to vector<16xf32>
          %mul3A_1046 = arith.mulf %get3A_1044, %mul3A_1045 : vector<16xf32>
          %add3A_1047 = arith.constant 7 : i32
          %add3A_1048 = arith.addi %mul3A_77, %add3A_1047 : i32
          %swap3A_1049 = arith.index_cast %add3A_1048 : i32 to index
          %swap3A_1050 = arith.constant 112 : index
          %swap3A_1051 = tpu.vector_load %arg12[%swap3A_1049, %swap3A_1050] {strides = array<i32>} : memref<128x128xf32, #tpu.memory_space<vmem>>, vector<1x16xf32>,
          %swap3A_1052 = vector.shape_cast %swap3A_1051 : vector<1x16xf32> to vector<16xf32>
          %swap3A_1053 = vector.shape_cast %mul3A_1046 : vector<16xf32> to vector<1x16xf32>
          tpu.vector_store %arg12[%swap3A_1049, %swap3A_1050], %swap3A_1053 {strides = array<i32>} : memref<128x128xf32, #tpu.memory_space<vmem>>, vector<1x16xf32>,
          %slice3A_1054 = vector.extract_strided_slice %get3A_80 {offsets = [8], sizes = [1], strides = [1]} : vector<16xf32> to vector<1xf32>
          %squeeze3A_1055 = vector.extract %slice3A_1054[0] : f32 from vector<1xf32>
          %add3A_1056 = arith.constant 8 : i32
          %add3A_1057 = arith.addi %mul3A_77, %add3A_1056 : i32
          %get3A_1058 = arith.index_cast %add3A_1057 : i32 to index
          %get3A_1059 = arith.constant 0 : index
          %get3A_1060 = tpu.vector_load %arg12[%get3A_1058, %get3A_1059] {strides = array<i32>} : memref<128x128xf32, #tpu.memory_space<vmem>>, vector<1x16xf32>,
          %get3A_1061 = vector.shape_cast %get3A_1060 : vector<1x16xf32> to vector<16xf32>
          %mul3A_1062 = vector.broadcast %squeeze3A_1055 : f32 to vector<16xf32>
          %mul3A_1063 = arith.mulf %get3A_1061, %mul3A_1062 : vector<16xf32>
          %add3A_1064 = arith.constant 8 : i32
          %add3A_1065 = arith.addi %mul3A_77, %add3A_1064 : i32
          %swap3A_1066 = arith.index_cast %add3A_1065 : i32 to index
          %swap3A_1067 = arith.constant 0 : index
          %swap3A_1068 = tpu.vector_load %arg12[%swap3A_1066, %swap3A_1067] {strides = array<i32>} : memref<128x128xf32, #tpu.memory_space<vmem>>, vector<1x16xf32>,
          %swap3A_1069 = vector.shape_cast %swap3A_1068 : vector<1x16xf32> to vector<16xf32>
          %swap3A_1070 = vector.shape_cast %mul3A_1063 : vector<16xf32> to vector<1x16xf32>
          tpu.vector_store %arg12[%swap3A_1066, %swap3A_1067], %swap3A_1070 {strides = array<i32>} : memref<128x128xf32, #tpu.memory_space<vmem>>, vector<1x16xf32>,
          %add3A_1071 = arith.constant 8 : i32
          %add3A_1072 = arith.addi %mul3A_77, %add3A_1071 : i32
          %get3A_1073 = arith.index_cast %add3A_1072 : i32 to index
          %get3A_1074 = arith.constant 16 : index
          %get3A_1075 = tpu.vector_load %arg12[%get3A_1073, %get3A_1074] {strides = array<i32>} : memref<128x128xf32, #tpu.memory_space<vmem>>, vector<1x16xf32>,
          %get3A_1076 = vector.shape_cast %get3A_1075 : vector<1x16xf32> to vector<16xf32>
          %mul3A_1077 = vector.broadcast %squeeze3A_1055 : f32 to vector<16xf32>
          %mul3A_1078 = arith.mulf %get3A_1076, %mul3A_1077 : vector<16xf32>
          %add3A_1079 = arith.constant 8 : i32
          %add3A_1080 = arith.addi %mul3A_77, %add3A_1079 : i32
          %swap3A_1081 = arith.index_cast %add3A_1080 : i32 to index
          %swap3A_1082 = arith.constant 16 : index
          %swap3A_1083 = tpu.vector_load %arg12[%swap3A_1081, %swap3A_1082] {strides = array<i32>} : memref<128x128xf32, #tpu.memory_space<vmem>>, vector<1x16xf32>,
          %swap3A_1084 = vector.shape_cast %swap3A_1083 : vector<1x16xf32> to vector<16xf32>
          %swap3A_1085 = vector.shape_cast %mul3A_1078 : vector<16xf32> to vector<1x16xf32>
          tpu.vector_store %arg12[%swap3A_1081, %swap3A_1082], %swap3A_1085 {strides = array<i32>} : memref<128x128xf32, #tpu.memory_space<vmem>>, vector<1x16xf32>,
          %add3A_1086 = arith.constant 8 : i32
          %add3A_1087 = arith.addi %mul3A_77, %add3A_1086 : i32
          %get3A_1088 = arith.index_cast %add3A_1087 : i32 to index
          %get3A_1089 = arith.constant 32 : index
          %get3A_1090 = tpu.vector_load %arg12[%get3A_1088, %get3A_1089] {strides = array<i32>} : memref<128x128xf32, #tpu.memory_space<vmem>>, vector<1x16xf32>,
          %get3A_1091 = vector.shape_cast %get3A_1090 : vector<1x16xf32> to vector<16xf32>
          %mul3A_1092 = vector.broadcast %squeeze3A_1055 : f32 to vector<16xf32>
          %mul3A_1093 = arith.mulf %get3A_1091, %mul3A_1092 : vector<16xf32>
          %add3A_1094 = arith.constant 8 : i32
          %add3A_1095 = arith.addi %mul3A_77, %add3A_1094 : i32
          %swap3A_1096 = arith.index_cast %add3A_1095 : i32 to index
          %swap3A_1097 = arith.constant 32 : index
          %swap3A_1098 = tpu.vector_load %arg12[%swap3A_1096, %swap3A_1097] {strides = array<i32>} : memref<128x128xf32, #tpu.memory_space<vmem>>, vector<1x16xf32>,
          %swap3A_1099 = vector.shape_cast %swap3A_1098 : vector<1x16xf32> to vector<16xf32>
          %swap3A_1100 = vector.shape_cast %mul3A_1093 : vector<16xf32> to vector<1x16xf32>
          tpu.vector_store %arg12[%swap3A_1096, %swap3A_1097], %swap3A_1100 {strides = array<i32>} : memref<128x128xf32, #tpu.memory_space<vmem>>, vector<1x16xf32>,
          %add3A_1101 = arith.constant 8 : i32
          %add3A_1102 = arith.addi %mul3A_77, %add3A_1101 : i32
          %get3A_1103 = arith.index_cast %add3A_1102 : i32 to index
          %get3A_1104 = arith.constant 48 : index
          %get3A_1105 = tpu.vector_load %arg12[%get3A_1103, %get3A_1104] {strides = array<i32>} : memref<128x128xf32, #tpu.memory_space<vmem>>, vector<1x16xf32>,
          %get3A_1106 = vector.shape_cast %get3A_1105 : vector<1x16xf32> to vector<16xf32>
          %mul3A_1107 = vector.broadcast %squeeze3A_1055 : f32 to vector<16xf32>
          %mul3A_1108 = arith.mulf %get3A_1106, %mul3A_1107 : vector<16xf32>
          %add3A_1109 = arith.constant 8 : i32
          %add3A_1110 = arith.addi %mul3A_77, %add3A_1109 : i32
          %swap3A_1111 = arith.index_cast %add3A_1110 : i32 to index
          %swap3A_1112 = arith.constant 48 : index
          %swap3A_1113 = tpu.vector_load %arg12[%swap3A_1111, %swap3A_1112] {strides = array<i32>} : memref<128x128xf32, #tpu.memory_space<vmem>>, vector<1x16xf32>,
          %swap3A_1114 = vector.shape_cast %swap3A_1113 : vector<1x16xf32> to vector<16xf32>
          %swap3A_1115 = vector.shape_cast %mul3A_1108 : vector<16xf32> to vector<1x16xf32>
          tpu.vector_store %arg12[%swap3A_1111, %swap3A_1112], %swap3A_1115 {strides = array<i32>} : memref<128x128xf32, #tpu.memory_space<vmem>>, vector<1x16xf32>,
          %add3A_1116 = arith.constant 8 : i32
          %add3A_1117 = arith.addi %mul3A_77, %add3A_1116 : i32
          %get3A_1118 = arith.index_cast %add3A_1117 : i32 to index
          %get3A_1119 = arith.constant 64 : index
          %get3A_1120 = tpu.vector_load %arg12[%get3A_1118, %get3A_1119] {strides = array<i32>} : memref<128x128xf32, #tpu.memory_space<vmem>>, vector<1x16xf32>,
          %get3A_1121 = vector.shape_cast %get3A_1120 : vector<1x16xf32> to vector<16xf32>
          %mul3A_1122 = vector.broadcast %squeeze3A_1055 : f32 to vector<16xf32>
          %mul3A_1123 = arith.mulf %get3A_1121, %mul3A_1122 : vector<16xf32>
          %add3A_1124 = arith.constant 8 : i32
          %add3A_1125 = arith.addi %mul3A_77, %add3A_1124 : i32
          %swap3A_1126 = arith.index_cast %add3A_1125 : i32 to index
          %swap3A_1127 = arith.constant 64 : index
          %swap3A_1128 = tpu.vector_load %arg12[%swap3A_1126, %swap3A_1127] {strides = array<i32>} : memref<128x128xf32, #tpu.memory_space<vmem>>, vector<1x16xf32>,
          %swap3A_1129 = vector.shape_cast %swap3A_1128 : vector<1x16xf32> to vector<16xf32>
          %swap3A_1130 = vector.shape_cast %mul3A_1123 : vector<16xf32> to vector<1x16xf32>
          tpu.vector_store %arg12[%swap3A_1126, %swap3A_1127], %swap3A_1130 {strides = array<i32>} : memref<128x128xf32, #tpu.memory_space<vmem>>, vector<1x16xf32>,
          %add3A_1131 = arith.constant 8 : i32
          %add3A_1132 = arith.addi %mul3A_77, %add3A_1131 : i32
          %get3A_1133 = arith.index_cast %add3A_1132 : i32 to index
          %get3A_1134 = arith.constant 80 : index
          %get3A_1135 = tpu.vector_load %arg12[%get3A_1133, %get3A_1134] {strides = array<i32>} : memref<128x128xf32, #tpu.memory_space<vmem>>, vector<1x16xf32>,
          %get3A_1136 = vector.shape_cast %get3A_1135 : vector<1x16xf32> to vector<16xf32>
          %mul3A_1137 = vector.broadcast %squeeze3A_1055 : f32 to vector<16xf32>
          %mul3A_1138 = arith.mulf %get3A_1136, %mul3A_1137 : vector<16xf32>
          %add3A_1139 = arith.constant 8 : i32
          %add3A_1140 = arith.addi %mul3A_77, %add3A_1139 : i32
          %swap3A_1141 = arith.index_cast %add3A_1140 : i32 to index
          %swap3A_1142 = arith.constant 80 : index
          %swap3A_1143 = tpu.vector_load %arg12[%swap3A_1141, %swap3A_1142] {strides = array<i32>} : memref<128x128xf32, #tpu.memory_space<vmem>>, vector<1x16xf32>,
          %swap3A_1144 = vector.shape_cast %swap3A_1143 : vector<1x16xf32> to vector<16xf32>
          %swap3A_1145 = vector.shape_cast %mul3A_1138 : vector<16xf32> to vector<1x16xf32>
          tpu.vector_store %arg12[%swap3A_1141, %swap3A_1142], %swap3A_1145 {strides = array<i32>} : memref<128x128xf32, #tpu.memory_space<vmem>>, vector<1x16xf32>,
          %add3A_1146 = arith.constant 8 : i32
          %add3A_1147 = arith.addi %mul3A_77, %add3A_1146 : i32
          %get3A_1148 = arith.index_cast %add3A_1147 : i32 to index
          %get3A_1149 = arith.constant 96 : index
          %get3A_1150 = tpu.vector_load %arg12[%get3A_1148, %get3A_1149] {strides = array<i32>} : memref<128x128xf32, #tpu.memory_space<vmem>>, vector<1x16xf32>,
          %get3A_1151 = vector.shape_cast %get3A_1150 : vector<1x16xf32> to vector<16xf32>
          %mul3A_1152 = vector.broadcast %squeeze3A_1055 : f32 to vector<16xf32>
          %mul3A_1153 = arith.mulf %get3A_1151, %mul3A_1152 : vector<16xf32>
          %add3A_1154 = arith.constant 8 : i32
          %add3A_1155 = arith.addi %mul3A_77, %add3A_1154 : i32
          %swap3A_1156 = arith.index_cast %add3A_1155 : i32 to index
          %swap3A_1157 = arith.constant 96 : index
          %swap3A_1158 = tpu.vector_load %arg12[%swap3A_1156, %swap3A_1157] {strides = array<i32>} : memref<128x128xf32, #tpu.memory_space<vmem>>, vector<1x16xf32>,
          %swap3A_1159 = vector.shape_cast %swap3A_1158 : vector<1x16xf32> to vector<16xf32>
          %swap3A_1160 = vector.shape_cast %mul3A_1153 : vector<16xf32> to vector<1x16xf32>
          tpu.vector_store %arg12[%swap3A_1156, %swap3A_1157], %swap3A_1160 {strides = array<i32>} : memref<128x128xf32, #tpu.memory_space<vmem>>, vector<1x16xf32>,
          %add3A_1161 = arith.constant 8 : i32
          %add3A_1162 = arith.addi %mul3A_77, %add3A_1161 : i32
          %get3A_1163 = arith.index_cast %add3A_1162 : i32 to index
          %get3A_1164 = arith.constant 112 : index
          %get3A_1165 = tpu.vector_load %arg12[%get3A_1163, %get3A_1164] {strides = array<i32>} : memref<128x128xf32, #tpu.memory_space<vmem>>, vector<1x16xf32>,
          %get3A_1166 = vector.shape_cast %get3A_1165 : vector<1x16xf32> to vector<16xf32>
          %mul3A_1167 = vector.broadcast %squeeze3A_1055 : f32 to vector<16xf32>
          %mul3A_1168 = arith.mulf %get3A_1166, %mul3A_1167 : vector<16xf32>
          %add3A_1169 = arith.constant 8 : i32
          %add3A_1170 = arith.addi %mul3A_77, %add3A_1169 : i32
          %swap3A_1171 = arith.index_cast %add3A_1170 : i32 to index
          %swap3A_1172 = arith.constant 112 : index
          %swap3A_1173 = tpu.vector_load %arg12[%swap3A_1171, %swap3A_1172] {strides = array<i32>} : memref<128x128xf32, #tpu.memory_space<vmem>>, vector<1x16xf32>,
          %swap3A_1174 = vector.shape_cast %swap3A_1173 : vector<1x16xf32> to vector<16xf32>
          %swap3A_1175 = vector.shape_cast %mul3A_1168 : vector<16xf32> to vector<1x16xf32>
          tpu.vector_store %arg12[%swap3A_1171, %swap3A_1172], %swap3A_1175 {strides = array<i32>} : memref<128x128xf32, #tpu.memory_space<vmem>>, vector<1x16xf32>,
          %slice3A_1176 = vector.extract_strided_slice %get3A_80 {offsets = [9], sizes = [1], strides = [1]} : vector<16xf32> to vector<1xf32>
          %squeeze3A_1177 = vector.extract %slice3A_1176[0] : f32 from vector<1xf32>
          %add3A_1178 = arith.constant 9 : i32
          %add3A_1179 = arith.addi %mul3A_77, %add3A_1178 : i32
          %get3A_1180 = arith.index_cast %add3A_1179 : i32 to index
          %get3A_1181 = arith.constant 0 : index
          %get3A_1182 = tpu.vector_load %arg12[%get3A_1180, %get3A_1181] {strides = array<i32>} : memref<128x128xf32, #tpu.memory_space<vmem>>, vector<1x16xf32>,
          %get3A_1183 = vector.shape_cast %get3A_1182 : vector<1x16xf32> to vector<16xf32>
          %mul3A_1184 = vector.broadcast %squeeze3A_1177 : f32 to vector<16xf32>
          %mul3A_1185 = arith.mulf %get3A_1183, %mul3A_1184 : vector<16xf32>
          %add3A_1186 = arith.constant 9 : i32
          %add3A_1187 = arith.addi %mul3A_77, %add3A_1186 : i32
          %swap3A_1188 = arith.index_cast %add3A_1187 : i32 to index
          %swap3A_1189 = arith.constant 0 : index
          %swap3A_1190 = tpu.vector_load %arg12[%swap3A_1188, %swap3A_1189] {strides = array<i32>} : memref<128x128xf32, #tpu.memory_space<vmem>>, vector<1x16xf32>,
          %swap3A_1191 = vector.shape_cast %swap3A_1190 : vector<1x16xf32> to vector<16xf32>
          %swap3A_1192 = vector.shape_cast %mul3A_1185 : vector<16xf32> to vector<1x16xf32>
          tpu.vector_store %arg12[%swap3A_1188, %swap3A_1189], %swap3A_1192 {strides = array<i32>} : memref<128x128xf32, #tpu.memory_space<vmem>>, vector<1x16xf32>,
          %add3A_1193 = arith.constant 9 : i32
          %add3A_1194 = arith.addi %mul3A_77, %add3A_1193 : i32
          %get3A_1195 = arith.index_cast %add3A_1194 : i32 to index
          %get3A_1196 = arith.constant 16 : index
          %get3A_1197 = tpu.vector_load %arg12[%get3A_1195, %get3A_1196] {strides = array<i32>} : memref<128x128xf32, #tpu.memory_space<vmem>>, vector<1x16xf32>,
          %get3A_1198 = vector.shape_cast %get3A_1197 : vector<1x16xf32> to vector<16xf32>
          %mul3A_1199 = vector.broadcast %squeeze3A_1177 : f32 to vector<16xf32>
          %mul3A_1200 = arith.mulf %get3A_1198, %mul3A_1199 : vector<16xf32>
          %add3A_1201 = arith.constant 9 : i32
          %add3A_1202 = arith.addi %mul3A_77, %add3A_1201 : i32
          %swap3A_1203 = arith.index_cast %add3A_1202 : i32 to index
          %swap3A_1204 = arith.constant 16 : index
          %swap3A_1205 = tpu.vector_load %arg12[%swap3A_1203, %swap3A_1204] {strides = array<i32>} : memref<128x128xf32, #tpu.memory_space<vmem>>, vector<1x16xf32>,
          %swap3A_1206 = vector.shape_cast %swap3A_1205 : vector<1x16xf32> to vector<16xf32>
          %swap3A_1207 = vector.shape_cast %mul3A_1200 : vector<16xf32> to vector<1x16xf32>
          tpu.vector_store %arg12[%swap3A_1203, %swap3A_1204], %swap3A_1207 {strides = array<i32>} : memref<128x128xf32, #tpu.memory_space<vmem>>, vector<1x16xf32>,
          %add3A_1208 = arith.constant 9 : i32
          %add3A_1209 = arith.addi %mul3A_77, %add3A_1208 : i32
          %get3A_1210 = arith.index_cast %add3A_1209 : i32 to index
          %get3A_1211 = arith.constant 32 : index
          %get3A_1212 = tpu.vector_load %arg12[%get3A_1210, %get3A_1211] {strides = array<i32>} : memref<128x128xf32, #tpu.memory_space<vmem>>, vector<1x16xf32>,
          %get3A_1213 = vector.shape_cast %get3A_1212 : vector<1x16xf32> to vector<16xf32>
          %mul3A_1214 = vector.broadcast %squeeze3A_1177 : f32 to vector<16xf32>
          %mul3A_1215 = arith.mulf %get3A_1213, %mul3A_1214 : vector<16xf32>
          %add3A_1216 = arith.constant 9 : i32
          %add3A_1217 = arith.addi %mul3A_77, %add3A_1216 : i32
          %swap3A_1218 = arith.index_cast %add3A_1217 : i32 to index
          %swap3A_1219 = arith.constant 32 : index
          %swap3A_1220 = tpu.vector_load %arg12[%swap3A_1218, %swap3A_1219] {strides = array<i32>} : memref<128x128xf32, #tpu.memory_space<vmem>>, vector<1x16xf32>,
          %swap3A_1221 = vector.shape_cast %swap3A_1220 : vector<1x16xf32> to vector<16xf32>
          %swap3A_1222 = vector.shape_cast %mul3A_1215 : vector<16xf32> to vector<1x16xf32>
          tpu.vector_store %arg12[%swap3A_1218, %swap3A_1219], %swap3A_1222 {strides = array<i32>} : memref<128x128xf32, #tpu.memory_space<vmem>>, vector<1x16xf32>,
          %add3A_1223 = arith.constant 9 : i32
          %add3A_1224 = arith.addi %mul3A_77, %add3A_1223 : i32
          %get3A_1225 = arith.index_cast %add3A_1224 : i32 to index
          %get3A_1226 = arith.constant 48 : index
          %get3A_1227 = tpu.vector_load %arg12[%get3A_1225, %get3A_1226] {strides = array<i32>} : memref<128x128xf32, #tpu.memory_space<vmem>>, vector<1x16xf32>,
          %get3A_1228 = vector.shape_cast %get3A_1227 : vector<1x16xf32> to vector<16xf32>
          %mul3A_1229 = vector.broadcast %squeeze3A_1177 : f32 to vector<16xf32>
          %mul3A_1230 = arith.mulf %get3A_1228, %mul3A_1229 : vector<16xf32>
          %add3A_1231 = arith.constant 9 : i32
          %add3A_1232 = arith.addi %mul3A_77, %add3A_1231 : i32
          %swap3A_1233 = arith.index_cast %add3A_1232 : i32 to index
          %swap3A_1234 = arith.constant 48 : index
          %swap3A_1235 = tpu.vector_load %arg12[%swap3A_1233, %swap3A_1234] {strides = array<i32>} : memref<128x128xf32, #tpu.memory_space<vmem>>, vector<1x16xf32>,
          %swap3A_1236 = vector.shape_cast %swap3A_1235 : vector<1x16xf32> to vector<16xf32>
          %swap3A_1237 = vector.shape_cast %mul3A_1230 : vector<16xf32> to vector<1x16xf32>
          tpu.vector_store %arg12[%swap3A_1233, %swap3A_1234], %swap3A_1237 {strides = array<i32>} : memref<128x128xf32, #tpu.memory_space<vmem>>, vector<1x16xf32>,
          %add3A_1238 = arith.constant 9 : i32
          %add3A_1239 = arith.addi %mul3A_77, %add3A_1238 : i32
          %get3A_1240 = arith.index_cast %add3A_1239 : i32 to index
          %get3A_1241 = arith.constant 64 : index
          %get3A_1242 = tpu.vector_load %arg12[%get3A_1240, %get3A_1241] {strides = array<i32>} : memref<128x128xf32, #tpu.memory_space<vmem>>, vector<1x16xf32>,
          %get3A_1243 = vector.shape_cast %get3A_1242 : vector<1x16xf32> to vector<16xf32>
          %mul3A_1244 = vector.broadcast %squeeze3A_1177 : f32 to vector<16xf32>
          %mul3A_1245 = arith.mulf %get3A_1243, %mul3A_1244 : vector<16xf32>
          %add3A_1246 = arith.constant 9 : i32
          %add3A_1247 = arith.addi %mul3A_77, %add3A_1246 : i32
          %swap3A_1248 = arith.index_cast %add3A_1247 : i32 to index
          %swap3A_1249 = arith.constant 64 : index
          %swap3A_1250 = tpu.vector_load %arg12[%swap3A_1248, %swap3A_1249] {strides = array<i32>} : memref<128x128xf32, #tpu.memory_space<vmem>>, vector<1x16xf32>,
          %swap3A_1251 = vector.shape_cast %swap3A_1250 : vector<1x16xf32> to vector<16xf32>
          %swap3A_1252 = vector.shape_cast %mul3A_1245 : vector<16xf32> to vector<1x16xf32>
          tpu.vector_store %arg12[%swap3A_1248, %swap3A_1249], %swap3A_1252 {strides = array<i32>} : memref<128x128xf32, #tpu.memory_space<vmem>>, vector<1x16xf32>,
          %add3A_1253 = arith.constant 9 : i32
          %add3A_1254 = arith.addi %mul3A_77, %add3A_1253 : i32
          %get3A_1255 = arith.index_cast %add3A_1254 : i32 to index
          %get3A_1256 = arith.constant 80 : index
          %get3A_1257 = tpu.vector_load %arg12[%get3A_1255, %get3A_1256] {strides = array<i32>} : memref<128x128xf32, #tpu.memory_space<vmem>>, vector<1x16xf32>,
          %get3A_1258 = vector.shape_cast %get3A_1257 : vector<1x16xf32> to vector<16xf32>
          %mul3A_1259 = vector.broadcast %squeeze3A_1177 : f32 to vector<16xf32>
          %mul3A_1260 = arith.mulf %get3A_1258, %mul3A_1259 : vector<16xf32>
          %add3A_1261 = arith.constant 9 : i32
          %add3A_1262 = arith.addi %mul3A_77, %add3A_1261 : i32
          %swap3A_1263 = arith.index_cast %add3A_1262 : i32 to index
          %swap3A_1264 = arith.constant 80 : index
          %swap3A_1265 = tpu.vector_load %arg12[%swap3A_1263, %swap3A_1264] {strides = array<i32>} : memref<128x128xf32, #tpu.memory_space<vmem>>, vector<1x16xf32>,
          %swap3A_1266 = vector.shape_cast %swap3A_1265 : vector<1x16xf32> to vector<16xf32>
          %swap3A_1267 = vector.shape_cast %mul3A_1260 : vector<16xf32> to vector<1x16xf32>
          tpu.vector_store %arg12[%swap3A_1263, %swap3A_1264], %swap3A_1267 {strides = array<i32>} : memref<128x128xf32, #tpu.memory_space<vmem>>, vector<1x16xf32>,
          %add3A_1268 = arith.constant 9 : i32
          %add3A_1269 = arith.addi %mul3A_77, %add3A_1268 : i32
          %get3A_1270 = arith.index_cast %add3A_1269 : i32 to index
          %get3A_1271 = arith.constant 96 : index
          %get3A_1272 = tpu.vector_load %arg12[%get3A_1270, %get3A_1271] {strides = array<i32>} : memref<128x128xf32, #tpu.memory_space<vmem>>, vector<1x16xf32>,
          %get3A_1273 = vector.shape_cast %get3A_1272 : vector<1x16xf32> to vector<16xf32>
          %mul3A_1274 = vector.broadcast %squeeze3A_1177 : f32 to vector<16xf32>
          %mul3A_1275 = arith.mulf %get3A_1273, %mul3A_1274 : vector<16xf32>
          %add3A_1276 = arith.constant 9 : i32
          %add3A_1277 = arith.addi %mul3A_77, %add3A_1276 : i32
          %swap3A_1278 = arith.index_cast %add3A_1277 : i32 to index
          %swap3A_1279 = arith.constant 96 : index
          %swap3A_1280 = tpu.vector_load %arg12[%swap3A_1278, %swap3A_1279] {strides = array<i32>} : memref<128x128xf32, #tpu.memory_space<vmem>>, vector<1x16xf32>,
          %swap3A_1281 = vector.shape_cast %swap3A_1280 : vector<1x16xf32> to vector<16xf32>
          %swap3A_1282 = vector.shape_cast %mul3A_1275 : vector<16xf32> to vector<1x16xf32>
          tpu.vector_store %arg12[%swap3A_1278, %swap3A_1279], %swap3A_1282 {strides = array<i32>} : memref<128x128xf32, #tpu.memory_space<vmem>>, vector<1x16xf32>,
          %add3A_1283 = arith.constant 9 : i32
          %add3A_1284 = arith.addi %mul3A_77, %add3A_1283 : i32
          %get3A_1285 = arith.index_cast %add3A_1284 : i32 to index
          %get3A_1286 = arith.constant 112 : index
          %get3A_1287 = tpu.vector_load %arg12[%get3A_1285, %get3A_1286] {strides = array<i32>} : memref<128x128xf32, #tpu.memory_space<vmem>>, vector<1x16xf32>,
          %get3A_1288 = vector.shape_cast %get3A_1287 : vector<1x16xf32> to vector<16xf32>
          %mul3A_1289 = vector.broadcast %squeeze3A_1177 : f32 to vector<16xf32>
          %mul3A_1290 = arith.mulf %get3A_1288, %mul3A_1289 : vector<16xf32>
          %add3A_1291 = arith.constant 9 : i32
          %add3A_1292 = arith.addi %mul3A_77, %add3A_1291 : i32
          %swap3A_1293 = arith.index_cast %add3A_1292 : i32 to index
          %swap3A_1294 = arith.constant 112 : index
          %swap3A_1295 = tpu.vector_load %arg12[%swap3A_1293, %swap3A_1294] {strides = array<i32>} : memref<128x128xf32, #tpu.memory_space<vmem>>, vector<1x16xf32>,
          %swap3A_1296 = vector.shape_cast %swap3A_1295 : vector<1x16xf32> to vector<16xf32>
          %swap3A_1297 = vector.shape_cast %mul3A_1290 : vector<16xf32> to vector<1x16xf32>
          tpu.vector_store %arg12[%swap3A_1293, %swap3A_1294], %swap3A_1297 {strides = array<i32>} : memref<128x128xf32, #tpu.memory_space<vmem>>, vector<1x16xf32>,
          %slice3A_1298 = vector.extract_strided_slice %get3A_80 {offsets = [10], sizes = [1], strides = [1]} : vector<16xf32> to vector<1xf32>
          %squeeze3A_1299 = vector.extract %slice3A_1298[0] : f32 from vector<1xf32>
          %add3A_1300 = arith.constant 10 : i32
          %add3A_1301 = arith.addi %mul3A_77, %add3A_1300 : i32
          %get3A_1302 = arith.index_cast %add3A_1301 : i32 to index
          %get3A_1303 = arith.constant 0 : index
          %get3A_1304 = tpu.vector_load %arg12[%get3A_1302, %get3A_1303] {strides = array<i32>} : memref<128x128xf32, #tpu.memory_space<vmem>>, vector<1x16xf32>,
          %get3A_1305 = vector.shape_cast %get3A_1304 : vector<1x16xf32> to vector<16xf32>
          %mul3A_1306 = vector.broadcast %squeeze3A_1299 : f32 to vector<16xf32>
          %mul3A_1307 = arith.mulf %get3A_1305, %mul3A_1306 : vector<16xf32>
          %add3A_1308 = arith.constant 10 : i32
          %add3A_1309 = arith.addi %mul3A_77, %add3A_1308 : i32
          %swap3A_1310 = arith.index_cast %add3A_1309 : i32 to index
          %swap3A_1311 = arith.constant 0 : index
          %swap3A_1312 = tpu.vector_load %arg12[%swap3A_1310, %swap3A_1311] {strides = array<i32>} : memref<128x128xf32, #tpu.memory_space<vmem>>, vector<1x16xf32>,
          %swap3A_1313 = vector.shape_cast %swap3A_1312 : vector<1x16xf32> to vector<16xf32>
          %swap3A_1314 = vector.shape_cast %mul3A_1307 : vector<16xf32> to vector<1x16xf32>
          tpu.vector_store %arg12[%swap3A_1310, %swap3A_1311], %swap3A_1314 {strides = array<i32>} : memref<128x128xf32, #tpu.memory_space<vmem>>, vector<1x16xf32>,
          %add3A_1315 = arith.constant 10 : i32
          %add3A_1316 = arith.addi %mul3A_77, %add3A_1315 : i32
          %get3A_1317 = arith.index_cast %add3A_1316 : i32 to index
          %get3A_1318 = arith.constant 16 : index
          %get3A_1319 = tpu.vector_load %arg12[%get3A_1317, %get3A_1318] {strides = array<i32>} : memref<128x128xf32, #tpu.memory_space<vmem>>, vector<1x16xf32>,
          %get3A_1320 = vector.shape_cast %get3A_1319 : vector<1x16xf32> to vector<16xf32>
          %mul3A_1321 = vector.broadcast %squeeze3A_1299 : f32 to vector<16xf32>
          %mul3A_1322 = arith.mulf %get3A_1320, %mul3A_1321 : vector<16xf32>
          %add3A_1323 = arith.constant 10 : i32
          %add3A_1324 = arith.addi %mul3A_77, %add3A_1323 : i32
          %swap3A_1325 = arith.index_cast %add3A_1324 : i32 to index
          %swap3A_1326 = arith.constant 16 : index
          %swap3A_1327 = tpu.vector_load %arg12[%swap3A_1325, %swap3A_1326] {strides = array<i32>} : memref<128x128xf32, #tpu.memory_space<vmem>>, vector<1x16xf32>,
          %swap3A_1328 = vector.shape_cast %swap3A_1327 : vector<1x16xf32> to vector<16xf32>
          %swap3A_1329 = vector.shape_cast %mul3A_1322 : vector<16xf32> to vector<1x16xf32>
          tpu.vector_store %arg12[%swap3A_1325, %swap3A_1326], %swap3A_1329 {strides = array<i32>} : memref<128x128xf32, #tpu.memory_space<vmem>>, vector<1x16xf32>,
          %add3A_1330 = arith.constant 10 : i32
          %add3A_1331 = arith.addi %mul3A_77, %add3A_1330 : i32
          %get3A_1332 = arith.index_cast %add3A_1331 : i32 to index
          %get3A_1333 = arith.constant 32 : index
          %get3A_1334 = tpu.vector_load %arg12[%get3A_1332, %get3A_1333] {strides = array<i32>} : memref<128x128xf32, #tpu.memory_space<vmem>>, vector<1x16xf32>,
          %get3A_1335 = vector.shape_cast %get3A_1334 : vector<1x16xf32> to vector<16xf32>
          %mul3A_1336 = vector.broadcast %squeeze3A_1299 : f32 to vector<16xf32>
          %mul3A_1337 = arith.mulf %get3A_1335, %mul3A_1336 : vector<16xf32>
          %add3A_1338 = arith.constant 10 : i32
          %add3A_1339 = arith.addi %mul3A_77, %add3A_1338 : i32
          %swap3A_1340 = arith.index_cast %add3A_1339 : i32 to index
          %swap3A_1341 = arith.constant 32 : index
          %swap3A_1342 = tpu.vector_load %arg12[%swap3A_1340, %swap3A_1341] {strides = array<i32>} : memref<128x128xf32, #tpu.memory_space<vmem>>, vector<1x16xf32>,
          %swap3A_1343 = vector.shape_cast %swap3A_1342 : vector<1x16xf32> to vector<16xf32>
          %swap3A_1344 = vector.shape_cast %mul3A_1337 : vector<16xf32> to vector<1x16xf32>
          tpu.vector_store %arg12[%swap3A_1340, %swap3A_1341], %swap3A_1344 {strides = array<i32>} : memref<128x128xf32, #tpu.memory_space<vmem>>, vector<1x16xf32>,
          %add3A_1345 = arith.constant 10 : i32
          %add3A_1346 = arith.addi %mul3A_77, %add3A_1345 : i32
          %get3A_1347 = arith.index_cast %add3A_1346 : i32 to index
          %get3A_1348 = arith.constant 48 : index
          %get3A_1349 = tpu.vector_load %arg12[%get3A_1347, %get3A_1348] {strides = array<i32>} : memref<128x128xf32, #tpu.memory_space<vmem>>, vector<1x16xf32>,
          %get3A_1350 = vector.shape_cast %get3A_1349 : vector<1x16xf32> to vector<16xf32>
          %mul3A_1351 = vector.broadcast %squeeze3A_1299 : f32 to vector<16xf32>
          %mul3A_1352 = arith.mulf %get3A_1350, %mul3A_1351 : vector<16xf32>
          %add3A_1353 = arith.constant 10 : i32
          %add3A_1354 = arith.addi %mul3A_77, %add3A_1353 : i32
          %swap3A_1355 = arith.index_cast %add3A_1354 : i32 to index
          %swap3A_1356 = arith.constant 48 : index
          %swap3A_1357 = tpu.vector_load %arg12[%swap3A_1355, %swap3A_1356] {strides = array<i32>} : memref<128x128xf32, #tpu.memory_space<vmem>>, vector<1x16xf32>,
          %swap3A_1358 = vector.shape_cast %swap3A_1357 : vector<1x16xf32> to vector<16xf32>
          %swap3A_1359 = vector.shape_cast %mul3A_1352 : vector<16xf32> to vector<1x16xf32>
          tpu.vector_store %arg12[%swap3A_1355, %swap3A_1356], %swap3A_1359 {strides = array<i32>} : memref<128x128xf32, #tpu.memory_space<vmem>>, vector<1x16xf32>,
          %add3A_1360 = arith.constant 10 : i32
          %add3A_1361 = arith.addi %mul3A_77, %add3A_1360 : i32
          %get3A_1362 = arith.index_cast %add3A_1361 : i32 to index
          %get3A_1363 = arith.constant 64 : index
          %get3A_1364 = tpu.vector_load %arg12[%get3A_1362, %get3A_1363] {strides = array<i32>} : memref<128x128xf32, #tpu.memory_space<vmem>>, vector<1x16xf32>,
          %get3A_1365 = vector.shape_cast %get3A_1364 : vector<1x16xf32> to vector<16xf32>
          %mul3A_1366 = vector.broadcast %squeeze3A_1299 : f32 to vector<16xf32>
          %mul3A_1367 = arith.mulf %get3A_1365, %mul3A_1366 : vector<16xf32>
          %add3A_1368 = arith.constant 10 : i32
          %add3A_1369 = arith.addi %mul3A_77, %add3A_1368 : i32
          %swap3A_1370 = arith.index_cast %add3A_1369 : i32 to index
          %swap3A_1371 = arith.constant 64 : index
          %swap3A_1372 = tpu.vector_load %arg12[%swap3A_1370, %swap3A_1371] {strides = array<i32>} : memref<128x128xf32, #tpu.memory_space<vmem>>, vector<1x16xf32>,
          %swap3A_1373 = vector.shape_cast %swap3A_1372 : vector<1x16xf32> to vector<16xf32>
          %swap3A_1374 = vector.shape_cast %mul3A_1367 : vector<16xf32> to vector<1x16xf32>
          tpu.vector_store %arg12[%swap3A_1370, %swap3A_1371], %swap3A_1374 {strides = array<i32>} : memref<128x128xf32, #tpu.memory_space<vmem>>, vector<1x16xf32>,
          %add3A_1375 = arith.constant 10 : i32
          %add3A_1376 = arith.addi %mul3A_77, %add3A_1375 : i32
          %get3A_1377 = arith.index_cast %add3A_1376 : i32 to index
          %get3A_1378 = arith.constant 80 : index
          %get3A_1379 = tpu.vector_load %arg12[%get3A_1377, %get3A_1378] {strides = array<i32>} : memref<128x128xf32, #tpu.memory_space<vmem>>, vector<1x16xf32>,
          %get3A_1380 = vector.shape_cast %get3A_1379 : vector<1x16xf32> to vector<16xf32>
          %mul3A_1381 = vector.broadcast %squeeze3A_1299 : f32 to vector<16xf32>
          %mul3A_1382 = arith.mulf %get3A_1380, %mul3A_1381 : vector<16xf32>
          %add3A_1383 = arith.constant 10 : i32
          %add3A_1384 = arith.addi %mul3A_77, %add3A_1383 : i32
          %swap3A_1385 = arith.index_cast %add3A_1384 : i32 to index
          %swap3A_1386 = arith.constant 80 : index
          %swap3A_1387 = tpu.vector_load %arg12[%swap3A_1385, %swap3A_1386] {strides = array<i32>} : memref<128x128xf32, #tpu.memory_space<vmem>>, vector<1x16xf32>,
          %swap3A_1388 = vector.shape_cast %swap3A_1387 : vector<1x16xf32> to vector<16xf32>
          %swap3A_1389 = vector.shape_cast %mul3A_1382 : vector<16xf32> to vector<1x16xf32>
          tpu.vector_store %arg12[%swap3A_1385, %swap3A_1386], %swap3A_1389 {strides = array<i32>} : memref<128x128xf32, #tpu.memory_space<vmem>>, vector<1x16xf32>,
          %add3A_1390 = arith.constant 10 : i32
          %add3A_1391 = arith.addi %mul3A_77, %add3A_1390 : i32
          %get3A_1392 = arith.index_cast %add3A_1391 : i32 to index
          %get3A_1393 = arith.constant 96 : index
          %get3A_1394 = tpu.vector_load %arg12[%get3A_1392, %get3A_1393] {strides = array<i32>} : memref<128x128xf32, #tpu.memory_space<vmem>>, vector<1x16xf32>,
          %get3A_1395 = vector.shape_cast %get3A_1394 : vector<1x16xf32> to vector<16xf32>
          %mul3A_1396 = vector.broadcast %squeeze3A_1299 : f32 to vector<16xf32>
          %mul3A_1397 = arith.mulf %get3A_1395, %mul3A_1396 : vector<16xf32>
          %add3A_1398 = arith.constant 10 : i32
          %add3A_1399 = arith.addi %mul3A_77, %add3A_1398 : i32
          %swap3A_1400 = arith.index_cast %add3A_1399 : i32 to index
          %swap3A_1401 = arith.constant 96 : index
          %swap3A_1402 = tpu.vector_load %arg12[%swap3A_1400, %swap3A_1401] {strides = array<i32>} : memref<128x128xf32, #tpu.memory_space<vmem>>, vector<1x16xf32>,
          %swap3A_1403 = vector.shape_cast %swap3A_1402 : vector<1x16xf32> to vector<16xf32>
          %swap3A_1404 = vector.shape_cast %mul3A_1397 : vector<16xf32> to vector<1x16xf32>
          tpu.vector_store %arg12[%swap3A_1400, %swap3A_1401], %swap3A_1404 {strides = array<i32>} : memref<128x128xf32, #tpu.memory_space<vmem>>, vector<1x16xf32>,
          %add3A_1405 = arith.constant 10 : i32
          %add3A_1406 = arith.addi %mul3A_77, %add3A_1405 : i32
          %get3A_1407 = arith.index_cast %add3A_1406 : i32 to index
          %get3A_1408 = arith.constant 112 : index
          %get3A_1409 = tpu.vector_load %arg12[%get3A_1407, %get3A_1408] {strides = array<i32>} : memref<128x128xf32, #tpu.memory_space<vmem>>, vector<1x16xf32>,
          %get3A_1410 = vector.shape_cast %get3A_1409 : vector<1x16xf32> to vector<16xf32>
          %mul3A_1411 = vector.broadcast %squeeze3A_1299 : f32 to vector<16xf32>
          %mul3A_1412 = arith.mulf %get3A_1410, %mul3A_1411 : vector<16xf32>
          %add3A_1413 = arith.constant 10 : i32
          %add3A_1414 = arith.addi %mul3A_77, %add3A_1413 : i32
          %swap3A_1415 = arith.index_cast %add3A_1414 : i32 to index
          %swap3A_1416 = arith.constant 112 : index
          %swap3A_1417 = tpu.vector_load %arg12[%swap3A_1415, %swap3A_1416] {strides = array<i32>} : memref<128x128xf32, #tpu.memory_space<vmem>>, vector<1x16xf32>,
          %swap3A_1418 = vector.shape_cast %swap3A_1417 : vector<1x16xf32> to vector<16xf32>
          %swap3A_1419 = vector.shape_cast %mul3A_1412 : vector<16xf32> to vector<1x16xf32>
          tpu.vector_store %arg12[%swap3A_1415, %swap3A_1416], %swap3A_1419 {strides = array<i32>} : memref<128x128xf32, #tpu.memory_space<vmem>>, vector<1x16xf32>,
          %slice3A_1420 = vector.extract_strided_slice %get3A_80 {offsets = [11], sizes = [1], strides = [1]} : vector<16xf32> to vector<1xf32>
          %squeeze3A_1421 = vector.extract %slice3A_1420[0] : f32 from vector<1xf32>
          %add3A_1422 = arith.constant 11 : i32
          %add3A_1423 = arith.addi %mul3A_77, %add3A_1422 : i32
          %get3A_1424 = arith.index_cast %add3A_1423 : i32 to index
          %get3A_1425 = arith.constant 0 : index
          %get3A_1426 = tpu.vector_load %arg12[%get3A_1424, %get3A_1425] {strides = array<i32>} : memref<128x128xf32, #tpu.memory_space<vmem>>, vector<1x16xf32>,
          %get3A_1427 = vector.shape_cast %get3A_1426 : vector<1x16xf32> to vector<16xf32>
          %mul3A_1428 = vector.broadcast %squeeze3A_1421 : f32 to vector<16xf32>
          %mul3A_1429 = arith.mulf %get3A_1427, %mul3A_1428 : vector<16xf32>
          %add3A_1430 = arith.constant 11 : i32
          %add3A_1431 = arith.addi %mul3A_77, %add3A_1430 : i32
          %swap3A_1432 = arith.index_cast %add3A_1431 : i32 to index
          %swap3A_1433 = arith.constant 0 : index
          %swap3A_1434 = tpu.vector_load %arg12[%swap3A_1432, %swap3A_1433] {strides = array<i32>} : memref<128x128xf32, #tpu.memory_space<vmem>>, vector<1x16xf32>,
          %swap3A_1435 = vector.shape_cast %swap3A_1434 : vector<1x16xf32> to vector<16xf32>
          %swap3A_1436 = vector.shape_cast %mul3A_1429 : vector<16xf32> to vector<1x16xf32>
          tpu.vector_store %arg12[%swap3A_1432, %swap3A_1433], %swap3A_1436 {strides = array<i32>} : memref<128x128xf32, #tpu.memory_space<vmem>>, vector<1x16xf32>,
          %add3A_1437 = arith.constant 11 : i32
          %add3A_1438 = arith.addi %mul3A_77, %add3A_1437 : i32
          %get3A_1439 = arith.index_cast %add3A_1438 : i32 to index
          %get3A_1440 = arith.constant 16 : index
          %get3A_1441 = tpu.vector_load %arg12[%get3A_1439, %get3A_1440] {strides = array<i32>} : memref<128x128xf32, #tpu.memory_space<vmem>>, vector<1x16xf32>,
          %get3A_1442 = vector.shape_cast %get3A_1441 : vector<1x16xf32> to vector<16xf32>
          %mul3A_1443 = vector.broadcast %squeeze3A_1421 : f32 to vector<16xf32>
          %mul3A_1444 = arith.mulf %get3A_1442, %mul3A_1443 : vector<16xf32>
          %add3A_1445 = arith.constant 11 : i32
          %add3A_1446 = arith.addi %mul3A_77, %add3A_1445 : i32
          %swap3A_1447 = arith.index_cast %add3A_1446 : i32 to index
          %swap3A_1448 = arith.constant 16 : index
          %swap3A_1449 = tpu.vector_load %arg12[%swap3A_1447, %swap3A_1448] {strides = array<i32>} : memref<128x128xf32, #tpu.memory_space<vmem>>, vector<1x16xf32>,
          %swap3A_1450 = vector.shape_cast %swap3A_1449 : vector<1x16xf32> to vector<16xf32>
          %swap3A_1451 = vector.shape_cast %mul3A_1444 : vector<16xf32> to vector<1x16xf32>
          tpu.vector_store %arg12[%swap3A_1447, %swap3A_1448], %swap3A_1451 {strides = array<i32>} : memref<128x128xf32, #tpu.memory_space<vmem>>, vector<1x16xf32>,
          %add3A_1452 = arith.constant 11 : i32
          %add3A_1453 = arith.addi %mul3A_77, %add3A_1452 : i32
          %get3A_1454 = arith.index_cast %add3A_1453 : i32 to index
          %get3A_1455 = arith.constant 32 : index
          %get3A_1456 = tpu.vector_load %arg12[%get3A_1454, %get3A_1455] {strides = array<i32>} : memref<128x128xf32, #tpu.memory_space<vmem>>, vector<1x16xf32>,
          %get3A_1457 = vector.shape_cast %get3A_1456 : vector<1x16xf32> to vector<16xf32>
          %mul3A_1458 = vector.broadcast %squeeze3A_1421 : f32 to vector<16xf32>
          %mul3A_1459 = arith.mulf %get3A_1457, %mul3A_1458 : vector<16xf32>
          %add3A_1460 = arith.constant 11 : i32
          %add3A_1461 = arith.addi %mul3A_77, %add3A_1460 : i32
          %swap3A_1462 = arith.index_cast %add3A_1461 : i32 to index
          %swap3A_1463 = arith.constant 32 : index
          %swap3A_1464 = tpu.vector_load %arg12[%swap3A_1462, %swap3A_1463] {strides = array<i32>} : memref<128x128xf32, #tpu.memory_space<vmem>>, vector<1x16xf32>,
          %swap3A_1465 = vector.shape_cast %swap3A_1464 : vector<1x16xf32> to vector<16xf32>
          %swap3A_1466 = vector.shape_cast %mul3A_1459 : vector<16xf32> to vector<1x16xf32>
          tpu.vector_store %arg12[%swap3A_1462, %swap3A_1463], %swap3A_1466 {strides = array<i32>} : memref<128x128xf32, #tpu.memory_space<vmem>>, vector<1x16xf32>,
          %add3A_1467 = arith.constant 11 : i32
          %add3A_1468 = arith.addi %mul3A_77, %add3A_1467 : i32
          %get3A_1469 = arith.index_cast %add3A_1468 : i32 to index
          %get3A_1470 = arith.constant 48 : index
          %get3A_1471 = tpu.vector_load %arg12[%get3A_1469, %get3A_1470] {strides = array<i32>} : memref<128x128xf32, #tpu.memory_space<vmem>>, vector<1x16xf32>,
          %get3A_1472 = vector.shape_cast %get3A_1471 : vector<1x16xf32> to vector<16xf32>
          %mul3A_1473 = vector.broadcast %squeeze3A_1421 : f32 to vector<16xf32>
          %mul3A_1474 = arith.mulf %get3A_1472, %mul3A_1473 : vector<16xf32>
          %add3A_1475 = arith.constant 11 : i32
          %add3A_1476 = arith.addi %mul3A_77, %add3A_1475 : i32
          %swap3A_1477 = arith.index_cast %add3A_1476 : i32 to index
          %swap3A_1478 = arith.constant 48 : index
          %swap3A_1479 = tpu.vector_load %arg12[%swap3A_1477, %swap3A_1478] {strides = array<i32>} : memref<128x128xf32, #tpu.memory_space<vmem>>, vector<1x16xf32>,
          %swap3A_1480 = vector.shape_cast %swap3A_1479 : vector<1x16xf32> to vector<16xf32>
          %swap3A_1481 = vector.shape_cast %mul3A_1474 : vector<16xf32> to vector<1x16xf32>
          tpu.vector_store %arg12[%swap3A_1477, %swap3A_1478], %swap3A_1481 {strides = array<i32>} : memref<128x128xf32, #tpu.memory_space<vmem>>, vector<1x16xf32>,
          %add3A_1482 = arith.constant 11 : i32
          %add3A_1483 = arith.addi %mul3A_77, %add3A_1482 : i32
          %get3A_1484 = arith.index_cast %add3A_1483 : i32 to index
          %get3A_1485 = arith.constant 64 : index
          %get3A_1486 = tpu.vector_load %arg12[%get3A_1484, %get3A_1485] {strides = array<i32>} : memref<128x128xf32, #tpu.memory_space<vmem>>, vector<1x16xf32>,
          %get3A_1487 = vector.shape_cast %get3A_1486 : vector<1x16xf32> to vector<16xf32>
          %mul3A_1488 = vector.broadcast %squeeze3A_1421 : f32 to vector<16xf32>
          %mul3A_1489 = arith.mulf %get3A_1487, %mul3A_1488 : vector<16xf32>
          %add3A_1490 = arith.constant 11 : i32
          %add3A_1491 = arith.addi %mul3A_77, %add3A_1490 : i32
          %swap3A_1492 = arith.index_cast %add3A_1491 : i32 to index
          %swap3A_1493 = arith.constant 64 : index
          %swap3A_1494 = tpu.vector_load %arg12[%swap3A_1492, %swap3A_1493] {strides = array<i32>} : memref<128x128xf32, #tpu.memory_space<vmem>>, vector<1x16xf32>,
          %swap3A_1495 = vector.shape_cast %swap3A_1494 : vector<1x16xf32> to vector<16xf32>
          %swap3A_1496 = vector.shape_cast %mul3A_1489 : vector<16xf32> to vector<1x16xf32>
          tpu.vector_store %arg12[%swap3A_1492, %swap3A_1493], %swap3A_1496 {strides = array<i32>} : memref<128x128xf32, #tpu.memory_space<vmem>>, vector<1x16xf32>,
          %add3A_1497 = arith.constant 11 : i32
          %add3A_1498 = arith.addi %mul3A_77, %add3A_1497 : i32
          %get3A_1499 = arith.index_cast %add3A_1498 : i32 to index
          %get3A_1500 = arith.constant 80 : index
          %get3A_1501 = tpu.vector_load %arg12[%get3A_1499, %get3A_1500] {strides = array<i32>} : memref<128x128xf32, #tpu.memory_space<vmem>>, vector<1x16xf32>,
          %get3A_1502 = vector.shape_cast %get3A_1501 : vector<1x16xf32> to vector<16xf32>
          %mul3A_1503 = vector.broadcast %squeeze3A_1421 : f32 to vector<16xf32>
          %mul3A_1504 = arith.mulf %get3A_1502, %mul3A_1503 : vector<16xf32>
          %add3A_1505 = arith.constant 11 : i32
          %add3A_1506 = arith.addi %mul3A_77, %add3A_1505 : i32
          %swap3A_1507 = arith.index_cast %add3A_1506 : i32 to index
          %swap3A_1508 = arith.constant 80 : index
          %swap3A_1509 = tpu.vector_load %arg12[%swap3A_1507, %swap3A_1508] {strides = array<i32>} : memref<128x128xf32, #tpu.memory_space<vmem>>, vector<1x16xf32>,
          %swap3A_1510 = vector.shape_cast %swap3A_1509 : vector<1x16xf32> to vector<16xf32>
          %swap3A_1511 = vector.shape_cast %mul3A_1504 : vector<16xf32> to vector<1x16xf32>
          tpu.vector_store %arg12[%swap3A_1507, %swap3A_1508], %swap3A_1511 {strides = array<i32>} : memref<128x128xf32, #tpu.memory_space<vmem>>, vector<1x16xf32>,
          %add3A_1512 = arith.constant 11 : i32
          %add3A_1513 = arith.addi %mul3A_77, %add3A_1512 : i32
          %get3A_1514 = arith.index_cast %add3A_1513 : i32 to index
          %get3A_1515 = arith.constant 96 : index
          %get3A_1516 = tpu.vector_load %arg12[%get3A_1514, %get3A_1515] {strides = array<i32>} : memref<128x128xf32, #tpu.memory_space<vmem>>, vector<1x16xf32>,
          %get3A_1517 = vector.shape_cast %get3A_1516 : vector<1x16xf32> to vector<16xf32>
          %mul3A_1518 = vector.broadcast %squeeze3A_1421 : f32 to vector<16xf32>
          %mul3A_1519 = arith.mulf %get3A_1517, %mul3A_1518 : vector<16xf32>
          %add3A_1520 = arith.constant 11 : i32
          %add3A_1521 = arith.addi %mul3A_77, %add3A_1520 : i32
          %swap3A_1522 = arith.index_cast %add3A_1521 : i32 to index
          %swap3A_1523 = arith.constant 96 : index
          %swap3A_1524 = tpu.vector_load %arg12[%swap3A_1522, %swap3A_1523] {strides = array<i32>} : memref<128x128xf32, #tpu.memory_space<vmem>>, vector<1x16xf32>,
          %swap3A_1525 = vector.shape_cast %swap3A_1524 : vector<1x16xf32> to vector<16xf32>
          %swap3A_1526 = vector.shape_cast %mul3A_1519 : vector<16xf32> to vector<1x16xf32>
          tpu.vector_store %arg12[%swap3A_1522, %swap3A_1523], %swap3A_1526 {strides = array<i32>} : memref<128x128xf32, #tpu.memory_space<vmem>>, vector<1x16xf32>,
          %add3A_1527 = arith.constant 11 : i32
          %add3A_1528 = arith.addi %mul3A_77, %add3A_1527 : i32
          %get3A_1529 = arith.index_cast %add3A_1528 : i32 to index
          %get3A_1530 = arith.constant 112 : index
          %get3A_1531 = tpu.vector_load %arg12[%get3A_1529, %get3A_1530] {strides = array<i32>} : memref<128x128xf32, #tpu.memory_space<vmem>>, vector<1x16xf32>,
          %get3A_1532 = vector.shape_cast %get3A_1531 : vector<1x16xf32> to vector<16xf32>
          %mul3A_1533 = vector.broadcast %squeeze3A_1421 : f32 to vector<16xf32>
          %mul3A_1534 = arith.mulf %get3A_1532, %mul3A_1533 : vector<16xf32>
          %add3A_1535 = arith.constant 11 : i32
          %add3A_1536 = arith.addi %mul3A_77, %add3A_1535 : i32
          %swap3A_1537 = arith.index_cast %add3A_1536 : i32 to index
          %swap3A_1538 = arith.constant 112 : index
          %swap3A_1539 = tpu.vector_load %arg12[%swap3A_1537, %swap3A_1538] {strides = array<i32>} : memref<128x128xf32, #tpu.memory_space<vmem>>, vector<1x16xf32>,
          %swap3A_1540 = vector.shape_cast %swap3A_1539 : vector<1x16xf32> to vector<16xf32>
          %swap3A_1541 = vector.shape_cast %mul3A_1534 : vector<16xf32> to vector<1x16xf32>
          tpu.vector_store %arg12[%swap3A_1537, %swap3A_1538], %swap3A_1541 {strides = array<i32>} : memref<128x128xf32, #tpu.memory_space<vmem>>, vector<1x16xf32>,
          %slice3A_1542 = vector.extract_strided_slice %get3A_80 {offsets = [12], sizes = [1], strides = [1]} : vector<16xf32> to vector<1xf32>
          %squeeze3A_1543 = vector.extract %slice3A_1542[0] : f32 from vector<1xf32>
          %add3A_1544 = arith.constant 12 : i32
          %add3A_1545 = arith.addi %mul3A_77, %add3A_1544 : i32
          %get3A_1546 = arith.index_cast %add3A_1545 : i32 to index
          %get3A_1547 = arith.constant 0 : index
          %get3A_1548 = tpu.vector_load %arg12[%get3A_1546, %get3A_1547] {strides = array<i32>} : memref<128x128xf32, #tpu.memory_space<vmem>>, vector<1x16xf32>,
          %get3A_1549 = vector.shape_cast %get3A_1548 : vector<1x16xf32> to vector<16xf32>
          %mul3A_1550 = vector.broadcast %squeeze3A_1543 : f32 to vector<16xf32>
          %mul3A_1551 = arith.mulf %get3A_1549, %mul3A_1550 : vector<16xf32>
          %add3A_1552 = arith.constant 12 : i32
          %add3A_1553 = arith.addi %mul3A_77, %add3A_1552 : i32
          %swap3A_1554 = arith.index_cast %add3A_1553 : i32 to index
          %swap3A_1555 = arith.constant 0 : index
          %swap3A_1556 = tpu.vector_load %arg12[%swap3A_1554, %swap3A_1555] {strides = array<i32>} : memref<128x128xf32, #tpu.memory_space<vmem>>, vector<1x16xf32>,
          %swap3A_1557 = vector.shape_cast %swap3A_1556 : vector<1x16xf32> to vector<16xf32>
          %swap3A_1558 = vector.shape_cast %mul3A_1551 : vector<16xf32> to vector<1x16xf32>
          tpu.vector_store %arg12[%swap3A_1554, %swap3A_1555], %swap3A_1558 {strides = array<i32>} : memref<128x128xf32, #tpu.memory_space<vmem>>, vector<1x16xf32>,
          %add3A_1559 = arith.constant 12 : i32
          %add3A_1560 = arith.addi %mul3A_77, %add3A_1559 : i32
          %get3A_1561 = arith.index_cast %add3A_1560 : i32 to index
          %get3A_1562 = arith.constant 16 : index
          %get3A_1563 = tpu.vector_load %arg12[%get3A_1561, %get3A_1562] {strides = array<i32>} : memref<128x128xf32, #tpu.memory_space<vmem>>, vector<1x16xf32>,
          %get3A_1564 = vector.shape_cast %get3A_1563 : vector<1x16xf32> to vector<16xf32>
          %mul3A_1565 = vector.broadcast %squeeze3A_1543 : f32 to vector<16xf32>
          %mul3A_1566 = arith.mulf %get3A_1564, %mul3A_1565 : vector<16xf32>
          %add3A_1567 = arith.constant 12 : i32
          %add3A_1568 = arith.addi %mul3A_77, %add3A_1567 : i32
          %swap3A_1569 = arith.index_cast %add3A_1568 : i32 to index
          %swap3A_1570 = arith.constant 16 : index
          %swap3A_1571 = tpu.vector_load %arg12[%swap3A_1569, %swap3A_1570] {strides = array<i32>} : memref<128x128xf32, #tpu.memory_space<vmem>>, vector<1x16xf32>,
          %swap3A_1572 = vector.shape_cast %swap3A_1571 : vector<1x16xf32> to vector<16xf32>
          %swap3A_1573 = vector.shape_cast %mul3A_1566 : vector<16xf32> to vector<1x16xf32>
          tpu.vector_store %arg12[%swap3A_1569, %swap3A_1570], %swap3A_1573 {strides = array<i32>} : memref<128x128xf32, #tpu.memory_space<vmem>>, vector<1x16xf32>,
          %add3A_1574 = arith.constant 12 : i32
          %add3A_1575 = arith.addi %mul3A_77, %add3A_1574 : i32
          %get3A_1576 = arith.index_cast %add3A_1575 : i32 to index
          %get3A_1577 = arith.constant 32 : index
          %get3A_1578 = tpu.vector_load %arg12[%get3A_1576, %get3A_1577] {strides = array<i32>} : memref<128x128xf32, #tpu.memory_space<vmem>>, vector<1x16xf32>,
          %get3A_1579 = vector.shape_cast %get3A_1578 : vector<1x16xf32> to vector<16xf32>
          %mul3A_1580 = vector.broadcast %squeeze3A_1543 : f32 to vector<16xf32>
          %mul3A_1581 = arith.mulf %get3A_1579, %mul3A_1580 : vector<16xf32>
          %add3A_1582 = arith.constant 12 : i32
          %add3A_1583 = arith.addi %mul3A_77, %add3A_1582 : i32
          %swap3A_1584 = arith.index_cast %add3A_1583 : i32 to index
          %swap3A_1585 = arith.constant 32 : index
          %swap3A_1586 = tpu.vector_load %arg12[%swap3A_1584, %swap3A_1585] {strides = array<i32>} : memref<128x128xf32, #tpu.memory_space<vmem>>, vector<1x16xf32>,
          %swap3A_1587 = vector.shape_cast %swap3A_1586 : vector<1x16xf32> to vector<16xf32>
          %swap3A_1588 = vector.shape_cast %mul3A_1581 : vector<16xf32> to vector<1x16xf32>
          tpu.vector_store %arg12[%swap3A_1584, %swap3A_1585], %swap3A_1588 {strides = array<i32>} : memref<128x128xf32, #tpu.memory_space<vmem>>, vector<1x16xf32>,
          %add3A_1589 = arith.constant 12 : i32
          %add3A_1590 = arith.addi %mul3A_77, %add3A_1589 : i32
          %get3A_1591 = arith.index_cast %add3A_1590 : i32 to index
          %get3A_1592 = arith.constant 48 : index
          %get3A_1593 = tpu.vector_load %arg12[%get3A_1591, %get3A_1592] {strides = array<i32>} : memref<128x128xf32, #tpu.memory_space<vmem>>, vector<1x16xf32>,
          %get3A_1594 = vector.shape_cast %get3A_1593 : vector<1x16xf32> to vector<16xf32>
          %mul3A_1595 = vector.broadcast %squeeze3A_1543 : f32 to vector<16xf32>
          %mul3A_1596 = arith.mulf %get3A_1594, %mul3A_1595 : vector<16xf32>
          %add3A_1597 = arith.constant 12 : i32
          %add3A_1598 = arith.addi %mul3A_77, %add3A_1597 : i32
          %swap3A_1599 = arith.index_cast %add3A_1598 : i32 to index
          %swap3A_1600 = arith.constant 48 : index
          %swap3A_1601 = tpu.vector_load %arg12[%swap3A_1599, %swap3A_1600] {strides = array<i32>} : memref<128x128xf32, #tpu.memory_space<vmem>>, vector<1x16xf32>,
          %swap3A_1602 = vector.shape_cast %swap3A_1601 : vector<1x16xf32> to vector<16xf32>
          %swap3A_1603 = vector.shape_cast %mul3A_1596 : vector<16xf32> to vector<1x16xf32>
          tpu.vector_store %arg12[%swap3A_1599, %swap3A_1600], %swap3A_1603 {strides = array<i32>} : memref<128x128xf32, #tpu.memory_space<vmem>>, vector<1x16xf32>,
          %add3A_1604 = arith.constant 12 : i32
          %add3A_1605 = arith.addi %mul3A_77, %add3A_1604 : i32
          %get3A_1606 = arith.index_cast %add3A_1605 : i32 to index
          %get3A_1607 = arith.constant 64 : index
          %get3A_1608 = tpu.vector_load %arg12[%get3A_1606, %get3A_1607] {strides = array<i32>} : memref<128x128xf32, #tpu.memory_space<vmem>>, vector<1x16xf32>,
          %get3A_1609 = vector.shape_cast %get3A_1608 : vector<1x16xf32> to vector<16xf32>
          %mul3A_1610 = vector.broadcast %squeeze3A_1543 : f32 to vector<16xf32>
          %mul3A_1611 = arith.mulf %get3A_1609, %mul3A_1610 : vector<16xf32>
          %add3A_1612 = arith.constant 12 : i32
          %add3A_1613 = arith.addi %mul3A_77, %add3A_1612 : i32
          %swap3A_1614 = arith.index_cast %add3A_1613 : i32 to index
          %swap3A_1615 = arith.constant 64 : index
          %swap3A_1616 = tpu.vector_load %arg12[%swap3A_1614, %swap3A_1615] {strides = array<i32>} : memref<128x128xf32, #tpu.memory_space<vmem>>, vector<1x16xf32>,
          %swap3A_1617 = vector.shape_cast %swap3A_1616 : vector<1x16xf32> to vector<16xf32>
          %swap3A_1618 = vector.shape_cast %mul3A_1611 : vector<16xf32> to vector<1x16xf32>
          tpu.vector_store %arg12[%swap3A_1614, %swap3A_1615], %swap3A_1618 {strides = array<i32>} : memref<128x128xf32, #tpu.memory_space<vmem>>, vector<1x16xf32>,
          %add3A_1619 = arith.constant 12 : i32
          %add3A_1620 = arith.addi %mul3A_77, %add3A_1619 : i32
          %get3A_1621 = arith.index_cast %add3A_1620 : i32 to index
          %get3A_1622 = arith.constant 80 : index
          %get3A_1623 = tpu.vector_load %arg12[%get3A_1621, %get3A_1622] {strides = array<i32>} : memref<128x128xf32, #tpu.memory_space<vmem>>, vector<1x16xf32>,
          %get3A_1624 = vector.shape_cast %get3A_1623 : vector<1x16xf32> to vector<16xf32>
          %mul3A_1625 = vector.broadcast %squeeze3A_1543 : f32 to vector<16xf32>
          %mul3A_1626 = arith.mulf %get3A_1624, %mul3A_1625 : vector<16xf32>
          %add3A_1627 = arith.constant 12 : i32
          %add3A_1628 = arith.addi %mul3A_77, %add3A_1627 : i32
          %swap3A_1629 = arith.index_cast %add3A_1628 : i32 to index
          %swap3A_1630 = arith.constant 80 : index
          %swap3A_1631 = tpu.vector_load %arg12[%swap3A_1629, %swap3A_1630] {strides = array<i32>} : memref<128x128xf32, #tpu.memory_space<vmem>>, vector<1x16xf32>,
          %swap3A_1632 = vector.shape_cast %swap3A_1631 : vector<1x16xf32> to vector<16xf32>
          %swap3A_1633 = vector.shape_cast %mul3A_1626 : vector<16xf32> to vector<1x16xf32>
          tpu.vector_store %arg12[%swap3A_1629, %swap3A_1630], %swap3A_1633 {strides = array<i32>} : memref<128x128xf32, #tpu.memory_space<vmem>>, vector<1x16xf32>,
          %add3A_1634 = arith.constant 12 : i32
          %add3A_1635 = arith.addi %mul3A_77, %add3A_1634 : i32
          %get3A_1636 = arith.index_cast %add3A_1635 : i32 to index
          %get3A_1637 = arith.constant 96 : index
          %get3A_1638 = tpu.vector_load %arg12[%get3A_1636, %get3A_1637] {strides = array<i32>} : memref<128x128xf32, #tpu.memory_space<vmem>>, vector<1x16xf32>,
          %get3A_1639 = vector.shape_cast %get3A_1638 : vector<1x16xf32> to vector<16xf32>
          %mul3A_1640 = vector.broadcast %squeeze3A_1543 : f32 to vector<16xf32>
          %mul3A_1641 = arith.mulf %get3A_1639, %mul3A_1640 : vector<16xf32>
          %add3A_1642 = arith.constant 12 : i32
          %add3A_1643 = arith.addi %mul3A_77, %add3A_1642 : i32
          %swap3A_1644 = arith.index_cast %add3A_1643 : i32 to index
          %swap3A_1645 = arith.constant 96 : index
          %swap3A_1646 = tpu.vector_load %arg12[%swap3A_1644, %swap3A_1645] {strides = array<i32>} : memref<128x128xf32, #tpu.memory_space<vmem>>, vector<1x16xf32>,
          %swap3A_1647 = vector.shape_cast %swap3A_1646 : vector<1x16xf32> to vector<16xf32>
          %swap3A_1648 = vector.shape_cast %mul3A_1641 : vector<16xf32> to vector<1x16xf32>
          tpu.vector_store %arg12[%swap3A_1644, %swap3A_1645], %swap3A_1648 {strides = array<i32>} : memref<128x128xf32, #tpu.memory_space<vmem>>, vector<1x16xf32>,
          %add3A_1649 = arith.constant 12 : i32
          %add3A_1650 = arith.addi %mul3A_77, %add3A_1649 : i32
          %get3A_1651 = arith.index_cast %add3A_1650 : i32 to index
          %get3A_1652 = arith.constant 112 : index
          %get3A_1653 = tpu.vector_load %arg12[%get3A_1651, %get3A_1652] {strides = array<i32>} : memref<128x128xf32, #tpu.memory_space<vmem>>, vector<1x16xf32>,
          %get3A_1654 = vector.shape_cast %get3A_1653 : vector<1x16xf32> to vector<16xf32>
          %mul3A_1655 = vector.broadcast %squeeze3A_1543 : f32 to vector<16xf32>
          %mul3A_1656 = arith.mulf %get3A_1654, %mul3A_1655 : vector<16xf32>
          %add3A_1657 = arith.constant 12 : i32
          %add3A_1658 = arith.addi %mul3A_77, %add3A_1657 : i32
          %swap3A_1659 = arith.index_cast %add3A_1658 : i32 to index
          %swap3A_1660 = arith.constant 112 : index
          %swap3A_1661 = tpu.vector_load %arg12[%swap3A_1659, %swap3A_1660] {strides = array<i32>} : memref<128x128xf32, #tpu.memory_space<vmem>>, vector<1x16xf32>,
          %swap3A_1662 = vector.shape_cast %swap3A_1661 : vector<1x16xf32> to vector<16xf32>
          %swap3A_1663 = vector.shape_cast %mul3A_1656 : vector<16xf32> to vector<1x16xf32>
          tpu.vector_store %arg12[%swap3A_1659, %swap3A_1660], %swap3A_1663 {strides = array<i32>} : memref<128x128xf32, #tpu.memory_space<vmem>>, vector<1x16xf32>,
          %slice3A_1664 = vector.extract_strided_slice %get3A_80 {offsets = [13], sizes = [1], strides = [1]} : vector<16xf32> to vector<1xf32>
          %squeeze3A_1665 = vector.extract %slice3A_1664[0] : f32 from vector<1xf32>
          %add3A_1666 = arith.constant 13 : i32
          %add3A_1667 = arith.addi %mul3A_77, %add3A_1666 : i32
          %get3A_1668 = arith.index_cast %add3A_1667 : i32 to index
          %get3A_1669 = arith.constant 0 : index
          %get3A_1670 = tpu.vector_load %arg12[%get3A_1668, %get3A_1669] {strides = array<i32>} : memref<128x128xf32, #tpu.memory_space<vmem>>, vector<1x16xf32>,
          %get3A_1671 = vector.shape_cast %get3A_1670 : vector<1x16xf32> to vector<16xf32>
          %mul3A_1672 = vector.broadcast %squeeze3A_1665 : f32 to vector<16xf32>
          %mul3A_1673 = arith.mulf %get3A_1671, %mul3A_1672 : vector<16xf32>
          %add3A_1674 = arith.constant 13 : i32
          %add3A_1675 = arith.addi %mul3A_77, %add3A_1674 : i32
          %swap3A_1676 = arith.index_cast %add3A_1675 : i32 to index
          %swap3A_1677 = arith.constant 0 : index
          %swap3A_1678 = tpu.vector_load %arg12[%swap3A_1676, %swap3A_1677] {strides = array<i32>} : memref<128x128xf32, #tpu.memory_space<vmem>>, vector<1x16xf32>,
          %swap3A_1679 = vector.shape_cast %swap3A_1678 : vector<1x16xf32> to vector<16xf32>
          %swap3A_1680 = vector.shape_cast %mul3A_1673 : vector<16xf32> to vector<1x16xf32>
          tpu.vector_store %arg12[%swap3A_1676, %swap3A_1677], %swap3A_1680 {strides = array<i32>} : memref<128x128xf32, #tpu.memory_space<vmem>>, vector<1x16xf32>,
          %add3A_1681 = arith.constant 13 : i32
          %add3A_1682 = arith.addi %mul3A_77, %add3A_1681 : i32
          %get3A_1683 = arith.index_cast %add3A_1682 : i32 to index
          %get3A_1684 = arith.constant 16 : index
          %get3A_1685 = tpu.vector_load %arg12[%get3A_1683, %get3A_1684] {strides = array<i32>} : memref<128x128xf32, #tpu.memory_space<vmem>>, vector<1x16xf32>,
          %get3A_1686 = vector.shape_cast %get3A_1685 : vector<1x16xf32> to vector<16xf32>
          %mul3A_1687 = vector.broadcast %squeeze3A_1665 : f32 to vector<16xf32>
          %mul3A_1688 = arith.mulf %get3A_1686, %mul3A_1687 : vector<16xf32>
          %add3A_1689 = arith.constant 13 : i32
          %add3A_1690 = arith.addi %mul3A_77, %add3A_1689 : i32
          %swap3A_1691 = arith.index_cast %add3A_1690 : i32 to index
          %swap3A_1692 = arith.constant 16 : index
          %swap3A_1693 = tpu.vector_load %arg12[%swap3A_1691, %swap3A_1692] {strides = array<i32>} : memref<128x128xf32, #tpu.memory_space<vmem>>, vector<1x16xf32>,
          %swap3A_1694 = vector.shape_cast %swap3A_1693 : vector<1x16xf32> to vector<16xf32>
          %swap3A_1695 = vector.shape_cast %mul3A_1688 : vector<16xf32> to vector<1x16xf32>
          tpu.vector_store %arg12[%swap3A_1691, %swap3A_1692], %swap3A_1695 {strides = array<i32>} : memref<128x128xf32, #tpu.memory_space<vmem>>, vector<1x16xf32>,
          %add3A_1696 = arith.constant 13 : i32
          %add3A_1697 = arith.addi %mul3A_77, %add3A_1696 : i32
          %get3A_1698 = arith.index_cast %add3A_1697 : i32 to index
          %get3A_1699 = arith.constant 32 : index
          %get3A_1700 = tpu.vector_load %arg12[%get3A_1698, %get3A_1699] {strides = array<i32>} : memref<128x128xf32, #tpu.memory_space<vmem>>, vector<1x16xf32>,
          %get3A_1701 = vector.shape_cast %get3A_1700 : vector<1x16xf32> to vector<16xf32>
          %mul3A_1702 = vector.broadcast %squeeze3A_1665 : f32 to vector<16xf32>
          %mul3A_1703 = arith.mulf %get3A_1701, %mul3A_1702 : vector<16xf32>
          %add3A_1704 = arith.constant 13 : i32
          %add3A_1705 = arith.addi %mul3A_77, %add3A_1704 : i32
          %swap3A_1706 = arith.index_cast %add3A_1705 : i32 to index
          %swap3A_1707 = arith.constant 32 : index
          %swap3A_1708 = tpu.vector_load %arg12[%swap3A_1706, %swap3A_1707] {strides = array<i32>} : memref<128x128xf32, #tpu.memory_space<vmem>>, vector<1x16xf32>,
          %swap3A_1709 = vector.shape_cast %swap3A_1708 : vector<1x16xf32> to vector<16xf32>
          %swap3A_1710 = vector.shape_cast %mul3A_1703 : vector<16xf32> to vector<1x16xf32>
          tpu.vector_store %arg12[%swap3A_1706, %swap3A_1707], %swap3A_1710 {strides = array<i32>} : memref<128x128xf32, #tpu.memory_space<vmem>>, vector<1x16xf32>,
          %add3A_1711 = arith.constant 13 : i32
          %add3A_1712 = arith.addi %mul3A_77, %add3A_1711 : i32
          %get3A_1713 = arith.index_cast %add3A_1712 : i32 to index
          %get3A_1714 = arith.constant 48 : index
          %get3A_1715 = tpu.vector_load %arg12[%get3A_1713, %get3A_1714] {strides = array<i32>} : memref<128x128xf32, #tpu.memory_space<vmem>>, vector<1x16xf32>,
          %get3A_1716 = vector.shape_cast %get3A_1715 : vector<1x16xf32> to vector<16xf32>
          %mul3A_1717 = vector.broadcast %squeeze3A_1665 : f32 to vector<16xf32>
          %mul3A_1718 = arith.mulf %get3A_1716, %mul3A_1717 : vector<16xf32>
          %add3A_1719 = arith.constant 13 : i32
          %add3A_1720 = arith.addi %mul3A_77, %add3A_1719 : i32
          %swap3A_1721 = arith.index_cast %add3A_1720 : i32 to index
          %swap3A_1722 = arith.constant 48 : index
          %swap3A_1723 = tpu.vector_load %arg12[%swap3A_1721, %swap3A_1722] {strides = array<i32>} : memref<128x128xf32, #tpu.memory_space<vmem>>, vector<1x16xf32>,
          %swap3A_1724 = vector.shape_cast %swap3A_1723 : vector<1x16xf32> to vector<16xf32>
          %swap3A_1725 = vector.shape_cast %mul3A_1718 : vector<16xf32> to vector<1x16xf32>
          tpu.vector_store %arg12[%swap3A_1721, %swap3A_1722], %swap3A_1725 {strides = array<i32>} : memref<128x128xf32, #tpu.memory_space<vmem>>, vector<1x16xf32>,
          %add3A_1726 = arith.constant 13 : i32
          %add3A_1727 = arith.addi %mul3A_77, %add3A_1726 : i32
          %get3A_1728 = arith.index_cast %add3A_1727 : i32 to index
          %get3A_1729 = arith.constant 64 : index
          %get3A_1730 = tpu.vector_load %arg12[%get3A_1728, %get3A_1729] {strides = array<i32>} : memref<128x128xf32, #tpu.memory_space<vmem>>, vector<1x16xf32>,
          %get3A_1731 = vector.shape_cast %get3A_1730 : vector<1x16xf32> to vector<16xf32>
          %mul3A_1732 = vector.broadcast %squeeze3A_1665 : f32 to vector<16xf32>
          %mul3A_1733 = arith.mulf %get3A_1731, %mul3A_1732 : vector<16xf32>
          %add3A_1734 = arith.constant 13 : i32
          %add3A_1735 = arith.addi %mul3A_77, %add3A_1734 : i32
          %swap3A_1736 = arith.index_cast %add3A_1735 : i32 to index
          %swap3A_1737 = arith.constant 64 : index
          %swap3A_1738 = tpu.vector_load %arg12[%swap3A_1736, %swap3A_1737] {strides = array<i32>} : memref<128x128xf32, #tpu.memory_space<vmem>>, vector<1x16xf32>,
          %swap3A_1739 = vector.shape_cast %swap3A_1738 : vector<1x16xf32> to vector<16xf32>
          %swap3A_1740 = vector.shape_cast %mul3A_1733 : vector<16xf32> to vector<1x16xf32>
          tpu.vector_store %arg12[%swap3A_1736, %swap3A_1737], %swap3A_1740 {strides = array<i32>} : memref<128x128xf32, #tpu.memory_space<vmem>>, vector<1x16xf32>,
          %add3A_1741 = arith.constant 13 : i32
          %add3A_1742 = arith.addi %mul3A_77, %add3A_1741 : i32
          %get3A_1743 = arith.index_cast %add3A_1742 : i32 to index
          %get3A_1744 = arith.constant 80 : index
          %get3A_1745 = tpu.vector_load %arg12[%get3A_1743, %get3A_1744] {strides = array<i32>} : memref<128x128xf32, #tpu.memory_space<vmem>>, vector<1x16xf32>,
          %get3A_1746 = vector.shape_cast %get3A_1745 : vector<1x16xf32> to vector<16xf32>
          %mul3A_1747 = vector.broadcast %squeeze3A_1665 : f32 to vector<16xf32>
          %mul3A_1748 = arith.mulf %get3A_1746, %mul3A_1747 : vector<16xf32>
          %add3A_1749 = arith.constant 13 : i32
          %add3A_1750 = arith.addi %mul3A_77, %add3A_1749 : i32
          %swap3A_1751 = arith.index_cast %add3A_1750 : i32 to index
          %swap3A_1752 = arith.constant 80 : index
          %swap3A_1753 = tpu.vector_load %arg12[%swap3A_1751, %swap3A_1752] {strides = array<i32>} : memref<128x128xf32, #tpu.memory_space<vmem>>, vector<1x16xf32>,
          %swap3A_1754 = vector.shape_cast %swap3A_1753 : vector<1x16xf32> to vector<16xf32>
          %swap3A_1755 = vector.shape_cast %mul3A_1748 : vector<16xf32> to vector<1x16xf32>
          tpu.vector_store %arg12[%swap3A_1751, %swap3A_1752], %swap3A_1755 {strides = array<i32>} : memref<128x128xf32, #tpu.memory_space<vmem>>, vector<1x16xf32>,
          %add3A_1756 = arith.constant 13 : i32
          %add3A_1757 = arith.addi %mul3A_77, %add3A_1756 : i32
          %get3A_1758 = arith.index_cast %add3A_1757 : i32 to index
          %get3A_1759 = arith.constant 96 : index
          %get3A_1760 = tpu.vector_load %arg12[%get3A_1758, %get3A_1759] {strides = array<i32>} : memref<128x128xf32, #tpu.memory_space<vmem>>, vector<1x16xf32>,
          %get3A_1761 = vector.shape_cast %get3A_1760 : vector<1x16xf32> to vector<16xf32>
          %mul3A_1762 = vector.broadcast %squeeze3A_1665 : f32 to vector<16xf32>
          %mul3A_1763 = arith.mulf %get3A_1761, %mul3A_1762 : vector<16xf32>
          %add3A_1764 = arith.constant 13 : i32
          %add3A_1765 = arith.addi %mul3A_77, %add3A_1764 : i32
          %swap3A_1766 = arith.index_cast %add3A_1765 : i32 to index
          %swap3A_1767 = arith.constant 96 : index
          %swap3A_1768 = tpu.vector_load %arg12[%swap3A_1766, %swap3A_1767] {strides = array<i32>} : memref<128x128xf32, #tpu.memory_space<vmem>>, vector<1x16xf32>,
          %swap3A_1769 = vector.shape_cast %swap3A_1768 : vector<1x16xf32> to vector<16xf32>
          %swap3A_1770 = vector.shape_cast %mul3A_1763 : vector<16xf32> to vector<1x16xf32>
          tpu.vector_store %arg12[%swap3A_1766, %swap3A_1767], %swap3A_1770 {strides = array<i32>} : memref<128x128xf32, #tpu.memory_space<vmem>>, vector<1x16xf32>,
          %add3A_1771 = arith.constant 13 : i32
          %add3A_1772 = arith.addi %mul3A_77, %add3A_1771 : i32
          %get3A_1773 = arith.index_cast %add3A_1772 : i32 to index
          %get3A_1774 = arith.constant 112 : index
          %get3A_1775 = tpu.vector_load %arg12[%get3A_1773, %get3A_1774] {strides = array<i32>} : memref<128x128xf32, #tpu.memory_space<vmem>>, vector<1x16xf32>,
          %get3A_1776 = vector.shape_cast %get3A_1775 : vector<1x16xf32> to vector<16xf32>
          %mul3A_1777 = vector.broadcast %squeeze3A_1665 : f32 to vector<16xf32>
          %mul3A_1778 = arith.mulf %get3A_1776, %mul3A_1777 : vector<16xf32>
          %add3A_1779 = arith.constant 13 : i32
          %add3A_1780 = arith.addi %mul3A_77, %add3A_1779 : i32
          %swap3A_1781 = arith.index_cast %add3A_1780 : i32 to index
          %swap3A_1782 = arith.constant 112 : index
          %swap3A_1783 = tpu.vector_load %arg12[%swap3A_1781, %swap3A_1782] {strides = array<i32>} : memref<128x128xf32, #tpu.memory_space<vmem>>, vector<1x16xf32>,
          %swap3A_1784 = vector.shape_cast %swap3A_1783 : vector<1x16xf32> to vector<16xf32>
          %swap3A_1785 = vector.shape_cast %mul3A_1778 : vector<16xf32> to vector<1x16xf32>
          tpu.vector_store %arg12[%swap3A_1781, %swap3A_1782], %swap3A_1785 {strides = array<i32>} : memref<128x128xf32, #tpu.memory_space<vmem>>, vector<1x16xf32>,
          %slice3A_1786 = vector.extract_strided_slice %get3A_80 {offsets = [14], sizes = [1], strides = [1]} : vector<16xf32> to vector<1xf32>
          %squeeze3A_1787 = vector.extract %slice3A_1786[0] : f32 from vector<1xf32>
          %add3A_1788 = arith.constant 14 : i32
          %add3A_1789 = arith.addi %mul3A_77, %add3A_1788 : i32
          %get3A_1790 = arith.index_cast %add3A_1789 : i32 to index
          %get3A_1791 = arith.constant 0 : index
          %get3A_1792 = tpu.vector_load %arg12[%get3A_1790, %get3A_1791] {strides = array<i32>} : memref<128x128xf32, #tpu.memory_space<vmem>>, vector<1x16xf32>,
          %get3A_1793 = vector.shape_cast %get3A_1792 : vector<1x16xf32> to vector<16xf32>
          %mul3A_1794 = vector.broadcast %squeeze3A_1787 : f32 to vector<16xf32>
          %mul3A_1795 = arith.mulf %get3A_1793, %mul3A_1794 : vector<16xf32>
          %add3A_1796 = arith.constant 14 : i32
          %add3A_1797 = arith.addi %mul3A_77, %add3A_1796 : i32
          %swap3A_1798 = arith.index_cast %add3A_1797 : i32 to index
          %swap3A_1799 = arith.constant 0 : index
          %swap3A_1800 = tpu.vector_load %arg12[%swap3A_1798, %swap3A_1799] {strides = array<i32>} : memref<128x128xf32, #tpu.memory_space<vmem>>, vector<1x16xf32>,
          %swap3A_1801 = vector.shape_cast %swap3A_1800 : vector<1x16xf32> to vector<16xf32>
          %swap3A_1802 = vector.shape_cast %mul3A_1795 : vector<16xf32> to vector<1x16xf32>
          tpu.vector_store %arg12[%swap3A_1798, %swap3A_1799], %swap3A_1802 {strides = array<i32>} : memref<128x128xf32, #tpu.memory_space<vmem>>, vector<1x16xf32>,
          %add3A_1803 = arith.constant 14 : i32
          %add3A_1804 = arith.addi %mul3A_77, %add3A_1803 : i32
          %get3A_1805 = arith.index_cast %add3A_1804 : i32 to index
          %get3A_1806 = arith.constant 16 : index
          %get3A_1807 = tpu.vector_load %arg12[%get3A_1805, %get3A_1806] {strides = array<i32>} : memref<128x128xf32, #tpu.memory_space<vmem>>, vector<1x16xf32>,
          %get3A_1808 = vector.shape_cast %get3A_1807 : vector<1x16xf32> to vector<16xf32>
          %mul3A_1809 = vector.broadcast %squeeze3A_1787 : f32 to vector<16xf32>
          %mul3A_1810 = arith.mulf %get3A_1808, %mul3A_1809 : vector<16xf32>
          %add3A_1811 = arith.constant 14 : i32
          %add3A_1812 = arith.addi %mul3A_77, %add3A_1811 : i32
          %swap3A_1813 = arith.index_cast %add3A_1812 : i32 to index
          %swap3A_1814 = arith.constant 16 : index
          %swap3A_1815 = tpu.vector_load %arg12[%swap3A_1813, %swap3A_1814] {strides = array<i32>} : memref<128x128xf32, #tpu.memory_space<vmem>>, vector<1x16xf32>,
          %swap3A_1816 = vector.shape_cast %swap3A_1815 : vector<1x16xf32> to vector<16xf32>
          %swap3A_1817 = vector.shape_cast %mul3A_1810 : vector<16xf32> to vector<1x16xf32>
          tpu.vector_store %arg12[%swap3A_1813, %swap3A_1814], %swap3A_1817 {strides = array<i32>} : memref<128x128xf32, #tpu.memory_space<vmem>>, vector<1x16xf32>,
          %add3A_1818 = arith.constant 14 : i32
          %add3A_1819 = arith.addi %mul3A_77, %add3A_1818 : i32
          %get3A_1820 = arith.index_cast %add3A_1819 : i32 to index
          %get3A_1821 = arith.constant 32 : index
          %get3A_1822 = tpu.vector_load %arg12[%get3A_1820, %get3A_1821] {strides = array<i32>} : memref<128x128xf32, #tpu.memory_space<vmem>>, vector<1x16xf32>,
          %get3A_1823 = vector.shape_cast %get3A_1822 : vector<1x16xf32> to vector<16xf32>
          %mul3A_1824 = vector.broadcast %squeeze3A_1787 : f32 to vector<16xf32>
          %mul3A_1825 = arith.mulf %get3A_1823, %mul3A_1824 : vector<16xf32>
          %add3A_1826 = arith.constant 14 : i32
          %add3A_1827 = arith.addi %mul3A_77, %add3A_1826 : i32
          %swap3A_1828 = arith.index_cast %add3A_1827 : i32 to index
          %swap3A_1829 = arith.constant 32 : index
          %swap3A_1830 = tpu.vector_load %arg12[%swap3A_1828, %swap3A_1829] {strides = array<i32>} : memref<128x128xf32, #tpu.memory_space<vmem>>, vector<1x16xf32>,
          %swap3A_1831 = vector.shape_cast %swap3A_1830 : vector<1x16xf32> to vector<16xf32>
          %swap3A_1832 = vector.shape_cast %mul3A_1825 : vector<16xf32> to vector<1x16xf32>
          tpu.vector_store %arg12[%swap3A_1828, %swap3A_1829], %swap3A_1832 {strides = array<i32>} : memref<128x128xf32, #tpu.memory_space<vmem>>, vector<1x16xf32>,
          %add3A_1833 = arith.constant 14 : i32
          %add3A_1834 = arith.addi %mul3A_77, %add3A_1833 : i32
          %get3A_1835 = arith.index_cast %add3A_1834 : i32 to index
          %get3A_1836 = arith.constant 48 : index
          %get3A_1837 = tpu.vector_load %arg12[%get3A_1835, %get3A_1836] {strides = array<i32>} : memref<128x128xf32, #tpu.memory_space<vmem>>, vector<1x16xf32>,
          %get3A_1838 = vector.shape_cast %get3A_1837 : vector<1x16xf32> to vector<16xf32>
          %mul3A_1839 = vector.broadcast %squeeze3A_1787 : f32 to vector<16xf32>
          %mul3A_1840 = arith.mulf %get3A_1838, %mul3A_1839 : vector<16xf32>
          %add3A_1841 = arith.constant 14 : i32
          %add3A_1842 = arith.addi %mul3A_77, %add3A_1841 : i32
          %swap3A_1843 = arith.index_cast %add3A_1842 : i32 to index
          %swap3A_1844 = arith.constant 48 : index
          %swap3A_1845 = tpu.vector_load %arg12[%swap3A_1843, %swap3A_1844] {strides = array<i32>} : memref<128x128xf32, #tpu.memory_space<vmem>>, vector<1x16xf32>,
          %swap3A_1846 = vector.shape_cast %swap3A_1845 : vector<1x16xf32> to vector<16xf32>
          %swap3A_1847 = vector.shape_cast %mul3A_1840 : vector<16xf32> to vector<1x16xf32>
          tpu.vector_store %arg12[%swap3A_1843, %swap3A_1844], %swap3A_1847 {strides = array<i32>} : memref<128x128xf32, #tpu.memory_space<vmem>>, vector<1x16xf32>,
          %add3A_1848 = arith.constant 14 : i32
          %add3A_1849 = arith.addi %mul3A_77, %add3A_1848 : i32
          %get3A_1850 = arith.index_cast %add3A_1849 : i32 to index
          %get3A_1851 = arith.constant 64 : index
          %get3A_1852 = tpu.vector_load %arg12[%get3A_1850, %get3A_1851] {strides = array<i32>} : memref<128x128xf32, #tpu.memory_space<vmem>>, vector<1x16xf32>,
          %get3A_1853 = vector.shape_cast %get3A_1852 : vector<1x16xf32> to vector<16xf32>
          %mul3A_1854 = vector.broadcast %squeeze3A_1787 : f32 to vector<16xf32>
          %mul3A_1855 = arith.mulf %get3A_1853, %mul3A_1854 : vector<16xf32>
          %add3A_1856 = arith.constant 14 : i32
          %add3A_1857 = arith.addi %mul3A_77, %add3A_1856 : i32
          %swap3A_1858 = arith.index_cast %add3A_1857 : i32 to index
          %swap3A_1859 = arith.constant 64 : index
          %swap3A_1860 = tpu.vector_load %arg12[%swap3A_1858, %swap3A_1859] {strides = array<i32>} : memref<128x128xf32, #tpu.memory_space<vmem>>, vector<1x16xf32>,
          %swap3A_1861 = vector.shape_cast %swap3A_1860 : vector<1x16xf32> to vector<16xf32>
          %swap3A_1862 = vector.shape_cast %mul3A_1855 : vector<16xf32> to vector<1x16xf32>
          tpu.vector_store %arg12[%swap3A_1858, %swap3A_1859], %swap3A_1862 {strides = array<i32>} : memref<128x128xf32, #tpu.memory_space<vmem>>, vector<1x16xf32>,
          %add3A_1863 = arith.constant 14 : i32
          %add3A_1864 = arith.addi %mul3A_77, %add3A_1863 : i32
          %get3A_1865 = arith.index_cast %add3A_1864 : i32 to index
          %get3A_1866 = arith.constant 80 : index
          %get3A_1867 = tpu.vector_load %arg12[%get3A_1865, %get3A_1866] {strides = array<i32>} : memref<128x128xf32, #tpu.memory_space<vmem>>, vector<1x16xf32>,
          %get3A_1868 = vector.shape_cast %get3A_1867 : vector<1x16xf32> to vector<16xf32>
          %mul3A_1869 = vector.broadcast %squeeze3A_1787 : f32 to vector<16xf32>
          %mul3A_1870 = arith.mulf %get3A_1868, %mul3A_1869 : vector<16xf32>
          %add3A_1871 = arith.constant 14 : i32
          %add3A_1872 = arith.addi %mul3A_77, %add3A_1871 : i32
          %swap3A_1873 = arith.index_cast %add3A_1872 : i32 to index
          %swap3A_1874 = arith.constant 80 : index
          %swap3A_1875 = tpu.vector_load %arg12[%swap3A_1873, %swap3A_1874] {strides = array<i32>} : memref<128x128xf32, #tpu.memory_space<vmem>>, vector<1x16xf32>,
          %swap3A_1876 = vector.shape_cast %swap3A_1875 : vector<1x16xf32> to vector<16xf32>
          %swap3A_1877 = vector.shape_cast %mul3A_1870 : vector<16xf32> to vector<1x16xf32>
          tpu.vector_store %arg12[%swap3A_1873, %swap3A_1874], %swap3A_1877 {strides = array<i32>} : memref<128x128xf32, #tpu.memory_space<vmem>>, vector<1x16xf32>,
          %add3A_1878 = arith.constant 14 : i32
          %add3A_1879 = arith.addi %mul3A_77, %add3A_1878 : i32
          %get3A_1880 = arith.index_cast %add3A_1879 : i32 to index
          %get3A_1881 = arith.constant 96 : index
          %get3A_1882 = tpu.vector_load %arg12[%get3A_1880, %get3A_1881] {strides = array<i32>} : memref<128x128xf32, #tpu.memory_space<vmem>>, vector<1x16xf32>,
          %get3A_1883 = vector.shape_cast %get3A_1882 : vector<1x16xf32> to vector<16xf32>
          %mul3A_1884 = vector.broadcast %squeeze3A_1787 : f32 to vector<16xf32>
          %mul3A_1885 = arith.mulf %get3A_1883, %mul3A_1884 : vector<16xf32>
          %add3A_1886 = arith.constant 14 : i32
          %add3A_1887 = arith.addi %mul3A_77, %add3A_1886 : i32
          %swap3A_1888 = arith.index_cast %add3A_1887 : i32 to index
          %swap3A_1889 = arith.constant 96 : index
          %swap3A_1890 = tpu.vector_load %arg12[%swap3A_1888, %swap3A_1889] {strides = array<i32>} : memref<128x128xf32, #tpu.memory_space<vmem>>, vector<1x16xf32>,
          %swap3A_1891 = vector.shape_cast %swap3A_1890 : vector<1x16xf32> to vector<16xf32>
          %swap3A_1892 = vector.shape_cast %mul3A_1885 : vector<16xf32> to vector<1x16xf32>
          tpu.vector_store %arg12[%swap3A_1888, %swap3A_1889], %swap3A_1892 {strides = array<i32>} : memref<128x128xf32, #tpu.memory_space<vmem>>, vector<1x16xf32>,
          %add3A_1893 = arith.constant 14 : i32
          %add3A_1894 = arith.addi %mul3A_77, %add3A_1893 : i32
          %get3A_1895 = arith.index_cast %add3A_1894 : i32 to index
          %get3A_1896 = arith.constant 112 : index
          %get3A_1897 = tpu.vector_load %arg12[%get3A_1895, %get3A_1896] {strides = array<i32>} : memref<128x128xf32, #tpu.memory_space<vmem>>, vector<1x16xf32>,
          %get3A_1898 = vector.shape_cast %get3A_1897 : vector<1x16xf32> to vector<16xf32>
          %mul3A_1899 = vector.broadcast %squeeze3A_1787 : f32 to vector<16xf32>
          %mul3A_1900 = arith.mulf %get3A_1898, %mul3A_1899 : vector<16xf32>
          %add3A_1901 = arith.constant 14 : i32
          %add3A_1902 = arith.addi %mul3A_77, %add3A_1901 : i32
          %swap3A_1903 = arith.index_cast %add3A_1902 : i32 to index
          %swap3A_1904 = arith.constant 112 : index
          %swap3A_1905 = tpu.vector_load %arg12[%swap3A_1903, %swap3A_1904] {strides = array<i32>} : memref<128x128xf32, #tpu.memory_space<vmem>>, vector<1x16xf32>,
          %swap3A_1906 = vector.shape_cast %swap3A_1905 : vector<1x16xf32> to vector<16xf32>
          %swap3A_1907 = vector.shape_cast %mul3A_1900 : vector<16xf32> to vector<1x16xf32>
          tpu.vector_store %arg12[%swap3A_1903, %swap3A_1904], %swap3A_1907 {strides = array<i32>} : memref<128x128xf32, #tpu.memory_space<vmem>>, vector<1x16xf32>,
          %slice3A_1908 = vector.extract_strided_slice %get3A_80 {offsets = [15], sizes = [1], strides = [1]} : vector<16xf32> to vector<1xf32>
          %squeeze3A_1909 = vector.extract %slice3A_1908[0] : f32 from vector<1xf32>
          %add3A_1910 = arith.constant 15 : i32
          %add3A_1911 = arith.addi %mul3A_77, %add3A_1910 : i32
          %get3A_1912 = arith.index_cast %add3A_1911 : i32 to index
          %get3A_1913 = arith.constant 0 : index
          %get3A_1914 = tpu.vector_load %arg12[%get3A_1912, %get3A_1913] {strides = array<i32>} : memref<128x128xf32, #tpu.memory_space<vmem>>, vector<1x16xf32>,
          %get3A_1915 = vector.shape_cast %get3A_1914 : vector<1x16xf32> to vector<16xf32>
          %mul3A_1916 = vector.broadcast %squeeze3A_1909 : f32 to vector<16xf32>
          %mul3A_1917 = arith.mulf %get3A_1915, %mul3A_1916 : vector<16xf32>
          %add3A_1918 = arith.constant 15 : i32
          %add3A_1919 = arith.addi %mul3A_77, %add3A_1918 : i32
          %swap3A_1920 = arith.index_cast %add3A_1919 : i32 to index
          %swap3A_1921 = arith.constant 0 : index
          %swap3A_1922 = tpu.vector_load %arg12[%swap3A_1920, %swap3A_1921] {strides = array<i32>} : memref<128x128xf32, #tpu.memory_space<vmem>>, vector<1x16xf32>,
          %swap3A_1923 = vector.shape_cast %swap3A_1922 : vector<1x16xf32> to vector<16xf32>
          %swap3A_1924 = vector.shape_cast %mul3A_1917 : vector<16xf32> to vector<1x16xf32>
          tpu.vector_store %arg12[%swap3A_1920, %swap3A_1921], %swap3A_1924 {strides = array<i32>} : memref<128x128xf32, #tpu.memory_space<vmem>>, vector<1x16xf32>,
          %add3A_1925 = arith.constant 15 : i32
          %add3A_1926 = arith.addi %mul3A_77, %add3A_1925 : i32
          %get3A_1927 = arith.index_cast %add3A_1926 : i32 to index
          %get3A_1928 = arith.constant 16 : index
          %get3A_1929 = tpu.vector_load %arg12[%get3A_1927, %get3A_1928] {strides = array<i32>} : memref<128x128xf32, #tpu.memory_space<vmem>>, vector<1x16xf32>,
          %get3A_1930 = vector.shape_cast %get3A_1929 : vector<1x16xf32> to vector<16xf32>
          %mul3A_1931 = vector.broadcast %squeeze3A_1909 : f32 to vector<16xf32>
          %mul3A_1932 = arith.mulf %get3A_1930, %mul3A_1931 : vector<16xf32>
          %add3A_1933 = arith.constant 15 : i32
          %add3A_1934 = arith.addi %mul3A_77, %add3A_1933 : i32
          %swap3A_1935 = arith.index_cast %add3A_1934 : i32 to index
          %swap3A_1936 = arith.constant 16 : index
          %swap3A_1937 = tpu.vector_load %arg12[%swap3A_1935, %swap3A_1936] {strides = array<i32>} : memref<128x128xf32, #tpu.memory_space<vmem>>, vector<1x16xf32>,
          %swap3A_1938 = vector.shape_cast %swap3A_1937 : vector<1x16xf32> to vector<16xf32>
          %swap3A_1939 = vector.shape_cast %mul3A_1932 : vector<16xf32> to vector<1x16xf32>
          tpu.vector_store %arg12[%swap3A_1935, %swap3A_1936], %swap3A_1939 {strides = array<i32>} : memref<128x128xf32, #tpu.memory_space<vmem>>, vector<1x16xf32>,
          %add3A_1940 = arith.constant 15 : i32
          %add3A_1941 = arith.addi %mul3A_77, %add3A_1940 : i32
          %get3A_1942 = arith.index_cast %add3A_1941 : i32 to index
          %get3A_1943 = arith.constant 32 : index
          %get3A_1944 = tpu.vector_load %arg12[%get3A_1942, %get3A_1943] {strides = array<i32>} : memref<128x128xf32, #tpu.memory_space<vmem>>, vector<1x16xf32>,
          %get3A_1945 = vector.shape_cast %get3A_1944 : vector<1x16xf32> to vector<16xf32>
          %mul3A_1946 = vector.broadcast %squeeze3A_1909 : f32 to vector<16xf32>
          %mul3A_1947 = arith.mulf %get3A_1945, %mul3A_1946 : vector<16xf32>
          %add3A_1948 = arith.constant 15 : i32
          %add3A_1949 = arith.addi %mul3A_77, %add3A_1948 : i32
          %swap3A_1950 = arith.index_cast %add3A_1949 : i32 to index
          %swap3A_1951 = arith.constant 32 : index
          %swap3A_1952 = tpu.vector_load %arg12[%swap3A_1950, %swap3A_1951] {strides = array<i32>} : memref<128x128xf32, #tpu.memory_space<vmem>>, vector<1x16xf32>,
          %swap3A_1953 = vector.shape_cast %swap3A_1952 : vector<1x16xf32> to vector<16xf32>
          %swap3A_1954 = vector.shape_cast %mul3A_1947 : vector<16xf32> to vector<1x16xf32>
          tpu.vector_store %arg12[%swap3A_1950, %swap3A_1951], %swap3A_1954 {strides = array<i32>} : memref<128x128xf32, #tpu.memory_space<vmem>>, vector<1x16xf32>,
          %add3A_1955 = arith.constant 15 : i32
          %add3A_1956 = arith.addi %mul3A_77, %add3A_1955 : i32
          %get3A_1957 = arith.index_cast %add3A_1956 : i32 to index
          %get3A_1958 = arith.constant 48 : index
          %get3A_1959 = tpu.vector_load %arg12[%get3A_1957, %get3A_1958] {strides = array<i32>} : memref<128x128xf32, #tpu.memory_space<vmem>>, vector<1x16xf32>,
          %get3A_1960 = vector.shape_cast %get3A_1959 : vector<1x16xf32> to vector<16xf32>
          %mul3A_1961 = vector.broadcast %squeeze3A_1909 : f32 to vector<16xf32>
          %mul3A_1962 = arith.mulf %get3A_1960, %mul3A_1961 : vector<16xf32>
          %add3A_1963 = arith.constant 15 : i32
          %add3A_1964 = arith.addi %mul3A_77, %add3A_1963 : i32
          %swap3A_1965 = arith.index_cast %add3A_1964 : i32 to index
          %swap3A_1966 = arith.constant 48 : index
          %swap3A_1967 = tpu.vector_load %arg12[%swap3A_1965, %swap3A_1966] {strides = array<i32>} : memref<128x128xf32, #tpu.memory_space<vmem>>, vector<1x16xf32>,
          %swap3A_1968 = vector.shape_cast %swap3A_1967 : vector<1x16xf32> to vector<16xf32>
          %swap3A_1969 = vector.shape_cast %mul3A_1962 : vector<16xf32> to vector<1x16xf32>
          tpu.vector_store %arg12[%swap3A_1965, %swap3A_1966], %swap3A_1969 {strides = array<i32>} : memref<128x128xf32, #tpu.memory_space<vmem>>, vector<1x16xf32>,
          %add3A_1970 = arith.constant 15 : i32
          %add3A_1971 = arith.addi %mul3A_77, %add3A_1970 : i32
          %get3A_1972 = arith.index_cast %add3A_1971 : i32 to index
          %get3A_1973 = arith.constant 64 : index
          %get3A_1974 = tpu.vector_load %arg12[%get3A_1972, %get3A_1973] {strides = array<i32>} : memref<128x128xf32, #tpu.memory_space<vmem>>, vector<1x16xf32>,
          %get3A_1975 = vector.shape_cast %get3A_1974 : vector<1x16xf32> to vector<16xf32>
          %mul3A_1976 = vector.broadcast %squeeze3A_1909 : f32 to vector<16xf32>
          %mul3A_1977 = arith.mulf %get3A_1975, %mul3A_1976 : vector<16xf32>
          %add3A_1978 = arith.constant 15 : i32
          %add3A_1979 = arith.addi %mul3A_77, %add3A_1978 : i32
          %swap3A_1980 = arith.index_cast %add3A_1979 : i32 to index
          %swap3A_1981 = arith.constant 64 : index
          %swap3A_1982 = tpu.vector_load %arg12[%swap3A_1980, %swap3A_1981] {strides = array<i32>} : memref<128x128xf32, #tpu.memory_space<vmem>>, vector<1x16xf32>,
          %swap3A_1983 = vector.shape_cast %swap3A_1982 : vector<1x16xf32> to vector<16xf32>
          %swap3A_1984 = vector.shape_cast %mul3A_1977 : vector<16xf32> to vector<1x16xf32>
          tpu.vector_store %arg12[%swap3A_1980, %swap3A_1981], %swap3A_1984 {strides = array<i32>} : memref<128x128xf32, #tpu.memory_space<vmem>>, vector<1x16xf32>,
          %add3A_1985 = arith.constant 15 : i32
          %add3A_1986 = arith.addi %mul3A_77, %add3A_1985 : i32
          %get3A_1987 = arith.index_cast %add3A_1986 : i32 to index
          %get3A_1988 = arith.constant 80 : index
          %get3A_1989 = tpu.vector_load %arg12[%get3A_1987, %get3A_1988] {strides = array<i32>} : memref<128x128xf32, #tpu.memory_space<vmem>>, vector<1x16xf32>,
          %get3A_1990 = vector.shape_cast %get3A_1989 : vector<1x16xf32> to vector<16xf32>
          %mul3A_1991 = vector.broadcast %squeeze3A_1909 : f32 to vector<16xf32>
          %mul3A_1992 = arith.mulf %get3A_1990, %mul3A_1991 : vector<16xf32>
          %add3A_1993 = arith.constant 15 : i32
          %add3A_1994 = arith.addi %mul3A_77, %add3A_1993 : i32
          %swap3A_1995 = arith.index_cast %add3A_1994 : i32 to index
          %swap3A_1996 = arith.constant 80 : index
          %swap3A_1997 = tpu.vector_load %arg12[%swap3A_1995, %swap3A_1996] {strides = array<i32>} : memref<128x128xf32, #tpu.memory_space<vmem>>, vector<1x16xf32>,
          %swap3A_1998 = vector.shape_cast %swap3A_1997 : vector<1x16xf32> to vector<16xf32>
          %swap3A_1999 = vector.shape_cast %mul3A_1992 : vector<16xf32> to vector<1x16xf32>
          tpu.vector_store %arg12[%swap3A_1995, %swap3A_1996], %swap3A_1999 {strides = array<i32>} : memref<128x128xf32, #tpu.memory_space<vmem>>, vector<1x16xf32>,
          %add3A_2000 = arith.constant 15 : i32
          %add3A_2001 = arith.addi %mul3A_77, %add3A_2000 : i32
          %get3A_2002 = arith.index_cast %add3A_2001 : i32 to index
          %get3A_2003 = arith.constant 96 : index
          %get3A_2004 = tpu.vector_load %arg12[%get3A_2002, %get3A_2003] {strides = array<i32>} : memref<128x128xf32, #tpu.memory_space<vmem>>, vector<1x16xf32>,
          %get3A_2005 = vector.shape_cast %get3A_2004 : vector<1x16xf32> to vector<16xf32>
          %mul3A_2006 = vector.broadcast %squeeze3A_1909 : f32 to vector<16xf32>
          %mul3A_2007 = arith.mulf %get3A_2005, %mul3A_2006 : vector<16xf32>
          %add3A_2008 = arith.constant 15 : i32
          %add3A_2009 = arith.addi %mul3A_77, %add3A_2008 : i32
          %swap3A_2010 = arith.index_cast %add3A_2009 : i32 to index
          %swap3A_2011 = arith.constant 96 : index
          %swap3A_2012 = tpu.vector_load %arg12[%swap3A_2010, %swap3A_2011] {strides = array<i32>} : memref<128x128xf32, #tpu.memory_space<vmem>>, vector<1x16xf32>,
          %swap3A_2013 = vector.shape_cast %swap3A_2012 : vector<1x16xf32> to vector<16xf32>
          %swap3A_2014 = vector.shape_cast %mul3A_2007 : vector<16xf32> to vector<1x16xf32>
          tpu.vector_store %arg12[%swap3A_2010, %swap3A_2011], %swap3A_2014 {strides = array<i32>} : memref<128x128xf32, #tpu.memory_space<vmem>>, vector<1x16xf32>,
          %add3A_2015 = arith.constant 15 : i32
          %add3A_2016 = arith.addi %mul3A_77, %add3A_2015 : i32
          %get3A_2017 = arith.index_cast %add3A_2016 : i32 to index
          %get3A_2018 = arith.constant 112 : index
          %get3A_2019 = tpu.vector_load %arg12[%get3A_2017, %get3A_2018] {strides = array<i32>} : memref<128x128xf32, #tpu.memory_space<vmem>>, vector<1x16xf32>,
          %get3A_2020 = vector.shape_cast %get3A_2019 : vector<1x16xf32> to vector<16xf32>
          %mul3A_2021 = vector.broadcast %squeeze3A_1909 : f32 to vector<16xf32>
          %mul3A_2022 = arith.mulf %get3A_2020, %mul3A_2021 : vector<16xf32>
          %add3A_2023 = arith.constant 15 : i32
          %add3A_2024 = arith.addi %mul3A_77, %add3A_2023 : i32
          %swap3A_2025 = arith.index_cast %add3A_2024 : i32 to index
          %swap3A_2026 = arith.constant 112 : index
          %swap3A_2027 = tpu.vector_load %arg12[%swap3A_2025, %swap3A_2026] {strides = array<i32>} : memref<128x128xf32, #tpu.memory_space<vmem>>, vector<1x16xf32>,
          %swap3A_2028 = vector.shape_cast %swap3A_2027 : vector<1x16xf32> to vector<16xf32>
          %swap3A_2029 = vector.shape_cast %mul3A_2022 : vector<16xf32> to vector<1x16xf32>
          tpu.vector_store %arg12[%swap3A_2025, %swap3A_2026], %swap3A_2029 {strides = array<i32>} : memref<128x128xf32, #tpu.memory_space<vmem>>, vector<1x16xf32>,
        }
        %scan3A_74 = arith.constant 8 : i32
        "tpu.region"() ({
          %run_scoped3A = tpu.sem_alloc : memref<!tpu.dma_semaphore, #tpu.memory_space<semaphore_mem>>
          %dma_start3A_75 = arith.constant 0 : i32
          %dma_start3A_76 = tpu.memref_slice %arg9[%add3A_39, %dma_start3A_75] : memref<16x128xi32, #tpu.memory_space<vmem>> -> memref<1x128xi32, #tpu.memory_space<vmem>>
          %dma_start3A_77 = tpu.memref_squeeze %dma_start3A_76 : memref<1x128xi32, #tpu.memory_space<vmem>> -> memref<128xi32, #tpu.memory_space<vmem>>
          %dma_start3A_78 = arith.constant 0 : i32
          %dma_start3A_79 = arith.constant 0 : i32
          %dma_start3A_80 = tpu.memref_slice %arg13[%dma_start3A_78, %dma_start3A_79] : memref<10000x128xf32, #tpu.memory_space<vmem_shared>> -> memref<10000x128xf32, #tpu.memory_space<vmem_shared>>
          tpu.enqueue_indirect_dma source(%arg12 : memref<128x128xf32, #tpu.memory_space<vmem>>) target(%dma_start3A_80 : memref<10000x128xf32, #tpu.memory_space<vmem_shared>>) offsets(%dma_start3A_77 : memref<128xi32, #tpu.memory_space<vmem>>) semaphore(%run_scoped3A : memref<!tpu.dma_semaphore, #tpu.memory_space<semaphore_mem>>) {add = true}
          %dma_wait3A_81 = arith.constant 0 : i32
          %dma_wait3A_82 = tpu.memref_slice %arg9[%add3A_39, %dma_wait3A_81] : memref<16x128xi32, #tpu.memory_space<vmem>> -> memref<1x128xi32, #tpu.memory_space<vmem>>
          %dma_wait3A_83 = tpu.memref_squeeze %dma_wait3A_82 : memref<1x128xi32, #tpu.memory_space<vmem>> -> memref<128xi32, #tpu.memory_space<vmem>>
          %dma_wait3A_84 = arith.constant 0 : i32
          %dma_wait3A_85 = arith.constant 0 : i32
          %dma_wait3A_86 = tpu.memref_slice %arg13[%dma_wait3A_84, %dma_wait3A_85] : memref<10000x128xf32, #tpu.memory_space<vmem_shared>> -> memref<10000x128xf32, #tpu.memory_space<vmem_shared>>
          tpu.wait_indirect_dma semaphore(%run_scoped3A : memref<!tpu.dma_semaphore, #tpu.memory_space<semaphore_mem>>) src(%arg12 : memref<128x128xf32, #tpu.memory_space<vmem>>) dst(%dma_wait3A_86 : memref<10000x128xf32, #tpu.memory_space<vmem_shared>>)
          tpu.yield
        }) : () -> ()
      }
      %scan3A_34 = arith.constant 8 : i32
    }
    %scan3A_9 = arith.constant 5 : i32
    %barrier3A_10 = arith.constant 0 : index
    tpu.barrier barrier_id(%barrier3A_10)
    %mul3A_11 = arith.constant 624 : i32
    %mul3A_12 = arith.muli %arg1, %mul3A_11 : i32
    %mul3A_13 = arith.constant 624 : i32
    %mul3A_14 = arith.muli %arg1, %mul3A_13 : i32
    "tpu.region"() ({
      %run_scoped3A = tpu.sem_alloc : memref<!tpu.dma_semaphore, #tpu.memory_space<semaphore_mem>>
      %dma_start3A = arith.constant 0 : i32
      %dma_start3A_20 = tpu.memref_slice %arg7[%arg0, %mul3A_14, %dma_start3A] : memref<2x10000x128xf32, #tpu.memory_space<hbm>> -> memref<1x624x128xf32, #tpu.memory_space<hbm>>
      %dma_start3A_21 = tpu.memref_squeeze %dma_start3A_20 : memref<1x624x128xf32, #tpu.memory_space<hbm>> -> memref<624x128xf32, #tpu.memory_space<hbm>>
      %dma_start3A_22 = arith.constant 0 : i32
      %dma_start3A_23 = tpu.memref_slice %arg13[%mul3A_12, %dma_start3A_22] : memref<10000x128xf32, #tpu.memory_space<vmem_shared>> -> memref<624x128xf32, #tpu.memory_space<vmem_shared>>
      tpu.enqueue_dma source(%dma_start3A_23 : memref<624x128xf32, #tpu.memory_space<vmem_shared>>) target(%dma_start3A_21 : memref<624x128xf32, #tpu.memory_space<hbm>>) target_semaphore(%run_scoped3A : memref<!tpu.dma_semaphore, #tpu.memory_space<semaphore_mem>>)
      %dma_wait3A = arith.constant 0 : i32
      %dma_wait3A_24 = tpu.memref_slice %arg7[%arg0, %mul3A_14, %dma_wait3A] : memref<2x10000x128xf32, #tpu.memory_space<hbm>> -> memref<1x624x128xf32, #tpu.memory_space<hbm>>
      %dma_wait3A_25 = tpu.memref_squeeze %dma_wait3A_24 : memref<1x624x128xf32, #tpu.memory_space<hbm>> -> memref<624x128xf32, #tpu.memory_space<hbm>>
      %dma_wait3A_26 = arith.constant 0 : i32
      %dma_wait3A_27 = tpu.memref_slice %arg13[%mul3A_12, %dma_wait3A_26] : memref<10000x128xf32, #tpu.memory_space<vmem_shared>> -> memref<624x128xf32, #tpu.memory_space<vmem_shared>>
      tpu.wait_dma2 semaphore(%run_scoped3A : memref<!tpu.dma_semaphore, #tpu.memory_space<semaphore_mem>>) src(%dma_wait3A_27 : memref<624x128xf32, #tpu.memory_space<vmem_shared>>) dst(%dma_wait3A_25 : memref<624x128xf32, #tpu.memory_space<hbm>>)
      tpu.yield
    }) : () -> ()
    %eq3A_15 = arith.constant 15 : i32
    %eq3A_16 = arith.cmpi eq, %arg1, %eq3A_15 : i32
    %convert_element_type3A_17 = arith.extui %eq3A_16 : i1 to i32
    %cond3A_18 = arith.constant 0 : i32
    %cond3A_19 = arith.cmpi ne, %convert_element_type3A_17, %cond3A_18 : i32
    scf.if %cond3A_19 {
      "tpu.region"() ({
        %run_scoped3A = tpu.sem_alloc : memref<!tpu.dma_semaphore, #tpu.memory_space<semaphore_mem>>
        %dma_start3A = arith.constant 9984 : i32
        %dma_start3A_20 = arith.constant 0 : i32
        %dma_start3A_21 = tpu.memref_slice %arg7[%arg0, %dma_start3A, %dma_start3A_20] : memref<2x10000x128xf32, #tpu.memory_space<hbm>> -> memref<1x16x128xf32, #tpu.memory_space<hbm>>
        %dma_start3A_22 = tpu.memref_squeeze %dma_start3A_21 : memref<1x16x128xf32, #tpu.memory_space<hbm>> -> memref<16x128xf32, #tpu.memory_space<hbm>>
        %dma_start3A_23 = arith.constant 9984 : i32
        %dma_start3A_24 = arith.constant 0 : i32
        %dma_start3A_25 = tpu.memref_slice %arg13[%dma_start3A_23, %dma_start3A_24] : memref<10000x128xf32, #tpu.memory_space<vmem_shared>> -> memref<16x128xf32, #tpu.memory_space<vmem_shared>>
        tpu.enqueue_dma source(%dma_start3A_25 : memref<16x128xf32, #tpu.memory_space<vmem_shared>>) target(%dma_start3A_22 : memref<16x128xf32, #tpu.memory_space<hbm>>) target_semaphore(%run_scoped3A : memref<!tpu.dma_semaphore, #tpu.memory_space<semaphore_mem>>)
        %dma_wait3A = arith.constant 9984 : i32
        %dma_wait3A_26 = arith.constant 0 : i32
        %dma_wait3A_27 = tpu.memref_slice %arg7[%arg0, %dma_wait3A, %dma_wait3A_26] : memref<2x10000x128xf32, #tpu.memory_space<hbm>> -> memref<1x16x128xf32, #tpu.memory_space<hbm>>
        %dma_wait3A_28 = tpu.memref_squeeze %dma_wait3A_27 : memref<1x16x128xf32, #tpu.memory_space<hbm>> -> memref<16x128xf32, #tpu.memory_space<hbm>>
        %dma_wait3A_29 = arith.constant 9984 : i32
        %dma_wait3A_30 = arith.constant 0 : i32
        %dma_wait3A_31 = tpu.memref_slice %arg13[%dma_wait3A_29, %dma_wait3A_30] : memref<10000x128xf32, #tpu.memory_space<vmem_shared>> -> memref<16x128xf32, #tpu.memory_space<vmem_shared>>
        tpu.wait_dma2 semaphore(%run_scoped3A : memref<!tpu.dma_semaphore, #tpu.memory_space<semaphore_mem>>) src(%dma_wait3A_31 : memref<16x128xf32, #tpu.memory_space<vmem_shared>>) dst(%dma_wait3A_28 : memref<16x128xf32, #tpu.memory_space<hbm>>)
        tpu.yield
      }) : () -> ()
    } else {
    }
    return
  }
}

module attributes {stable_mosaic.version = 14 : i64} {
  func.func @_combine_body(%arg0: i32, %arg1: memref<2x1000x128xf32, #tpu.memory_space<vmem>>, %arg2: memref<1000x128xf32, #tpu.memory_space<vmem>>) attributes {dimension_semantics = [#tpu.dimension_semantics<arbitrary>], iteration_bounds = array<i64: 10>, scalar_prefetch = 0 : i64, scratch_operands = 0 : i64, tpu.core_type = #tpu.core_type<tc>, window_params = [{transform_indices = @transform_0, window_bounds = array<i64: 2, 1000, 128>}, {transform_indices = @transform_1, window_bounds = array<i64: 1000, 128>}]} {
    %get3A = arith.constant 0 : index
    %get3A_0 = arith.constant 0 : index
    %get3A_1 = arith.constant 0 : index
    %get3A_2 = vector.load %arg1[%get3A, %get3A_0, %get3A_1] : memref<2x1000x128xf32, #tpu.memory_space<vmem>>, vector<1x1000x128xf32>
    %get3A_3 = vector.shape_cast %get3A_2 : vector<1x1000x128xf32> to vector<1000x128xf32>
    %get3A_4 = arith.constant 1 : index
    %get3A_5 = arith.constant 0 : index
    %get3A_6 = arith.constant 0 : index
    %get3A_7 = vector.load %arg1[%get3A_4, %get3A_5, %get3A_6] : memref<2x1000x128xf32, #tpu.memory_space<vmem>>, vector<1x1000x128xf32>
    %get3A_8 = vector.shape_cast %get3A_7 : vector<1x1000x128xf32> to vector<1000x128xf32>
    %add3A = arith.addf %get3A_3, %get3A_8 : vector<1000x128xf32>
    %swap3A = arith.constant 0 : index
    %swap3A_9 = arith.constant 0 : index
    %swap3A_10 = vector.load %arg2[%swap3A, %swap3A_9] : memref<1000x128xf32, #tpu.memory_space<vmem>>, vector<1000x128xf32>
    tpu.vector_store %arg2[%swap3A, %swap3A_9], %add3A {strides = array<i32>} : memref<1000x128xf32, #tpu.memory_space<vmem>>, vector<1000x128xf32>,
    return
  }
  func.func @transform_0(%arg0: i32) -> (i32, i32, i32) {
    %c0_i32 = arith.constant 0 : i32
    %c0_i32_0 = arith.constant 0 : i32
    %c0_i32_1 = arith.constant 0 : i32
    return %c0_i32, %arg0, %c0_i32_0 : i32, i32, i32
  }
  func.func @transform_1(%arg0: i32) -> (i32, i32) {
    %c0_i32 = arith.constant 0 : i32
    %c0_i32_0 = arith.constant 0 : i32
    return %arg0, %c0_i32 : i32, i32
  }
}

</mosaic_0001>

<sc_bundles>
// kernel: kernel.4.cloned.1.call-start
scs
__scs_entry_jumppad:
0x0: {  	(pc) =	sbr.rel $0x88, $3  }
0x1: {  	(tag) =	ssettag $0x0;
	lr =	simm.s32 $0x1  }
0x2: {  	[smem:$0x3F9E] =	sst lr;
	_ =	strace $0xD0000000  }
0x3: {  	_ = 	snop  }
0x4: {  	_ = 	snop  }
0x5: {  	_ = 	snop  }
0x6: {  	_ = 	snop  }
0x7: {  	_ = 	snop  }
__scs_overlays_trampoline_lowered:
0x8: {  	[smem:$0x3FAD] =	sst s0  }
0x9: {  	[smem:$0x3FAE] =	sst s1  }
0xa: {  	[smem:$0x3FAF] =	sst s2  }
0xb: {  	[smem:$0x3FB0] =	sst s3  }
0xc: {  	[smem:$0x3FB1] =	sst s4  }
0xd: {  	[smem:$0x3FB2] =	sst s5  }
0xe: {  	[smem:$0x3FB3] =	sst s6  }
0xf: {  	[smem:$0x3FB4] =	sst s7  }
0x10: {  	[smem:$0x3FB5] =	sst s8  }
0x11: {  	[smem:$0x3FB6] =	sst s9;
	s0 =	simm.s32 @!p0 $0x0  }
0x12: {  	s1 =	sld [smem:$0x3F9C];
	s0 =	simm.s32 @p0 $0x1  }
0x13: {  	[smem:$0x3FB7] =	sst s0;
	s0 =	simm.s32 @!p1 $0x0  }
0x14: {  	s2 =	sld [smem:$0x3F9B];
	s0 =	simm.s32 @p1 $0x1  }
0x15: {  	[smem:$0x3FB8] =	sst s0;
	s0 =	simm.s32 @!p2 $0x0  }
0x16: {  	s3 =	sld [smem:$0x3FDB];
	s0 =	simm.s32 @p2 $0x1  }
0x17: {  	s4 =	simm.s32 $0x1BF5;
	[smem:$0x3FBA] =	sst s0  }
0x18: {  	s0 =	sld [smem:$0x3F9D];
	_ =	swait.ge [sflag:s4], $0x0  }
0x19: {  	s7 =	sld [smem:$0x3F9E]  }
0x1a: {  	s8 =	sadd.s32 $0xFFFFE003, lr  }
0x1b: {  	s9 =	sadd.s32 $0xFFFFFEF7, lr;
	s5 =	simm.s32 $0xFFFFFFFF;
	p2 =	slt.u32 s8, $0xFFFFF086  }
0x1c: {  	p1 =	slt.u32 s9, $0xF7A;
	s5 =	simm.s32 @!p2 $0x0  }
0x1d: {  	s5 =	simm.s32 @p1 $0x1;
	p0 =	seq.s32 s7, s2  }
0x1e: {  	s7 =	smul.u32 @!p0 $0xF7A, s2;
	p2 =	seq.s32 @!p0 s5, $0x0  }
0x1f: {  	s9 =	smul.u32 $0xF7A, s1;
	s8 =	simm.s32 @!p0 $0x1BF5;
	p2 =	por !p2, p0  }
0x20: {  	[sflag:s8] =	ssyncset.s32 @!p0 $0xFFFFF086;
	s6 =	sadd.s32 @!p0 s3, s7;
	s7 =	simm.s32 @!p0 $0x108  }
0x21: {  	s3 =	sadd.s32 s3, s9;
	s6 =	sadd.s32 @!p0 $0x88, s6;
	s7 =	simm.s32 @p2 $0x1082  }
0x22: {  	[simem:s7], [sflag:s8] =	dma.local @!p0 [hbm:s6], $0xF7A  }
0x23: {  	s9 =	sor.u32 $0xD0000000, s2;
	s6 =	simm.s32 $0x108;
	_ =	swait.ge @!p0 [sflag:s8], $0x0  }
0x24: {  	s3 =	sadd.s32 $0x88, s3;
	s6 =	simm.s32 @!p1 $0x1082;
	[sflag:s4] =	ssyncset.s32 $0xFFFFF086  }
0x25: {  	[simem:s6], [sflag:s4] =	dma.local [hbm:s3], $0xF7A  }
0x26: {  	[smem:$0x3F9E] =	sst s1;
	(tag) =	ssettag s2;
	_ =	strace s9  }
0x27: {  	s1 =	sld [smem:$0x3FAE]  }
0x28: {  	s2 =	sld [smem:$0x3FAF]  }
0x29: {  	s4 =	sld [smem:$0x3FB1]  }
0x2a: {  	p0 =	seq.s32 s5, $0x0;
	s5 =	sld [smem:$0x3FB2]  }
0x2b: {  	s6 =	sld [smem:$0x3FB3]  }
0x2c: {  	s7 =	sld [smem:$0x3FB4]  }
0x2d: {  	s3 =	simm.s32 $0x108;
	s8 =	sld [smem:$0x3FB5]  }
0x2e: {  	s3 =	simm.s32 @!p0 $0x1082;
	s9 =	sld [smem:$0x3FB6]  }
0x2f: {  	lr =	sadd.s32 s0, s3;
	s0 =	sld [smem:$0x3FAD]  }
0x30: {  	s3 =	sld [smem:$0x3FB0]  }
0x31: {  	[smem:$0x3FB9] =	sst s10  }
0x32: {  	s10 =	sld [smem:$0x3FB7];
	_ =	sdelay $0x3  }
0x33: {  	p0 =	seq.s32 s10, $0x1;
	s10 =	sld [smem:$0x3FB9];
	_ =	sdelay $0x3  }
0x34: {  	[smem:$0x3FB9] =	sst s10  }
0x35: {  	s10 =	sld [smem:$0x3FB8];
	_ =	sdelay $0x3  }
0x36: {  	p1 =	seq.s32 s10, $0x1;
	s10 =	sld [smem:$0x3FB9];
	_ =	sdelay $0x3  }
0x37: {  	[smem:$0x3FB9] =	sst s10  }
0x38: {  	s10 =	sld [smem:$0x3FBA]  }
0x39: {  	_ = 	snop;
	(pc) =	sbr.ind lr, $3  }
0x3a: {  	_ = 	snop  }
0x3b: {  	_ = 	snop  }
0x3c: {  	p2 =	seq.s32 s10, $0x1;
	s10 =	sld [smem:$0x3FB9]  }
0x3d: {  	_ =	shalt  }
0x3e: {  	_ =	shalt  }
0x3f: {  	_ =	shalt  }
0x40: {  	_ =	shalt  }
0x41: {  	_ =	shalt  }
0x42: {  	_ =	shalt  }
0x43: {  	_ =	shalt  }
0x44: {  	_ =	shalt  }
0x45: {  	_ =	shalt  }
0x46: {  	_ =	shalt  }
0x47: {  	_ =	shalt  }
0x48: {  	_ =	shalt  }
0x49: {  	_ =	shalt  }
0x4a: {  	_ =	shalt  }
0x4b: {  	_ =	shalt  }
0x4c: {  	_ =	shalt  }
0x4d: {  	_ =	shalt  }
0x4e: {  	_ =	shalt  }
0x4f: {  	_ =	shalt  }
0x50: {  	_ =	shalt  }
0x51: {  	_ =	shalt  }
0x52: {  	_ =	shalt  }
0x53: {  	_ =	shalt  }
0x54: {  	_ =	shalt  }
0x55: {  	_ =	shalt  }
0x56: {  	_ =	shalt  }
0x57: {  	_ =	shalt  }
0x58: {  	_ =	shalt  }
0x59: {  	_ =	shalt  }
0x5a: {  	_ =	shalt  }
0x5b: {  	_ =	shalt  }
0x5c: {  	_ =	shalt  }
0x5d: {  	_ =	shalt  }
0x5e: {  	_ =	shalt  }
0x5f: {  	_ =	shalt  }
0x60: {  	_ =	shalt  }
0x61: {  	_ =	shalt  }
0x62: {  	_ =	shalt  }
0x63: {  	_ =	shalt  }
0x64: {  	_ =	shalt  }
0x65: {  	_ =	shalt  }
0x66: {  	_ =	shalt  }
0x67: {  	_ =	shalt  }
0x68: {  	_ =	shalt  }
0x69: {  	_ =	shalt  }
0x6a: {  	_ =	shalt  }
0x6b: {  	_ =	shalt  }
0x6c: {  	_ =	shalt  }
0x6d: {  	_ =	shalt  }
0x6e: {  	_ =	shalt  }
0x6f: {  	_ =	shalt  }
0x70: {  	_ =	shalt  }
0x71: {  	_ =	shalt  }
0x72: {  	_ =	shalt  }
0x73: {  	_ =	shalt  }
0x74: {  	_ =	shalt  }
0x75: {  	_ =	shalt  }
0x76: {  	_ =	shalt  }
0x77: {  	_ =	shalt  }
0x78: {  	_ =	shalt  }
0x79: {  	_ =	shalt  }
0x7a: {  	_ =	shalt  }
0x7b: {  	_ =	shalt  }
0x7c: {  	_ =	shalt  }
0x7d: {  	_ =	shalt  }
0x7e: {  	_ =	shalt  }
0x7f: {  	_ =	shalt  }
0x80: {  	_ =	shalt  }
0x81: {  	_ =	shalt  }
0x82: {  	_ =	shalt  }
0x83: {  	_ =	shalt  }
0x84: {  	_ =	shalt  }
0x85: {  	_ =	shalt  }
0x86: {  	_ =	shalt  }
0x87: {  	_ =	shalt  }
.Lfunc_end0:
.L_simem_size_0:
called_computation_lowered:
.L_overlay_start_0:
0x88: {  	s2 =	sld [smem:$0x3FD9]  }
0x89: {  	s3 =	sld [smem:$0x3FFE];
	_ =	sdelay $0x1  }
0x8a: {  	s1 =	srdreg.scid  }
0x8b: {  	s0 =	sand.u32 $0x1, s1  }
0x8c: {  	s17 =	sshll.u32 s0, $0xA;
	s2 =	sadd.s32 s3, s2  }
0x8d: {  	s2 =	sadd.s32 s2, s17  }
0x8e: {  	[smem:$0x3FC5] =	sst s2  }
0x8f: {  	_ = 	snop  }
0x90: {  	s2 =	sld [smem:$0x3FC9]  }
0x91: {  	s18 =	sld [smem:$0x3FD0];
	(tm) =	ssettm $0x1  }
0x92: {  	s4 =	sld [smem:$0x3FFB];
	_ =	sdelay $0x3  }
0x93: {  	_ =	strace s4  }
0x94: {  	s4 =	sld [smem:$0x3FFC];
	_ =	sdelay $0x3  }
0x95: {  	_ =	strace s4  }
0x96: {  	s4 =	sld [smem:$0x3FFD];
	_ =	sdelay $0x3  }
0x97: {  	_ =	strace s4  }
0x98: {  	_ =	strace $0x8FFFFFFF  }
0x99: {  	s19 =	sld [smem:$0x3FDB];
	_ =	sdelay $0x1  }
0x9a: {  	s5 =	simm.s32 $_scs_section_size  }
0x9b: {  	s6 =	simm.s32 $_size__tile_overlayer_lowered;
	s7 =	simm.s32 $_tile_overlayer_lowered  }
0x9c: {  	s22 =	simm.s32 $0x1BFF;
	s21 =	sshll.u32 s7, $0x1;
	s4 =	sadd.s32 s5, s19  }
0x9d: {  	s8 =	simm.s32 $0x0;
	s20 =	sshll.u32 s6, $0x1;
	s6 =	sadd.s32 s21, s4  }
0x9e: {  	[timem:s8], [sflag:s22] =	dma.local [hbm:s6], s20  }
0x9f: {  	_ =	swait.ge [sflag:s22], s20  }
0xa0: {  	s5 =	ssub.s32 $0x0, s20;
	[sflag:s22] =	ssyncset.done $0x0  }
0xa1: {  	[sflag:s22] =	ssyncadd.s32 s5;
	_ =	sdelay $0x1  }
0xa2: {  	s23 =	simm.s32 $0x1B8B  }
0xa3: {  	_ =	swait.ge [sflag:s23], $0x1  }
0xa4: {  	[sflag:s23] =	ssyncset.done $0x0  }
0xa5: {  	s25 =	simm.s32 $0x1B8E;
	s24 =	sld [smem:$0x3FFE];
	[sflag:s23] =	ssyncadd.s32 $0xFFFFFFFF  }
0xa6: {  	s26 =	simm.s32 $execute0_lowered;
	[smem:$0x3FD2] =	sst s25  }
0xa7: {  	s6 =	sshll.u32 s26, $0x1;
	_ =	strace $0x80000046;
	[dreg:$0x1] =	wrdreg $0xFFFFFFFF  }
0xa8: {  	s28 =	simm.s32 $_size_execute0_lowered;
	s4 =	sadd.s32 s4, s6;
	[dreg:$0x0] =	wrdreg $0x0  }
0xa9: {  	s6 =	sshll.u32 s28, $0x1;
	[dreg:$0x2] =	wrdreg s4  }
0xaa: {  	[dreg:$0x3] =	wrdreg s6  }
0xab: {  	[dreg:$0x4] =	wrdreg $0xC0  }
0xac: {  	_ =	task [dreg:s8], $0x5FFFF  }
0xad: {  	[dreg:$0x1] =	wrdreg $0xFFFFFFFF  }
0xae: {  	[dreg:$0x0] =	wrdreg $0x60  }
0xaf: {  	[dreg:$0x2] =	wrdreg s2  }
0xb0: {  	[dreg:$0x3] =	wrdreg s24  }
0xb1: {  	[dreg:$0x4] =	wrdreg s18  }
0xb2: {  	[dreg:$0x5] =	wrdreg $0x98000  }
0xb3: {  	[dreg:$0x6] =	wrdreg $0x9  }
0xb4: {  	_ =	task.clear_ibuf [dreg:s8], $0x7FFFF;
	_ =	strace $0x90000046  }
0xb5: {  	s29 =	simm.s32 $0x9;
	_ =	strace $0x80000048  }
0xb6: {  	_ =	swait.ge [sflag:s29], $0x1  }
0xb7: {  	[sflag:s29] =	ssyncadd.s32 $0xFFFFFFFF  }
0xb8: {  	_ =	strace $0x90000048  }
0xb9: {  	_ =	sfence  }
0xba: {  	s30 =	sld [smem:$0x0];
	_ =	sdelay $0x2  }
0xbb: {  	s31 =	sshll.u32 s1, $0xD;
	s1 =	sshrl.u32 s1, $0x2  }
0xbc: {  	s3 =	sand.u32 $0x4000, s31;
	s1 =	sadd.s32 s1, s30  }
0xbd: {  	s0 =	sor.u32 s3, s0;
	s1 =	sshll.u32 s1, $0x11  }
0xbe: {  	s0 =	sor.u32 s1, s0  }
0xbf: {  	s0 =	sadd.s32 $0x8F2B, s0  }
0xc0: {  	[sflag:s0] =	ssyncadd.remote.s32 $0x1  }
0xc1: {  	_ =	sfence.sel $0xFFFF  }
0xc2: {  	[dreg:$0x0] =	wrdreg $0xFFFFFFFF;
	(pc) =	sbr.abs _section_cstart, $3  }
0xc3: {  	[dreg:$0x1] =	wrdreg $0xFFFFFFFF  }
0xc4: {  	_ =	task.clear_ibuf [dreg:s8], $0x2FFFF;
	_ =	strace $0x9FFFFFFF  }
0xc5: {  	(tm) =	ssettm $0x7FFFFFFF  }
tec
execute0_lowered:
.L_overlay_start_1:
0x0: {  	(tag) =	ssettag $0x1  }
0x1: {  	s1 =	rddreg [dreg:$0x0]  }
0x2: {  	s9 =	rddreg [dreg:$0x1]  }
0x3: {  	s2 =	rddreg [dreg:$0x2]  }
0x4: {  	s3 =	rddreg [dreg:$0x3]  }
0x5: {  	s4 =	simm.s32 $0x0;
	s5 =	srdreg.scid;
	s18 =	simm.s32 $0x1000  }
0x6: {  	s19 =	simm.s32 $0x80;
	s20 =	simm.s32 $0x1800;
	s21 =	simm.s32 $0x1  }
0x7: {  	s22 =	simm.s32 $0x5800;
	s23 =	simm.s32 $0x2;
	[smem:$0x7FF] =	sst s4  }
0x8: {  	s6 =	sadd.s32 $0xA200, s9;
	s10 =	sand.u32 $0x1, s5;
	s7 =	sadd.s32 $0x200, s9  }
0x9: {  	s5 =	stileid.u32;
	s8 =	sadd.s32 $0x14200, s9;
	s14 =	sadd.s32 $0x16A00, s9  }
0xa: {  	s17 =	sadd.s32 $0x138000, s3;
	_ =	strace $0x80000047;
	s13 =	smul.u32 $0x4E000, s5  }
0xb: {  	s11 =	ssub.s32 $0x2, s10;
	s24 =	smul.u32 $0x138800, s10;
	s25 =	sshll.u32 s5, $0x1  }
0xc: {  	s28 =	smul.u32 $0x13800, s5;
	s29 =	sshll.u32 s5, $0x6;
	p0 =	sne.s32 s5, $0xF  }
0xd: {  	s12 =	sshrl.u32 s11, $0x1;
	s10 =	sor.u32 s10, s25;
	s9 =	sor.u32 $0x1C03, s29  }
0xe: {  	s15 =	ssub.s32 s11, s12;
	s26 =	sshrl.u32 s13, $0x2;
	s30 =	sadd.s32 s28, s24  }
0xf: {  	s11 =	sshrl.u32 s24, $0x3;
	s10 =	smul.u32 $0x2800, s10;
	s16 =	sadd.s32 s26, s3  }
0x10: {  	s12 =	sshrl.u32 s30, $0x3;
	s31 =	sadd.s32 s14, s11;
	s13 =	smax.u32 s15, $0x1  }
0x11: {  	s15 =	simm.s32 $0x3;
	s11 =	sadd.s32 s14, s12;
	s12 =	sadd.s32 $0x27000, s31  }
0x12: {  	s14 =	sshrl.u32 s16, $0x3;
	s16 =	sshrl.u32 @!p0 s17, $0x3;
	s17 =	simm.s32 $0x800  }
.LBB2_1:
0x13: {  	[spmem:s14], [sflag:s9] =	dma.local [hbm:s8], $0x2700  }
0x14: {  	_ =	swait.ge [sflag:s15], $0x2700  }
0x15: {  	[sflag:s15] =	ssyncset.done $0x0  }
0x16: {  	s24 =	simm.s32 @!p0 $0x3;
	[sflag:s15] =	ssyncadd.s32 $0xFFFFD900  }
0x17: {  	[spmem:s16], [sflag:s9] =	dma.local @!p0 [hbm:s8], $0x100  }
0x18: {  	_ =	swait.ge @!p0 [sflag:s24], $0x100  }
0x19: {  	[sflag:s24] =	ssyncset.done @!p0 $0x0  }
0x1a: {  	[sflag:s24] =	ssyncadd.s32 @!p0 $0xFFFFFF00  }
0x1b: {  	s24 =	simm.s32 $0x0;
	[bflag:$0x0] =	sbarrier.arrive $0xFFFF  }
.LBB2_2:
0x1c: {  	s25 =	sshll.u32 s24, $0xB  }
0x1d: {  	s25 =	sadd.s32 s10, s25  }
0x1e: {  	s26 =	sshrl.u32 s25, $0x3  }
0x1f: {  	s25 =	simm.s32 $0x0;
	s28 =	sadd.s32 s6, s26  }
0x20: {  	[tilespmem:s25], [sflag:$0x3] =	stream.linear.gather [hbm4b:s28+s25], $0x800, $0x38;
	[tilespmem:$0x1D080] =	vst v63  }
0x21: {  	_ =	swait.ge [sflag:s15], $0x800  }
0x22: {  	[sflag:s15] =	ssyncset.done $0x0  }
0x23: {  	s31 =	sadd.s32 s2, s26;
	[sflag:s15] =	ssyncadd.s32 $0xFFFFF800  }
0x24: {  	[tilespmem:s17], [sflag:$0x3] =	stream.linear.gather [hbm4b:s31+s25], $0x800, $0x38;
	[tilespmem:$0x1D080] =	vst v63  }
0x25: {  	_ =	swait.ge [sflag:s15], $0x800  }
0x26: {  	[sflag:s15] =	ssyncset.done $0x0  }
0x27: {  	s26 =	sadd.s32 s7, s26;
	[sflag:s15] =	ssyncadd.s32 $0xFFFFF800  }
0x28: {  	[tilespmem:s18], [sflag:$0x3] =	stream.linear.gather [hbm4b:s26+s25], $0x800, $0x38;
	[tilespmem:$0x1D080] =	vst v63  }
0x29: {  	_ =	swait.ge [sflag:s15], $0x800  }
0x2a: {  	[sflag:s15] =	ssyncset.done $0x0  }
0x2b: {  	[sflag:s15] =	ssyncadd.s32 $0xFFFFF800  }
0x2c: {  	[tilespmem:s20], [sflag:$0x1] =	stream.indirect.gather [hbm4b:s1+s19], $0x80, s25, s19, $0xb8;
	[tilespmem:$0x1D080] =	vst v63  }
.LBB2_3:
0x2d: {  	s28 =	sshll.u32 s25, $0xA  }
0x2e: {  	s29 =	sshrl.u32 s28, $0x2  }
0x2f: {  	s26 =	sadd.s32 $0x1000, s29  }
0x30: {  	_ =	swait.ge [sflag:s21], $0x4000;
	v0 =	vmov s26  }
0x31: {  	s30 =	sshll.u32 s25, $0x8;
	[sflag:s21] =	ssyncset.done $0x0  }
0x32: {  	[sflag:s21] =	ssyncadd.s32 $0xFFFFC000;
	s26 =	sor.u32 $0x80, s30;
	s30 =	simm.s32 $0x0  }
0x33: {  	[tilespmem:s22], [sflag:$0x2] =	stream.indirect.gather [hbm4b:s1+s19], $0x80, s26, s19, $0xb8;
	[tilespmem:$0x1D080] =	vst v63  }
0x34: {  	s30 =	sand.u32 $0x3FFFFFF0, s30  }
0x35: {  	s31 =	simm.s32 $0x0;
	v1 =	vld.idx.msk [tilespmem:v0+s30+$0x0 ss:$0x1], $0xffff  }
0x36: {  	s30 =	sand.u32 $0x3FFFF800, s31  }
0x37: {  	v3 =	vld [tilespmem:s30+$0x1820]  }
0x38: {  	v4 =	vld [tilespmem:s30+$0x1830]  }
0x39: {  	v10 =	vld [tilespmem:s30+$0x1860]  }
0x3a: {  	v11 =	vld [tilespmem:s30+$0x1870];
	v2 =	vbroadcast v1, $0x0  }
0x3b: {  	v12 =	vld [tilespmem:s30+$0x1880]  }
0x3c: {  	v13 =	vld [tilespmem:s30+$0x1890];
	v3 =	vmul.f32 v3, v2  }
0x3d: {  	v14 =	vld [tilespmem:s30+$0x18A0];
	v4 =	vmul.f32 v4, v2  }
0x3e: {  	v9 =	vld [tilespmem:s30+$0x18B0];
	v23 =	vbroadcast v1, $0x1;
	v22 =	vmul.f32 v10, v2;
	[tilespmem:s30+$0x1820] =	vst v3  }
0x3f: {  	v7 =	vld [tilespmem:s30+$0x18C0];
	v11 =	vmul.f32 v11, v2;
	[tilespmem:s30+$0x1830] =	vst v4  }
0x40: {  	v8 =	vld [tilespmem:s30+$0x18D0];
	v12 =	vmul.f32 v12, v23;
	[tilespmem:s30+$0x1860] =	vst v22  }
0x41: {  	v25 =	vld [tilespmem:s30+$0x18F0];
	v13 =	vmul.f32 v13, v23;
	[tilespmem:s30+$0x1870] =	vst v11  }
0x42: {  	v26 =	vld [tilespmem:s30+$0x1900];
	v14 =	vmul.f32 v14, v23;
	[tilespmem:s30+$0x1880] =	vst v12  }
0x43: {  	v27 =	vld [tilespmem:s30+$0x1910];
	v9 =	vmul.f32 v9, v23;
	[tilespmem:s30+$0x1890] =	vst v13  }
0x44: {  	v6 =	vld [tilespmem:s30+$0x1D70];
	v7 =	vmul.f32 v7, v23;
	[tilespmem:s30+$0x18A0] =	vst v14  }
0x45: {  	v24 =	vld [tilespmem:s30+$0x18E0];
	v15 =	vbroadcast v1, $0x2;
	v8 =	vmul.f32 v8, v23;
	[tilespmem:s30+$0x18B0] =	vst v9  }
0x46: {  	v28 =	vld [tilespmem:s30+$0x1920];
	v10 =	vmul.f32 v25, v23;
	[tilespmem:s30+$0x18C0] =	vst v7  }
0x47: {  	v29 =	vld [tilespmem:s30+$0x1930];
	v5 =	vbroadcast v1, $0xA;
	v32 =	vmul.f32 v26, v15;
	[tilespmem:s30+$0x18D0] =	vst v8  }
0x48: {  	v30 =	vld [tilespmem:s30+$0x1940];
	v34 =	vmul.f32 v27, v15;
	[tilespmem:s30+$0x18F0] =	vst v10  }
0x49: {  	v33 =	vld [tilespmem:s30+$0x1960];
	v3 =	vmul.f32 v6, v5;
	[tilespmem:s30+$0x1900] =	vst v32  }
0x4a: {  	v35 =	vld [tilespmem:s30+$0x1970];
	v11 =	vmul.f32 v24, v23;
	[tilespmem:s30+$0x1910] =	vst v34  }
0x4b: {  	v36 =	vld [tilespmem:s30+$0x1980];
	v9 =	vmul.f32 v28, v15;
	[tilespmem:s30+$0x1D70] =	vst v3  }
0x4c: {  	v31 =	vld [tilespmem:s30+$0x1950];
	v7 =	vmul.f32 v29, v15;
	[tilespmem:s30+$0x18E0] =	vst v11  }
0x4d: {  	v37 =	vld [tilespmem:s30+$0x1990];
	v8 =	vmul.f32 v30, v15;
	[tilespmem:s30+$0x1920] =	vst v9  }
0x4e: {  	v38 =	vld [tilespmem:s30+$0x19A0];
	v41 =	vbroadcast v1, $0x3;
	v10 =	vmul.f32 v33, v15;
	[tilespmem:s30+$0x1930] =	vst v7  }
0x4f: {  	v39 =	vld [tilespmem:s30+$0x19B0];
	v12 =	vmul.f32 v35, v15;
	[tilespmem:s30+$0x1940] =	vst v8  }
0x50: {  	v42 =	vld [tilespmem:s30+$0x19D0];
	v13 =	vmul.f32 v36, v41;
	[tilespmem:s30+$0x1960] =	vst v10  }
0x51: {  	v43 =	vld [tilespmem:s30+$0x19E0];
	v11 =	vmul.f32 v31, v15;
	[tilespmem:s30+$0x1970] =	vst v12  }
0x52: {  	v44 =	vld [tilespmem:s30+$0x19F0];
	v9 =	vmul.f32 v37, v41;
	[tilespmem:s30+$0x1980] =	vst v13  }
0x53: {  	v40 =	vld [tilespmem:s30+$0x19C0];
	v7 =	vmul.f32 v38, v41;
	[tilespmem:s30+$0x1950] =	vst v11  }
0x54: {  	v45 =	vld [tilespmem:s30+$0x1A00];
	v8 =	vmul.f32 v39, v41;
	[tilespmem:s30+$0x1990] =	vst v9  }
0x55: {  	v46 =	vld [tilespmem:s30+$0x1A10];
	v10 =	vmul.f32 v42, v41;
	[tilespmem:s30+$0x19A0] =	vst v7  }
0x56: {  	v47 =	vld [tilespmem:s30+$0x1A20];
	v12 =	vmul.f32 v43, v41;
	[tilespmem:s30+$0x19B0] =	vst v8  }
0x57: {  	v49 =	vld [tilespmem:s30+$0x1A40];
	v50 =	vbroadcast v1, $0x4;
	v13 =	vmul.f32 v44, v41;
	[tilespmem:s30+$0x19D0] =	vst v10  }
0x58: {  	v51 =	vld [tilespmem:s30+$0x1A50];
	v11 =	vmul.f32 v40, v41;
	[tilespmem:s30+$0x19E0] =	vst v12  }
0x59: {  	v52 =	vld [tilespmem:s30+$0x1A60];
	v9 =	vmul.f32 v45, v50;
	[tilespmem:s30+$0x19F0] =	vst v13  }
0x5a: {  	v48 =	vld [tilespmem:s30+$0x1A30];
	v7 =	vmul.f32 v46, v50;
	[tilespmem:s30+$0x19C0] =	vst v11  }
0x5b: {  	v53 =	vld [tilespmem:s30+$0x1A70];
	v8 =	vmul.f32 v47, v50;
	[tilespmem:s30+$0x1A00] =	vst v9  }
0x5c: {  	v54 =	vld [tilespmem:s30+$0x1A80];
	v10 =	vmul.f32 v49, v50;
	[tilespmem:s30+$0x1A10] =	vst v7  }
0x5d: {  	v55 =	vld [tilespmem:s30+$0x1A90];
	v12 =	vmul.f32 v51, v50;
	[tilespmem:s30+$0x1A20] =	vst v8  }
0x5e: {  	v57 =	vld [tilespmem:s30+$0x1AB0];
	v13 =	vmul.f32 v52, v50;
	[tilespmem:s30+$0x1A40] =	vst v10  }
0x5f: {  	v58 =	vld [tilespmem:s30+$0x1AC0];
	v59 =	vbroadcast v1, $0x5;
	v11 =	vmul.f32 v48, v50;
	[tilespmem:s30+$0x1A50] =	vst v12  }
0x60: {  	v60 =	vld [tilespmem:s30+$0x1AD0];
	v9 =	vmul.f32 v53, v50;
	[tilespmem:s30+$0x1A60] =	vst v13  }
0x61: {  	v56 =	vld [tilespmem:s30+$0x1AA0];
	v7 =	vmul.f32 v54, v59;
	[tilespmem:s30+$0x1A30] =	vst v11  }
0x62: {  	v61 =	vld [tilespmem:s30+$0x1AE0];
	v8 =	vmul.f32 v55, v59;
	[tilespmem:s30+$0x1A70] =	vst v9  }
0x63: {  	v62 =	vld [tilespmem:s30+$0x1AF0];
	v10 =	vmul.f32 v57, v59;
	[tilespmem:s30+$0x1A80] =	vst v7  }
0x64: {  	v63 =	vld [tilespmem:s30+$0x1B00];
	v12 =	vmul.f32 v58, v59;
	[tilespmem:s30+$0x1A90] =	vst v8  }
0x65: {  	v19 =	vld [tilespmem:s30+$0x1B20];
	v13 =	vmul.f32 v60, v59;
	[tilespmem:s30+$0x1AB0] =	vst v10  }
0x66: {  	v20 =	vld [tilespmem:s30+$0x1B30];
	v11 =	vmul.f32 v56, v59;
	[tilespmem:s30+$0x1AC0] =	vst v12  }
0x67: {  	v21 =	vld [tilespmem:s30+$0x1B40];
	v22 =	vbroadcast v1, $0x6;
	v9 =	vmul.f32 v61, v59;
	[tilespmem:s30+$0x1AD0] =	vst v13  }
0x68: {  	v18 =	vld [tilespmem:s30+$0x1B10];
	v7 =	vmul.f32 v62, v59;
	[tilespmem:s30+$0x1AA0] =	vst v11  }
0x69: {  	v23 =	vld [tilespmem:s30+$0x1B50];
	v8 =	vmul.f32 v63, v22;
	[tilespmem:s30+$0x1AE0] =	vst v9  }
0x6a: {  	v24 =	vld [tilespmem:s30+$0x1B60];
	v10 =	vmul.f32 v19, v22;
	[tilespmem:s30+$0x1AF0] =	vst v7  }
0x6b: {  	v25 =	vld [tilespmem:s30+$0x1B70];
	v12 =	vmul.f32 v20, v22;
	[tilespmem:s30+$0x1B00] =	vst v8  }
0x6c: {  	v27 =	vld [tilespmem:s30+$0x1B90];
	v13 =	vmul.f32 v21, v22;
	[tilespmem:s30+$0x1B20] =	vst v10  }
0x6d: {  	v28 =	vld [tilespmem:s30+$0x1BA0];
	v11 =	vmul.f32 v18, v22;
	[tilespmem:s30+$0x1B30] =	vst v12  }
0x6e: {  	v29 =	vld [tilespmem:s30+$0x1BB0];
	v9 =	vmul.f32 v23, v22;
	[tilespmem:s30+$0x1B40] =	vst v13  }
0x6f: {  	v31 =	vbroadcast v1, $0x7;
	v53 =	vld [tilespmem:s30+$0x1D00];
	v7 =	vmul.f32 v24, v22;
	[tilespmem:s30+$0x1B10] =	vst v11  }
0x70: {  	v57 =	vld [tilespmem:s30+$0x1D40];
	v8 =	vmul.f32 v25, v22;
	[tilespmem:s30+$0x1B50] =	vst v9  }
0x71: {  	v58 =	vld [tilespmem:s30+$0x1D50];
	v10 =	vmul.f32 v27, v31;
	[tilespmem:s30+$0x1B60] =	vst v7  }
0x72: {  	v26 =	vld [tilespmem:s30+$0x1B80];
	v12 =	vmul.f32 v28, v31;
	[tilespmem:s30+$0x1B70] =	vst v8  }
0x73: {  	v30 =	vld [tilespmem:s30+$0x1BC0];
	v13 =	vmul.f32 v29, v31;
	[tilespmem:s30+$0x1B90] =	vst v10  }
0x74: {  	v32 =	vld [tilespmem:s30+$0x1BD0];
	v59 =	vmul.f32 v53, v5;
	[tilespmem:s30+$0x1BA0] =	vst v12  }
0x75: {  	v33 =	vld [tilespmem:s30+$0x1BE0];
	v18 =	vmul.f32 v57, v5;
	[tilespmem:s30+$0x1BB0] =	vst v13  }
0x76: {  	v35 =	vld [tilespmem:s30+$0x1C00];
	v20 =	vmul.f32 v58, v5;
	[tilespmem:s30+$0x1D00] =	vst v59  }
0x77: {  	v36 =	vld [tilespmem:s30+$0x1C10];
	v11 =	vmul.f32 v26, v31;
	[tilespmem:s30+$0x1D40] =	vst v18  }
0x78: {  	v37 =	vld [tilespmem:s30+$0x1C20];
	v9 =	vmul.f32 v30, v31;
	[tilespmem:s30+$0x1D50] =	vst v20  }
0x79: {  	v4 =	vld [tilespmem:s30+$0x1D80];
	v40 =	vbroadcast v1, $0x8;
	v7 =	vmul.f32 v32, v31;
	[tilespmem:s30+$0x1B80] =	vst v11  }
0x7a: {  	v6 =	vld [tilespmem:s30+$0x1D90];
	v8 =	vmul.f32 v33, v31;
	[tilespmem:s30+$0x1BC0] =	vst v9  }
0x7b: {  	v3 =	vld [tilespmem:s30+$0x1FD0];
	v10 =	vmul.f32 v35, v40;
	[tilespmem:s30+$0x1BD0] =	vst v7  }
0x7c: {  	v61 =	vld [tilespmem:s30+$0x1800];
	v23 =	vbroadcast v1, $0xB;
	v12 =	vmul.f32 v36, v40;
	[tilespmem:s30+$0x1BE0] =	vst v8  }
0x7d: {  	v34 =	vld [tilespmem:s30+$0x1BF0];
	v13 =	vmul.f32 v37, v40;
	[tilespmem:s30+$0x1C00] =	vst v10  }
0x7e: {  	v38 =	vld [tilespmem:s30+$0x1C30];
	v27 =	vbroadcast v1, $0xF;
	v4 =	vmul.f32 v4, v23;
	[tilespmem:s30+$0x1C10] =	vst v12  }
0x7f: {  	v39 =	vld [tilespmem:s30+$0x1C40];
	v6 =	vmul.f32 v6, v23;
	[tilespmem:s30+$0x1C20] =	vst v13  }
0x80: {  	v41 =	vld [tilespmem:s30+$0x1C50];
	v3 =	vmul.f32 v3, v27;
	[tilespmem:s30+$0x1D80] =	vst v4  }
0x81: {  	v43 =	vld [tilespmem:s30+$0x1C70];
	v24 =	vmul.f32 v2, v61;
	[tilespmem:s30+$0x1D90] =	vst v6  }
0x82: {  	v44 =	vld [tilespmem:s30+$0x1C80];
	v11 =	vmul.f32 v34, v31;
	[tilespmem:s30+$0x1FD0] =	vst v3  }
0x83: {  	v45 =	vld [tilespmem:s30+$0x1C90];
	v9 =	vmul.f32 v38, v40;
	[tilespmem:s30+$0x1800] =	vst v24  }
0x84: {  	v63 =	vld [tilespmem:s30+$0x1840];
	v7 =	vmul.f32 v39, v40;
	[tilespmem:s30+$0x1BF0] =	vst v11  }
0x85: {  	v49 =	vbroadcast v1, $0x9;
	v29 =	vld [tilespmem:s30+$0x1DF0];
	v8 =	vmul.f32 v41, v40;
	[tilespmem:s30+$0x1C30] =	vst v9  }
0x86: {  	v42 =	vld [tilespmem:s30+$0x1C60];
	v10 =	vmul.f32 v43, v40;
	[tilespmem:s30+$0x1C40] =	vst v7  }
0x87: {  	v46 =	vld [tilespmem:s30+$0x1CA0];
	v12 =	vmul.f32 v44, v49;
	[tilespmem:s30+$0x1C50] =	vst v8  }
0x88: {  	v47 =	vld [tilespmem:s30+$0x1CB0];
	v13 =	vmul.f32 v45, v49;
	[tilespmem:s30+$0x1C70] =	vst v10  }
0x89: {  	v48 =	vld [tilespmem:s30+$0x1CC0];
	v3 =	vmul.f32 v63, v2;
	[tilespmem:s30+$0x1C80] =	vst v12  }
0x8a: {  	v51 =	vld [tilespmem:s30+$0x1CE0];
	v6 =	vmul.f32 v29, v23;
	[tilespmem:s30+$0x1C90] =	vst v13  }
0x8b: {  	v52 =	vld [tilespmem:s30+$0x1CF0];
	v11 =	vmul.f32 v42, v40;
	[tilespmem:s30+$0x1840] =	vst v3  }
0x8c: {  	v28 =	vld [tilespmem:s30+$0x1DE0];
	v9 =	vmul.f32 v46, v49;
	[tilespmem:s30+$0x1DF0] =	vst v6  }
0x8d: {  	v26 =	vld [tilespmem:s30+$0x1DD0];
	v7 =	vmul.f32 v47, v49;
	[tilespmem:s30+$0x1C60] =	vst v11  }
0x8e: {  	v30 =	vld [tilespmem:s30+$0x1E00];
	v8 =	vmul.f32 v48, v49;
	[tilespmem:s30+$0x1CA0] =	vst v9  }
0x8f: {  	v50 =	vld [tilespmem:s30+$0x1CD0];
	v10 =	vmul.f32 v51, v49;
	[tilespmem:s30+$0x1CB0] =	vst v7  }
0x90: {  	v54 =	vld [tilespmem:s30+$0x1D10];
	v12 =	vmul.f32 v52, v49;
	[tilespmem:s30+$0x1CC0] =	vst v8  }
0x91: {  	v55 =	vld [tilespmem:s30+$0x1D20];
	v35 =	vbroadcast v1, $0xC;
	v40 =	vmul.f32 v28, v23;
	[tilespmem:s30+$0x1CE0] =	vst v10  }
0x92: {  	v56 =	vld [tilespmem:s30+$0x1D30];
	v32 =	vmul.f32 v26, v23;
	[tilespmem:s30+$0x1CF0] =	vst v12  }
0x93: {  	v60 =	vld [tilespmem:s30+$0x1D60];
	v15 =	vmul.f32 v30, v35;
	[tilespmem:s30+$0x1DE0] =	vst v40  }
0x94: {  	v62 =	vld [tilespmem:s30+$0x1810];
	v11 =	vmul.f32 v50, v49;
	[tilespmem:s30+$0x1DD0] =	vst v32  }
0x95: {  	v19 =	vld [tilespmem:s30+$0x1850];
	v9 =	vmul.f32 v54, v5;
	[tilespmem:s30+$0x1E00] =	vst v15  }
0x96: {  	v33 =	vld [tilespmem:s30+$0x1E30];
	v7 =	vmul.f32 v55, v5;
	[tilespmem:s30+$0x1CD0] =	vst v11  }
0x97: {  	v61 =	vld [tilespmem:s30+$0x1FF0];
	v8 =	vmul.f32 v56, v5;
	[tilespmem:s30+$0x1D10] =	vst v9  }
0x98: {  	v38 =	vld [tilespmem:s30+$0x1E70];
	v5 =	vmul.f32 v60, v5;
	[tilespmem:s30+$0x1D20] =	vst v7  }
0x99: {  	v21 =	vld [tilespmem:s30+$0x1DA0];
	v12 =	vmul.f32 v62, v2;
	[tilespmem:s30+$0x1D30] =	vst v8  }
0x9a: {  	v22 =	vld [tilespmem:s30+$0x1DB0];
	v2 =	vmul.f32 v19, v2;
	[tilespmem:s30+$0x1D60] =	vst v5  }
0x9b: {  	v25 =	vld [tilespmem:s30+$0x1DC0];
	v62 =	vmul.f32 v33, v35;
	[tilespmem:s30+$0x1810] =	vst v12  }
0x9c: {  	v31 =	vld [tilespmem:s30+$0x1E10];
	v63 =	vmul.f32 v61, v27;
	[tilespmem:s30+$0x1850] =	vst v2  }
0x9d: {  	v34 =	vld [tilespmem:s30+$0x1E40];
	v15 =	vmul.f32 v38, v35;
	[tilespmem:s30+$0x1E30] =	vst v62  }
0x9e: {  	v41 =	vld [tilespmem:s30+$0x1EA0];
	v7 =	vmul.f32 v21, v23;
	[tilespmem:s30+$0x1FF0] =	vst v63  }
0x9f: {  	v46 =	vld [tilespmem:s30+$0x1EE0];
	v8 =	vmul.f32 v22, v23;
	[tilespmem:s30+$0x1E70] =	vst v15  }
0xa0: {  	v36 =	vld [tilespmem:s30+$0x1E50];
	v5 =	vmul.f32 v25, v23;
	[tilespmem:s30+$0x1DA0] =	vst v7  }
0xa1: {  	v44 =	vbroadcast v1, $0xD;
	v9 =	vmul.f32 v31, v35;
	v2 =	vld [tilespmem:s30+$0x1E90];
	[tilespmem:s30+$0x1DB0] =	vst v8  }
0xa2: {  	v37 =	vld [tilespmem:s30+$0x1E60];
	v12 =	vmul.f32 v34, v35;
	[tilespmem:s30+$0x1DC0] =	vst v5  }
0xa3: {  	v39 =	vld [tilespmem:s30+$0x1E80];
	v11 =	vmul.f32 v41, v44;
	[tilespmem:s30+$0x1E10] =	vst v9  }
0xa4: {  	v42 =	vld [tilespmem:s30+$0x1EB0];
	v51 =	vmul.f32 v46, v44;
	[tilespmem:s30+$0x1E40] =	vst v12  }
0xa5: {  	v48 =	vld [tilespmem:s30+$0x1F10];
	v8 =	vmul.f32 v36, v35;
	[tilespmem:s30+$0x1EA0] =	vst v11  }
0xa6: {  	v49 =	vld [tilespmem:s30+$0x1F20];
	[tilespmem:s30+$0x1EE0] =	vst v51;
	v2 =	vmul.f32 v2, v44  }
0xa7: {  	v50 =	vld [tilespmem:s30+$0x1F30];
	v5 =	vmul.f32 v37, v35;
	[tilespmem:s30+$0x1E50] =	vst v8  }
0xa8: {  	v1 =	vbroadcast v1, $0xE;
	v9 =	vmul.f32 v39, v44;
	[tilespmem:s30+$0x1E90] =	vst v2;
	v2 =	vld [tilespmem:s30+$0x1F00]  }
0xa9: {  	v60 =	vld [tilespmem:s30+$0x1FE0];
	v12 =	vmul.f32 v42, v44;
	[tilespmem:s30+$0x1E60] =	vst v5  }
0xaa: {  	v45 =	vld [tilespmem:s30+$0x1ED0];
	v11 =	vmul.f32 v48, v1;
	[tilespmem:s30+$0x1E80] =	vst v9  }
0xab: {  	v47 =	vld [tilespmem:s30+$0x1EF0];
	v10 =	vmul.f32 v49, v1;
	[tilespmem:s30+$0x1EB0] =	vst v12  }
0xac: {  	v43 =	vld [tilespmem:s30+$0x1EC0];
	v6 =	vmul.f32 v50, v1;
	[tilespmem:s30+$0x1F10] =	vst v11  }
0xad: {  	v55 =	vld [tilespmem:s30+$0x1F80];
	[tilespmem:s30+$0x1F20] =	vst v10;
	v2 =	vmul.f32 v2, v1  }
0xae: {  	v57 =	vld [tilespmem:s30+$0x1FA0];
	v4 =	vmul.f32 v60, v27;
	[tilespmem:s30+$0x1F30] =	vst v6  }
0xaf: {  	v5 =	vmul.f32 v45, v44;
	[tilespmem:s30+$0x1F00] =	vst v2;
	v2 =	vld [tilespmem:s30+$0x1F70]  }
0xb0: {  	v52 =	vld [tilespmem:s30+$0x1F40];
	v9 =	vmul.f32 v47, v44;
	[tilespmem:s30+$0x1FE0] =	vst v4  }
0xb1: {  	v56 =	vld [tilespmem:s30+$0x1F90];
	v8 =	vmul.f32 v43, v44;
	[tilespmem:s30+$0x1ED0] =	vst v5  }
0xb2: {  	v54 =	vld [tilespmem:s30+$0x1F60];
	v11 =	vmul.f32 v55, v27;
	[tilespmem:s30+$0x1EF0] =	vst v9  }
0xb3: {  	v58 =	vld [tilespmem:s30+$0x1FB0];
	v6 =	vmul.f32 v57, v27;
	[tilespmem:s30+$0x1EC0] =	vst v8  }
0xb4: {  	v53 =	vld [tilespmem:s30+$0x1F50];
	[tilespmem:s30+$0x1F80] =	vst v11;
	v2 =	vmul.f32 v2, v1  }
0xb5: {  	v59 =	vld [tilespmem:s30+$0x1FC0];
	v5 =	vmul.f32 v52, v1;
	[tilespmem:s30+$0x1FA0] =	vst v6  }
0xb6: {  	[tilespmem:s30+$0x1F70] =	vst v2;
	v2 =	vmul.f32 v56, v27  }
0xb7: {  	v3 =	vld [tilespmem:s30+$0x1E20];
	v9 =	vmul.f32 v54, v1;
	[tilespmem:s30+$0x1F40] =	vst v5  }
0xb8: {  	[tilespmem:s30+$0x1F90] =	vst v2;
	v2 =	vmul.f32 v58, v27  }
0xb9: {  	[tilespmem:s30+$0x1F60] =	vst v9;
	v1 =	vmul.f32 v53, v1  }
0xba: {  	[tilespmem:s30+$0x1FB0] =	vst v2;
	v2 =	vmul.f32 v59, v27  }
0xbb: {  	[tilespmem:s30+$0x1F50] =	vst v1  }
0xbc: {  	s31 =	simm.s32 $0x1;
	[tilespmem:s30+$0x1FC0] =	vst v2;
	v2 =	vmul.f32 v3, v35  }
.LBB2_4:
0xbd: {  	s0 =	sshll.u32 s31, $0x4  }
0xbe: {  	p1 =	sne.s32 s31, $0x7;
	[tilespmem:s30+$0x1E20] =	vst v2;
	s30 =	smov.u32 s31;
	s31 =	sadd.s32 $0x1, s31  }
0xbf: {  	s0 =	sand.u32 $0x3FFFFFF0, s0  }
0xc0: {  	v1 =	vld.idx.msk [tilespmem:v0+s0+$0x0 ss:$0x1], $0xffff  }
0xc1: {  	s0 =	sshll.u32 s30, $0xB  }
0xc2: {  	s30 =	sand.u32 $0x3FFFF800, s0  }
0xc3: {  	v8 =	vld [tilespmem:s30+$0x18C0]  }
0xc4: {  	v9 =	vld [tilespmem:s30+$0x18D0]  }
0xc5: {  	v10 =	vld [tilespmem:s30+$0x18B0]  }
0xc6: {  	v2 =	vbroadcast v1, $0x0;
	v7 =	vbroadcast v1, $0x4;
	v3 =	vld [tilespmem:s30+$0x1820]  }
0xc7: {  	v5 =	vld [tilespmem:s30+$0x1830]  }
0xc8: {  	v6 =	vld [tilespmem:s30+$0x1D70]  }
0xc9: {  	v11 =	vld [tilespmem:s30+$0x1860]  }
0xca: {  	v12 =	vld [tilespmem:s30+$0x1870]  }
0xcb: {  	v4 =	vbroadcast v1, $0xA;
	v3 =	vmul.f32 v3, v2;
	v13 =	vld [tilespmem:s30+$0x1880]  }
0xcc: {  	v5 =	vmul.f32 v5, v2;
	v14 =	vld [tilespmem:s30+$0x1890]  }
0xcd: {  	[tilespmem:s30+$0x1820] =	vst v3;
	v15 =	vld [tilespmem:s30+$0x18A0];
	v3 =	vmul.f32 v6, v4  }
0xce: {  	[tilespmem:s30+$0x1830] =	vst v5;
	v6 =	vmul.f32 v11, v2;
	v11 =	vbroadcast v1, $0x1;
	v5 =	vld [tilespmem:s30+$0x1D80]  }
0xcf: {  	v12 =	vmul.f32 v12, v2;
	[tilespmem:s30+$0x1D70] =	vst v3;
	v3 =	vld [tilespmem:s30+$0x1FD0]  }
0xd0: {  	[tilespmem:s30+$0x1860] =	vst v6;
	v13 =	vmul.f32 v13, v11;
	v6 =	vld [tilespmem:s30+$0x1D90]  }
0xd1: {  	[tilespmem:s30+$0x1870] =	vst v12;
	v12 =	vmul.f32 v14, v11;
	v14 =	vld [tilespmem:s30+$0x18E0]  }
0xd2: {  	[tilespmem:s30+$0x1880] =	vst v13;
	v13 =	vmul.f32 v15, v11;
	v15 =	vld [tilespmem:s30+$0x18F0]  }
0xd3: {  	v10 =	vmul.f32 v10, v11;
	[tilespmem:s30+$0x1890] =	vst v12;
	v12 =	vld [tilespmem:s30+$0x1900]  }
0xd4: {  	v8 =	vmul.f32 v8, v11;
	[tilespmem:s30+$0x18A0] =	vst v13;
	v13 =	vld [tilespmem:s30+$0x1910]  }
0xd5: {  	v9 =	vmul.f32 v9, v11;
	[tilespmem:s30+$0x18B0] =	vst v10;
	v10 =	vld [tilespmem:s30+$0x1920]  }
0xd6: {  	[tilespmem:s30+$0x18C0] =	vst v8;
	v8 =	vmul.f32 v14, v11;
	v14 =	vbroadcast v1, $0x2;
	v16 =	vld [tilespmem:s30+$0x1930]  }
0xd7: {  	[tilespmem:s30+$0x18D0] =	vst v9;
	v9 =	vmul.f32 v15, v11;
	v11 =	vld [tilespmem:s30+$0x1940]  }
0xd8: {  	[tilespmem:s30+$0x18E0] =	vst v8;
	v8 =	vmul.f32 v12, v14;
	v12 =	vld [tilespmem:s30+$0x1950]  }
0xd9: {  	[tilespmem:s30+$0x18F0] =	vst v9;
	v9 =	vmul.f32 v13, v14;
	v13 =	vld [tilespmem:s30+$0x1960]  }
0xda: {  	[tilespmem:s30+$0x1900] =	vst v8;
	v8 =	vmul.f32 v10, v14;
	v10 =	vld [tilespmem:s30+$0x1970]  }
0xdb: {  	[tilespmem:s30+$0x1910] =	vst v9;
	v9 =	vmul.f32 v16, v14;
	v15 =	vld [tilespmem:s30+$0x1980]  }
0xdc: {  	[tilespmem:s30+$0x1920] =	vst v8;
	v8 =	vmul.f32 v11, v14;
	v11 =	vld [tilespmem:s30+$0x1990]  }
0xdd: {  	[tilespmem:s30+$0x1930] =	vst v9;
	v9 =	vmul.f32 v12, v14;
	v12 =	vld [tilespmem:s30+$0x19A0]  }
0xde: {  	[tilespmem:s30+$0x1940] =	vst v8;
	v8 =	vmul.f32 v13, v14;
	v13 =	vbroadcast v1, $0x3;
	v16 =	vld [tilespmem:s30+$0x19B0]  }
0xdf: {  	[tilespmem:s30+$0x1950] =	vst v9;
	v9 =	vmul.f32 v10, v14;
	v10 =	vld [tilespmem:s30+$0x19C0]  }
0xe0: {  	[tilespmem:s30+$0x1960] =	vst v8;
	v8 =	vmul.f32 v15, v13;
	v14 =	vld [tilespmem:s30+$0x19D0]  }
0xe1: {  	[tilespmem:s30+$0x1970] =	vst v9;
	v9 =	vmul.f32 v11, v13;
	v11 =	vld [tilespmem:s30+$0x19E0]  }
0xe2: {  	[tilespmem:s30+$0x1980] =	vst v8;
	v8 =	vmul.f32 v12, v13;
	v12 =	vld [tilespmem:s30+$0x19F0]  }
0xe3: {  	[tilespmem:s30+$0x1990] =	vst v9;
	v9 =	vmul.f32 v16, v13;
	v15 =	vld [tilespmem:s30+$0x1A00]  }
0xe4: {  	[tilespmem:s30+$0x19A0] =	vst v8;
	v8 =	vmul.f32 v10, v13;
	v10 =	vld [tilespmem:s30+$0x1A10]  }
0xe5: {  	[tilespmem:s30+$0x19B0] =	vst v9;
	v9 =	vmul.f32 v14, v13;
	v14 =	vld [tilespmem:s30+$0x1A20]  }
0xe6: {  	[tilespmem:s30+$0x19C0] =	vst v8;
	v8 =	vmul.f32 v11, v13;
	v11 =	vld [tilespmem:s30+$0x1A30]  }
0xe7: {  	[tilespmem:s30+$0x19D0] =	vst v9;
	v9 =	vmul.f32 v12, v13;
	v12 =	vld [tilespmem:s30+$0x1A40]  }
0xe8: {  	[tilespmem:s30+$0x19E0] =	vst v8;
	v8 =	vmul.f32 v15, v7;
	v13 =	vld [tilespmem:s30+$0x1A50]  }
0xe9: {  	[tilespmem:s30+$0x19F0] =	vst v9;
	v9 =	vmul.f32 v10, v7;
	v10 =	vld [tilespmem:s30+$0x1A60]  }
0xea: {  	[tilespmem:s30+$0x1A00] =	vst v8;
	v8 =	vmul.f32 v14, v7;
	v14 =	vld [tilespmem:s30+$0x1A70]  }
0xeb: {  	[tilespmem:s30+$0x1A10] =	vst v9;
	v9 =	vmul.f32 v11, v7;
	v11 =	vld [tilespmem:s30+$0x1A80]  }
0xec: {  	[tilespmem:s30+$0x1A20] =	vst v8;
	v8 =	vmul.f32 v12, v7;
	v12 =	vld [tilespmem:s30+$0x1A90]  }
0xed: {  	[tilespmem:s30+$0x1A30] =	vst v9;
	v9 =	vmul.f32 v13, v7;
	v13 =	vld [tilespmem:s30+$0x1AA0]  }
0xee: {  	[tilespmem:s30+$0x1A40] =	vst v8;
	v8 =	vmul.f32 v10, v7;
	v10 =	vbroadcast v1, $0x5;
	v15 =	vld [tilespmem:s30+$0x1AB0]  }
0xef: {  	[tilespmem:s30+$0x1A50] =	vst v9;
	v7 =	vmul.f32 v14, v7;
	v9 =	vld [tilespmem:s30+$0x1AC0]  }
0xf0: {  	[tilespmem:s30+$0x1A60] =	vst v8;
	v8 =	vmul.f32 v11, v10;
	v11 =	vld [tilespmem:s30+$0x1AD0]  }
0xf1: {  	[tilespmem:s30+$0x1A70] =	vst v7;
	v7 =	vmul.f32 v12, v10;
	v12 =	vld [tilespmem:s30+$0x1AE0]  }
0xf2: {  	[tilespmem:s30+$0x1A80] =	vst v8;
	v8 =	vmul.f32 v13, v10;
	v13 =	vld [tilespmem:s30+$0x1AF0]  }
0xf3: {  	[tilespmem:s30+$0x1A90] =	vst v7;
	v7 =	vmul.f32 v15, v10;
	v14 =	vld [tilespmem:s30+$0x1B00]  }
0xf4: {  	[tilespmem:s30+$0x1AA0] =	vst v8;
	v8 =	vmul.f32 v9, v10;
	v9 =	vld [tilespmem:s30+$0x1B10]  }
0xf5: {  	[tilespmem:s30+$0x1AB0] =	vst v7;
	v7 =	vmul.f32 v11, v10;
	v11 =	vld [tilespmem:s30+$0x1B20]  }
0xf6: {  	[tilespmem:s30+$0x1AC0] =	vst v8;
	v8 =	vmul.f32 v12, v10;
	v12 =	vbroadcast v1, $0x6;
	v15 =	vld [tilespmem:s30+$0x1B30]  }
0xf7: {  	[tilespmem:s30+$0x1AD0] =	vst v7;
	v7 =	vmul.f32 v13, v10;
	v10 =	vld [tilespmem:s30+$0x1B40]  }
0xf8: {  	[tilespmem:s30+$0x1AE0] =	vst v8;
	v8 =	vmul.f32 v14, v12;
	v13 =	vld [tilespmem:s30+$0x1B50]  }
0xf9: {  	[tilespmem:s30+$0x1AF0] =	vst v7;
	v7 =	vmul.f32 v9, v12;
	v9 =	vld [tilespmem:s30+$0x1B60]  }
0xfa: {  	[tilespmem:s30+$0x1B00] =	vst v8;
	v8 =	vmul.f32 v11, v12;
	v11 =	vld [tilespmem:s30+$0x1B70]  }
0xfb: {  	[tilespmem:s30+$0x1B10] =	vst v7;
	v7 =	vmul.f32 v15, v12;
	v14 =	vld [tilespmem:s30+$0x1B80]  }
0xfc: {  	[tilespmem:s30+$0x1B20] =	vst v8;
	v8 =	vmul.f32 v10, v12;
	v10 =	vld [tilespmem:s30+$0x1B90]  }
0xfd: {  	[tilespmem:s30+$0x1B30] =	vst v7;
	v7 =	vmul.f32 v13, v12;
	v13 =	vld [tilespmem:s30+$0x1BA0]  }
0xfe: {  	[tilespmem:s30+$0x1B40] =	vst v8;
	v8 =	vmul.f32 v9, v12;
	v9 =	vbroadcast v1, $0x7;
	v15 =	vld [tilespmem:s30+$0x1BB0]  }
0xff: {  	[tilespmem:s30+$0x1B50] =	vst v7;
	v7 =	vmul.f32 v11, v12;
	v11 =	vld [tilespmem:s30+$0x1BC0]  }
0x100: {  	[tilespmem:s30+$0x1B60] =	vst v8;
	v8 =	vmul.f32 v14, v9;
	v12 =	vld [tilespmem:s30+$0x1BD0]  }
0x101: {  	[tilespmem:s30+$0x1B70] =	vst v7;
	v7 =	vmul.f32 v10, v9;
	v10 =	vld [tilespmem:s30+$0x1BE0]  }
0x102: {  	[tilespmem:s30+$0x1B80] =	vst v8;
	v8 =	vmul.f32 v13, v9;
	v13 =	vld [tilespmem:s30+$0x1BF0]  }
0x103: {  	[tilespmem:s30+$0x1B90] =	vst v7;
	v7 =	vmul.f32 v15, v9;
	v14 =	vld [tilespmem:s30+$0x1C00]  }
0x104: {  	[tilespmem:s30+$0x1BA0] =	vst v8;
	v8 =	vmul.f32 v11, v9;
	v11 =	vld [tilespmem:s30+$0x1C10]  }
0x105: {  	[tilespmem:s30+$0x1BB0] =	vst v7;
	v7 =	vmul.f32 v12, v9;
	v12 =	vld [tilespmem:s30+$0x1C20]  }
0x106: {  	[tilespmem:s30+$0x1BC0] =	vst v8;
	v8 =	vmul.f32 v10, v9;
	v10 =	vbroadcast v1, $0x8;
	v15 =	vld [tilespmem:s30+$0x1C30]  }
0x107: {  	[tilespmem:s30+$0x1BD0] =	vst v7;
	v7 =	vmul.f32 v13, v9;
	v9 =	vld [tilespmem:s30+$0x1C40]  }
0x108: {  	[tilespmem:s30+$0x1BE0] =	vst v8;
	v8 =	vmul.f32 v14, v10;
	v13 =	vld [tilespmem:s30+$0x1C50]  }
0x109: {  	[tilespmem:s30+$0x1BF0] =	vst v7;
	v7 =	vmul.f32 v11, v10;
	v11 =	vld [tilespmem:s30+$0x1C60]  }
0x10a: {  	[tilespmem:s30+$0x1C00] =	vst v8;
	v8 =	vmul.f32 v12, v10;
	v12 =	vld [tilespmem:s30+$0x1C70]  }
0x10b: {  	[tilespmem:s30+$0x1C10] =	vst v7;
	v7 =	vmul.f32 v15, v10;
	v14 =	vld [tilespmem:s30+$0x1C80]  }
0x10c: {  	[tilespmem:s30+$0x1C20] =	vst v8;
	v8 =	vmul.f32 v9, v10;
	v9 =	vld [tilespmem:s30+$0x1C90]  }
0x10d: {  	[tilespmem:s30+$0x1C30] =	vst v7;
	v7 =	vmul.f32 v13, v10;
	v13 =	vld [tilespmem:s30+$0x1CA0]  }
0x10e: {  	[tilespmem:s30+$0x1C40] =	vst v8;
	v8 =	vmul.f32 v11, v10;
	v11 =	vbroadcast v1, $0x9;
	v15 =	vld [tilespmem:s30+$0x1CB0]  }
0x10f: {  	[tilespmem:s30+$0x1C50] =	vst v7;
	v7 =	vmul.f32 v12, v10;
	v10 =	vld [tilespmem:s30+$0x1CC0]  }
0x110: {  	[tilespmem:s30+$0x1C60] =	vst v8;
	v8 =	vmul.f32 v14, v11;
	v12 =	vld [tilespmem:s30+$0x1CD0]  }
0x111: {  	[tilespmem:s30+$0x1C70] =	vst v7;
	v7 =	vmul.f32 v9, v11;
	v9 =	vld [tilespmem:s30+$0x1CE0]  }
0x112: {  	[tilespmem:s30+$0x1C80] =	vst v8;
	v8 =	vmul.f32 v13, v11;
	v13 =	vld [tilespmem:s30+$0x1CF0]  }
0x113: {  	[tilespmem:s30+$0x1C90] =	vst v7;
	v7 =	vmul.f32 v15, v11;
	v14 =	vld [tilespmem:s30+$0x1D00]  }
0x114: {  	[tilespmem:s30+$0x1CA0] =	vst v8;
	v8 =	vmul.f32 v10, v11;
	v10 =	vld [tilespmem:s30+$0x1D10]  }
0x115: {  	[tilespmem:s30+$0x1CB0] =	vst v7;
	v7 =	vmul.f32 v12, v11;
	v12 =	vld [tilespmem:s30+$0x1D20]  }
0x116: {  	[tilespmem:s30+$0x1CC0] =	vst v8;
	v8 =	vmul.f32 v9, v11;
	v9 =	vld [tilespmem:s30+$0x1D30]  }
0x117: {  	[tilespmem:s30+$0x1CD0] =	vst v7;
	v7 =	vmul.f32 v13, v11;
	v11 =	vld [tilespmem:s30+$0x1D40]  }
0x118: {  	[tilespmem:s30+$0x1CE0] =	vst v8;
	v8 =	vmul.f32 v14, v4;
	v13 =	vld [tilespmem:s30+$0x1D50]  }
0x119: {  	[tilespmem:s30+$0x1CF0] =	vst v7;
	v7 =	vmul.f32 v10, v4;
	v10 =	vld [tilespmem:s30+$0x1D60]  }
0x11a: {  	v14 =	vld [tilespmem:s30+$0x1800];
	[tilespmem:s30+$0x1D00] =	vst v8;
	v8 =	vmul.f32 v12, v4  }
0x11b: {  	v12 =	vld [tilespmem:s30+$0x1810];
	[tilespmem:s30+$0x1D10] =	vst v7;
	v7 =	vmul.f32 v9, v4  }
0x11c: {  	v9 =	vld [tilespmem:s30+$0x1840];
	[tilespmem:s30+$0x1D20] =	vst v8;
	v8 =	vmul.f32 v11, v4  }
0x11d: {  	v11 =	vld [tilespmem:s30+$0x1850];
	[tilespmem:s30+$0x1D30] =	vst v7;
	v7 =	vmul.f32 v13, v4  }
0x11e: {  	[tilespmem:s30+$0x1D40] =	vst v8;
	v8 =	vmul.f32 v10, v4;
	v10 =	vbroadcast v1, $0xB;
	v13 =	vld [tilespmem:s30+$0x1DA0]  }
0x11f: {  	v4 =	vbroadcast v1, $0xF;
	v14 =	vmul.f32 v2, v14;
	[tilespmem:s30+$0x1D50] =	vst v7;
	v7 =	vld [tilespmem:s30+$0x1DB0]  }
0x120: {  	v12 =	vmul.f32 v12, v2;
	[tilespmem:s30+$0x1D60] =	vst v8;
	v5 =	vmul.f32 v5, v10;
	v8 =	vld [tilespmem:s30+$0x1DC0]  }
0x121: {  	v6 =	vmul.f32 v6, v10;
	[tilespmem:s30+$0x1800] =	vst v14;
	v9 =	vmul.f32 v9, v2;
	v14 =	vld [tilespmem:s30+$0x1DD0]  }
0x122: {  	v3 =	vmul.f32 v3, v4;
	v11 =	vmul.f32 v11, v2;
	[tilespmem:s30+$0x1D80] =	vst v5;
	v2 =	vld [tilespmem:s30+$0x1DE0]  }
0x123: {  	[tilespmem:s30+$0x1D90] =	vst v6;
	v5 =	vmul.f32 v13, v10;
	v6 =	vld [tilespmem:s30+$0x1DF0]  }
0x124: {  	v7 =	vmul.f32 v7, v10;
	v13 =	vld [tilespmem:s30+$0x1E00];
	[tilespmem:s30+$0x1FD0] =	vst v3  }
0x125: {  	[tilespmem:s30+$0x1810] =	vst v12;
	v3 =	vmul.f32 v8, v10;
	v8 =	vld [tilespmem:s30+$0x1E10]  }
0x126: {  	[tilespmem:s30+$0x1840] =	vst v9;
	v9 =	vmul.f32 v14, v10;
	v12 =	vld [tilespmem:s30+$0x1E20]  }
0x127: {  	v14 =	vbroadcast v1, $0xC;
	[tilespmem:s30+$0x1DA0] =	vst v5;
	v5 =	vmul.f32 v2, v10;
	v15 =	vld [tilespmem:s30+$0x1E30]  }
0x128: {  	[tilespmem:s30+$0x1DD0] =	vst v9;
	v6 =	vmul.f32 v6, v10;
	v9 =	vld [tilespmem:s30+$0x1E40]  }
0x129: {  	[tilespmem:s30+$0x1DB0] =	vst v7;
	v2 =	vmul.f32 v13, v14;
	v7 =	vld [tilespmem:s30+$0x1E50]  }
0x12a: {  	[tilespmem:s30+$0x1DC0] =	vst v3;
	v3 =	vmul.f32 v8, v14;
	v8 =	vld [tilespmem:s30+$0x1E60]  }
0x12b: {  	[tilespmem:s30+$0x1E00] =	vst v2;
	v2 =	vmul.f32 v12, v14;
	v10 =	vld [tilespmem:s30+$0x1E70]  }
0x12c: {  	[tilespmem:s30+$0x1E10] =	vst v3;
	v3 =	vld [tilespmem:s30+$0x1E80]  }
0x12d: {  	[tilespmem:s30+$0x1850] =	vst v11;
	v9 =	vmul.f32 v9, v14;
	v11 =	vld [tilespmem:s30+$0x1E90]  }
0x12e: {  	[tilespmem:s30+$0x1DE0] =	vst v5;
	v5 =	vmul.f32 v7, v14;
	v7 =	vld [tilespmem:s30+$0x1EA0]  }
0x12f: {  	[tilespmem:s30+$0x1E40] =	vst v9;
	v8 =	vmul.f32 v8, v14;
	v9 =	vbroadcast v1, $0xD;
	v12 =	vld [tilespmem:s30+$0x1EB0]  }
0x130: {  	[tilespmem:s30+$0x1E50] =	vst v5;
	v5 =	vmul.f32 v10, v14;
	v10 =	vld [tilespmem:s30+$0x1EC0]  }
0x131: {  	[tilespmem:s30+$0x1E60] =	vst v8;
	v3 =	vmul.f32 v3, v9;
	v8 =	vld [tilespmem:s30+$0x1ED0]  }
0x132: {  	[tilespmem:s30+$0x1E70] =	vst v5;
	v5 =	vmul.f32 v11, v9;
	v11 =	vld [tilespmem:s30+$0x1EE0]  }
0x133: {  	[tilespmem:s30+$0x1E80] =	vst v3;
	v3 =	vmul.f32 v7, v9;
	v7 =	vld [tilespmem:s30+$0x1EF0]  }
0x134: {  	[tilespmem:s30+$0x1E90] =	vst v5;
	v5 =	vmul.f32 v12, v9;
	v12 =	vld [tilespmem:s30+$0x1F00]  }
0x135: {  	[tilespmem:s30+$0x1EA0] =	vst v3;
	v3 =	vmul.f32 v10, v9;
	v10 =	vld [tilespmem:s30+$0x1F10]  }
0x136: {  	[tilespmem:s30+$0x1EB0] =	vst v5;
	v5 =	vmul.f32 v8, v9;
	v8 =	vld [tilespmem:s30+$0x1F20]  }
0x137: {  	v1 =	vbroadcast v1, $0xE;
	[tilespmem:s30+$0x1DF0] =	vst v6;
	v6 =	vmul.f32 v11, v9;
	v11 =	vld [tilespmem:s30+$0x1F30]  }
0x138: {  	[tilespmem:s30+$0x1ED0] =	vst v5;
	v5 =	vmul.f32 v7, v9;
	v7 =	vld [tilespmem:s30+$0x1F40]  }
0x139: {  	[tilespmem:s30+$0x1EE0] =	vst v6;
	v6 =	vmul.f32 v12, v1;
	v9 =	vld [tilespmem:s30+$0x1F50]  }
0x13a: {  	[tilespmem:s30+$0x1EF0] =	vst v5;
	v5 =	vmul.f32 v10, v1;
	v10 =	vld [tilespmem:s30+$0x1F60]  }
0x13b: {  	[tilespmem:s30+$0x1F00] =	vst v6;
	v6 =	vmul.f32 v8, v1;
	v8 =	vld [tilespmem:s30+$0x1F70]  }
0x13c: {  	[tilespmem:s30+$0x1F10] =	vst v5;
	v5 =	vmul.f32 v11, v1;
	v11 =	vld [tilespmem:s30+$0x1F80]  }
0x13d: {  	[tilespmem:s30+$0x1F20] =	vst v6;
	v6 =	vmul.f32 v7, v1;
	v7 =	vld [tilespmem:s30+$0x1F90]  }
0x13e: {  	[tilespmem:s30+$0x1F30] =	vst v5;
	v5 =	vmul.f32 v9, v1;
	v9 =	vld [tilespmem:s30+$0x1FA0]  }
0x13f: {  	[tilespmem:s30+$0x1F40] =	vst v6;
	v6 =	vmul.f32 v10, v1;
	v10 =	vld [tilespmem:s30+$0x1FB0]  }
0x140: {  	[tilespmem:s30+$0x1EC0] =	vst v3;
	v1 =	vmul.f32 v8, v1;
	v3 =	vld [tilespmem:s30+$0x1FC0]  }
0x141: {  	[tilespmem:s30+$0x1F60] =	vst v6;
	v6 =	vmul.f32 v11, v4;
	v8 =	vld [tilespmem:s30+$0x1FE0]  }
0x142: {  	[tilespmem:s30+$0x1F70] =	vst v1;
	v1 =	vmul.f32 v7, v4;
	v7 =	vld [tilespmem:s30+$0x1FF0]  }
0x143: {  	[tilespmem:s30+$0x1F80] =	vst v6;
	v6 =	vmul.f32 v9, v4  }
0x144: {  	[tilespmem:s30+$0x1F90] =	vst v1;
	v1 =	vmul.f32 v10, v4  }
0x145: {  	v9 =	vmul.f32 v15, v14;
	[tilespmem:s30+$0x1FA0] =	vst v6  }
0x146: {  	[tilespmem:s30+$0x1FB0] =	vst v1;
	v1 =	vmul.f32 v3, v4  }
.Ltmp0:
0x147: {  	[tilespmem:s30+$0x1E30] =	vst v9;
	v3 =	vmul.f32 v7, v4;
	(pc) =	sbr.rel @p1 .LBB2_4-.Ltmp0, $4  }
0x148: {  	[tilespmem:s30+$0x1FC0] =	vst v1  }
0x149: {  	v1 =	vmul.f32 v8, v4;
	[tilespmem:s30+$0x1FF0] =	vst v3  }
0x14a: {  	[tilespmem:s30+$0x1F50] =	vst v5  }
0x14b: {  	[tilespmem:s30+$0x1FE0] =	vst v1  }
0x14c: {  	[tilespmem:s30+$0x1E20] =	vst v2;
	s0 =	sadd.s32 $0x800, s29  }
0x14d: {  	[spmem:s3] =	stream.indirect.scatter.add.f32 [tilespmem:s20], [sflag:$0x3], $0x80, s0, s19, $0xb8;
	[tilespmem:$0x1D080] =	vst v63  }
0x14e: {  	_ =	swait.ge [sflag:s15], $0x4000  }
0x14f: {  	[sflag:s15] =	ssyncset.done $0x0  }
0x150: {  	s30 =	sadd.s32 $0x1000, s26;
	[sflag:s15] =	ssyncadd.s32 $0xFFFFC000  }
0x151: {  	p1 =	seq.s32 s25, $0x7;
	s31 =	simm.s32 $0x0;
	v0 =	vmov s30;
	_ =	swait.ge [sflag:s23], $0x4000  }
0x152: {  	s28 =	sshrl.u32 @!p1 s28, $0x2;
	s29 =	simm.s32 @!p1 $0x1800;
	[sflag:s23] =	ssyncset.done $0x0  }
0x153: {  	s0 =	sadd.s32 @!p1 $0x100, s28;
	s28 =	simm.s32 @!p1 $0x80;
	[sflag:s23] =	ssyncadd.s32 $0xFFFFC000  }
0x154: {  	[tilespmem:s29], [sflag:$0x1] =	stream.indirect.gather @!p1 [hbm4b:s1+s28], $0x80, s0, s28, $0xb8;
	[tilespmem:$0x1D080] =	vst v63  }
0x155: {  	s0 =	sand.u32 $0x3FFFFFF0, s31  }
0x156: {  	s28 =	simm.s32 $0x0;
	v1 =	vld.idx.msk [tilespmem:v0+s0+$0x0 ss:$0x1], $0xffff  }
0x157: {  	s28 =	sand.u32 $0x3FFFF800, s28  }
0x158: {  	v3 =	vld [tilespmem:s28+$0x5820]  }
0x159: {  	v4 =	vld [tilespmem:s28+$0x5830]  }
0x15a: {  	v10 =	vld [tilespmem:s28+$0x5860]  }
0x15b: {  	v11 =	vld [tilespmem:s28+$0x5870];
	v2 =	vbroadcast v1, $0x0  }
0x15c: {  	v12 =	vld [tilespmem:s28+$0x5880]  }
0x15d: {  	v13 =	vld [tilespmem:s28+$0x5890];
	v3 =	vmul.f32 v3, v2  }
0x15e: {  	v14 =	vld [tilespmem:s28+$0x58A0];
	v4 =	vmul.f32 v4, v2  }
0x15f: {  	v9 =	vld [tilespmem:s28+$0x58B0];
	v23 =	vbroadcast v1, $0x1;
	v22 =	vmul.f32 v10, v2;
	[tilespmem:s28+$0x5820] =	vst v3  }
0x160: {  	v7 =	vld [tilespmem:s28+$0x58C0];
	v11 =	vmul.f32 v11, v2;
	[tilespmem:s28+$0x5830] =	vst v4  }
0x161: {  	v8 =	vld [tilespmem:s28+$0x58D0];
	v12 =	vmul.f32 v12, v23;
	[tilespmem:s28+$0x5860] =	vst v22  }
0x162: {  	v25 =	vld [tilespmem:s28+$0x58F0];
	v13 =	vmul.f32 v13, v23;
	[tilespmem:s28+$0x5870] =	vst v11  }
0x163: {  	v26 =	vld [tilespmem:s28+$0x5900];
	v14 =	vmul.f32 v14, v23;
	[tilespmem:s28+$0x5880] =	vst v12  }
0x164: {  	v27 =	vld [tilespmem:s28+$0x5910];
	v9 =	vmul.f32 v9, v23;
	[tilespmem:s28+$0x5890] =	vst v13  }
0x165: {  	v6 =	vld [tilespmem:s28+$0x5D70];
	v7 =	vmul.f32 v7, v23;
	[tilespmem:s28+$0x58A0] =	vst v14  }
0x166: {  	v24 =	vld [tilespmem:s28+$0x58E0];
	v15 =	vbroadcast v1, $0x2;
	v8 =	vmul.f32 v8, v23;
	[tilespmem:s28+$0x58B0] =	vst v9  }
0x167: {  	v28 =	vld [tilespmem:s28+$0x5920];
	v10 =	vmul.f32 v25, v23;
	[tilespmem:s28+$0x58C0] =	vst v7  }
0x168: {  	v29 =	vld [tilespmem:s28+$0x5930];
	v5 =	vbroadcast v1, $0xA;
	v32 =	vmul.f32 v26, v15;
	[tilespmem:s28+$0x58D0] =	vst v8  }
0x169: {  	v30 =	vld [tilespmem:s28+$0x5940];
	v34 =	vmul.f32 v27, v15;
	[tilespmem:s28+$0x58F0] =	vst v10  }
0x16a: {  	v33 =	vld [tilespmem:s28+$0x5960];
	v3 =	vmul.f32 v6, v5;
	[tilespmem:s28+$0x5900] =	vst v32  }
0x16b: {  	v35 =	vld [tilespmem:s28+$0x5970];
	v11 =	vmul.f32 v24, v23;
	[tilespmem:s28+$0x5910] =	vst v34  }
0x16c: {  	v36 =	vld [tilespmem:s28+$0x5980];
	v9 =	vmul.f32 v28, v15;
	[tilespmem:s28+$0x5D70] =	vst v3  }
0x16d: {  	v31 =	vld [tilespmem:s28+$0x5950];
	v7 =	vmul.f32 v29, v15;
	[tilespmem:s28+$0x58E0] =	vst v11  }
0x16e: {  	v37 =	vld [tilespmem:s28+$0x5990];
	v8 =	vmul.f32 v30, v15;
	[tilespmem:s28+$0x5920] =	vst v9  }
0x16f: {  	v38 =	vld [tilespmem:s28+$0x59A0];
	v41 =	vbroadcast v1, $0x3;
	v10 =	vmul.f32 v33, v15;
	[tilespmem:s28+$0x5930] =	vst v7  }
0x170: {  	v39 =	vld [tilespmem:s28+$0x59B0];
	v12 =	vmul.f32 v35, v15;
	[tilespmem:s28+$0x5940] =	vst v8  }
0x171: {  	v42 =	vld [tilespmem:s28+$0x59D0];
	v13 =	vmul.f32 v36, v41;
	[tilespmem:s28+$0x5960] =	vst v10  }
0x172: {  	v43 =	vld [tilespmem:s28+$0x59E0];
	v11 =	vmul.f32 v31, v15;
	[tilespmem:s28+$0x5970] =	vst v12  }
0x173: {  	v44 =	vld [tilespmem:s28+$0x59F0];
	v9 =	vmul.f32 v37, v41;
	[tilespmem:s28+$0x5980] =	vst v13  }
0x174: {  	v40 =	vld [tilespmem:s28+$0x59C0];
	v7 =	vmul.f32 v38, v41;
	[tilespmem:s28+$0x5950] =	vst v11  }
0x175: {  	v45 =	vld [tilespmem:s28+$0x5A00];
	v8 =	vmul.f32 v39, v41;
	[tilespmem:s28+$0x5990] =	vst v9  }
0x176: {  	v46 =	vld [tilespmem:s28+$0x5A10];
	v10 =	vmul.f32 v42, v41;
	[tilespmem:s28+$0x59A0] =	vst v7  }
0x177: {  	v47 =	vld [tilespmem:s28+$0x5A20];
	v12 =	vmul.f32 v43, v41;
	[tilespmem:s28+$0x59B0] =	vst v8  }
0x178: {  	v49 =	vld [tilespmem:s28+$0x5A40];
	v50 =	vbroadcast v1, $0x4;
	v13 =	vmul.f32 v44, v41;
	[tilespmem:s28+$0x59D0] =	vst v10  }
0x179: {  	v51 =	vld [tilespmem:s28+$0x5A50];
	v11 =	vmul.f32 v40, v41;
	[tilespmem:s28+$0x59E0] =	vst v12  }
0x17a: {  	v52 =	vld [tilespmem:s28+$0x5A60];
	v9 =	vmul.f32 v45, v50;
	[tilespmem:s28+$0x59F0] =	vst v13  }
0x17b: {  	v48 =	vld [tilespmem:s28+$0x5A30];
	v7 =	vmul.f32 v46, v50;
	[tilespmem:s28+$0x59C0] =	vst v11  }
0x17c: {  	v53 =	vld [tilespmem:s28+$0x5A70];
	v8 =	vmul.f32 v47, v50;
	[tilespmem:s28+$0x5A00] =	vst v9  }
0x17d: {  	v54 =	vld [tilespmem:s28+$0x5A80];
	v10 =	vmul.f32 v49, v50;
	[tilespmem:s28+$0x5A10] =	vst v7  }
0x17e: {  	v55 =	vld [tilespmem:s28+$0x5A90];
	v12 =	vmul.f32 v51, v50;
	[tilespmem:s28+$0x5A20] =	vst v8  }
0x17f: {  	v57 =	vld [tilespmem:s28+$0x5AB0];
	v13 =	vmul.f32 v52, v50;
	[tilespmem:s28+$0x5A40] =	vst v10  }
0x180: {  	v58 =	vld [tilespmem:s28+$0x5AC0];
	v59 =	vbroadcast v1, $0x5;
	v11 =	vmul.f32 v48, v50;
	[tilespmem:s28+$0x5A50] =	vst v12  }
0x181: {  	v60 =	vld [tilespmem:s28+$0x5AD0];
	v9 =	vmul.f32 v53, v50;
	[tilespmem:s28+$0x5A60] =	vst v13  }
0x182: {  	v56 =	vld [tilespmem:s28+$0x5AA0];
	v7 =	vmul.f32 v54, v59;
	[tilespmem:s28+$0x5A30] =	vst v11  }
0x183: {  	v61 =	vld [tilespmem:s28+$0x5AE0];
	v8 =	vmul.f32 v55, v59;
	[tilespmem:s28+$0x5A70] =	vst v9  }
0x184: {  	v62 =	vld [tilespmem:s28+$0x5AF0];
	v10 =	vmul.f32 v57, v59;
	[tilespmem:s28+$0x5A80] =	vst v7  }
0x185: {  	v63 =	vld [tilespmem:s28+$0x5B00];
	v12 =	vmul.f32 v58, v59;
	[tilespmem:s28+$0x5A90] =	vst v8  }
0x186: {  	v19 =	vld [tilespmem:s28+$0x5B20];
	v13 =	vmul.f32 v60, v59;
	[tilespmem:s28+$0x5AB0] =	vst v10  }
0x187: {  	v20 =	vld [tilespmem:s28+$0x5B30];
	v11 =	vmul.f32 v56, v59;
	[tilespmem:s28+$0x5AC0] =	vst v12  }
0x188: {  	v21 =	vld [tilespmem:s28+$0x5B40];
	v22 =	vbroadcast v1, $0x6;
	v9 =	vmul.f32 v61, v59;
	[tilespmem:s28+$0x5AD0] =	vst v13  }
0x189: {  	v18 =	vld [tilespmem:s28+$0x5B10];
	v7 =	vmul.f32 v62, v59;
	[tilespmem:s28+$0x5AA0] =	vst v11  }
0x18a: {  	v23 =	vld [tilespmem:s28+$0x5B50];
	v8 =	vmul.f32 v63, v22;
	[tilespmem:s28+$0x5AE0] =	vst v9  }
0x18b: {  	v24 =	vld [tilespmem:s28+$0x5B60];
	v10 =	vmul.f32 v19, v22;
	[tilespmem:s28+$0x5AF0] =	vst v7  }
0x18c: {  	v25 =	vld [tilespmem:s28+$0x5B70];
	v12 =	vmul.f32 v20, v22;
	[tilespmem:s28+$0x5B00] =	vst v8  }
0x18d: {  	v27 =	vld [tilespmem:s28+$0x5B90];
	v13 =	vmul.f32 v21, v22;
	[tilespmem:s28+$0x5B20] =	vst v10  }
0x18e: {  	v28 =	vld [tilespmem:s28+$0x5BA0];
	v11 =	vmul.f32 v18, v22;
	[tilespmem:s28+$0x5B30] =	vst v12  }
0x18f: {  	v29 =	vld [tilespmem:s28+$0x5BB0];
	v9 =	vmul.f32 v23, v22;
	[tilespmem:s28+$0x5B40] =	vst v13  }
0x190: {  	v31 =	vbroadcast v1, $0x7;
	v53 =	vld [tilespmem:s28+$0x5D00];
	v7 =	vmul.f32 v24, v22;
	[tilespmem:s28+$0x5B10] =	vst v11  }
0x191: {  	v57 =	vld [tilespmem:s28+$0x5D40];
	v8 =	vmul.f32 v25, v22;
	[tilespmem:s28+$0x5B50] =	vst v9  }
0x192: {  	v58 =	vld [tilespmem:s28+$0x5D50];
	v10 =	vmul.f32 v27, v31;
	[tilespmem:s28+$0x5B60] =	vst v7  }
0x193: {  	v26 =	vld [tilespmem:s28+$0x5B80];
	v12 =	vmul.f32 v28, v31;
	[tilespmem:s28+$0x5B70] =	vst v8  }
0x194: {  	v30 =	vld [tilespmem:s28+$0x5BC0];
	v13 =	vmul.f32 v29, v31;
	[tilespmem:s28+$0x5B90] =	vst v10  }
0x195: {  	v32 =	vld [tilespmem:s28+$0x5BD0];
	v59 =	vmul.f32 v53, v5;
	[tilespmem:s28+$0x5BA0] =	vst v12  }
0x196: {  	v33 =	vld [tilespmem:s28+$0x5BE0];
	v18 =	vmul.f32 v57, v5;
	[tilespmem:s28+$0x5BB0] =	vst v13  }
0x197: {  	v35 =	vld [tilespmem:s28+$0x5C00];
	v20 =	vmul.f32 v58, v5;
	[tilespmem:s28+$0x5D00] =	vst v59  }
0x198: {  	v36 =	vld [tilespmem:s28+$0x5C10];
	v11 =	vmul.f32 v26, v31;
	[tilespmem:s28+$0x5D40] =	vst v18  }
0x199: {  	v37 =	vld [tilespmem:s28+$0x5C20];
	v9 =	vmul.f32 v30, v31;
	[tilespmem:s28+$0x5D50] =	vst v20  }
0x19a: {  	v4 =	vld [tilespmem:s28+$0x5D80];
	v40 =	vbroadcast v1, $0x8;
	v7 =	vmul.f32 v32, v31;
	[tilespmem:s28+$0x5B80] =	vst v11  }
0x19b: {  	v6 =	vld [tilespmem:s28+$0x5D90];
	v8 =	vmul.f32 v33, v31;
	[tilespmem:s28+$0x5BC0] =	vst v9  }
0x19c: {  	v3 =	vld [tilespmem:s28+$0x5FD0];
	v10 =	vmul.f32 v35, v40;
	[tilespmem:s28+$0x5BD0] =	vst v7  }
0x19d: {  	v61 =	vld [tilespmem:s28+$0x5800];
	v23 =	vbroadcast v1, $0xB;
	v12 =	vmul.f32 v36, v40;
	[tilespmem:s28+$0x5BE0] =	vst v8  }
0x19e: {  	v34 =	vld [tilespmem:s28+$0x5BF0];
	v13 =	vmul.f32 v37, v40;
	[tilespmem:s28+$0x5C00] =	vst v10  }
0x19f: {  	v38 =	vld [tilespmem:s28+$0x5C30];
	v27 =	vbroadcast v1, $0xF;
	v4 =	vmul.f32 v4, v23;
	[tilespmem:s28+$0x5C10] =	vst v12  }
0x1a0: {  	v39 =	vld [tilespmem:s28+$0x5C40];
	v6 =	vmul.f32 v6, v23;
	[tilespmem:s28+$0x5C20] =	vst v13  }
0x1a1: {  	v41 =	vld [tilespmem:s28+$0x5C50];
	v3 =	vmul.f32 v3, v27;
	[tilespmem:s28+$0x5D80] =	vst v4  }
0x1a2: {  	v43 =	vld [tilespmem:s28+$0x5C70];
	v24 =	vmul.f32 v2, v61;
	[tilespmem:s28+$0x5D90] =	vst v6  }
0x1a3: {  	v44 =	vld [tilespmem:s28+$0x5C80];
	v11 =	vmul.f32 v34, v31;
	[tilespmem:s28+$0x5FD0] =	vst v3  }
0x1a4: {  	v45 =	vld [tilespmem:s28+$0x5C90];
	v9 =	vmul.f32 v38, v40;
	[tilespmem:s28+$0x5800] =	vst v24  }
0x1a5: {  	v63 =	vld [tilespmem:s28+$0x5840];
	v7 =	vmul.f32 v39, v40;
	[tilespmem:s28+$0x5BF0] =	vst v11  }
0x1a6: {  	v49 =	vbroadcast v1, $0x9;
	v29 =	vld [tilespmem:s28+$0x5DF0];
	v8 =	vmul.f32 v41, v40;
	[tilespmem:s28+$0x5C30] =	vst v9  }
0x1a7: {  	v42 =	vld [tilespmem:s28+$0x5C60];
	v10 =	vmul.f32 v43, v40;
	[tilespmem:s28+$0x5C40] =	vst v7  }
0x1a8: {  	v46 =	vld [tilespmem:s28+$0x5CA0];
	v12 =	vmul.f32 v44, v49;
	[tilespmem:s28+$0x5C50] =	vst v8  }
0x1a9: {  	v47 =	vld [tilespmem:s28+$0x5CB0];
	v13 =	vmul.f32 v45, v49;
	[tilespmem:s28+$0x5C70] =	vst v10  }
0x1aa: {  	v48 =	vld [tilespmem:s28+$0x5CC0];
	v3 =	vmul.f32 v63, v2;
	[tilespmem:s28+$0x5C80] =	vst v12  }
0x1ab: {  	v51 =	vld [tilespmem:s28+$0x5CE0];
	v6 =	vmul.f32 v29, v23;
	[tilespmem:s28+$0x5C90] =	vst v13  }
0x1ac: {  	v52 =	vld [tilespmem:s28+$0x5CF0];
	v11 =	vmul.f32 v42, v40;
	[tilespmem:s28+$0x5840] =	vst v3  }
0x1ad: {  	v28 =	vld [tilespmem:s28+$0x5DE0];
	v9 =	vmul.f32 v46, v49;
	[tilespmem:s28+$0x5DF0] =	vst v6  }
0x1ae: {  	v26 =	vld [tilespmem:s28+$0x5DD0];
	v7 =	vmul.f32 v47, v49;
	[tilespmem:s28+$0x5C60] =	vst v11  }
0x1af: {  	v30 =	vld [tilespmem:s28+$0x5E00];
	v8 =	vmul.f32 v48, v49;
	[tilespmem:s28+$0x5CA0] =	vst v9  }
0x1b0: {  	v50 =	vld [tilespmem:s28+$0x5CD0];
	v10 =	vmul.f32 v51, v49;
	[tilespmem:s28+$0x5CB0] =	vst v7  }
0x1b1: {  	v54 =	vld [tilespmem:s28+$0x5D10];
	v12 =	vmul.f32 v52, v49;
	[tilespmem:s28+$0x5CC0] =	vst v8  }
0x1b2: {  	v55 =	vld [tilespmem:s28+$0x5D20];
	v35 =	vbroadcast v1, $0xC;
	v40 =	vmul.f32 v28, v23;
	[tilespmem:s28+$0x5CE0] =	vst v10  }
0x1b3: {  	v56 =	vld [tilespmem:s28+$0x5D30];
	v32 =	vmul.f32 v26, v23;
	[tilespmem:s28+$0x5CF0] =	vst v12  }
0x1b4: {  	v60 =	vld [tilespmem:s28+$0x5D60];
	v15 =	vmul.f32 v30, v35;
	[tilespmem:s28+$0x5DE0] =	vst v40  }
0x1b5: {  	v62 =	vld [tilespmem:s28+$0x5810];
	v11 =	vmul.f32 v50, v49;
	[tilespmem:s28+$0x5DD0] =	vst v32  }
0x1b6: {  	v19 =	vld [tilespmem:s28+$0x5850];
	v9 =	vmul.f32 v54, v5;
	[tilespmem:s28+$0x5E00] =	vst v15  }
0x1b7: {  	v33 =	vld [tilespmem:s28+$0x5E30];
	v7 =	vmul.f32 v55, v5;
	[tilespmem:s28+$0x5CD0] =	vst v11  }
0x1b8: {  	v61 =	vld [tilespmem:s28+$0x5FF0];
	v8 =	vmul.f32 v56, v5;
	[tilespmem:s28+$0x5D10] =	vst v9  }
0x1b9: {  	v38 =	vld [tilespmem:s28+$0x5E70];
	v5 =	vmul.f32 v60, v5;
	[tilespmem:s28+$0x5D20] =	vst v7  }
0x1ba: {  	v21 =	vld [tilespmem:s28+$0x5DA0];
	v12 =	vmul.f32 v62, v2;
	[tilespmem:s28+$0x5D30] =	vst v8  }
0x1bb: {  	v22 =	vld [tilespmem:s28+$0x5DB0];
	v2 =	vmul.f32 v19, v2;
	[tilespmem:s28+$0x5D60] =	vst v5  }
0x1bc: {  	v25 =	vld [tilespmem:s28+$0x5DC0];
	v62 =	vmul.f32 v33, v35;
	[tilespmem:s28+$0x5810] =	vst v12  }
0x1bd: {  	v31 =	vld [tilespmem:s28+$0x5E10];
	v63 =	vmul.f32 v61, v27;
	[tilespmem:s28+$0x5850] =	vst v2  }
0x1be: {  	v34 =	vld [tilespmem:s28+$0x5E40];
	v15 =	vmul.f32 v38, v35;
	[tilespmem:s28+$0x5E30] =	vst v62  }
0x1bf: {  	v41 =	vld [tilespmem:s28+$0x5EA0];
	v7 =	vmul.f32 v21, v23;
	[tilespmem:s28+$0x5FF0] =	vst v63  }
0x1c0: {  	v46 =	vld [tilespmem:s28+$0x5EE0];
	v8 =	vmul.f32 v22, v23;
	[tilespmem:s28+$0x5E70] =	vst v15  }
0x1c1: {  	v36 =	vld [tilespmem:s28+$0x5E50];
	v5 =	vmul.f32 v25, v23;
	[tilespmem:s28+$0x5DA0] =	vst v7  }
0x1c2: {  	v44 =	vbroadcast v1, $0xD;
	v9 =	vmul.f32 v31, v35;
	v2 =	vld [tilespmem:s28+$0x5E90];
	[tilespmem:s28+$0x5DB0] =	vst v8  }
0x1c3: {  	v37 =	vld [tilespmem:s28+$0x5E60];
	v12 =	vmul.f32 v34, v35;
	[tilespmem:s28+$0x5DC0] =	vst v5  }
0x1c4: {  	v39 =	vld [tilespmem:s28+$0x5E80];
	v11 =	vmul.f32 v41, v44;
	[tilespmem:s28+$0x5E10] =	vst v9  }
0x1c5: {  	v42 =	vld [tilespmem:s28+$0x5EB0];
	v51 =	vmul.f32 v46, v44;
	[tilespmem:s28+$0x5E40] =	vst v12  }
0x1c6: {  	v48 =	vld [tilespmem:s28+$0x5F10];
	v8 =	vmul.f32 v36, v35;
	[tilespmem:s28+$0x5EA0] =	vst v11  }
0x1c7: {  	v49 =	vld [tilespmem:s28+$0x5F20];
	[tilespmem:s28+$0x5EE0] =	vst v51;
	v2 =	vmul.f32 v2, v44  }
0x1c8: {  	v50 =	vld [tilespmem:s28+$0x5F30];
	v5 =	vmul.f32 v37, v35;
	[tilespmem:s28+$0x5E50] =	vst v8  }
0x1c9: {  	v1 =	vbroadcast v1, $0xE;
	v9 =	vmul.f32 v39, v44;
	[tilespmem:s28+$0x5E90] =	vst v2;
	v2 =	vld [tilespmem:s28+$0x5F00]  }
0x1ca: {  	v60 =	vld [tilespmem:s28+$0x5FE0];
	v12 =	vmul.f32 v42, v44;
	[tilespmem:s28+$0x5E60] =	vst v5  }
0x1cb: {  	v45 =	vld [tilespmem:s28+$0x5ED0];
	v11 =	vmul.f32 v48, v1;
	[tilespmem:s28+$0x5E80] =	vst v9  }
0x1cc: {  	v47 =	vld [tilespmem:s28+$0x5EF0];
	v10 =	vmul.f32 v49, v1;
	[tilespmem:s28+$0x5EB0] =	vst v12  }
0x1cd: {  	v43 =	vld [tilespmem:s28+$0x5EC0];
	v6 =	vmul.f32 v50, v1;
	[tilespmem:s28+$0x5F10] =	vst v11  }
0x1ce: {  	v55 =	vld [tilespmem:s28+$0x5F80];
	[tilespmem:s28+$0x5F20] =	vst v10;
	v2 =	vmul.f32 v2, v1  }
0x1cf: {  	v57 =	vld [tilespmem:s28+$0x5FA0];
	v4 =	vmul.f32 v60, v27;
	[tilespmem:s28+$0x5F30] =	vst v6  }
0x1d0: {  	v5 =	vmul.f32 v45, v44;
	[tilespmem:s28+$0x5F00] =	vst v2;
	v2 =	vld [tilespmem:s28+$0x5F70]  }
0x1d1: {  	v52 =	vld [tilespmem:s28+$0x5F40];
	v9 =	vmul.f32 v47, v44;
	[tilespmem:s28+$0x5FE0] =	vst v4  }
0x1d2: {  	v56 =	vld [tilespmem:s28+$0x5F90];
	v8 =	vmul.f32 v43, v44;
	[tilespmem:s28+$0x5ED0] =	vst v5  }
0x1d3: {  	v54 =	vld [tilespmem:s28+$0x5F60];
	v11 =	vmul.f32 v55, v27;
	[tilespmem:s28+$0x5EF0] =	vst v9  }
0x1d4: {  	v58 =	vld [tilespmem:s28+$0x5FB0];
	v6 =	vmul.f32 v57, v27;
	[tilespmem:s28+$0x5EC0] =	vst v8  }
0x1d5: {  	v53 =	vld [tilespmem:s28+$0x5F50];
	[tilespmem:s28+$0x5F80] =	vst v11;
	v2 =	vmul.f32 v2, v1  }
0x1d6: {  	v59 =	vld [tilespmem:s28+$0x5FC0];
	v5 =	vmul.f32 v52, v1;
	[tilespmem:s28+$0x5FA0] =	vst v6  }
0x1d7: {  	[tilespmem:s28+$0x5F70] =	vst v2;
	v2 =	vmul.f32 v56, v27  }
0x1d8: {  	v3 =	vld [tilespmem:s28+$0x5E20];
	v9 =	vmul.f32 v54, v1;
	[tilespmem:s28+$0x5F40] =	vst v5  }
0x1d9: {  	[tilespmem:s28+$0x5F90] =	vst v2;
	v2 =	vmul.f32 v58, v27  }
0x1da: {  	[tilespmem:s28+$0x5F60] =	vst v9;
	v1 =	vmul.f32 v53, v1  }
0x1db: {  	[tilespmem:s28+$0x5FB0] =	vst v2;
	v2 =	vmul.f32 v59, v27  }
0x1dc: {  	[tilespmem:s28+$0x5F50] =	vst v1  }
0x1dd: {  	s29 =	simm.s32 $0x1;
	[tilespmem:s28+$0x5FC0] =	vst v2;
	v2 =	vmul.f32 v3, v35  }
.LBB2_6:
0x1de: {  	s0 =	sshll.u32 s29, $0x4  }
0x1df: {  	p1 =	sne.s32 s29, $0x7;
	[tilespmem:s28+$0x5E20] =	vst v2;
	s28 =	smov.u32 s29;
	s29 =	sadd.s32 $0x1, s29  }
0x1e0: {  	s0 =	sand.u32 $0x3FFFFFF0, s0  }
0x1e1: {  	v1 =	vld.idx.msk [tilespmem:v0+s0+$0x0 ss:$0x1], $0xffff  }
0x1e2: {  	s0 =	sshll.u32 s28, $0xB  }
0x1e3: {  	s28 =	sand.u32 $0x3FFFF800, s0  }
0x1e4: {  	v8 =	vld [tilespmem:s28+$0x58C0]  }
0x1e5: {  	v9 =	vld [tilespmem:s28+$0x58D0]  }
0x1e6: {  	v10 =	vld [tilespmem:s28+$0x58B0]  }
0x1e7: {  	v2 =	vbroadcast v1, $0x0;
	v7 =	vbroadcast v1, $0x4;
	v3 =	vld [tilespmem:s28+$0x5820]  }
0x1e8: {  	v5 =	vld [tilespmem:s28+$0x5830]  }
0x1e9: {  	v6 =	vld [tilespmem:s28+$0x5D70]  }
0x1ea: {  	v11 =	vld [tilespmem:s28+$0x5860]  }
0x1eb: {  	v12 =	vld [tilespmem:s28+$0x5870]  }
0x1ec: {  	v4 =	vbroadcast v1, $0xA;
	v3 =	vmul.f32 v3, v2;
	v13 =	vld [tilespmem:s28+$0x5880]  }
0x1ed: {  	v5 =	vmul.f32 v5, v2;
	v14 =	vld [tilespmem:s28+$0x5890]  }
0x1ee: {  	[tilespmem:s28+$0x5820] =	vst v3;
	v15 =	vld [tilespmem:s28+$0x58A0];
	v3 =	vmul.f32 v6, v4  }
0x1ef: {  	[tilespmem:s28+$0x5830] =	vst v5;
	v6 =	vmul.f32 v11, v2;
	v11 =	vbroadcast v1, $0x1;
	v5 =	vld [tilespmem:s28+$0x5D80]  }
0x1f0: {  	v12 =	vmul.f32 v12, v2;
	[tilespmem:s28+$0x5D70] =	vst v3;
	v3 =	vld [tilespmem:s28+$0x5FD0]  }
0x1f1: {  	[tilespmem:s28+$0x5860] =	vst v6;
	v13 =	vmul.f32 v13, v11;
	v6 =	vld [tilespmem:s28+$0x5D90]  }
0x1f2: {  	[tilespmem:s28+$0x5870] =	vst v12;
	v12 =	vmul.f32 v14, v11;
	v14 =	vld [tilespmem:s28+$0x58E0]  }
0x1f3: {  	[tilespmem:s28+$0x5880] =	vst v13;
	v13 =	vmul.f32 v15, v11;
	v15 =	vld [tilespmem:s28+$0x58F0]  }
0x1f4: {  	v10 =	vmul.f32 v10, v11;
	[tilespmem:s28+$0x5890] =	vst v12;
	v12 =	vld [tilespmem:s28+$0x5900]  }
0x1f5: {  	v8 =	vmul.f32 v8, v11;
	[tilespmem:s28+$0x58A0] =	vst v13;
	v13 =	vld [tilespmem:s28+$0x5910]  }
0x1f6: {  	v9 =	vmul.f32 v9, v11;
	[tilespmem:s28+$0x58B0] =	vst v10;
	v10 =	vld [tilespmem:s28+$0x5920]  }
0x1f7: {  	[tilespmem:s28+$0x58C0] =	vst v8;
	v8 =	vmul.f32 v14, v11;
	v14 =	vbroadcast v1, $0x2;
	v16 =	vld [tilespmem:s28+$0x5930]  }
0x1f8: {  	[tilespmem:s28+$0x58D0] =	vst v9;
	v9 =	vmul.f32 v15, v11;
	v11 =	vld [tilespmem:s28+$0x5940]  }
0x1f9: {  	[tilespmem:s28+$0x58E0] =	vst v8;
	v8 =	vmul.f32 v12, v14;
	v12 =	vld [tilespmem:s28+$0x5950]  }
0x1fa: {  	[tilespmem:s28+$0x58F0] =	vst v9;
	v9 =	vmul.f32 v13, v14;
	v13 =	vld [tilespmem:s28+$0x5960]  }
0x1fb: {  	[tilespmem:s28+$0x5900] =	vst v8;
	v8 =	vmul.f32 v10, v14;
	v10 =	vld [tilespmem:s28+$0x5970]  }
0x1fc: {  	[tilespmem:s28+$0x5910] =	vst v9;
	v9 =	vmul.f32 v16, v14;
	v15 =	vld [tilespmem:s28+$0x5980]  }
0x1fd: {  	[tilespmem:s28+$0x5920] =	vst v8;
	v8 =	vmul.f32 v11, v14;
	v11 =	vld [tilespmem:s28+$0x5990]  }
0x1fe: {  	[tilespmem:s28+$0x5930] =	vst v9;
	v9 =	vmul.f32 v12, v14;
	v12 =	vld [tilespmem:s28+$0x59A0]  }
0x1ff: {  	[tilespmem:s28+$0x5940] =	vst v8;
	v8 =	vmul.f32 v13, v14;
	v13 =	vbroadcast v1, $0x3;
	v16 =	vld [tilespmem:s28+$0x59B0]  }
0x200: {  	[tilespmem:s28+$0x5950] =	vst v9;
	v9 =	vmul.f32 v10, v14;
	v10 =	vld [tilespmem:s28+$0x59C0]  }
0x201: {  	[tilespmem:s28+$0x5960] =	vst v8;
	v8 =	vmul.f32 v15, v13;
	v14 =	vld [tilespmem:s28+$0x59D0]  }
0x202: {  	[tilespmem:s28+$0x5970] =	vst v9;
	v9 =	vmul.f32 v11, v13;
	v11 =	vld [tilespmem:s28+$0x59E0]  }
0x203: {  	[tilespmem:s28+$0x5980] =	vst v8;
	v8 =	vmul.f32 v12, v13;
	v12 =	vld [tilespmem:s28+$0x59F0]  }
0x204: {  	[tilespmem:s28+$0x5990] =	vst v9;
	v9 =	vmul.f32 v16, v13;
	v15 =	vld [tilespmem:s28+$0x5A00]  }
0x205: {  	[tilespmem:s28+$0x59A0] =	vst v8;
	v8 =	vmul.f32 v10, v13;
	v10 =	vld [tilespmem:s28+$0x5A10]  }
0x206: {  	[tilespmem:s28+$0x59B0] =	vst v9;
	v9 =	vmul.f32 v14, v13;
	v14 =	vld [tilespmem:s28+$0x5A20]  }
0x207: {  	[tilespmem:s28+$0x59C0] =	vst v8;
	v8 =	vmul.f32 v11, v13;
	v11 =	vld [tilespmem:s28+$0x5A30]  }
0x208: {  	[tilespmem:s28+$0x59D0] =	vst v9;
	v9 =	vmul.f32 v12, v13;
	v12 =	vld [tilespmem:s28+$0x5A40]  }
0x209: {  	[tilespmem:s28+$0x59E0] =	vst v8;
	v8 =	vmul.f32 v15, v7;
	v13 =	vld [tilespmem:s28+$0x5A50]  }
0x20a: {  	[tilespmem:s28+$0x59F0] =	vst v9;
	v9 =	vmul.f32 v10, v7;
	v10 =	vld [tilespmem:s28+$0x5A60]  }
0x20b: {  	[tilespmem:s28+$0x5A00] =	vst v8;
	v8 =	vmul.f32 v14, v7;
	v14 =	vld [tilespmem:s28+$0x5A70]  }
0x20c: {  	[tilespmem:s28+$0x5A10] =	vst v9;
	v9 =	vmul.f32 v11, v7;
	v11 =	vld [tilespmem:s28+$0x5A80]  }
0x20d: {  	[tilespmem:s28+$0x5A20] =	vst v8;
	v8 =	vmul.f32 v12, v7;
	v12 =	vld [tilespmem:s28+$0x5A90]  }
0x20e: {  	[tilespmem:s28+$0x5A30] =	vst v9;
	v9 =	vmul.f32 v13, v7;
	v13 =	vld [tilespmem:s28+$0x5AA0]  }
0x20f: {  	[tilespmem:s28+$0x5A40] =	vst v8;
	v8 =	vmul.f32 v10, v7;
	v10 =	vbroadcast v1, $0x5;
	v15 =	vld [tilespmem:s28+$0x5AB0]  }
0x210: {  	[tilespmem:s28+$0x5A50] =	vst v9;
	v7 =	vmul.f32 v14, v7;
	v9 =	vld [tilespmem:s28+$0x5AC0]  }
0x211: {  	[tilespmem:s28+$0x5A60] =	vst v8;
	v8 =	vmul.f32 v11, v10;
	v11 =	vld [tilespmem:s28+$0x5AD0]  }
0x212: {  	[tilespmem:s28+$0x5A70] =	vst v7;
	v7 =	vmul.f32 v12, v10;
	v12 =	vld [tilespmem:s28+$0x5AE0]  }
0x213: {  	[tilespmem:s28+$0x5A80] =	vst v8;
	v8 =	vmul.f32 v13, v10;
	v13 =	vld [tilespmem:s28+$0x5AF0]  }
0x214: {  	[tilespmem:s28+$0x5A90] =	vst v7;
	v7 =	vmul.f32 v15, v10;
	v14 =	vld [tilespmem:s28+$0x5B00]  }
0x215: {  	[tilespmem:s28+$0x5AA0] =	vst v8;
	v8 =	vmul.f32 v9, v10;
	v9 =	vld [tilespmem:s28+$0x5B10]  }
0x216: {  	[tilespmem:s28+$0x5AB0] =	vst v7;
	v7 =	vmul.f32 v11, v10;
	v11 =	vld [tilespmem:s28+$0x5B20]  }
0x217: {  	[tilespmem:s28+$0x5AC0] =	vst v8;
	v8 =	vmul.f32 v12, v10;
	v12 =	vbroadcast v1, $0x6;
	v15 =	vld [tilespmem:s28+$0x5B30]  }
0x218: {  	[tilespmem:s28+$0x5AD0] =	vst v7;
	v7 =	vmul.f32 v13, v10;
	v10 =	vld [tilespmem:s28+$0x5B40]  }
0x219: {  	[tilespmem:s28+$0x5AE0] =	vst v8;
	v8 =	vmul.f32 v14, v12;
	v13 =	vld [tilespmem:s28+$0x5B50]  }
0x21a: {  	[tilespmem:s28+$0x5AF0] =	vst v7;
	v7 =	vmul.f32 v9, v12;
	v9 =	vld [tilespmem:s28+$0x5B60]  }
0x21b: {  	[tilespmem:s28+$0x5B00] =	vst v8;
	v8 =	vmul.f32 v11, v12;
	v11 =	vld [tilespmem:s28+$0x5B70]  }
0x21c: {  	[tilespmem:s28+$0x5B10] =	vst v7;
	v7 =	vmul.f32 v15, v12;
	v14 =	vld [tilespmem:s28+$0x5B80]  }
0x21d: {  	[tilespmem:s28+$0x5B20] =	vst v8;
	v8 =	vmul.f32 v10, v12;
	v10 =	vld [tilespmem:s28+$0x5B90]  }
0x21e: {  	[tilespmem:s28+$0x5B30] =	vst v7;
	v7 =	vmul.f32 v13, v12;
	v13 =	vld [tilespmem:s28+$0x5BA0]  }
0x21f: {  	[tilespmem:s28+$0x5B40] =	vst v8;
	v8 =	vmul.f32 v9, v12;
	v9 =	vbroadcast v1, $0x7;
	v15 =	vld [tilespmem:s28+$0x5BB0]  }
0x220: {  	[tilespmem:s28+$0x5B50] =	vst v7;
	v7 =	vmul.f32 v11, v12;
	v11 =	vld [tilespmem:s28+$0x5BC0]  }
0x221: {  	[tilespmem:s28+$0x5B60] =	vst v8;
	v8 =	vmul.f32 v14, v9;
	v12 =	vld [tilespmem:s28+$0x5BD0]  }
0x222: {  	[tilespmem:s28+$0x5B70] =	vst v7;
	v7 =	vmul.f32 v10, v9;
	v10 =	vld [tilespmem:s28+$0x5BE0]  }
0x223: {  	[tilespmem:s28+$0x5B80] =	vst v8;
	v8 =	vmul.f32 v13, v9;
	v13 =	vld [tilespmem:s28+$0x5BF0]  }
0x224: {  	[tilespmem:s28+$0x5B90] =	vst v7;
	v7 =	vmul.f32 v15, v9;
	v14 =	vld [tilespmem:s28+$0x5C00]  }
0x225: {  	[tilespmem:s28+$0x5BA0] =	vst v8;
	v8 =	vmul.f32 v11, v9;
	v11 =	vld [tilespmem:s28+$0x5C10]  }
0x226: {  	[tilespmem:s28+$0x5BB0] =	vst v7;
	v7 =	vmul.f32 v12, v9;
	v12 =	vld [tilespmem:s28+$0x5C20]  }
0x227: {  	[tilespmem:s28+$0x5BC0] =	vst v8;
	v8 =	vmul.f32 v10, v9;
	v10 =	vbroadcast v1, $0x8;
	v15 =	vld [tilespmem:s28+$0x5C30]  }
0x228: {  	[tilespmem:s28+$0x5BD0] =	vst v7;
	v7 =	vmul.f32 v13, v9;
	v9 =	vld [tilespmem:s28+$0x5C40]  }
0x229: {  	[tilespmem:s28+$0x5BE0] =	vst v8;
	v8 =	vmul.f32 v14, v10;
	v13 =	vld [tilespmem:s28+$0x5C50]  }
0x22a: {  	[tilespmem:s28+$0x5BF0] =	vst v7;
	v7 =	vmul.f32 v11, v10;
	v11 =	vld [tilespmem:s28+$0x5C60]  }
0x22b: {  	[tilespmem:s28+$0x5C00] =	vst v8;
	v8 =	vmul.f32 v12, v10;
	v12 =	vld [tilespmem:s28+$0x5C70]  }
0x22c: {  	[tilespmem:s28+$0x5C10] =	vst v7;
	v7 =	vmul.f32 v15, v10;
	v14 =	vld [tilespmem:s28+$0x5C80]  }
0x22d: {  	[tilespmem:s28+$0x5C20] =	vst v8;
	v8 =	vmul.f32 v9, v10;
	v9 =	vld [tilespmem:s28+$0x5C90]  }
0x22e: {  	[tilespmem:s28+$0x5C30] =	vst v7;
	v7 =	vmul.f32 v13, v10;
	v13 =	vld [tilespmem:s28+$0x5CA0]  }
0x22f: {  	[tilespmem:s28+$0x5C40] =	vst v8;
	v8 =	vmul.f32 v11, v10;
	v11 =	vbroadcast v1, $0x9;
	v15 =	vld [tilespmem:s28+$0x5CB0]  }
0x230: {  	[tilespmem:s28+$0x5C50] =	vst v7;
	v7 =	vmul.f32 v12, v10;
	v10 =	vld [tilespmem:s28+$0x5CC0]  }
0x231: {  	[tilespmem:s28+$0x5C60] =	vst v8;
	v8 =	vmul.f32 v14, v11;
	v12 =	vld [tilespmem:s28+$0x5CD0]  }
0x232: {  	[tilespmem:s28+$0x5C70] =	vst v7;
	v7 =	vmul.f32 v9, v11;
	v9 =	vld [tilespmem:s28+$0x5CE0]  }
0x233: {  	[tilespmem:s28+$0x5C80] =	vst v8;
	v8 =	vmul.f32 v13, v11;
	v13 =	vld [tilespmem:s28+$0x5CF0]  }
0x234: {  	[tilespmem:s28+$0x5C90] =	vst v7;
	v7 =	vmul.f32 v15, v11;
	v14 =	vld [tilespmem:s28+$0x5D00]  }
0x235: {  	[tilespmem:s28+$0x5CA0] =	vst v8;
	v8 =	vmul.f32 v10, v11;
	v10 =	vld [tilespmem:s28+$0x5D10]  }
0x236: {  	[tilespmem:s28+$0x5CB0] =	vst v7;
	v7 =	vmul.f32 v12, v11;
	v12 =	vld [tilespmem:s28+$0x5D20]  }
0x237: {  	[tilespmem:s28+$0x5CC0] =	vst v8;
	v8 =	vmul.f32 v9, v11;
	v9 =	vld [tilespmem:s28+$0x5D30]  }
0x238: {  	[tilespmem:s28+$0x5CD0] =	vst v7;
	v7 =	vmul.f32 v13, v11;
	v11 =	vld [tilespmem:s28+$0x5D40]  }
0x239: {  	[tilespmem:s28+$0x5CE0] =	vst v8;
	v8 =	vmul.f32 v14, v4;
	v13 =	vld [tilespmem:s28+$0x5D50]  }
0x23a: {  	[tilespmem:s28+$0x5CF0] =	vst v7;
	v7 =	vmul.f32 v10, v4;
	v10 =	vld [tilespmem:s28+$0x5D60]  }
0x23b: {  	v14 =	vld [tilespmem:s28+$0x5800];
	[tilespmem:s28+$0x5D00] =	vst v8;
	v8 =	vmul.f32 v12, v4  }
0x23c: {  	v12 =	vld [tilespmem:s28+$0x5810];
	[tilespmem:s28+$0x5D10] =	vst v7;
	v7 =	vmul.f32 v9, v4  }
0x23d: {  	v9 =	vld [tilespmem:s28+$0x5840];
	[tilespmem:s28+$0x5D20] =	vst v8;
	v8 =	vmul.f32 v11, v4  }
0x23e: {  	v11 =	vld [tilespmem:s28+$0x5850];
	[tilespmem:s28+$0x5D30] =	vst v7;
	v7 =	vmul.f32 v13, v4  }
0x23f: {  	[tilespmem:s28+$0x5D40] =	vst v8;
	v8 =	vmul.f32 v10, v4;
	v10 =	vbroadcast v1, $0xB;
	v13 =	vld [tilespmem:s28+$0x5DA0]  }
0x240: {  	v4 =	vbroadcast v1, $0xF;
	v14 =	vmul.f32 v2, v14;
	[tilespmem:s28+$0x5D50] =	vst v7;
	v7 =	vld [tilespmem:s28+$0x5DB0]  }
0x241: {  	v12 =	vmul.f32 v12, v2;
	[tilespmem:s28+$0x5D60] =	vst v8;
	v5 =	vmul.f32 v5, v10;
	v8 =	vld [tilespmem:s28+$0x5DC0]  }
0x242: {  	v6 =	vmul.f32 v6, v10;
	[tilespmem:s28+$0x5800] =	vst v14;
	v9 =	vmul.f32 v9, v2;
	v14 =	vld [tilespmem:s28+$0x5DD0]  }
0x243: {  	v3 =	vmul.f32 v3, v4;
	v11 =	vmul.f32 v11, v2;
	[tilespmem:s28+$0x5D80] =	vst v5;
	v2 =	vld [tilespmem:s28+$0x5DE0]  }
0x244: {  	[tilespmem:s28+$0x5D90] =	vst v6;
	v5 =	vmul.f32 v13, v10;
	v6 =	vld [tilespmem:s28+$0x5DF0]  }
0x245: {  	v7 =	vmul.f32 v7, v10;
	v13 =	vld [tilespmem:s28+$0x5E00];
	[tilespmem:s28+$0x5FD0] =	vst v3  }
0x246: {  	[tilespmem:s28+$0x5810] =	vst v12;
	v3 =	vmul.f32 v8, v10;
	v8 =	vld [tilespmem:s28+$0x5E10]  }
0x247: {  	[tilespmem:s28+$0x5840] =	vst v9;
	v9 =	vmul.f32 v14, v10;
	v12 =	vld [tilespmem:s28+$0x5E20]  }
0x248: {  	v14 =	vbroadcast v1, $0xC;
	[tilespmem:s28+$0x5DA0] =	vst v5;
	v5 =	vmul.f32 v2, v10;
	v15 =	vld [tilespmem:s28+$0x5E30]  }
0x249: {  	[tilespmem:s28+$0x5DD0] =	vst v9;
	v6 =	vmul.f32 v6, v10;
	v9 =	vld [tilespmem:s28+$0x5E40]  }
0x24a: {  	[tilespmem:s28+$0x5DB0] =	vst v7;
	v2 =	vmul.f32 v13, v14;
	v7 =	vld [tilespmem:s28+$0x5E50]  }
0x24b: {  	[tilespmem:s28+$0x5DC0] =	vst v3;
	v3 =	vmul.f32 v8, v14;
	v8 =	vld [tilespmem:s28+$0x5E60]  }
0x24c: {  	[tilespmem:s28+$0x5E00] =	vst v2;
	v2 =	vmul.f32 v12, v14;
	v10 =	vld [tilespmem:s28+$0x5E70]  }
0x24d: {  	[tilespmem:s28+$0x5E10] =	vst v3;
	v3 =	vld [tilespmem:s28+$0x5E80]  }
0x24e: {  	[tilespmem:s28+$0x5850] =	vst v11;
	v9 =	vmul.f32 v9, v14;
	v11 =	vld [tilespmem:s28+$0x5E90]  }
0x24f: {  	[tilespmem:s28+$0x5DE0] =	vst v5;
	v5 =	vmul.f32 v7, v14;
	v7 =	vld [tilespmem:s28+$0x5EA0]  }
0x250: {  	[tilespmem:s28+$0x5E40] =	vst v9;
	v8 =	vmul.f32 v8, v14;
	v9 =	vbroadcast v1, $0xD;
	v12 =	vld [tilespmem:s28+$0x5EB0]  }
0x251: {  	[tilespmem:s28+$0x5E50] =	vst v5;
	v5 =	vmul.f32 v10, v14;
	v10 =	vld [tilespmem:s28+$0x5EC0]  }
0x252: {  	[tilespmem:s28+$0x5E60] =	vst v8;
	v3 =	vmul.f32 v3, v9;
	v8 =	vld [tilespmem:s28+$0x5ED0]  }
0x253: {  	[tilespmem:s28+$0x5E70] =	vst v5;
	v5 =	vmul.f32 v11, v9;
	v11 =	vld [tilespmem:s28+$0x5EE0]  }
0x254: {  	[tilespmem:s28+$0x5E80] =	vst v3;
	v3 =	vmul.f32 v7, v9;
	v7 =	vld [tilespmem:s28+$0x5EF0]  }
0x255: {  	[tilespmem:s28+$0x5E90] =	vst v5;
	v5 =	vmul.f32 v12, v9;
	v12 =	vld [tilespmem:s28+$0x5F00]  }
0x256: {  	[tilespmem:s28+$0x5EA0] =	vst v3;
	v3 =	vmul.f32 v10, v9;
	v10 =	vld [tilespmem:s28+$0x5F10]  }
0x257: {  	[tilespmem:s28+$0x5EB0] =	vst v5;
	v5 =	vmul.f32 v8, v9;
	v8 =	vld [tilespmem:s28+$0x5F20]  }
0x258: {  	v1 =	vbroadcast v1, $0xE;
	[tilespmem:s28+$0x5DF0] =	vst v6;
	v6 =	vmul.f32 v11, v9;
	v11 =	vld [tilespmem:s28+$0x5F30]  }
0x259: {  	[tilespmem:s28+$0x5ED0] =	vst v5;
	v5 =	vmul.f32 v7, v9;
	v7 =	vld [tilespmem:s28+$0x5F40]  }
0x25a: {  	[tilespmem:s28+$0x5EE0] =	vst v6;
	v6 =	vmul.f32 v12, v1;
	v9 =	vld [tilespmem:s28+$0x5F50]  }
0x25b: {  	[tilespmem:s28+$0x5EF0] =	vst v5;
	v5 =	vmul.f32 v10, v1;
	v10 =	vld [tilespmem:s28+$0x5F60]  }
0x25c: {  	[tilespmem:s28+$0x5F00] =	vst v6;
	v6 =	vmul.f32 v8, v1;
	v8 =	vld [tilespmem:s28+$0x5F70]  }
0x25d: {  	[tilespmem:s28+$0x5F10] =	vst v5;
	v5 =	vmul.f32 v11, v1;
	v11 =	vld [tilespmem:s28+$0x5F80]  }
0x25e: {  	[tilespmem:s28+$0x5F20] =	vst v6;
	v6 =	vmul.f32 v7, v1;
	v7 =	vld [tilespmem:s28+$0x5F90]  }
0x25f: {  	[tilespmem:s28+$0x5F30] =	vst v5;
	v5 =	vmul.f32 v9, v1;
	v9 =	vld [tilespmem:s28+$0x5FA0]  }
0x260: {  	[tilespmem:s28+$0x5F40] =	vst v6;
	v6 =	vmul.f32 v10, v1;
	v10 =	vld [tilespmem:s28+$0x5FB0]  }
0x261: {  	[tilespmem:s28+$0x5EC0] =	vst v3;
	v1 =	vmul.f32 v8, v1;
	v3 =	vld [tilespmem:s28+$0x5FC0]  }
0x262: {  	[tilespmem:s28+$0x5F60] =	vst v6;
	v6 =	vmul.f32 v11, v4;
	v8 =	vld [tilespmem:s28+$0x5FE0]  }
0x263: {  	[tilespmem:s28+$0x5F70] =	vst v1;
	v1 =	vmul.f32 v7, v4;
	v7 =	vld [tilespmem:s28+$0x5FF0]  }
0x264: {  	[tilespmem:s28+$0x5F80] =	vst v6;
	v6 =	vmul.f32 v9, v4  }
0x265: {  	[tilespmem:s28+$0x5F90] =	vst v1;
	v1 =	vmul.f32 v10, v4  }
0x266: {  	v9 =	vmul.f32 v15, v14;
	[tilespmem:s28+$0x5FA0] =	vst v6  }
0x267: {  	[tilespmem:s28+$0x5FB0] =	vst v1;
	v1 =	vmul.f32 v3, v4  }
.Ltmp1:
0x268: {  	[tilespmem:s28+$0x5E30] =	vst v9;
	v3 =	vmul.f32 v7, v4;
	(pc) =	sbr.rel @p1 .LBB2_6-.Ltmp1, $4  }
0x269: {  	[tilespmem:s28+$0x5FC0] =	vst v1  }
0x26a: {  	v1 =	vmul.f32 v8, v4;
	[tilespmem:s28+$0x5FF0] =	vst v3  }
0x26b: {  	[tilespmem:s28+$0x5F50] =	vst v5  }
0x26c: {  	[tilespmem:s28+$0x5FE0] =	vst v1  }
0x26d: {  	s25 =	sadd.s32 $0x1, s25  }
0x26e: {  	p1 =	sne.s32 s25, $0x8  }
.Ltmp2:
0x26f: {  	[tilespmem:s28+$0x5E20] =	vst v2;
	s0 =	sadd.s32 $0x800, s26;
	(pc) =	sbr.rel @p1 .LBB2_3-.Ltmp2, $4  }
0x270: {  	[spmem:s3] =	stream.indirect.scatter.add.f32 [tilespmem:s22], [sflag:$0x3], $0x80, s0, s19, $0xb8;
	[tilespmem:$0x1D080] =	vst v63  }
0x271: {  	_ =	swait.ge [sflag:s15], $0x4000  }
0x272: {  	[sflag:s15] =	ssyncset.done $0x0  }
0x273: {  	[sflag:s15] =	ssyncadd.s32 $0xFFFFC000  }
0x274: {  	s24 =	sadd.s32 $0x1, s24  }
0x275: {  	p1 =	sne.s32 s24, $0x5  }
.Ltmp3:
0x276: {  	_ = 	snop;
	(pc) =	sbr.rel @p1 .LBB2_2-.Ltmp3, $1  }
0x277: {  	_ =	sdelay $0x3  }
0x278: {  	[bflag:$0x0] =	sbarrier.arrive $0xFFFF  }
0x279: {  	[hbm:s11], [sflag:s9] =	dma.local [spmem:s14], $0x2700  }
0x27a: {  	s4 =	sadd.s32 $0x1, s4;
	_ =	swait.ge [sflag:s15], $0x2700  }
0x27b: {  	p1 =	sne.s32 s4, s13;
	[sflag:s15] =	ssyncset.done $0x0  }
.Ltmp4:
0x27c: {  	s0 =	simm.s32 @!p0 $0x3;
	[sflag:s15] =	ssyncadd.s32 $0xFFFFD900;
	(pc) =	sbr.rel @p1 .LBB2_1-.Ltmp4, $4  }
0x27d: {  	[hbm:s12], [sflag:s9] =	dma.local @!p0 [spmem:s16], $0x100  }
0x27e: {  	_ =	swait.ge @!p0 [sflag:s0], $0x100  }
0x27f: {  	[sflag:s0] =	ssyncset.done @!p0 $0x0  }
0x280: {  	[sflag:s0] =	ssyncadd.s32 @!p0 $0xFFFFFF00  }
0x281: {  	_ =	sfence.sel $0x180000  }
0x282: {  	[bflag:$0x0] =	sbarrier.arrive $0xFFFF  }
0x283: {  	_ =	strace $0x90000047  }
0x284: {  	[bflag:$0x2] =	sbarrier.arrive $0xFFFF  }
0x285: {  	p0 =	sne.s32 s5, $0x0;
	s0 =	rddreg [dreg:$0x4]  }
0x286: {  	s0 =	sadd.s32 @!p0 $0x100000, s0  }
0x287: {  	[sflag:s0] =	ssyncadd.tile.s32 @!p0 $0x1;
	_ =	shalt  }
.Lfunc_end2:
_tile_overlayer_lowered:
.L_overlay_start_2:
0x288: {  	(tag) =	ssettag $0x2  }
0x289: {  	s0 =	rddreg [dreg:$0x0];
	s2 =	stileid.u32  }
0x28a: {  	s1 =	rddreg [dreg:$0x1];
	p0 =	sne.s32 s2, $0x0  }
0x28b: {  	s3 =	rddreg [dreg:$0x2];
	[bflag:$0x3] =	sbarrier.arrive $0xFFFF;
	s2 =	simm.s32 @!p0 $0x1C03  }
0x28c: {  	[timem:s3], [sflag:s2] =	dma.local @!p0 [hbm:s0], s1  }
0x28d: {  	s0 =	simm.s32 @!p0 $0x3  }
0x28e: {  	_ =	swait.ge @!p0 [sflag:s0], s1  }
0x28f: {  	s1 =	ssub.s32 @!p0 $0x0, s1;
	[sflag:s0] =	ssyncset.done @!p0 $0x0  }
0x290: {  	[sflag:s0] =	ssyncadd.s32 @!p0 s1  }
0x291: {  	[bflag:$0x3] =	sbarrier.arrive $0xFFFF  }
0x292: {  	_ =	shalt  }

</sc_bundles>
